<compile_context>
chip_gen: v7x
topology: tpu7x:2x2x1
jax: 0.10.2.dev20260603
libtpu: 0.0.44.dev20260713+nightly
codegen_flags: <defaults>
</compile_context>

<pallas_src>
import functools

import jax
import jax.numpy as jnp
from jax import lax
from jax.experimental import pallas as pl
from jax.experimental.pallas import tpu as pltpu
from jax.experimental.pallas import tpu_sc as plsc

EMB = 64
B = 4096
L = 50

VOCAB_PAD = 100096
HALF = VOCAB_PAD // 2

NC, NS = 2, 16
NW = NC * NS
RPW = B // NW
CB = 2
NBUF = 2
G = RPW // CB
LANES = 16
EC = EMB // LANES

_RJ = 391


_RW = 2176


def _repack_body(a_ref, b_ref, o_ref):
    r = lax.broadcasted_iota(jnp.int32, (EMB, 2 * EMB), 0)
    c = lax.broadcasted_iota(jnp.int32, (EMB, 2 * EMB), 1)
    e1 = (r == c).astype(jnp.float32)
    e2 = (r + EMB == c).astype(jnp.float32)
    dn = (((0,), (0,)), ((), ()))

    def tdot(x, e):
        hi = x.astype(jnp.bfloat16).astype(jnp.float32)
        lo = x - hi
        d = functools.partial(
            lax.dot_general, dimension_numbers=dn,
            preferred_element_type=jnp.float32,
        )
        return d(hi, e) + d(lo, e)

    o_ref[...] = tdot(a_ref[...], e1) + tdot(b_ref[...], e2)


_repack = pl.pallas_call(
    _repack_body,
    grid=(HALF // _RW,),
    in_specs=[
        pl.BlockSpec((EMB, _RW), lambda j: (0, j)),
        pl.BlockSpec((EMB, _RW), lambda j: (0, j + HALF // _RW)),
    ],
    out_specs=pl.BlockSpec((_RW, 2 * EMB), lambda j: (j, 0)),
    out_shape=jax.ShapeDtypeStruct((HALF, 2 * EMB), jnp.float32),
)


def _pack_table(table):
    tt = table.T
    return _repack(tt, tt).reshape(VOCAB_PAD, EMB)

_mesh = plsc.VectorSubcoreMesh(
    core_axis_name="c", subcore_axis_name="s", num_cores=NC, num_subcores=NS
)


@functools.partial(
    pl.kernel,
    out_type=jax.ShapeDtypeStruct((NW, RPW, EMB), jnp.float32),
    mesh=_mesh,
    compiler_params=pltpu.CompilerParams(use_tc_tiling_on_sc=False),
    scratch_types=[
        pltpu.VMEM((G, CB * L), jnp.int32),
        [pltpu.VMEM((CB * L, EMB), jnp.float32) for _ in range(NBUF)],
        pltpu.VMEM((RPW, EMB), jnp.float32),
        [pltpu.SemaphoreType.DMA for _ in range(NBUF)],
    ],
)
def _encode(x_hbm, table_hbm, out_hbm, idx_v, bufs, out_v, sems):
    wid = lax.axis_index("s") * NC + lax.axis_index("c")
    pltpu.sync_copy(x_hbm.at[wid], idx_v)

    scale = jnp.float32(1.0 / L)

    def compute(g, buf):
        for r in range(CB):
            accs = [buf[r * L, pl.ds(c * LANES, LANES)] for c in range(EC)]
            for l in range(1, L):
                for c in range(EC):
                    accs[c] = accs[c] + buf[r * L + l, pl.ds(c * LANES, LANES)]
            for c in range(EC):
                out_v[g * CB + r, pl.ds(c * LANES, LANES)] = accs[c] * scale

    for k in range(NBUF - 1):
        pltpu.async_copy(table_hbm.at[idx_v.at[k]], bufs[k], sems[k])

    @pl.loop(0, G, step=NBUF)
    def _ring(g):
        for b in range(NBUF):
            gg = g + b
            nb = (b + NBUF - 1) % NBUF

            @pl.when(gg + NBUF - 1 < G)
            def _():
                pltpu.async_copy(
                    table_hbm.at[idx_v.at[gg + NBUF - 1]], bufs[nb], sems[nb]
                )

            pltpu.make_async_copy(
                table_hbm.at[idx_v.at[gg]], bufs[b], sems[b]
            ).wait()
            compute(gg, bufs[b])

    pltpu.sync_copy(out_v, out_hbm.at[wid])


def kernel(x, table):
    table_lin = _pack_table(table)
    x2 = jnp.where(x < HALF, x * 2, (x - HALF) * 2 + 1)
    xr = x2.reshape(NW, G, CB * L)
    out = _encode(xr, table_lin)
    return out.reshape(B, EMB)

# --- scband reference (transcript-rebuilt; emitter-appended) ---
"""Pipeline reference for scband-text-encoder-6279242187192 (READ-ONLY COPY).

The authoritative reference and input builder live on the scoring server;
editing this copy changes nothing except your own understanding.
"""

import jax, jax.numpy as jnp
import numpy as np

VOCAB = 100000
EMB = 64
B = 4096
L = 50
PAD = VOCAB  # padding_idx = vocab_size


def setup_inputs(seed: int = 0) -> dict:
    key = jax.random.key(seed)
    k1, k2 = jax.random.split(key)
    # indices in [0, vocab_size + 1), including the padding index
    x = jax.random.randint(k1, (B, L), 0, VOCAB + 1, dtype=jnp.int32)
    # embedding table (vocab_size + 1, emb_dim); padding row is zeros like nn.Embedding(padding_idx=...)
    table = jax.random.normal(k2, (VOCAB + 1, EMB), dtype=jnp.float32)
    table = table.at[PAD].set(0.0)
    return {"x": x, "table": table}


def reference(x, table):
    # emb = self.embedding(x)
    emb = jnp.take(table, x, axis=0)  # [B, L, EMB]
    # return emb.mean(dim=1)
    return emb.mean(axis=1)  # [B, EMB]

if __name__ == "__main__":
    import jax
    _d = setup_inputs()
    print(jax.jit(kernel)(*tuple(_d.values())))

</pallas_src>

<mosaic_0001>
#map = affine_map<(d0, d1) -> (0, 0, 0)>
#map1 = affine_map<(d0, d1) -> (0, 0)>
module attributes {stable_mosaic.version = 14 : i64} {
  func.func @_encode(%arg0: i32, %arg1: i32, %arg2: memref<32x64x100xi32, #tpu.memory_space<hbm>>, %arg3: memref<100096x64xf32, #tpu.memory_space<hbm>>, %arg4: memref<32x128x64xf32, #tpu.memory_space<hbm>>, %arg5: memref<64x100xi32, #tpu.memory_space<vmem>>, %arg6: memref<100x64xf32, #tpu.memory_space<vmem>>, %arg7: memref<100x64xf32, #tpu.memory_space<vmem>>, %arg8: memref<128x64xf32, #tpu.memory_space<vmem>>, %arg9: memref<!tpu.dma_semaphore, #tpu.memory_space<semaphore_mem>>, %arg10: memref<!tpu.dma_semaphore, #tpu.memory_space<semaphore_mem>>) attributes {dimension_semantics = [#tpu.dimension_semantics<core_parallel>, #tpu.dimension_semantics<subcore_parallel>], iteration_bounds = array<i64: 2, 16>, scalar_prefetch = 0 : i64, scratch_operands = 6 : i64, tpu.core_type = #tpu.core_type<sc_vector_subcore>, window_params = [{transform_indices = #map}, {transform_indices = #map1}, {transform_indices = #map}]} {
    %mul3A = arith.constant 2 : i32
    %mul3A_0 = arith.muli %arg1, %mul3A : i32
    %add3A = arith.addi %mul3A_0, %arg0 : i32
    "tpu.region"() ({
      %run_scoped3A = tpu.sem_alloc : memref<!tpu.dma_semaphore, #tpu.memory_space<semaphore_mem>>
      %dma_start3A_12 = arith.constant 0 : i32
      %dma_start3A_13 = arith.constant 0 : i32
      %dma_start3A_14 = tpu.memref_slice %arg2[%add3A, %dma_start3A_12, %dma_start3A_13] : memref<32x64x100xi32, #tpu.memory_space<hbm>> -> memref<1x64x100xi32, #tpu.memory_space<hbm>>
      %dma_start3A_15 = tpu.memref_squeeze %dma_start3A_14 : memref<1x64x100xi32, #tpu.memory_space<hbm>> -> memref<64x100xi32, #tpu.memory_space<hbm>>
      %dma_start3A_16 = arith.constant 0 : i32
      %dma_start3A_17 = arith.constant 0 : i32
      %dma_start3A_18 = tpu.memref_slice %arg2[%add3A, %dma_start3A_16, %dma_start3A_17] : memref<32x64x100xi32, #tpu.memory_space<hbm>> -> memref<1x64x100xi32, #tpu.memory_space<hbm>>
      %dma_start3A_19 = tpu.memref_squeeze %dma_start3A_18 : memref<1x64x100xi32, #tpu.memory_space<hbm>> -> memref<64x100xi32, #tpu.memory_space<hbm>>
      tpu.enqueue_dma source(%dma_start3A_19 : memref<64x100xi32, #tpu.memory_space<hbm>>) target(%arg5 : memref<64x100xi32, #tpu.memory_space<vmem>>) target_semaphore(%run_scoped3A : memref<!tpu.dma_semaphore, #tpu.memory_space<semaphore_mem>>)
      %dma_wait3A = arith.constant 0 : i32
      %dma_wait3A_20 = arith.constant 0 : i32
      %dma_wait3A_21 = tpu.memref_slice %arg2[%add3A, %dma_wait3A, %dma_wait3A_20] : memref<32x64x100xi32, #tpu.memory_space<hbm>> -> memref<1x64x100xi32, #tpu.memory_space<hbm>>
      %dma_wait3A_22 = tpu.memref_squeeze %dma_wait3A_21 : memref<1x64x100xi32, #tpu.memory_space<hbm>> -> memref<64x100xi32, #tpu.memory_space<hbm>>
      %dma_wait3A_23 = arith.constant 0 : i32
      %dma_wait3A_24 = arith.constant 0 : i32
      %dma_wait3A_25 = tpu.memref_slice %arg2[%add3A, %dma_wait3A_23, %dma_wait3A_24] : memref<32x64x100xi32, #tpu.memory_space<hbm>> -> memref<1x64x100xi32, #tpu.memory_space<hbm>>
      %dma_wait3A_26 = tpu.memref_squeeze %dma_wait3A_25 : memref<1x64x100xi32, #tpu.memory_space<hbm>> -> memref<64x100xi32, #tpu.memory_space<hbm>>
      tpu.wait_dma2 semaphore(%run_scoped3A : memref<!tpu.dma_semaphore, #tpu.memory_space<semaphore_mem>>) src(%dma_wait3A_26 : memref<64x100xi32, #tpu.memory_space<hbm>>) dst(%arg5 : memref<64x100xi32, #tpu.memory_space<vmem>>)
      tpu.yield
    }) : () -> ()
    %dma_start3A = arith.constant 0 : i32
    %dma_start3A_1 = arith.constant 0 : i32
    %dma_start3A_2 = tpu.memref_slice %arg5[%dma_start3A, %dma_start3A_1] : memref<64x100xi32, #tpu.memory_space<vmem>> -> memref<1x100xi32, #tpu.memory_space<vmem>>
    %dma_start3A_3 = tpu.memref_squeeze %dma_start3A_2 : memref<1x100xi32, #tpu.memory_space<vmem>> -> memref<100xi32, #tpu.memory_space<vmem>>
    %dma_start3A_4 = arith.constant 0 : i32
    %dma_start3A_5 = arith.constant 0 : i32
    %dma_start3A_6 = tpu.memref_slice %arg3[%dma_start3A_4, %dma_start3A_5] : memref<100096x64xf32, #tpu.memory_space<hbm>> -> memref<100096x64xf32, #tpu.memory_space<hbm>>
    tpu.enqueue_indirect_dma source(%dma_start3A_6 : memref<100096x64xf32, #tpu.memory_space<hbm>>) target(%arg6 : memref<100x64xf32, #tpu.memory_space<vmem>>) offsets(%dma_start3A_3 : memref<100xi32, #tpu.memory_space<vmem>>) semaphore(%arg9 : memref<!tpu.dma_semaphore, #tpu.memory_space<semaphore_mem>>)
    %scan3A = arith.constant 2.000000e-02 : f32
    %scan3A_7 = arith.constant 0 : i32
    %scan3A_8 = arith.constant 32 : i32
    %scan3A_9 = arith.addi %scan3A_7, %scan3A_8 : i32
    %scan3A_10 = arith.constant 1 : i32
    scf.for %scan3A_12 = %scan3A_7 to %scan3A_9 step %scan3A_10  : i32 {
      %mul3A_13 = arith.constant 2 : i32
      %mul3A_14 = arith.muli %scan3A_12, %mul3A_13 : i32
      %add3A_15 = arith.constant 0 : i32
      %add3A_16 = arith.addi %add3A_15, %mul3A_14 : i32
      %add3A_17 = arith.constant 0 : i32
      %add3A_18 = arith.addi %add3A_16, %add3A_17 : i32
      %add3A_19 = arith.constant 2 : i32
      %add3A_20 = arith.addi %add3A_18, %add3A_19 : i32
      %sub3A = arith.constant 1 : i32
      %sub3A_21 = arith.subi %add3A_20, %sub3A : i32
      %lt3A = arith.constant 64 : i32
      %lt3A_22 = arith.cmpi slt, %sub3A_21, %lt3A : i32
      %convert_element_type3A = arith.extui %lt3A_22 : i1 to i32
      %cond3A = arith.constant 0 : i32
      %cond3A_23 = arith.cmpi ne, %convert_element_type3A, %cond3A : i32
      scf.if %cond3A_23 {
        %add3A_5004 = arith.constant 2 : i32
        %add3A_5005 = arith.addi %add3A_18, %add3A_5004 : i32
        %sub3A_5006 = arith.constant 1 : i32
        %sub3A_5007 = arith.subi %add3A_5005, %sub3A_5006 : i32
        %dma_start3A_5008 = arith.constant 0 : i32
        %dma_start3A_5009 = tpu.memref_slice %arg5[%sub3A_5007, %dma_start3A_5008] : memref<64x100xi32, #tpu.memory_space<vmem>> -> memref<1x100xi32, #tpu.memory_space<vmem>>
        %dma_start3A_5010 = tpu.memref_squeeze %dma_start3A_5009 : memref<1x100xi32, #tpu.memory_space<vmem>> -> memref<100xi32, #tpu.memory_space<vmem>>
        %dma_start3A_5011 = arith.constant 0 : i32
        %dma_start3A_5012 = arith.constant 0 : i32
        %dma_start3A_5013 = tpu.memref_slice %arg3[%dma_start3A_5011, %dma_start3A_5012] : memref<100096x64xf32, #tpu.memory_space<hbm>> -> memref<100096x64xf32, #tpu.memory_space<hbm>>
        tpu.enqueue_indirect_dma source(%dma_start3A_5013 : memref<100096x64xf32, #tpu.memory_space<hbm>>) target(%arg7 : memref<100x64xf32, #tpu.memory_space<vmem>>) offsets(%dma_start3A_5010 : memref<100xi32, #tpu.memory_space<vmem>>) semaphore(%arg10 : memref<!tpu.dma_semaphore, #tpu.memory_space<semaphore_mem>>)
      } else {
      }
      %dma_wait3A = arith.constant 0 : i32
      %dma_wait3A_24 = tpu.memref_slice %arg5[%add3A_18, %dma_wait3A] : memref<64x100xi32, #tpu.memory_space<vmem>> -> memref<1x100xi32, #tpu.memory_space<vmem>>
      %dma_wait3A_25 = tpu.memref_squeeze %dma_wait3A_24 : memref<1x100xi32, #tpu.memory_space<vmem>> -> memref<100xi32, #tpu.memory_space<vmem>>
      %dma_wait3A_26 = arith.constant 0 : i32
      %dma_wait3A_27 = arith.constant 0 : i32
      %dma_wait3A_28 = tpu.memref_slice %arg3[%dma_wait3A_26, %dma_wait3A_27] : memref<100096x64xf32, #tpu.memory_space<hbm>> -> memref<100096x64xf32, #tpu.memory_space<hbm>>
      tpu.wait_indirect_dma semaphore(%arg9 : memref<!tpu.dma_semaphore, #tpu.memory_space<semaphore_mem>>) src(%dma_wait3A_28 : memref<100096x64xf32, #tpu.memory_space<hbm>>) dst(%arg6 : memref<100x64xf32, #tpu.memory_space<vmem>>)
      %get3A = arith.constant 0 : i32
      %get3A_29 = arith.index_cast %get3A : i32 to index
      %get3A_30 = arith.constant 0 : index
      %get3A_31 = tpu.vector_load %arg6[%get3A_29, %get3A_30] {strides = array<i32>} : memref<100x64xf32, #tpu.memory_space<vmem>>, vector<1x16xf32>,
      %get3A_32 = vector.shape_cast %get3A_31 : vector<1x16xf32> to vector<16xf32>
      %get3A_33 = arith.constant 0 : i32
      %get3A_34 = arith.index_cast %get3A_33 : i32 to index
      %get3A_35 = arith.constant 16 : index
      %get3A_36 = tpu.vector_load %arg6[%get3A_34, %get3A_35] {strides = array<i32>} : memref<100x64xf32, #tpu.memory_space<vmem>>, vector<1x16xf32>,
      %get3A_37 = vector.shape_cast %get3A_36 : vector<1x16xf32> to vector<16xf32>
      %get3A_38 = arith.constant 0 : i32
      %get3A_39 = arith.index_cast %get3A_38 : i32 to index
      %get3A_40 = arith.constant 32 : index
      %get3A_41 = tpu.vector_load %arg6[%get3A_39, %get3A_40] {strides = array<i32>} : memref<100x64xf32, #tpu.memory_space<vmem>>, vector<1x16xf32>,
      %get3A_42 = vector.shape_cast %get3A_41 : vector<1x16xf32> to vector<16xf32>
      %get3A_43 = arith.constant 0 : i32
      %get3A_44 = arith.index_cast %get3A_43 : i32 to index
      %get3A_45 = arith.constant 48 : index
      %get3A_46 = tpu.vector_load %arg6[%get3A_44, %get3A_45] {strides = array<i32>} : memref<100x64xf32, #tpu.memory_space<vmem>>, vector<1x16xf32>,
      %get3A_47 = vector.shape_cast %get3A_46 : vector<1x16xf32> to vector<16xf32>
      %get3A_48 = arith.constant 1 : i32
      %get3A_49 = arith.index_cast %get3A_48 : i32 to index
      %get3A_50 = arith.constant 0 : index
      %get3A_51 = tpu.vector_load %arg6[%get3A_49, %get3A_50] {strides = array<i32>} : memref<100x64xf32, #tpu.memory_space<vmem>>, vector<1x16xf32>,
      %get3A_52 = vector.shape_cast %get3A_51 : vector<1x16xf32> to vector<16xf32>
      %add3A_53 = arith.addf %get3A_32, %get3A_52 : vector<16xf32>
      %get3A_54 = arith.constant 1 : i32
      %get3A_55 = arith.index_cast %get3A_54 : i32 to index
      %get3A_56 = arith.constant 16 : index
      %get3A_57 = tpu.vector_load %arg6[%get3A_55, %get3A_56] {strides = array<i32>} : memref<100x64xf32, #tpu.memory_space<vmem>>, vector<1x16xf32>,
      %get3A_58 = vector.shape_cast %get3A_57 : vector<1x16xf32> to vector<16xf32>
      %add3A_59 = arith.addf %get3A_37, %get3A_58 : vector<16xf32>
      %get3A_60 = arith.constant 1 : i32
      %get3A_61 = arith.index_cast %get3A_60 : i32 to index
      %get3A_62 = arith.constant 32 : index
      %get3A_63 = tpu.vector_load %arg6[%get3A_61, %get3A_62] {strides = array<i32>} : memref<100x64xf32, #tpu.memory_space<vmem>>, vector<1x16xf32>,
      %get3A_64 = vector.shape_cast %get3A_63 : vector<1x16xf32> to vector<16xf32>
      %add3A_65 = arith.addf %get3A_42, %get3A_64 : vector<16xf32>
      %get3A_66 = arith.constant 1 : i32
      %get3A_67 = arith.index_cast %get3A_66 : i32 to index
      %get3A_68 = arith.constant 48 : index
      %get3A_69 = tpu.vector_load %arg6[%get3A_67, %get3A_68] {strides = array<i32>} : memref<100x64xf32, #tpu.memory_space<vmem>>, vector<1x16xf32>,
      %get3A_70 = vector.shape_cast %get3A_69 : vector<1x16xf32> to vector<16xf32>
      %add3A_71 = arith.addf %get3A_47, %get3A_70 : vector<16xf32>
      %get3A_72 = arith.constant 2 : i32
      %get3A_73 = arith.index_cast %get3A_72 : i32 to index
      %get3A_74 = arith.constant 0 : index
      %get3A_75 = tpu.vector_load %arg6[%get3A_73, %get3A_74] {strides = array<i32>} : memref<100x64xf32, #tpu.memory_space<vmem>>, vector<1x16xf32>,
      %get3A_76 = vector.shape_cast %get3A_75 : vector<1x16xf32> to vector<16xf32>
      %add3A_77 = arith.addf %add3A_53, %get3A_76 : vector<16xf32>
      %get3A_78 = arith.constant 2 : i32
      %get3A_79 = arith.index_cast %get3A_78 : i32 to index
      %get3A_80 = arith.constant 16 : index
      %get3A_81 = tpu.vector_load %arg6[%get3A_79, %get3A_80] {strides = array<i32>} : memref<100x64xf32, #tpu.memory_space<vmem>>, vector<1x16xf32>,
      %get3A_82 = vector.shape_cast %get3A_81 : vector<1x16xf32> to vector<16xf32>
      %add3A_83 = arith.addf %add3A_59, %get3A_82 : vector<16xf32>
      %get3A_84 = arith.constant 2 : i32
      %get3A_85 = arith.index_cast %get3A_84 : i32 to index
      %get3A_86 = arith.constant 32 : index
      %get3A_87 = tpu.vector_load %arg6[%get3A_85, %get3A_86] {strides = array<i32>} : memref<100x64xf32, #tpu.memory_space<vmem>>, vector<1x16xf32>,
      %get3A_88 = vector.shape_cast %get3A_87 : vector<1x16xf32> to vector<16xf32>
      %add3A_89 = arith.addf %add3A_65, %get3A_88 : vector<16xf32>
      %get3A_90 = arith.constant 2 : i32
      %get3A_91 = arith.index_cast %get3A_90 : i32 to index
      %get3A_92 = arith.constant 48 : index
      %get3A_93 = tpu.vector_load %arg6[%get3A_91, %get3A_92] {strides = array<i32>} : memref<100x64xf32, #tpu.memory_space<vmem>>, vector<1x16xf32>,
      %get3A_94 = vector.shape_cast %get3A_93 : vector<1x16xf32> to vector<16xf32>
      %add3A_95 = arith.addf %add3A_71, %get3A_94 : vector<16xf32>
      %get3A_96 = arith.constant 3 : i32
      %get3A_97 = arith.index_cast %get3A_96 : i32 to index
      %get3A_98 = arith.constant 0 : index
      %get3A_99 = tpu.vector_load %arg6[%get3A_97, %get3A_98] {strides = array<i32>} : memref<100x64xf32, #tpu.memory_space<vmem>>, vector<1x16xf32>,
      %get3A_100 = vector.shape_cast %get3A_99 : vector<1x16xf32> to vector<16xf32>
      %add3A_101 = arith.addf %add3A_77, %get3A_100 : vector<16xf32>
      %get3A_102 = arith.constant 3 : i32
      %get3A_103 = arith.index_cast %get3A_102 : i32 to index
      %get3A_104 = arith.constant 16 : index
      %get3A_105 = tpu.vector_load %arg6[%get3A_103, %get3A_104] {strides = array<i32>} : memref<100x64xf32, #tpu.memory_space<vmem>>, vector<1x16xf32>,
      %get3A_106 = vector.shape_cast %get3A_105 : vector<1x16xf32> to vector<16xf32>
      %add3A_107 = arith.addf %add3A_83, %get3A_106 : vector<16xf32>
      %get3A_108 = arith.constant 3 : i32
      %get3A_109 = arith.index_cast %get3A_108 : i32 to index
      %get3A_110 = arith.constant 32 : index
      %get3A_111 = tpu.vector_load %arg6[%get3A_109, %get3A_110] {strides = array<i32>} : memref<100x64xf32, #tpu.memory_space<vmem>>, vector<1x16xf32>,
      %get3A_112 = vector.shape_cast %get3A_111 : vector<1x16xf32> to vector<16xf32>
      %add3A_113 = arith.addf %add3A_89, %get3A_112 : vector<16xf32>
      %get3A_114 = arith.constant 3 : i32
      %get3A_115 = arith.index_cast %get3A_114 : i32 to index
      %get3A_116 = arith.constant 48 : index
      %get3A_117 = tpu.vector_load %arg6[%get3A_115, %get3A_116] {strides = array<i32>} : memref<100x64xf32, #tpu.memory_space<vmem>>, vector<1x16xf32>,
      %get3A_118 = vector.shape_cast %get3A_117 : vector<1x16xf32> to vector<16xf32>
      %add3A_119 = arith.addf %add3A_95, %get3A_118 : vector<16xf32>
      %get3A_120 = arith.constant 4 : i32
      %get3A_121 = arith.index_cast %get3A_120 : i32 to index
      %get3A_122 = arith.constant 0 : index
      %get3A_123 = tpu.vector_load %arg6[%get3A_121, %get3A_122] {strides = array<i32>} : memref<100x64xf32, #tpu.memory_space<vmem>>, vector<1x16xf32>,
      %get3A_124 = vector.shape_cast %get3A_123 : vector<1x16xf32> to vector<16xf32>
      %add3A_125 = arith.addf %add3A_101, %get3A_124 : vector<16xf32>
      %get3A_126 = arith.constant 4 : i32
      %get3A_127 = arith.index_cast %get3A_126 : i32 to index
      %get3A_128 = arith.constant 16 : index
      %get3A_129 = tpu.vector_load %arg6[%get3A_127, %get3A_128] {strides = array<i32>} : memref<100x64xf32, #tpu.memory_space<vmem>>, vector<1x16xf32>,
      %get3A_130 = vector.shape_cast %get3A_129 : vector<1x16xf32> to vector<16xf32>
      %add3A_131 = arith.addf %add3A_107, %get3A_130 : vector<16xf32>
      %get3A_132 = arith.constant 4 : i32
      %get3A_133 = arith.index_cast %get3A_132 : i32 to index
      %get3A_134 = arith.constant 32 : index
      %get3A_135 = tpu.vector_load %arg6[%get3A_133, %get3A_134] {strides = array<i32>} : memref<100x64xf32, #tpu.memory_space<vmem>>, vector<1x16xf32>,
      %get3A_136 = vector.shape_cast %get3A_135 : vector<1x16xf32> to vector<16xf32>
      %add3A_137 = arith.addf %add3A_113, %get3A_136 : vector<16xf32>
      %get3A_138 = arith.constant 4 : i32
      %get3A_139 = arith.index_cast %get3A_138 : i32 to index
      %get3A_140 = arith.constant 48 : index
      %get3A_141 = tpu.vector_load %arg6[%get3A_139, %get3A_140] {strides = array<i32>} : memref<100x64xf32, #tpu.memory_space<vmem>>, vector<1x16xf32>,
      %get3A_142 = vector.shape_cast %get3A_141 : vector<1x16xf32> to vector<16xf32>
      %add3A_143 = arith.addf %add3A_119, %get3A_142 : vector<16xf32>
      %get3A_144 = arith.constant 5 : i32
      %get3A_145 = arith.index_cast %get3A_144 : i32 to index
      %get3A_146 = arith.constant 0 : index
      %get3A_147 = tpu.vector_load %arg6[%get3A_145, %get3A_146] {strides = array<i32>} : memref<100x64xf32, #tpu.memory_space<vmem>>, vector<1x16xf32>,
      %get3A_148 = vector.shape_cast %get3A_147 : vector<1x16xf32> to vector<16xf32>
      %add3A_149 = arith.addf %add3A_125, %get3A_148 : vector<16xf32>
      %get3A_150 = arith.constant 5 : i32
      %get3A_151 = arith.index_cast %get3A_150 : i32 to index
      %get3A_152 = arith.constant 16 : index
      %get3A_153 = tpu.vector_load %arg6[%get3A_151, %get3A_152] {strides = array<i32>} : memref<100x64xf32, #tpu.memory_space<vmem>>, vector<1x16xf32>,
      %get3A_154 = vector.shape_cast %get3A_153 : vector<1x16xf32> to vector<16xf32>
      %add3A_155 = arith.addf %add3A_131, %get3A_154 : vector<16xf32>
      %get3A_156 = arith.constant 5 : i32
      %get3A_157 = arith.index_cast %get3A_156 : i32 to index
      %get3A_158 = arith.constant 32 : index
      %get3A_159 = tpu.vector_load %arg6[%get3A_157, %get3A_158] {strides = array<i32>} : memref<100x64xf32, #tpu.memory_space<vmem>>, vector<1x16xf32>,
      %get3A_160 = vector.shape_cast %get3A_159 : vector<1x16xf32> to vector<16xf32>
      %add3A_161 = arith.addf %add3A_137, %get3A_160 : vector<16xf32>
      %get3A_162 = arith.constant 5 : i32
      %get3A_163 = arith.index_cast %get3A_162 : i32 to index
      %get3A_164 = arith.constant 48 : index
      %get3A_165 = tpu.vector_load %arg6[%get3A_163, %get3A_164] {strides = array<i32>} : memref<100x64xf32, #tpu.memory_space<vmem>>, vector<1x16xf32>,
      %get3A_166 = vector.shape_cast %get3A_165 : vector<1x16xf32> to vector<16xf32>
      %add3A_167 = arith.addf %add3A_143, %get3A_166 : vector<16xf32>
      %get3A_168 = arith.constant 6 : i32
      %get3A_169 = arith.index_cast %get3A_168 : i32 to index
      %get3A_170 = arith.constant 0 : index
      %get3A_171 = tpu.vector_load %arg6[%get3A_169, %get3A_170] {strides = array<i32>} : memref<100x64xf32, #tpu.memory_space<vmem>>, vector<1x16xf32>,
      %get3A_172 = vector.shape_cast %get3A_171 : vector<1x16xf32> to vector<16xf32>
      %add3A_173 = arith.addf %add3A_149, %get3A_172 : vector<16xf32>
      %get3A_174 = arith.constant 6 : i32
      %get3A_175 = arith.index_cast %get3A_174 : i32 to index
      %get3A_176 = arith.constant 16 : index
      %get3A_177 = tpu.vector_load %arg6[%get3A_175, %get3A_176] {strides = array<i32>} : memref<100x64xf32, #tpu.memory_space<vmem>>, vector<1x16xf32>,
      %get3A_178 = vector.shape_cast %get3A_177 : vector<1x16xf32> to vector<16xf32>
      %add3A_179 = arith.addf %add3A_155, %get3A_178 : vector<16xf32>
      %get3A_180 = arith.constant 6 : i32
      %get3A_181 = arith.index_cast %get3A_180 : i32 to index
      %get3A_182 = arith.constant 32 : index
      %get3A_183 = tpu.vector_load %arg6[%get3A_181, %get3A_182] {strides = array<i32>} : memref<100x64xf32, #tpu.memory_space<vmem>>, vector<1x16xf32>,
      %get3A_184 = vector.shape_cast %get3A_183 : vector<1x16xf32> to vector<16xf32>
      %add3A_185 = arith.addf %add3A_161, %get3A_184 : vector<16xf32>
      %get3A_186 = arith.constant 6 : i32
      %get3A_187 = arith.index_cast %get3A_186 : i32 to index
      %get3A_188 = arith.constant 48 : index
      %get3A_189 = tpu.vector_load %arg6[%get3A_187, %get3A_188] {strides = array<i32>} : memref<100x64xf32, #tpu.memory_space<vmem>>, vector<1x16xf32>,
      %get3A_190 = vector.shape_cast %get3A_189 : vector<1x16xf32> to vector<16xf32>
      %add3A_191 = arith.addf %add3A_167, %get3A_190 : vector<16xf32>
      %get3A_192 = arith.constant 7 : i32
      %get3A_193 = arith.index_cast %get3A_192 : i32 to index
      %get3A_194 = arith.constant 0 : index
      %get3A_195 = tpu.vector_load %arg6[%get3A_193, %get3A_194] {strides = array<i32>} : memref<100x64xf32, #tpu.memory_space<vmem>>, vector<1x16xf32>,
      %get3A_196 = vector.shape_cast %get3A_195 : vector<1x16xf32> to vector<16xf32>
      %add3A_197 = arith.addf %add3A_173, %get3A_196 : vector<16xf32>
      %get3A_198 = arith.constant 7 : i32
      %get3A_199 = arith.index_cast %get3A_198 : i32 to index
      %get3A_200 = arith.constant 16 : index
      %get3A_201 = tpu.vector_load %arg6[%get3A_199, %get3A_200] {strides = array<i32>} : memref<100x64xf32, #tpu.memory_space<vmem>>, vector<1x16xf32>,
      %get3A_202 = vector.shape_cast %get3A_201 : vector<1x16xf32> to vector<16xf32>
      %add3A_203 = arith.addf %add3A_179, %get3A_202 : vector<16xf32>
      %get3A_204 = arith.constant 7 : i32
      %get3A_205 = arith.index_cast %get3A_204 : i32 to index
      %get3A_206 = arith.constant 32 : index
      %get3A_207 = tpu.vector_load %arg6[%get3A_205, %get3A_206] {strides = array<i32>} : memref<100x64xf32, #tpu.memory_space<vmem>>, vector<1x16xf32>,
      %get3A_208 = vector.shape_cast %get3A_207 : vector<1x16xf32> to vector<16xf32>
      %add3A_209 = arith.addf %add3A_185, %get3A_208 : vector<16xf32>
      %get3A_210 = arith.constant 7 : i32
      %get3A_211 = arith.index_cast %get3A_210 : i32 to index
      %get3A_212 = arith.constant 48 : index
      %get3A_213 = tpu.vector_load %arg6[%get3A_211, %get3A_212] {strides = array<i32>} : memref<100x64xf32, #tpu.memory_space<vmem>>, vector<1x16xf32>,
      %get3A_214 = vector.shape_cast %get3A_213 : vector<1x16xf32> to vector<16xf32>
      %add3A_215 = arith.addf %add3A_191, %get3A_214 : vector<16xf32>
      %get3A_216 = arith.constant 8 : i32
      %get3A_217 = arith.index_cast %get3A_216 : i32 to index
      %get3A_218 = arith.constant 0 : index
      %get3A_219 = tpu.vector_load %arg6[%get3A_217, %get3A_218] {strides = array<i32>} : memref<100x64xf32, #tpu.memory_space<vmem>>, vector<1x16xf32>,
      %get3A_220 = vector.shape_cast %get3A_219 : vector<1x16xf32> to vector<16xf32>
      %add3A_221 = arith.addf %add3A_197, %get3A_220 : vector<16xf32>
      %get3A_222 = arith.constant 8 : i32
      %get3A_223 = arith.index_cast %get3A_222 : i32 to index
      %get3A_224 = arith.constant 16 : index
      %get3A_225 = tpu.vector_load %arg6[%get3A_223, %get3A_224] {strides = array<i32>} : memref<100x64xf32, #tpu.memory_space<vmem>>, vector<1x16xf32>,
      %get3A_226 = vector.shape_cast %get3A_225 : vector<1x16xf32> to vector<16xf32>
      %add3A_227 = arith.addf %add3A_203, %get3A_226 : vector<16xf32>
      %get3A_228 = arith.constant 8 : i32
      %get3A_229 = arith.index_cast %get3A_228 : i32 to index
      %get3A_230 = arith.constant 32 : index
      %get3A_231 = tpu.vector_load %arg6[%get3A_229, %get3A_230] {strides = array<i32>} : memref<100x64xf32, #tpu.memory_space<vmem>>, vector<1x16xf32>,
      %get3A_232 = vector.shape_cast %get3A_231 : vector<1x16xf32> to vector<16xf32>
      %add3A_233 = arith.addf %add3A_209, %get3A_232 : vector<16xf32>
      %get3A_234 = arith.constant 8 : i32
      %get3A_235 = arith.index_cast %get3A_234 : i32 to index
      %get3A_236 = arith.constant 48 : index
      %get3A_237 = tpu.vector_load %arg6[%get3A_235, %get3A_236] {strides = array<i32>} : memref<100x64xf32, #tpu.memory_space<vmem>>, vector<1x16xf32>,
      %get3A_238 = vector.shape_cast %get3A_237 : vector<1x16xf32> to vector<16xf32>
      %add3A_239 = arith.addf %add3A_215, %get3A_238 : vector<16xf32>
      %get3A_240 = arith.constant 9 : i32
      %get3A_241 = arith.index_cast %get3A_240 : i32 to index
      %get3A_242 = arith.constant 0 : index
      %get3A_243 = tpu.vector_load %arg6[%get3A_241, %get3A_242] {strides = array<i32>} : memref<100x64xf32, #tpu.memory_space<vmem>>, vector<1x16xf32>,
      %get3A_244 = vector.shape_cast %get3A_243 : vector<1x16xf32> to vector<16xf32>
      %add3A_245 = arith.addf %add3A_221, %get3A_244 : vector<16xf32>
      %get3A_246 = arith.constant 9 : i32
      %get3A_247 = arith.index_cast %get3A_246 : i32 to index
      %get3A_248 = arith.constant 16 : index
      %get3A_249 = tpu.vector_load %arg6[%get3A_247, %get3A_248] {strides = array<i32>} : memref<100x64xf32, #tpu.memory_space<vmem>>, vector<1x16xf32>,
      %get3A_250 = vector.shape_cast %get3A_249 : vector<1x16xf32> to vector<16xf32>
      %add3A_251 = arith.addf %add3A_227, %get3A_250 : vector<16xf32>
      %get3A_252 = arith.constant 9 : i32
      %get3A_253 = arith.index_cast %get3A_252 : i32 to index
      %get3A_254 = arith.constant 32 : index
      %get3A_255 = tpu.vector_load %arg6[%get3A_253, %get3A_254] {strides = array<i32>} : memref<100x64xf32, #tpu.memory_space<vmem>>, vector<1x16xf32>,
      %get3A_256 = vector.shape_cast %get3A_255 : vector<1x16xf32> to vector<16xf32>
      %add3A_257 = arith.addf %add3A_233, %get3A_256 : vector<16xf32>
      %get3A_258 = arith.constant 9 : i32
      %get3A_259 = arith.index_cast %get3A_258 : i32 to index
      %get3A_260 = arith.constant 48 : index
      %get3A_261 = tpu.vector_load %arg6[%get3A_259, %get3A_260] {strides = array<i32>} : memref<100x64xf32, #tpu.memory_space<vmem>>, vector<1x16xf32>,
      %get3A_262 = vector.shape_cast %get3A_261 : vector<1x16xf32> to vector<16xf32>
      %add3A_263 = arith.addf %add3A_239, %get3A_262 : vector<16xf32>
      %get3A_264 = arith.constant 10 : i32
      %get3A_265 = arith.index_cast %get3A_264 : i32 to index
      %get3A_266 = arith.constant 0 : index
      %get3A_267 = tpu.vector_load %arg6[%get3A_265, %get3A_266] {strides = array<i32>} : memref<100x64xf32, #tpu.memory_space<vmem>>, vector<1x16xf32>,
      %get3A_268 = vector.shape_cast %get3A_267 : vector<1x16xf32> to vector<16xf32>
      %add3A_269 = arith.addf %add3A_245, %get3A_268 : vector<16xf32>
      %get3A_270 = arith.constant 10 : i32
      %get3A_271 = arith.index_cast %get3A_270 : i32 to index
      %get3A_272 = arith.constant 16 : index
      %get3A_273 = tpu.vector_load %arg6[%get3A_271, %get3A_272] {strides = array<i32>} : memref<100x64xf32, #tpu.memory_space<vmem>>, vector<1x16xf32>,
      %get3A_274 = vector.shape_cast %get3A_273 : vector<1x16xf32> to vector<16xf32>
      %add3A_275 = arith.addf %add3A_251, %get3A_274 : vector<16xf32>
      %get3A_276 = arith.constant 10 : i32
      %get3A_277 = arith.index_cast %get3A_276 : i32 to index
      %get3A_278 = arith.constant 32 : index
      %get3A_279 = tpu.vector_load %arg6[%get3A_277, %get3A_278] {strides = array<i32>} : memref<100x64xf32, #tpu.memory_space<vmem>>, vector<1x16xf32>,
      %get3A_280 = vector.shape_cast %get3A_279 : vector<1x16xf32> to vector<16xf32>
      %add3A_281 = arith.addf %add3A_257, %get3A_280 : vector<16xf32>
      %get3A_282 = arith.constant 10 : i32
      %get3A_283 = arith.index_cast %get3A_282 : i32 to index
      %get3A_284 = arith.constant 48 : index
      %get3A_285 = tpu.vector_load %arg6[%get3A_283, %get3A_284] {strides = array<i32>} : memref<100x64xf32, #tpu.memory_space<vmem>>, vector<1x16xf32>,
      %get3A_286 = vector.shape_cast %get3A_285 : vector<1x16xf32> to vector<16xf32>
      %add3A_287 = arith.addf %add3A_263, %get3A_286 : vector<16xf32>
      %get3A_288 = arith.constant 11 : i32
      %get3A_289 = arith.index_cast %get3A_288 : i32 to index
      %get3A_290 = arith.constant 0 : index
      %get3A_291 = tpu.vector_load %arg6[%get3A_289, %get3A_290] {strides = array<i32>} : memref<100x64xf32, #tpu.memory_space<vmem>>, vector<1x16xf32>,
      %get3A_292 = vector.shape_cast %get3A_291 : vector<1x16xf32> to vector<16xf32>
      %add3A_293 = arith.addf %add3A_269, %get3A_292 : vector<16xf32>
      %get3A_294 = arith.constant 11 : i32
      %get3A_295 = arith.index_cast %get3A_294 : i32 to index
      %get3A_296 = arith.constant 16 : index
      %get3A_297 = tpu.vector_load %arg6[%get3A_295, %get3A_296] {strides = array<i32>} : memref<100x64xf32, #tpu.memory_space<vmem>>, vector<1x16xf32>,
      %get3A_298 = vector.shape_cast %get3A_297 : vector<1x16xf32> to vector<16xf32>
      %add3A_299 = arith.addf %add3A_275, %get3A_298 : vector<16xf32>
      %get3A_300 = arith.constant 11 : i32
      %get3A_301 = arith.index_cast %get3A_300 : i32 to index
      %get3A_302 = arith.constant 32 : index
      %get3A_303 = tpu.vector_load %arg6[%get3A_301, %get3A_302] {strides = array<i32>} : memref<100x64xf32, #tpu.memory_space<vmem>>, vector<1x16xf32>,
      %get3A_304 = vector.shape_cast %get3A_303 : vector<1x16xf32> to vector<16xf32>
      %add3A_305 = arith.addf %add3A_281, %get3A_304 : vector<16xf32>
      %get3A_306 = arith.constant 11 : i32
      %get3A_307 = arith.index_cast %get3A_306 : i32 to index
      %get3A_308 = arith.constant 48 : index
      %get3A_309 = tpu.vector_load %arg6[%get3A_307, %get3A_308] {strides = array<i32>} : memref<100x64xf32, #tpu.memory_space<vmem>>, vector<1x16xf32>,
      %get3A_310 = vector.shape_cast %get3A_309 : vector<1x16xf32> to vector<16xf32>
      %add3A_311 = arith.addf %add3A_287, %get3A_310 : vector<16xf32>
      %get3A_312 = arith.constant 12 : i32
      %get3A_313 = arith.index_cast %get3A_312 : i32 to index
      %get3A_314 = arith.constant 0 : index
      %get3A_315 = tpu.vector_load %arg6[%get3A_313, %get3A_314] {strides = array<i32>} : memref<100x64xf32, #tpu.memory_space<vmem>>, vector<1x16xf32>,
      %get3A_316 = vector.shape_cast %get3A_315 : vector<1x16xf32> to vector<16xf32>
      %add3A_317 = arith.addf %add3A_293, %get3A_316 : vector<16xf32>
      %get3A_318 = arith.constant 12 : i32
      %get3A_319 = arith.index_cast %get3A_318 : i32 to index
      %get3A_320 = arith.constant 16 : index
      %get3A_321 = tpu.vector_load %arg6[%get3A_319, %get3A_320] {strides = array<i32>} : memref<100x64xf32, #tpu.memory_space<vmem>>, vector<1x16xf32>,
      %get3A_322 = vector.shape_cast %get3A_321 : vector<1x16xf32> to vector<16xf32>
      %add3A_323 = arith.addf %add3A_299, %get3A_322 : vector<16xf32>
      %get3A_324 = arith.constant 12 : i32
      %get3A_325 = arith.index_cast %get3A_324 : i32 to index
      %get3A_326 = arith.constant 32 : index
      %get3A_327 = tpu.vector_load %arg6[%get3A_325, %get3A_326] {strides = array<i32>} : memref<100x64xf32, #tpu.memory_space<vmem>>, vector<1x16xf32>,
      %get3A_328 = vector.shape_cast %get3A_327 : vector<1x16xf32> to vector<16xf32>
      %add3A_329 = arith.addf %add3A_305, %get3A_328 : vector<16xf32>
      %get3A_330 = arith.constant 12 : i32
      %get3A_331 = arith.index_cast %get3A_330 : i32 to index
      %get3A_332 = arith.constant 48 : index
      %get3A_333 = tpu.vector_load %arg6[%get3A_331, %get3A_332] {strides = array<i32>} : memref<100x64xf32, #tpu.memory_space<vmem>>, vector<1x16xf32>,
      %get3A_334 = vector.shape_cast %get3A_333 : vector<1x16xf32> to vector<16xf32>
      %add3A_335 = arith.addf %add3A_311, %get3A_334 : vector<16xf32>
      %get3A_336 = arith.constant 13 : i32
      %get3A_337 = arith.index_cast %get3A_336 : i32 to index
      %get3A_338 = arith.constant 0 : index
      %get3A_339 = tpu.vector_load %arg6[%get3A_337, %get3A_338] {strides = array<i32>} : memref<100x64xf32, #tpu.memory_space<vmem>>, vector<1x16xf32>,
      %get3A_340 = vector.shape_cast %get3A_339 : vector<1x16xf32> to vector<16xf32>
      %add3A_341 = arith.addf %add3A_317, %get3A_340 : vector<16xf32>
      %get3A_342 = arith.constant 13 : i32
      %get3A_343 = arith.index_cast %get3A_342 : i32 to index
      %get3A_344 = arith.constant 16 : index
      %get3A_345 = tpu.vector_load %arg6[%get3A_343, %get3A_344] {strides = array<i32>} : memref<100x64xf32, #tpu.memory_space<vmem>>, vector<1x16xf32>,
      %get3A_346 = vector.shape_cast %get3A_345 : vector<1x16xf32> to vector<16xf32>
      %add3A_347 = arith.addf %add3A_323, %get3A_346 : vector<16xf32>
      %get3A_348 = arith.constant 13 : i32
      %get3A_349 = arith.index_cast %get3A_348 : i32 to index
      %get3A_350 = arith.constant 32 : index
      %get3A_351 = tpu.vector_load %arg6[%get3A_349, %get3A_350] {strides = array<i32>} : memref<100x64xf32, #tpu.memory_space<vmem>>, vector<1x16xf32>,
      %get3A_352 = vector.shape_cast %get3A_351 : vector<1x16xf32> to vector<16xf32>
      %add3A_353 = arith.addf %add3A_329, %get3A_352 : vector<16xf32>
      %get3A_354 = arith.constant 13 : i32
      %get3A_355 = arith.index_cast %get3A_354 : i32 to index
      %get3A_356 = arith.constant 48 : index
      %get3A_357 = tpu.vector_load %arg6[%get3A_355, %get3A_356] {strides = array<i32>} : memref<100x64xf32, #tpu.memory_space<vmem>>, vector<1x16xf32>,
      %get3A_358 = vector.shape_cast %get3A_357 : vector<1x16xf32> to vector<16xf32>
      %add3A_359 = arith.addf %add3A_335, %get3A_358 : vector<16xf32>
      %get3A_360 = arith.constant 14 : i32
      %get3A_361 = arith.index_cast %get3A_360 : i32 to index
      %get3A_362 = arith.constant 0 : index
      %get3A_363 = tpu.vector_load %arg6[%get3A_361, %get3A_362] {strides = array<i32>} : memref<100x64xf32, #tpu.memory_space<vmem>>, vector<1x16xf32>,
      %get3A_364 = vector.shape_cast %get3A_363 : vector<1x16xf32> to vector<16xf32>
      %add3A_365 = arith.addf %add3A_341, %get3A_364 : vector<16xf32>
      %get3A_366 = arith.constant 14 : i32
      %get3A_367 = arith.index_cast %get3A_366 : i32 to index
      %get3A_368 = arith.constant 16 : index
      %get3A_369 = tpu.vector_load %arg6[%get3A_367, %get3A_368] {strides = array<i32>} : memref<100x64xf32, #tpu.memory_space<vmem>>, vector<1x16xf32>,
      %get3A_370 = vector.shape_cast %get3A_369 : vector<1x16xf32> to vector<16xf32>
      %add3A_371 = arith.addf %add3A_347, %get3A_370 : vector<16xf32>
      %get3A_372 = arith.constant 14 : i32
      %get3A_373 = arith.index_cast %get3A_372 : i32 to index
      %get3A_374 = arith.constant 32 : index
      %get3A_375 = tpu.vector_load %arg6[%get3A_373, %get3A_374] {strides = array<i32>} : memref<100x64xf32, #tpu.memory_space<vmem>>, vector<1x16xf32>,
      %get3A_376 = vector.shape_cast %get3A_375 : vector<1x16xf32> to vector<16xf32>
      %add3A_377 = arith.addf %add3A_353, %get3A_376 : vector<16xf32>
      %get3A_378 = arith.constant 14 : i32
      %get3A_379 = arith.index_cast %get3A_378 : i32 to index
      %get3A_380 = arith.constant 48 : index
      %get3A_381 = tpu.vector_load %arg6[%get3A_379, %get3A_380] {strides = array<i32>} : memref<100x64xf32, #tpu.memory_space<vmem>>, vector<1x16xf32>,
      %get3A_382 = vector.shape_cast %get3A_381 : vector<1x16xf32> to vector<16xf32>
      %add3A_383 = arith.addf %add3A_359, %get3A_382 : vector<16xf32>
      %get3A_384 = arith.constant 15 : i32
      %get3A_385 = arith.index_cast %get3A_384 : i32 to index
      %get3A_386 = arith.constant 0 : index
      %get3A_387 = tpu.vector_load %arg6[%get3A_385, %get3A_386] {strides = array<i32>} : memref<100x64xf32, #tpu.memory_space<vmem>>, vector<1x16xf32>,
      %get3A_388 = vector.shape_cast %get3A_387 : vector<1x16xf32> to vector<16xf32>
      %add3A_389 = arith.addf %add3A_365, %get3A_388 : vector<16xf32>
      %get3A_390 = arith.constant 15 : i32
      %get3A_391 = arith.index_cast %get3A_390 : i32 to index
      %get3A_392 = arith.constant 16 : index
      %get3A_393 = tpu.vector_load %arg6[%get3A_391, %get3A_392] {strides = array<i32>} : memref<100x64xf32, #tpu.memory_space<vmem>>, vector<1x16xf32>,
      %get3A_394 = vector.shape_cast %get3A_393 : vector<1x16xf32> to vector<16xf32>
      %add3A_395 = arith.addf %add3A_371, %get3A_394 : vector<16xf32>
      %get3A_396 = arith.constant 15 : i32
      %get3A_397 = arith.index_cast %get3A_396 : i32 to index
      %get3A_398 = arith.constant 32 : index
      %get3A_399 = tpu.vector_load %arg6[%get3A_397, %get3A_398] {strides = array<i32>} : memref<100x64xf32, #tpu.memory_space<vmem>>, vector<1x16xf32>,
      %get3A_400 = vector.shape_cast %get3A_399 : vector<1x16xf32> to vector<16xf32>
      %add3A_401 = arith.addf %add3A_377, %get3A_400 : vector<16xf32>
      %get3A_402 = arith.constant 15 : i32
      %get3A_403 = arith.index_cast %get3A_402 : i32 to index
      %get3A_404 = arith.constant 48 : index
      %get3A_405 = tpu.vector_load %arg6[%get3A_403, %get3A_404] {strides = array<i32>} : memref<100x64xf32, #tpu.memory_space<vmem>>, vector<1x16xf32>,
      %get3A_406 = vector.shape_cast %get3A_405 : vector<1x16xf32> to vector<16xf32>
      %add3A_407 = arith.addf %add3A_383, %get3A_406 : vector<16xf32>
      %get3A_408 = arith.constant 16 : i32
      %get3A_409 = arith.index_cast %get3A_408 : i32 to index
      %get3A_410 = arith.constant 0 : index
      %get3A_411 = tpu.vector_load %arg6[%get3A_409, %get3A_410] {strides = array<i32>} : memref<100x64xf32, #tpu.memory_space<vmem>>, vector<1x16xf32>,
      %get3A_412 = vector.shape_cast %get3A_411 : vector<1x16xf32> to vector<16xf32>
      %add3A_413 = arith.addf %add3A_389, %get3A_412 : vector<16xf32>
      %get3A_414 = arith.constant 16 : i32
      %get3A_415 = arith.index_cast %get3A_414 : i32 to index
      %get3A_416 = arith.constant 16 : index
      %get3A_417 = tpu.vector_load %arg6[%get3A_415, %get3A_416] {strides = array<i32>} : memref<100x64xf32, #tpu.memory_space<vmem>>, vector<1x16xf32>,
      %get3A_418 = vector.shape_cast %get3A_417 : vector<1x16xf32> to vector<16xf32>
      %add3A_419 = arith.addf %add3A_395, %get3A_418 : vector<16xf32>
      %get3A_420 = arith.constant 16 : i32
      %get3A_421 = arith.index_cast %get3A_420 : i32 to index
      %get3A_422 = arith.constant 32 : index
      %get3A_423 = tpu.vector_load %arg6[%get3A_421, %get3A_422] {strides = array<i32>} : memref<100x64xf32, #tpu.memory_space<vmem>>, vector<1x16xf32>,
      %get3A_424 = vector.shape_cast %get3A_423 : vector<1x16xf32> to vector<16xf32>
      %add3A_425 = arith.addf %add3A_401, %get3A_424 : vector<16xf32>
      %get3A_426 = arith.constant 16 : i32
      %get3A_427 = arith.index_cast %get3A_426 : i32 to index
      %get3A_428 = arith.constant 48 : index
      %get3A_429 = tpu.vector_load %arg6[%get3A_427, %get3A_428] {strides = array<i32>} : memref<100x64xf32, #tpu.memory_space<vmem>>, vector<1x16xf32>,
      %get3A_430 = vector.shape_cast %get3A_429 : vector<1x16xf32> to vector<16xf32>
      %add3A_431 = arith.addf %add3A_407, %get3A_430 : vector<16xf32>
      %get3A_432 = arith.constant 17 : i32
      %get3A_433 = arith.index_cast %get3A_432 : i32 to index
      %get3A_434 = arith.constant 0 : index
      %get3A_435 = tpu.vector_load %arg6[%get3A_433, %get3A_434] {strides = array<i32>} : memref<100x64xf32, #tpu.memory_space<vmem>>, vector<1x16xf32>,
      %get3A_436 = vector.shape_cast %get3A_435 : vector<1x16xf32> to vector<16xf32>
      %add3A_437 = arith.addf %add3A_413, %get3A_436 : vector<16xf32>
      %get3A_438 = arith.constant 17 : i32
      %get3A_439 = arith.index_cast %get3A_438 : i32 to index
      %get3A_440 = arith.constant 16 : index
      %get3A_441 = tpu.vector_load %arg6[%get3A_439, %get3A_440] {strides = array<i32>} : memref<100x64xf32, #tpu.memory_space<vmem>>, vector<1x16xf32>,
      %get3A_442 = vector.shape_cast %get3A_441 : vector<1x16xf32> to vector<16xf32>
      %add3A_443 = arith.addf %add3A_419, %get3A_442 : vector<16xf32>
      %get3A_444 = arith.constant 17 : i32
      %get3A_445 = arith.index_cast %get3A_444 : i32 to index
      %get3A_446 = arith.constant 32 : index
      %get3A_447 = tpu.vector_load %arg6[%get3A_445, %get3A_446] {strides = array<i32>} : memref<100x64xf32, #tpu.memory_space<vmem>>, vector<1x16xf32>,
      %get3A_448 = vector.shape_cast %get3A_447 : vector<1x16xf32> to vector<16xf32>
      %add3A_449 = arith.addf %add3A_425, %get3A_448 : vector<16xf32>
      %get3A_450 = arith.constant 17 : i32
      %get3A_451 = arith.index_cast %get3A_450 : i32 to index
      %get3A_452 = arith.constant 48 : index
      %get3A_453 = tpu.vector_load %arg6[%get3A_451, %get3A_452] {strides = array<i32>} : memref<100x64xf32, #tpu.memory_space<vmem>>, vector<1x16xf32>,
      %get3A_454 = vector.shape_cast %get3A_453 : vector<1x16xf32> to vector<16xf32>
      %add3A_455 = arith.addf %add3A_431, %get3A_454 : vector<16xf32>
      %get3A_456 = arith.constant 18 : i32
      %get3A_457 = arith.index_cast %get3A_456 : i32 to index
      %get3A_458 = arith.constant 0 : index
      %get3A_459 = tpu.vector_load %arg6[%get3A_457, %get3A_458] {strides = array<i32>} : memref<100x64xf32, #tpu.memory_space<vmem>>, vector<1x16xf32>,
      %get3A_460 = vector.shape_cast %get3A_459 : vector<1x16xf32> to vector<16xf32>
      %add3A_461 = arith.addf %add3A_437, %get3A_460 : vector<16xf32>
      %get3A_462 = arith.constant 18 : i32
      %get3A_463 = arith.index_cast %get3A_462 : i32 to index
      %get3A_464 = arith.constant 16 : index
      %get3A_465 = tpu.vector_load %arg6[%get3A_463, %get3A_464] {strides = array<i32>} : memref<100x64xf32, #tpu.memory_space<vmem>>, vector<1x16xf32>,
      %get3A_466 = vector.shape_cast %get3A_465 : vector<1x16xf32> to vector<16xf32>
      %add3A_467 = arith.addf %add3A_443, %get3A_466 : vector<16xf32>
      %get3A_468 = arith.constant 18 : i32
      %get3A_469 = arith.index_cast %get3A_468 : i32 to index
      %get3A_470 = arith.constant 32 : index
      %get3A_471 = tpu.vector_load %arg6[%get3A_469, %get3A_470] {strides = array<i32>} : memref<100x64xf32, #tpu.memory_space<vmem>>, vector<1x16xf32>,
      %get3A_472 = vector.shape_cast %get3A_471 : vector<1x16xf32> to vector<16xf32>
      %add3A_473 = arith.addf %add3A_449, %get3A_472 : vector<16xf32>
      %get3A_474 = arith.constant 18 : i32
      %get3A_475 = arith.index_cast %get3A_474 : i32 to index
      %get3A_476 = arith.constant 48 : index
      %get3A_477 = tpu.vector_load %arg6[%get3A_475, %get3A_476] {strides = array<i32>} : memref<100x64xf32, #tpu.memory_space<vmem>>, vector<1x16xf32>,
      %get3A_478 = vector.shape_cast %get3A_477 : vector<1x16xf32> to vector<16xf32>
      %add3A_479 = arith.addf %add3A_455, %get3A_478 : vector<16xf32>
      %get3A_480 = arith.constant 19 : i32
      %get3A_481 = arith.index_cast %get3A_480 : i32 to index
      %get3A_482 = arith.constant 0 : index
      %get3A_483 = tpu.vector_load %arg6[%get3A_481, %get3A_482] {strides = array<i32>} : memref<100x64xf32, #tpu.memory_space<vmem>>, vector<1x16xf32>,
      %get3A_484 = vector.shape_cast %get3A_483 : vector<1x16xf32> to vector<16xf32>
      %add3A_485 = arith.addf %add3A_461, %get3A_484 : vector<16xf32>
      %get3A_486 = arith.constant 19 : i32
      %get3A_487 = arith.index_cast %get3A_486 : i32 to index
      %get3A_488 = arith.constant 16 : index
      %get3A_489 = tpu.vector_load %arg6[%get3A_487, %get3A_488] {strides = array<i32>} : memref<100x64xf32, #tpu.memory_space<vmem>>, vector<1x16xf32>,
      %get3A_490 = vector.shape_cast %get3A_489 : vector<1x16xf32> to vector<16xf32>
      %add3A_491 = arith.addf %add3A_467, %get3A_490 : vector<16xf32>
      %get3A_492 = arith.constant 19 : i32
      %get3A_493 = arith.index_cast %get3A_492 : i32 to index
      %get3A_494 = arith.constant 32 : index
      %get3A_495 = tpu.vector_load %arg6[%get3A_493, %get3A_494] {strides = array<i32>} : memref<100x64xf32, #tpu.memory_space<vmem>>, vector<1x16xf32>,
      %get3A_496 = vector.shape_cast %get3A_495 : vector<1x16xf32> to vector<16xf32>
      %add3A_497 = arith.addf %add3A_473, %get3A_496 : vector<16xf32>
      %get3A_498 = arith.constant 19 : i32
      %get3A_499 = arith.index_cast %get3A_498 : i32 to index
      %get3A_500 = arith.constant 48 : index
      %get3A_501 = tpu.vector_load %arg6[%get3A_499, %get3A_500] {strides = array<i32>} : memref<100x64xf32, #tpu.memory_space<vmem>>, vector<1x16xf32>,
      %get3A_502 = vector.shape_cast %get3A_501 : vector<1x16xf32> to vector<16xf32>
      %add3A_503 = arith.addf %add3A_479, %get3A_502 : vector<16xf32>
      %get3A_504 = arith.constant 20 : i32
      %get3A_505 = arith.index_cast %get3A_504 : i32 to index
      %get3A_506 = arith.constant 0 : index
      %get3A_507 = tpu.vector_load %arg6[%get3A_505, %get3A_506] {strides = array<i32>} : memref<100x64xf32, #tpu.memory_space<vmem>>, vector<1x16xf32>,
      %get3A_508 = vector.shape_cast %get3A_507 : vector<1x16xf32> to vector<16xf32>
      %add3A_509 = arith.addf %add3A_485, %get3A_508 : vector<16xf32>
      %get3A_510 = arith.constant 20 : i32
      %get3A_511 = arith.index_cast %get3A_510 : i32 to index
      %get3A_512 = arith.constant 16 : index
      %get3A_513 = tpu.vector_load %arg6[%get3A_511, %get3A_512] {strides = array<i32>} : memref<100x64xf32, #tpu.memory_space<vmem>>, vector<1x16xf32>,
      %get3A_514 = vector.shape_cast %get3A_513 : vector<1x16xf32> to vector<16xf32>
      %add3A_515 = arith.addf %add3A_491, %get3A_514 : vector<16xf32>
      %get3A_516 = arith.constant 20 : i32
      %get3A_517 = arith.index_cast %get3A_516 : i32 to index
      %get3A_518 = arith.constant 32 : index
      %get3A_519 = tpu.vector_load %arg6[%get3A_517, %get3A_518] {strides = array<i32>} : memref<100x64xf32, #tpu.memory_space<vmem>>, vector<1x16xf32>,
      %get3A_520 = vector.shape_cast %get3A_519 : vector<1x16xf32> to vector<16xf32>
      %add3A_521 = arith.addf %add3A_497, %get3A_520 : vector<16xf32>
      %get3A_522 = arith.constant 20 : i32
      %get3A_523 = arith.index_cast %get3A_522 : i32 to index
      %get3A_524 = arith.constant 48 : index
      %get3A_525 = tpu.vector_load %arg6[%get3A_523, %get3A_524] {strides = array<i32>} : memref<100x64xf32, #tpu.memory_space<vmem>>, vector<1x16xf32>,
      %get3A_526 = vector.shape_cast %get3A_525 : vector<1x16xf32> to vector<16xf32>
      %add3A_527 = arith.addf %add3A_503, %get3A_526 : vector<16xf32>
      %get3A_528 = arith.constant 21 : i32
      %get3A_529 = arith.index_cast %get3A_528 : i32 to index
      %get3A_530 = arith.constant 0 : index
      %get3A_531 = tpu.vector_load %arg6[%get3A_529, %get3A_530] {strides = array<i32>} : memref<100x64xf32, #tpu.memory_space<vmem>>, vector<1x16xf32>,
      %get3A_532 = vector.shape_cast %get3A_531 : vector<1x16xf32> to vector<16xf32>
      %add3A_533 = arith.addf %add3A_509, %get3A_532 : vector<16xf32>
      %get3A_534 = arith.constant 21 : i32
      %get3A_535 = arith.index_cast %get3A_534 : i32 to index
      %get3A_536 = arith.constant 16 : index
      %get3A_537 = tpu.vector_load %arg6[%get3A_535, %get3A_536] {strides = array<i32>} : memref<100x64xf32, #tpu.memory_space<vmem>>, vector<1x16xf32>,
      %get3A_538 = vector.shape_cast %get3A_537 : vector<1x16xf32> to vector<16xf32>
      %add3A_539 = arith.addf %add3A_515, %get3A_538 : vector<16xf32>
      %get3A_540 = arith.constant 21 : i32
      %get3A_541 = arith.index_cast %get3A_540 : i32 to index
      %get3A_542 = arith.constant 32 : index
      %get3A_543 = tpu.vector_load %arg6[%get3A_541, %get3A_542] {strides = array<i32>} : memref<100x64xf32, #tpu.memory_space<vmem>>, vector<1x16xf32>,
      %get3A_544 = vector.shape_cast %get3A_543 : vector<1x16xf32> to vector<16xf32>
      %add3A_545 = arith.addf %add3A_521, %get3A_544 : vector<16xf32>
      %get3A_546 = arith.constant 21 : i32
      %get3A_547 = arith.index_cast %get3A_546 : i32 to index
      %get3A_548 = arith.constant 48 : index
      %get3A_549 = tpu.vector_load %arg6[%get3A_547, %get3A_548] {strides = array<i32>} : memref<100x64xf32, #tpu.memory_space<vmem>>, vector<1x16xf32>,
      %get3A_550 = vector.shape_cast %get3A_549 : vector<1x16xf32> to vector<16xf32>
      %add3A_551 = arith.addf %add3A_527, %get3A_550 : vector<16xf32>
      %get3A_552 = arith.constant 22 : i32
      %get3A_553 = arith.index_cast %get3A_552 : i32 to index
      %get3A_554 = arith.constant 0 : index
      %get3A_555 = tpu.vector_load %arg6[%get3A_553, %get3A_554] {strides = array<i32>} : memref<100x64xf32, #tpu.memory_space<vmem>>, vector<1x16xf32>,
      %get3A_556 = vector.shape_cast %get3A_555 : vector<1x16xf32> to vector<16xf32>
      %add3A_557 = arith.addf %add3A_533, %get3A_556 : vector<16xf32>
      %get3A_558 = arith.constant 22 : i32
      %get3A_559 = arith.index_cast %get3A_558 : i32 to index
      %get3A_560 = arith.constant 16 : index
      %get3A_561 = tpu.vector_load %arg6[%get3A_559, %get3A_560] {strides = array<i32>} : memref<100x64xf32, #tpu.memory_space<vmem>>, vector<1x16xf32>,
      %get3A_562 = vector.shape_cast %get3A_561 : vector<1x16xf32> to vector<16xf32>
      %add3A_563 = arith.addf %add3A_539, %get3A_562 : vector<16xf32>
      %get3A_564 = arith.constant 22 : i32
      %get3A_565 = arith.index_cast %get3A_564 : i32 to index
      %get3A_566 = arith.constant 32 : index
      %get3A_567 = tpu.vector_load %arg6[%get3A_565, %get3A_566] {strides = array<i32>} : memref<100x64xf32, #tpu.memory_space<vmem>>, vector<1x16xf32>,
      %get3A_568 = vector.shape_cast %get3A_567 : vector<1x16xf32> to vector<16xf32>
      %add3A_569 = arith.addf %add3A_545, %get3A_568 : vector<16xf32>
      %get3A_570 = arith.constant 22 : i32
      %get3A_571 = arith.index_cast %get3A_570 : i32 to index
      %get3A_572 = arith.constant 48 : index
      %get3A_573 = tpu.vector_load %arg6[%get3A_571, %get3A_572] {strides = array<i32>} : memref<100x64xf32, #tpu.memory_space<vmem>>, vector<1x16xf32>,
      %get3A_574 = vector.shape_cast %get3A_573 : vector<1x16xf32> to vector<16xf32>
      %add3A_575 = arith.addf %add3A_551, %get3A_574 : vector<16xf32>
      %get3A_576 = arith.constant 23 : i32
      %get3A_577 = arith.index_cast %get3A_576 : i32 to index
      %get3A_578 = arith.constant 0 : index
      %get3A_579 = tpu.vector_load %arg6[%get3A_577, %get3A_578] {strides = array<i32>} : memref<100x64xf32, #tpu.memory_space<vmem>>, vector<1x16xf32>,
      %get3A_580 = vector.shape_cast %get3A_579 : vector<1x16xf32> to vector<16xf32>
      %add3A_581 = arith.addf %add3A_557, %get3A_580 : vector<16xf32>
      %get3A_582 = arith.constant 23 : i32
      %get3A_583 = arith.index_cast %get3A_582 : i32 to index
      %get3A_584 = arith.constant 16 : index
      %get3A_585 = tpu.vector_load %arg6[%get3A_583, %get3A_584] {strides = array<i32>} : memref<100x64xf32, #tpu.memory_space<vmem>>, vector<1x16xf32>,
      %get3A_586 = vector.shape_cast %get3A_585 : vector<1x16xf32> to vector<16xf32>
      %add3A_587 = arith.addf %add3A_563, %get3A_586 : vector<16xf32>
      %get3A_588 = arith.constant 23 : i32
      %get3A_589 = arith.index_cast %get3A_588 : i32 to index
      %get3A_590 = arith.constant 32 : index
      %get3A_591 = tpu.vector_load %arg6[%get3A_589, %get3A_590] {strides = array<i32>} : memref<100x64xf32, #tpu.memory_space<vmem>>, vector<1x16xf32>,
      %get3A_592 = vector.shape_cast %get3A_591 : vector<1x16xf32> to vector<16xf32>
      %add3A_593 = arith.addf %add3A_569, %get3A_592 : vector<16xf32>
      %get3A_594 = arith.constant 23 : i32
      %get3A_595 = arith.index_cast %get3A_594 : i32 to index
      %get3A_596 = arith.constant 48 : index
      %get3A_597 = tpu.vector_load %arg6[%get3A_595, %get3A_596] {strides = array<i32>} : memref<100x64xf32, #tpu.memory_space<vmem>>, vector<1x16xf32>,
      %get3A_598 = vector.shape_cast %get3A_597 : vector<1x16xf32> to vector<16xf32>
      %add3A_599 = arith.addf %add3A_575, %get3A_598 : vector<16xf32>
      %get3A_600 = arith.constant 24 : i32
      %get3A_601 = arith.index_cast %get3A_600 : i32 to index
      %get3A_602 = arith.constant 0 : index
      %get3A_603 = tpu.vector_load %arg6[%get3A_601, %get3A_602] {strides = array<i32>} : memref<100x64xf32, #tpu.memory_space<vmem>>, vector<1x16xf32>,
      %get3A_604 = vector.shape_cast %get3A_603 : vector<1x16xf32> to vector<16xf32>
      %add3A_605 = arith.addf %add3A_581, %get3A_604 : vector<16xf32>
      %get3A_606 = arith.constant 24 : i32
      %get3A_607 = arith.index_cast %get3A_606 : i32 to index
      %get3A_608 = arith.constant 16 : index
      %get3A_609 = tpu.vector_load %arg6[%get3A_607, %get3A_608] {strides = array<i32>} : memref<100x64xf32, #tpu.memory_space<vmem>>, vector<1x16xf32>,
      %get3A_610 = vector.shape_cast %get3A_609 : vector<1x16xf32> to vector<16xf32>
      %add3A_611 = arith.addf %add3A_587, %get3A_610 : vector<16xf32>
      %get3A_612 = arith.constant 24 : i32
      %get3A_613 = arith.index_cast %get3A_612 : i32 to index
      %get3A_614 = arith.constant 32 : index
      %get3A_615 = tpu.vector_load %arg6[%get3A_613, %get3A_614] {strides = array<i32>} : memref<100x64xf32, #tpu.memory_space<vmem>>, vector<1x16xf32>,
      %get3A_616 = vector.shape_cast %get3A_615 : vector<1x16xf32> to vector<16xf32>
      %add3A_617 = arith.addf %add3A_593, %get3A_616 : vector<16xf32>
      %get3A_618 = arith.constant 24 : i32
      %get3A_619 = arith.index_cast %get3A_618 : i32 to index
      %get3A_620 = arith.constant 48 : index
      %get3A_621 = tpu.vector_load %arg6[%get3A_619, %get3A_620] {strides = array<i32>} : memref<100x64xf32, #tpu.memory_space<vmem>>, vector<1x16xf32>,
      %get3A_622 = vector.shape_cast %get3A_621 : vector<1x16xf32> to vector<16xf32>
      %add3A_623 = arith.addf %add3A_599, %get3A_622 : vector<16xf32>
      %get3A_624 = arith.constant 25 : i32
      %get3A_625 = arith.index_cast %get3A_624 : i32 to index
      %get3A_626 = arith.constant 0 : index
      %get3A_627 = tpu.vector_load %arg6[%get3A_625, %get3A_626] {strides = array<i32>} : memref<100x64xf32, #tpu.memory_space<vmem>>, vector<1x16xf32>,
      %get3A_628 = vector.shape_cast %get3A_627 : vector<1x16xf32> to vector<16xf32>
      %add3A_629 = arith.addf %add3A_605, %get3A_628 : vector<16xf32>
      %get3A_630 = arith.constant 25 : i32
      %get3A_631 = arith.index_cast %get3A_630 : i32 to index
      %get3A_632 = arith.constant 16 : index
      %get3A_633 = tpu.vector_load %arg6[%get3A_631, %get3A_632] {strides = array<i32>} : memref<100x64xf32, #tpu.memory_space<vmem>>, vector<1x16xf32>,
      %get3A_634 = vector.shape_cast %get3A_633 : vector<1x16xf32> to vector<16xf32>
      %add3A_635 = arith.addf %add3A_611, %get3A_634 : vector<16xf32>
      %get3A_636 = arith.constant 25 : i32
      %get3A_637 = arith.index_cast %get3A_636 : i32 to index
      %get3A_638 = arith.constant 32 : index
      %get3A_639 = tpu.vector_load %arg6[%get3A_637, %get3A_638] {strides = array<i32>} : memref<100x64xf32, #tpu.memory_space<vmem>>, vector<1x16xf32>,
      %get3A_640 = vector.shape_cast %get3A_639 : vector<1x16xf32> to vector<16xf32>
      %add3A_641 = arith.addf %add3A_617, %get3A_640 : vector<16xf32>
      %get3A_642 = arith.constant 25 : i32
      %get3A_643 = arith.index_cast %get3A_642 : i32 to index
      %get3A_644 = arith.constant 48 : index
      %get3A_645 = tpu.vector_load %arg6[%get3A_643, %get3A_644] {strides = array<i32>} : memref<100x64xf32, #tpu.memory_space<vmem>>, vector<1x16xf32>,
      %get3A_646 = vector.shape_cast %get3A_645 : vector<1x16xf32> to vector<16xf32>
      %add3A_647 = arith.addf %add3A_623, %get3A_646 : vector<16xf32>
      %get3A_648 = arith.constant 26 : i32
      %get3A_649 = arith.index_cast %get3A_648 : i32 to index
      %get3A_650 = arith.constant 0 : index
      %get3A_651 = tpu.vector_load %arg6[%get3A_649, %get3A_650] {strides = array<i32>} : memref<100x64xf32, #tpu.memory_space<vmem>>, vector<1x16xf32>,
      %get3A_652 = vector.shape_cast %get3A_651 : vector<1x16xf32> to vector<16xf32>
      %add3A_653 = arith.addf %add3A_629, %get3A_652 : vector<16xf32>
      %get3A_654 = arith.constant 26 : i32
      %get3A_655 = arith.index_cast %get3A_654 : i32 to index
      %get3A_656 = arith.constant 16 : index
      %get3A_657 = tpu.vector_load %arg6[%get3A_655, %get3A_656] {strides = array<i32>} : memref<100x64xf32, #tpu.memory_space<vmem>>, vector<1x16xf32>,
      %get3A_658 = vector.shape_cast %get3A_657 : vector<1x16xf32> to vector<16xf32>
      %add3A_659 = arith.addf %add3A_635, %get3A_658 : vector<16xf32>
      %get3A_660 = arith.constant 26 : i32
      %get3A_661 = arith.index_cast %get3A_660 : i32 to index
      %get3A_662 = arith.constant 32 : index
      %get3A_663 = tpu.vector_load %arg6[%get3A_661, %get3A_662] {strides = array<i32>} : memref<100x64xf32, #tpu.memory_space<vmem>>, vector<1x16xf32>,
      %get3A_664 = vector.shape_cast %get3A_663 : vector<1x16xf32> to vector<16xf32>
      %add3A_665 = arith.addf %add3A_641, %get3A_664 : vector<16xf32>
      %get3A_666 = arith.constant 26 : i32
      %get3A_667 = arith.index_cast %get3A_666 : i32 to index
      %get3A_668 = arith.constant 48 : index
      %get3A_669 = tpu.vector_load %arg6[%get3A_667, %get3A_668] {strides = array<i32>} : memref<100x64xf32, #tpu.memory_space<vmem>>, vector<1x16xf32>,
      %get3A_670 = vector.shape_cast %get3A_669 : vector<1x16xf32> to vector<16xf32>
      %add3A_671 = arith.addf %add3A_647, %get3A_670 : vector<16xf32>
      %get3A_672 = arith.constant 27 : i32
      %get3A_673 = arith.index_cast %get3A_672 : i32 to index
      %get3A_674 = arith.constant 0 : index
      %get3A_675 = tpu.vector_load %arg6[%get3A_673, %get3A_674] {strides = array<i32>} : memref<100x64xf32, #tpu.memory_space<vmem>>, vector<1x16xf32>,
      %get3A_676 = vector.shape_cast %get3A_675 : vector<1x16xf32> to vector<16xf32>
      %add3A_677 = arith.addf %add3A_653, %get3A_676 : vector<16xf32>
      %get3A_678 = arith.constant 27 : i32
      %get3A_679 = arith.index_cast %get3A_678 : i32 to index
      %get3A_680 = arith.constant 16 : index
      %get3A_681 = tpu.vector_load %arg6[%get3A_679, %get3A_680] {strides = array<i32>} : memref<100x64xf32, #tpu.memory_space<vmem>>, vector<1x16xf32>,
      %get3A_682 = vector.shape_cast %get3A_681 : vector<1x16xf32> to vector<16xf32>
      %add3A_683 = arith.addf %add3A_659, %get3A_682 : vector<16xf32>
      %get3A_684 = arith.constant 27 : i32
      %get3A_685 = arith.index_cast %get3A_684 : i32 to index
      %get3A_686 = arith.constant 32 : index
      %get3A_687 = tpu.vector_load %arg6[%get3A_685, %get3A_686] {strides = array<i32>} : memref<100x64xf32, #tpu.memory_space<vmem>>, vector<1x16xf32>,
      %get3A_688 = vector.shape_cast %get3A_687 : vector<1x16xf32> to vector<16xf32>
      %add3A_689 = arith.addf %add3A_665, %get3A_688 : vector<16xf32>
      %get3A_690 = arith.constant 27 : i32
      %get3A_691 = arith.index_cast %get3A_690 : i32 to index
      %get3A_692 = arith.constant 48 : index
      %get3A_693 = tpu.vector_load %arg6[%get3A_691, %get3A_692] {strides = array<i32>} : memref<100x64xf32, #tpu.memory_space<vmem>>, vector<1x16xf32>,
      %get3A_694 = vector.shape_cast %get3A_693 : vector<1x16xf32> to vector<16xf32>
      %add3A_695 = arith.addf %add3A_671, %get3A_694 : vector<16xf32>
      %get3A_696 = arith.constant 28 : i32
      %get3A_697 = arith.index_cast %get3A_696 : i32 to index
      %get3A_698 = arith.constant 0 : index
      %get3A_699 = tpu.vector_load %arg6[%get3A_697, %get3A_698] {strides = array<i32>} : memref<100x64xf32, #tpu.memory_space<vmem>>, vector<1x16xf32>,
      %get3A_700 = vector.shape_cast %get3A_699 : vector<1x16xf32> to vector<16xf32>
      %add3A_701 = arith.addf %add3A_677, %get3A_700 : vector<16xf32>
      %get3A_702 = arith.constant 28 : i32
      %get3A_703 = arith.index_cast %get3A_702 : i32 to index
      %get3A_704 = arith.constant 16 : index
      %get3A_705 = tpu.vector_load %arg6[%get3A_703, %get3A_704] {strides = array<i32>} : memref<100x64xf32, #tpu.memory_space<vmem>>, vector<1x16xf32>,
      %get3A_706 = vector.shape_cast %get3A_705 : vector<1x16xf32> to vector<16xf32>
      %add3A_707 = arith.addf %add3A_683, %get3A_706 : vector<16xf32>
      %get3A_708 = arith.constant 28 : i32
      %get3A_709 = arith.index_cast %get3A_708 : i32 to index
      %get3A_710 = arith.constant 32 : index
      %get3A_711 = tpu.vector_load %arg6[%get3A_709, %get3A_710] {strides = array<i32>} : memref<100x64xf32, #tpu.memory_space<vmem>>, vector<1x16xf32>,
      %get3A_712 = vector.shape_cast %get3A_711 : vector<1x16xf32> to vector<16xf32>
      %add3A_713 = arith.addf %add3A_689, %get3A_712 : vector<16xf32>
      %get3A_714 = arith.constant 28 : i32
      %get3A_715 = arith.index_cast %get3A_714 : i32 to index
      %get3A_716 = arith.constant 48 : index
      %get3A_717 = tpu.vector_load %arg6[%get3A_715, %get3A_716] {strides = array<i32>} : memref<100x64xf32, #tpu.memory_space<vmem>>, vector<1x16xf32>,
      %get3A_718 = vector.shape_cast %get3A_717 : vector<1x16xf32> to vector<16xf32>
      %add3A_719 = arith.addf %add3A_695, %get3A_718 : vector<16xf32>
      %get3A_720 = arith.constant 29 : i32
      %get3A_721 = arith.index_cast %get3A_720 : i32 to index
      %get3A_722 = arith.constant 0 : index
      %get3A_723 = tpu.vector_load %arg6[%get3A_721, %get3A_722] {strides = array<i32>} : memref<100x64xf32, #tpu.memory_space<vmem>>, vector<1x16xf32>,
      %get3A_724 = vector.shape_cast %get3A_723 : vector<1x16xf32> to vector<16xf32>
      %add3A_725 = arith.addf %add3A_701, %get3A_724 : vector<16xf32>
      %get3A_726 = arith.constant 29 : i32
      %get3A_727 = arith.index_cast %get3A_726 : i32 to index
      %get3A_728 = arith.constant 16 : index
      %get3A_729 = tpu.vector_load %arg6[%get3A_727, %get3A_728] {strides = array<i32>} : memref<100x64xf32, #tpu.memory_space<vmem>>, vector<1x16xf32>,
      %get3A_730 = vector.shape_cast %get3A_729 : vector<1x16xf32> to vector<16xf32>
      %add3A_731 = arith.addf %add3A_707, %get3A_730 : vector<16xf32>
      %get3A_732 = arith.constant 29 : i32
      %get3A_733 = arith.index_cast %get3A_732 : i32 to index
      %get3A_734 = arith.constant 32 : index
      %get3A_735 = tpu.vector_load %arg6[%get3A_733, %get3A_734] {strides = array<i32>} : memref<100x64xf32, #tpu.memory_space<vmem>>, vector<1x16xf32>,
      %get3A_736 = vector.shape_cast %get3A_735 : vector<1x16xf32> to vector<16xf32>
      %add3A_737 = arith.addf %add3A_713, %get3A_736 : vector<16xf32>
      %get3A_738 = arith.constant 29 : i32
      %get3A_739 = arith.index_cast %get3A_738 : i32 to index
      %get3A_740 = arith.constant 48 : index
      %get3A_741 = tpu.vector_load %arg6[%get3A_739, %get3A_740] {strides = array<i32>} : memref<100x64xf32, #tpu.memory_space<vmem>>, vector<1x16xf32>,
      %get3A_742 = vector.shape_cast %get3A_741 : vector<1x16xf32> to vector<16xf32>
      %add3A_743 = arith.addf %add3A_719, %get3A_742 : vector<16xf32>
      %get3A_744 = arith.constant 30 : i32
      %get3A_745 = arith.index_cast %get3A_744 : i32 to index
      %get3A_746 = arith.constant 0 : index
      %get3A_747 = tpu.vector_load %arg6[%get3A_745, %get3A_746] {strides = array<i32>} : memref<100x64xf32, #tpu.memory_space<vmem>>, vector<1x16xf32>,
      %get3A_748 = vector.shape_cast %get3A_747 : vector<1x16xf32> to vector<16xf32>
      %add3A_749 = arith.addf %add3A_725, %get3A_748 : vector<16xf32>
      %get3A_750 = arith.constant 30 : i32
      %get3A_751 = arith.index_cast %get3A_750 : i32 to index
      %get3A_752 = arith.constant 16 : index
      %get3A_753 = tpu.vector_load %arg6[%get3A_751, %get3A_752] {strides = array<i32>} : memref<100x64xf32, #tpu.memory_space<vmem>>, vector<1x16xf32>,
      %get3A_754 = vector.shape_cast %get3A_753 : vector<1x16xf32> to vector<16xf32>
      %add3A_755 = arith.addf %add3A_731, %get3A_754 : vector<16xf32>
      %get3A_756 = arith.constant 30 : i32
      %get3A_757 = arith.index_cast %get3A_756 : i32 to index
      %get3A_758 = arith.constant 32 : index
      %get3A_759 = tpu.vector_load %arg6[%get3A_757, %get3A_758] {strides = array<i32>} : memref<100x64xf32, #tpu.memory_space<vmem>>, vector<1x16xf32>,
      %get3A_760 = vector.shape_cast %get3A_759 : vector<1x16xf32> to vector<16xf32>
      %add3A_761 = arith.addf %add3A_737, %get3A_760 : vector<16xf32>
      %get3A_762 = arith.constant 30 : i32
      %get3A_763 = arith.index_cast %get3A_762 : i32 to index
      %get3A_764 = arith.constant 48 : index
      %get3A_765 = tpu.vector_load %arg6[%get3A_763, %get3A_764] {strides = array<i32>} : memref<100x64xf32, #tpu.memory_space<vmem>>, vector<1x16xf32>,
      %get3A_766 = vector.shape_cast %get3A_765 : vector<1x16xf32> to vector<16xf32>
      %add3A_767 = arith.addf %add3A_743, %get3A_766 : vector<16xf32>
      %get3A_768 = arith.constant 31 : i32
      %get3A_769 = arith.index_cast %get3A_768 : i32 to index
      %get3A_770 = arith.constant 0 : index
      %get3A_771 = tpu.vector_load %arg6[%get3A_769, %get3A_770] {strides = array<i32>} : memref<100x64xf32, #tpu.memory_space<vmem>>, vector<1x16xf32>,
      %get3A_772 = vector.shape_cast %get3A_771 : vector<1x16xf32> to vector<16xf32>
      %add3A_773 = arith.addf %add3A_749, %get3A_772 : vector<16xf32>
      %get3A_774 = arith.constant 31 : i32
      %get3A_775 = arith.index_cast %get3A_774 : i32 to index
      %get3A_776 = arith.constant 16 : index
      %get3A_777 = tpu.vector_load %arg6[%get3A_775, %get3A_776] {strides = array<i32>} : memref<100x64xf32, #tpu.memory_space<vmem>>, vector<1x16xf32>,
      %get3A_778 = vector.shape_cast %get3A_777 : vector<1x16xf32> to vector<16xf32>
      %add3A_779 = arith.addf %add3A_755, %get3A_778 : vector<16xf32>
      %get3A_780 = arith.constant 31 : i32
      %get3A_781 = arith.index_cast %get3A_780 : i32 to index
      %get3A_782 = arith.constant 32 : index
      %get3A_783 = tpu.vector_load %arg6[%get3A_781, %get3A_782] {strides = array<i32>} : memref<100x64xf32, #tpu.memory_space<vmem>>, vector<1x16xf32>,
      %get3A_784 = vector.shape_cast %get3A_783 : vector<1x16xf32> to vector<16xf32>
      %add3A_785 = arith.addf %add3A_761, %get3A_784 : vector<16xf32>
      %get3A_786 = arith.constant 31 : i32
      %get3A_787 = arith.index_cast %get3A_786 : i32 to index
      %get3A_788 = arith.constant 48 : index
      %get3A_789 = tpu.vector_load %arg6[%get3A_787, %get3A_788] {strides = array<i32>} : memref<100x64xf32, #tpu.memory_space<vmem>>, vector<1x16xf32>,
      %get3A_790 = vector.shape_cast %get3A_789 : vector<1x16xf32> to vector<16xf32>
      %add3A_791 = arith.addf %add3A_767, %get3A_790 : vector<16xf32>
      %get3A_792 = arith.constant 32 : i32
      %get3A_793 = arith.index_cast %get3A_792 : i32 to index
      %get3A_794 = arith.constant 0 : index
      %get3A_795 = tpu.vector_load %arg6[%get3A_793, %get3A_794] {strides = array<i32>} : memref<100x64xf32, #tpu.memory_space<vmem>>, vector<1x16xf32>,
      %get3A_796 = vector.shape_cast %get3A_795 : vector<1x16xf32> to vector<16xf32>
      %add3A_797 = arith.addf %add3A_773, %get3A_796 : vector<16xf32>
      %get3A_798 = arith.constant 32 : i32
      %get3A_799 = arith.index_cast %get3A_798 : i32 to index
      %get3A_800 = arith.constant 16 : index
      %get3A_801 = tpu.vector_load %arg6[%get3A_799, %get3A_800] {strides = array<i32>} : memref<100x64xf32, #tpu.memory_space<vmem>>, vector<1x16xf32>,
      %get3A_802 = vector.shape_cast %get3A_801 : vector<1x16xf32> to vector<16xf32>
      %add3A_803 = arith.addf %add3A_779, %get3A_802 : vector<16xf32>
      %get3A_804 = arith.constant 32 : i32
      %get3A_805 = arith.index_cast %get3A_804 : i32 to index
      %get3A_806 = arith.constant 32 : index
      %get3A_807 = tpu.vector_load %arg6[%get3A_805, %get3A_806] {strides = array<i32>} : memref<100x64xf32, #tpu.memory_space<vmem>>, vector<1x16xf32>,
      %get3A_808 = vector.shape_cast %get3A_807 : vector<1x16xf32> to vector<16xf32>
      %add3A_809 = arith.addf %add3A_785, %get3A_808 : vector<16xf32>
      %get3A_810 = arith.constant 32 : i32
      %get3A_811 = arith.index_cast %get3A_810 : i32 to index
      %get3A_812 = arith.constant 48 : index
      %get3A_813 = tpu.vector_load %arg6[%get3A_811, %get3A_812] {strides = array<i32>} : memref<100x64xf32, #tpu.memory_space<vmem>>, vector<1x16xf32>,
      %get3A_814 = vector.shape_cast %get3A_813 : vector<1x16xf32> to vector<16xf32>
      %add3A_815 = arith.addf %add3A_791, %get3A_814 : vector<16xf32>
      %get3A_816 = arith.constant 33 : i32
      %get3A_817 = arith.index_cast %get3A_816 : i32 to index
      %get3A_818 = arith.constant 0 : index
      %get3A_819 = tpu.vector_load %arg6[%get3A_817, %get3A_818] {strides = array<i32>} : memref<100x64xf32, #tpu.memory_space<vmem>>, vector<1x16xf32>,
      %get3A_820 = vector.shape_cast %get3A_819 : vector<1x16xf32> to vector<16xf32>
      %add3A_821 = arith.addf %add3A_797, %get3A_820 : vector<16xf32>
      %get3A_822 = arith.constant 33 : i32
      %get3A_823 = arith.index_cast %get3A_822 : i32 to index
      %get3A_824 = arith.constant 16 : index
      %get3A_825 = tpu.vector_load %arg6[%get3A_823, %get3A_824] {strides = array<i32>} : memref<100x64xf32, #tpu.memory_space<vmem>>, vector<1x16xf32>,
      %get3A_826 = vector.shape_cast %get3A_825 : vector<1x16xf32> to vector<16xf32>
      %add3A_827 = arith.addf %add3A_803, %get3A_826 : vector<16xf32>
      %get3A_828 = arith.constant 33 : i32
      %get3A_829 = arith.index_cast %get3A_828 : i32 to index
      %get3A_830 = arith.constant 32 : index
      %get3A_831 = tpu.vector_load %arg6[%get3A_829, %get3A_830] {strides = array<i32>} : memref<100x64xf32, #tpu.memory_space<vmem>>, vector<1x16xf32>,
      %get3A_832 = vector.shape_cast %get3A_831 : vector<1x16xf32> to vector<16xf32>
      %add3A_833 = arith.addf %add3A_809, %get3A_832 : vector<16xf32>
      %get3A_834 = arith.constant 33 : i32
      %get3A_835 = arith.index_cast %get3A_834 : i32 to index
      %get3A_836 = arith.constant 48 : index
      %get3A_837 = tpu.vector_load %arg6[%get3A_835, %get3A_836] {strides = array<i32>} : memref<100x64xf32, #tpu.memory_space<vmem>>, vector<1x16xf32>,
      %get3A_838 = vector.shape_cast %get3A_837 : vector<1x16xf32> to vector<16xf32>
      %add3A_839 = arith.addf %add3A_815, %get3A_838 : vector<16xf32>
      %get3A_840 = arith.constant 34 : i32
      %get3A_841 = arith.index_cast %get3A_840 : i32 to index
      %get3A_842 = arith.constant 0 : index
      %get3A_843 = tpu.vector_load %arg6[%get3A_841, %get3A_842] {strides = array<i32>} : memref<100x64xf32, #tpu.memory_space<vmem>>, vector<1x16xf32>,
      %get3A_844 = vector.shape_cast %get3A_843 : vector<1x16xf32> to vector<16xf32>
      %add3A_845 = arith.addf %add3A_821, %get3A_844 : vector<16xf32>
      %get3A_846 = arith.constant 34 : i32
      %get3A_847 = arith.index_cast %get3A_846 : i32 to index
      %get3A_848 = arith.constant 16 : index
      %get3A_849 = tpu.vector_load %arg6[%get3A_847, %get3A_848] {strides = array<i32>} : memref<100x64xf32, #tpu.memory_space<vmem>>, vector<1x16xf32>,
      %get3A_850 = vector.shape_cast %get3A_849 : vector<1x16xf32> to vector<16xf32>
      %add3A_851 = arith.addf %add3A_827, %get3A_850 : vector<16xf32>
      %get3A_852 = arith.constant 34 : i32
      %get3A_853 = arith.index_cast %get3A_852 : i32 to index
      %get3A_854 = arith.constant 32 : index
      %get3A_855 = tpu.vector_load %arg6[%get3A_853, %get3A_854] {strides = array<i32>} : memref<100x64xf32, #tpu.memory_space<vmem>>, vector<1x16xf32>,
      %get3A_856 = vector.shape_cast %get3A_855 : vector<1x16xf32> to vector<16xf32>
      %add3A_857 = arith.addf %add3A_833, %get3A_856 : vector<16xf32>
      %get3A_858 = arith.constant 34 : i32
      %get3A_859 = arith.index_cast %get3A_858 : i32 to index
      %get3A_860 = arith.constant 48 : index
      %get3A_861 = tpu.vector_load %arg6[%get3A_859, %get3A_860] {strides = array<i32>} : memref<100x64xf32, #tpu.memory_space<vmem>>, vector<1x16xf32>,
      %get3A_862 = vector.shape_cast %get3A_861 : vector<1x16xf32> to vector<16xf32>
      %add3A_863 = arith.addf %add3A_839, %get3A_862 : vector<16xf32>
      %get3A_864 = arith.constant 35 : i32
      %get3A_865 = arith.index_cast %get3A_864 : i32 to index
      %get3A_866 = arith.constant 0 : index
      %get3A_867 = tpu.vector_load %arg6[%get3A_865, %get3A_866] {strides = array<i32>} : memref<100x64xf32, #tpu.memory_space<vmem>>, vector<1x16xf32>,
      %get3A_868 = vector.shape_cast %get3A_867 : vector<1x16xf32> to vector<16xf32>
      %add3A_869 = arith.addf %add3A_845, %get3A_868 : vector<16xf32>
      %get3A_870 = arith.constant 35 : i32
      %get3A_871 = arith.index_cast %get3A_870 : i32 to index
      %get3A_872 = arith.constant 16 : index
      %get3A_873 = tpu.vector_load %arg6[%get3A_871, %get3A_872] {strides = array<i32>} : memref<100x64xf32, #tpu.memory_space<vmem>>, vector<1x16xf32>,
      %get3A_874 = vector.shape_cast %get3A_873 : vector<1x16xf32> to vector<16xf32>
      %add3A_875 = arith.addf %add3A_851, %get3A_874 : vector<16xf32>
      %get3A_876 = arith.constant 35 : i32
      %get3A_877 = arith.index_cast %get3A_876 : i32 to index
      %get3A_878 = arith.constant 32 : index
      %get3A_879 = tpu.vector_load %arg6[%get3A_877, %get3A_878] {strides = array<i32>} : memref<100x64xf32, #tpu.memory_space<vmem>>, vector<1x16xf32>,
      %get3A_880 = vector.shape_cast %get3A_879 : vector<1x16xf32> to vector<16xf32>
      %add3A_881 = arith.addf %add3A_857, %get3A_880 : vector<16xf32>
      %get3A_882 = arith.constant 35 : i32
      %get3A_883 = arith.index_cast %get3A_882 : i32 to index
      %get3A_884 = arith.constant 48 : index
      %get3A_885 = tpu.vector_load %arg6[%get3A_883, %get3A_884] {strides = array<i32>} : memref<100x64xf32, #tpu.memory_space<vmem>>, vector<1x16xf32>,
      %get3A_886 = vector.shape_cast %get3A_885 : vector<1x16xf32> to vector<16xf32>
      %add3A_887 = arith.addf %add3A_863, %get3A_886 : vector<16xf32>
      %get3A_888 = arith.constant 36 : i32
      %get3A_889 = arith.index_cast %get3A_888 : i32 to index
      %get3A_890 = arith.constant 0 : index
      %get3A_891 = tpu.vector_load %arg6[%get3A_889, %get3A_890] {strides = array<i32>} : memref<100x64xf32, #tpu.memory_space<vmem>>, vector<1x16xf32>,
      %get3A_892 = vector.shape_cast %get3A_891 : vector<1x16xf32> to vector<16xf32>
      %add3A_893 = arith.addf %add3A_869, %get3A_892 : vector<16xf32>
      %get3A_894 = arith.constant 36 : i32
      %get3A_895 = arith.index_cast %get3A_894 : i32 to index
      %get3A_896 = arith.constant 16 : index
      %get3A_897 = tpu.vector_load %arg6[%get3A_895, %get3A_896] {strides = array<i32>} : memref<100x64xf32, #tpu.memory_space<vmem>>, vector<1x16xf32>,
      %get3A_898 = vector.shape_cast %get3A_897 : vector<1x16xf32> to vector<16xf32>
      %add3A_899 = arith.addf %add3A_875, %get3A_898 : vector<16xf32>
      %get3A_900 = arith.constant 36 : i32
      %get3A_901 = arith.index_cast %get3A_900 : i32 to index
      %get3A_902 = arith.constant 32 : index
      %get3A_903 = tpu.vector_load %arg6[%get3A_901, %get3A_902] {strides = array<i32>} : memref<100x64xf32, #tpu.memory_space<vmem>>, vector<1x16xf32>,
      %get3A_904 = vector.shape_cast %get3A_903 : vector<1x16xf32> to vector<16xf32>
      %add3A_905 = arith.addf %add3A_881, %get3A_904 : vector<16xf32>
      %get3A_906 = arith.constant 36 : i32
      %get3A_907 = arith.index_cast %get3A_906 : i32 to index
      %get3A_908 = arith.constant 48 : index
      %get3A_909 = tpu.vector_load %arg6[%get3A_907, %get3A_908] {strides = array<i32>} : memref<100x64xf32, #tpu.memory_space<vmem>>, vector<1x16xf32>,
      %get3A_910 = vector.shape_cast %get3A_909 : vector<1x16xf32> to vector<16xf32>
      %add3A_911 = arith.addf %add3A_887, %get3A_910 : vector<16xf32>
      %get3A_912 = arith.constant 37 : i32
      %get3A_913 = arith.index_cast %get3A_912 : i32 to index
      %get3A_914 = arith.constant 0 : index
      %get3A_915 = tpu.vector_load %arg6[%get3A_913, %get3A_914] {strides = array<i32>} : memref<100x64xf32, #tpu.memory_space<vmem>>, vector<1x16xf32>,
      %get3A_916 = vector.shape_cast %get3A_915 : vector<1x16xf32> to vector<16xf32>
      %add3A_917 = arith.addf %add3A_893, %get3A_916 : vector<16xf32>
      %get3A_918 = arith.constant 37 : i32
      %get3A_919 = arith.index_cast %get3A_918 : i32 to index
      %get3A_920 = arith.constant 16 : index
      %get3A_921 = tpu.vector_load %arg6[%get3A_919, %get3A_920] {strides = array<i32>} : memref<100x64xf32, #tpu.memory_space<vmem>>, vector<1x16xf32>,
      %get3A_922 = vector.shape_cast %get3A_921 : vector<1x16xf32> to vector<16xf32>
      %add3A_923 = arith.addf %add3A_899, %get3A_922 : vector<16xf32>
      %get3A_924 = arith.constant 37 : i32
      %get3A_925 = arith.index_cast %get3A_924 : i32 to index
      %get3A_926 = arith.constant 32 : index
      %get3A_927 = tpu.vector_load %arg6[%get3A_925, %get3A_926] {strides = array<i32>} : memref<100x64xf32, #tpu.memory_space<vmem>>, vector<1x16xf32>,
      %get3A_928 = vector.shape_cast %get3A_927 : vector<1x16xf32> to vector<16xf32>
      %add3A_929 = arith.addf %add3A_905, %get3A_928 : vector<16xf32>
      %get3A_930 = arith.constant 37 : i32
      %get3A_931 = arith.index_cast %get3A_930 : i32 to index
      %get3A_932 = arith.constant 48 : index
      %get3A_933 = tpu.vector_load %arg6[%get3A_931, %get3A_932] {strides = array<i32>} : memref<100x64xf32, #tpu.memory_space<vmem>>, vector<1x16xf32>,
      %get3A_934 = vector.shape_cast %get3A_933 : vector<1x16xf32> to vector<16xf32>
      %add3A_935 = arith.addf %add3A_911, %get3A_934 : vector<16xf32>
      %get3A_936 = arith.constant 38 : i32
      %get3A_937 = arith.index_cast %get3A_936 : i32 to index
      %get3A_938 = arith.constant 0 : index
      %get3A_939 = tpu.vector_load %arg6[%get3A_937, %get3A_938] {strides = array<i32>} : memref<100x64xf32, #tpu.memory_space<vmem>>, vector<1x16xf32>,
      %get3A_940 = vector.shape_cast %get3A_939 : vector<1x16xf32> to vector<16xf32>
      %add3A_941 = arith.addf %add3A_917, %get3A_940 : vector<16xf32>
      %get3A_942 = arith.constant 38 : i32
      %get3A_943 = arith.index_cast %get3A_942 : i32 to index
      %get3A_944 = arith.constant 16 : index
      %get3A_945 = tpu.vector_load %arg6[%get3A_943, %get3A_944] {strides = array<i32>} : memref<100x64xf32, #tpu.memory_space<vmem>>, vector<1x16xf32>,
      %get3A_946 = vector.shape_cast %get3A_945 : vector<1x16xf32> to vector<16xf32>
      %add3A_947 = arith.addf %add3A_923, %get3A_946 : vector<16xf32>
      %get3A_948 = arith.constant 38 : i32
      %get3A_949 = arith.index_cast %get3A_948 : i32 to index
      %get3A_950 = arith.constant 32 : index
      %get3A_951 = tpu.vector_load %arg6[%get3A_949, %get3A_950] {strides = array<i32>} : memref<100x64xf32, #tpu.memory_space<vmem>>, vector<1x16xf32>,
      %get3A_952 = vector.shape_cast %get3A_951 : vector<1x16xf32> to vector<16xf32>
      %add3A_953 = arith.addf %add3A_929, %get3A_952 : vector<16xf32>
      %get3A_954 = arith.constant 38 : i32
      %get3A_955 = arith.index_cast %get3A_954 : i32 to index
      %get3A_956 = arith.constant 48 : index
      %get3A_957 = tpu.vector_load %arg6[%get3A_955, %get3A_956] {strides = array<i32>} : memref<100x64xf32, #tpu.memory_space<vmem>>, vector<1x16xf32>,
      %get3A_958 = vector.shape_cast %get3A_957 : vector<1x16xf32> to vector<16xf32>
      %add3A_959 = arith.addf %add3A_935, %get3A_958 : vector<16xf32>
      %get3A_960 = arith.constant 39 : i32
      %get3A_961 = arith.index_cast %get3A_960 : i32 to index
      %get3A_962 = arith.constant 0 : index
      %get3A_963 = tpu.vector_load %arg6[%get3A_961, %get3A_962] {strides = array<i32>} : memref<100x64xf32, #tpu.memory_space<vmem>>, vector<1x16xf32>,
      %get3A_964 = vector.shape_cast %get3A_963 : vector<1x16xf32> to vector<16xf32>
      %add3A_965 = arith.addf %add3A_941, %get3A_964 : vector<16xf32>
      %get3A_966 = arith.constant 39 : i32
      %get3A_967 = arith.index_cast %get3A_966 : i32 to index
      %get3A_968 = arith.constant 16 : index
      %get3A_969 = tpu.vector_load %arg6[%get3A_967, %get3A_968] {strides = array<i32>} : memref<100x64xf32, #tpu.memory_space<vmem>>, vector<1x16xf32>,
      %get3A_970 = vector.shape_cast %get3A_969 : vector<1x16xf32> to vector<16xf32>
      %add3A_971 = arith.addf %add3A_947, %get3A_970 : vector<16xf32>
      %get3A_972 = arith.constant 39 : i32
      %get3A_973 = arith.index_cast %get3A_972 : i32 to index
      %get3A_974 = arith.constant 32 : index
      %get3A_975 = tpu.vector_load %arg6[%get3A_973, %get3A_974] {strides = array<i32>} : memref<100x64xf32, #tpu.memory_space<vmem>>, vector<1x16xf32>,
      %get3A_976 = vector.shape_cast %get3A_975 : vector<1x16xf32> to vector<16xf32>
      %add3A_977 = arith.addf %add3A_953, %get3A_976 : vector<16xf32>
      %get3A_978 = arith.constant 39 : i32
      %get3A_979 = arith.index_cast %get3A_978 : i32 to index
      %get3A_980 = arith.constant 48 : index
      %get3A_981 = tpu.vector_load %arg6[%get3A_979, %get3A_980] {strides = array<i32>} : memref<100x64xf32, #tpu.memory_space<vmem>>, vector<1x16xf32>,
      %get3A_982 = vector.shape_cast %get3A_981 : vector<1x16xf32> to vector<16xf32>
      %add3A_983 = arith.addf %add3A_959, %get3A_982 : vector<16xf32>
      %get3A_984 = arith.constant 40 : i32
      %get3A_985 = arith.index_cast %get3A_984 : i32 to index
      %get3A_986 = arith.constant 0 : index
      %get3A_987 = tpu.vector_load %arg6[%get3A_985, %get3A_986] {strides = array<i32>} : memref<100x64xf32, #tpu.memory_space<vmem>>, vector<1x16xf32>,
      %get3A_988 = vector.shape_cast %get3A_987 : vector<1x16xf32> to vector<16xf32>
      %add3A_989 = arith.addf %add3A_965, %get3A_988 : vector<16xf32>
      %get3A_990 = arith.constant 40 : i32
      %get3A_991 = arith.index_cast %get3A_990 : i32 to index
      %get3A_992 = arith.constant 16 : index
      %get3A_993 = tpu.vector_load %arg6[%get3A_991, %get3A_992] {strides = array<i32>} : memref<100x64xf32, #tpu.memory_space<vmem>>, vector<1x16xf32>,
      %get3A_994 = vector.shape_cast %get3A_993 : vector<1x16xf32> to vector<16xf32>
      %add3A_995 = arith.addf %add3A_971, %get3A_994 : vector<16xf32>
      %get3A_996 = arith.constant 40 : i32
      %get3A_997 = arith.index_cast %get3A_996 : i32 to index
      %get3A_998 = arith.constant 32 : index
      %get3A_999 = tpu.vector_load %arg6[%get3A_997, %get3A_998] {strides = array<i32>} : memref<100x64xf32, #tpu.memory_space<vmem>>, vector<1x16xf32>,
      %get3A_1000 = vector.shape_cast %get3A_999 : vector<1x16xf32> to vector<16xf32>
      %add3A_1001 = arith.addf %add3A_977, %get3A_1000 : vector<16xf32>
      %get3A_1002 = arith.constant 40 : i32
      %get3A_1003 = arith.index_cast %get3A_1002 : i32 to index
      %get3A_1004 = arith.constant 48 : index
      %get3A_1005 = tpu.vector_load %arg6[%get3A_1003, %get3A_1004] {strides = array<i32>} : memref<100x64xf32, #tpu.memory_space<vmem>>, vector<1x16xf32>,
      %get3A_1006 = vector.shape_cast %get3A_1005 : vector<1x16xf32> to vector<16xf32>
      %add3A_1007 = arith.addf %add3A_983, %get3A_1006 : vector<16xf32>
      %get3A_1008 = arith.constant 41 : i32
      %get3A_1009 = arith.index_cast %get3A_1008 : i32 to index
      %get3A_1010 = arith.constant 0 : index
      %get3A_1011 = tpu.vector_load %arg6[%get3A_1009, %get3A_1010] {strides = array<i32>} : memref<100x64xf32, #tpu.memory_space<vmem>>, vector<1x16xf32>,
      %get3A_1012 = vector.shape_cast %get3A_1011 : vector<1x16xf32> to vector<16xf32>
      %add3A_1013 = arith.addf %add3A_989, %get3A_1012 : vector<16xf32>
      %get3A_1014 = arith.constant 41 : i32
      %get3A_1015 = arith.index_cast %get3A_1014 : i32 to index
      %get3A_1016 = arith.constant 16 : index
      %get3A_1017 = tpu.vector_load %arg6[%get3A_1015, %get3A_1016] {strides = array<i32>} : memref<100x64xf32, #tpu.memory_space<vmem>>, vector<1x16xf32>,
      %get3A_1018 = vector.shape_cast %get3A_1017 : vector<1x16xf32> to vector<16xf32>
      %add3A_1019 = arith.addf %add3A_995, %get3A_1018 : vector<16xf32>
      %get3A_1020 = arith.constant 41 : i32
      %get3A_1021 = arith.index_cast %get3A_1020 : i32 to index
      %get3A_1022 = arith.constant 32 : index
      %get3A_1023 = tpu.vector_load %arg6[%get3A_1021, %get3A_1022] {strides = array<i32>} : memref<100x64xf32, #tpu.memory_space<vmem>>, vector<1x16xf32>,
      %get3A_1024 = vector.shape_cast %get3A_1023 : vector<1x16xf32> to vector<16xf32>
      %add3A_1025 = arith.addf %add3A_1001, %get3A_1024 : vector<16xf32>
      %get3A_1026 = arith.constant 41 : i32
      %get3A_1027 = arith.index_cast %get3A_1026 : i32 to index
      %get3A_1028 = arith.constant 48 : index
      %get3A_1029 = tpu.vector_load %arg6[%get3A_1027, %get3A_1028] {strides = array<i32>} : memref<100x64xf32, #tpu.memory_space<vmem>>, vector<1x16xf32>,
      %get3A_1030 = vector.shape_cast %get3A_1029 : vector<1x16xf32> to vector<16xf32>
      %add3A_1031 = arith.addf %add3A_1007, %get3A_1030 : vector<16xf32>
      %get3A_1032 = arith.constant 42 : i32
      %get3A_1033 = arith.index_cast %get3A_1032 : i32 to index
      %get3A_1034 = arith.constant 0 : index
      %get3A_1035 = tpu.vector_load %arg6[%get3A_1033, %get3A_1034] {strides = array<i32>} : memref<100x64xf32, #tpu.memory_space<vmem>>, vector<1x16xf32>,
      %get3A_1036 = vector.shape_cast %get3A_1035 : vector<1x16xf32> to vector<16xf32>
      %add3A_1037 = arith.addf %add3A_1013, %get3A_1036 : vector<16xf32>
      %get3A_1038 = arith.constant 42 : i32
      %get3A_1039 = arith.index_cast %get3A_1038 : i32 to index
      %get3A_1040 = arith.constant 16 : index
      %get3A_1041 = tpu.vector_load %arg6[%get3A_1039, %get3A_1040] {strides = array<i32>} : memref<100x64xf32, #tpu.memory_space<vmem>>, vector<1x16xf32>,
      %get3A_1042 = vector.shape_cast %get3A_1041 : vector<1x16xf32> to vector<16xf32>
      %add3A_1043 = arith.addf %add3A_1019, %get3A_1042 : vector<16xf32>
      %get3A_1044 = arith.constant 42 : i32
      %get3A_1045 = arith.index_cast %get3A_1044 : i32 to index
      %get3A_1046 = arith.constant 32 : index
      %get3A_1047 = tpu.vector_load %arg6[%get3A_1045, %get3A_1046] {strides = array<i32>} : memref<100x64xf32, #tpu.memory_space<vmem>>, vector<1x16xf32>,
      %get3A_1048 = vector.shape_cast %get3A_1047 : vector<1x16xf32> to vector<16xf32>
      %add3A_1049 = arith.addf %add3A_1025, %get3A_1048 : vector<16xf32>
      %get3A_1050 = arith.constant 42 : i32
      %get3A_1051 = arith.index_cast %get3A_1050 : i32 to index
      %get3A_1052 = arith.constant 48 : index
      %get3A_1053 = tpu.vector_load %arg6[%get3A_1051, %get3A_1052] {strides = array<i32>} : memref<100x64xf32, #tpu.memory_space<vmem>>, vector<1x16xf32>,
      %get3A_1054 = vector.shape_cast %get3A_1053 : vector<1x16xf32> to vector<16xf32>
      %add3A_1055 = arith.addf %add3A_1031, %get3A_1054 : vector<16xf32>
      %get3A_1056 = arith.constant 43 : i32
      %get3A_1057 = arith.index_cast %get3A_1056 : i32 to index
      %get3A_1058 = arith.constant 0 : index
      %get3A_1059 = tpu.vector_load %arg6[%get3A_1057, %get3A_1058] {strides = array<i32>} : memref<100x64xf32, #tpu.memory_space<vmem>>, vector<1x16xf32>,
      %get3A_1060 = vector.shape_cast %get3A_1059 : vector<1x16xf32> to vector<16xf32>
      %add3A_1061 = arith.addf %add3A_1037, %get3A_1060 : vector<16xf32>
      %get3A_1062 = arith.constant 43 : i32
      %get3A_1063 = arith.index_cast %get3A_1062 : i32 to index
      %get3A_1064 = arith.constant 16 : index
      %get3A_1065 = tpu.vector_load %arg6[%get3A_1063, %get3A_1064] {strides = array<i32>} : memref<100x64xf32, #tpu.memory_space<vmem>>, vector<1x16xf32>,
      %get3A_1066 = vector.shape_cast %get3A_1065 : vector<1x16xf32> to vector<16xf32>
      %add3A_1067 = arith.addf %add3A_1043, %get3A_1066 : vector<16xf32>
      %get3A_1068 = arith.constant 43 : i32
      %get3A_1069 = arith.index_cast %get3A_1068 : i32 to index
      %get3A_1070 = arith.constant 32 : index
      %get3A_1071 = tpu.vector_load %arg6[%get3A_1069, %get3A_1070] {strides = array<i32>} : memref<100x64xf32, #tpu.memory_space<vmem>>, vector<1x16xf32>,
      %get3A_1072 = vector.shape_cast %get3A_1071 : vector<1x16xf32> to vector<16xf32>
      %add3A_1073 = arith.addf %add3A_1049, %get3A_1072 : vector<16xf32>
      %get3A_1074 = arith.constant 43 : i32
      %get3A_1075 = arith.index_cast %get3A_1074 : i32 to index
      %get3A_1076 = arith.constant 48 : index
      %get3A_1077 = tpu.vector_load %arg6[%get3A_1075, %get3A_1076] {strides = array<i32>} : memref<100x64xf32, #tpu.memory_space<vmem>>, vector<1x16xf32>,
      %get3A_1078 = vector.shape_cast %get3A_1077 : vector<1x16xf32> to vector<16xf32>
      %add3A_1079 = arith.addf %add3A_1055, %get3A_1078 : vector<16xf32>
      %get3A_1080 = arith.constant 44 : i32
      %get3A_1081 = arith.index_cast %get3A_1080 : i32 to index
      %get3A_1082 = arith.constant 0 : index
      %get3A_1083 = tpu.vector_load %arg6[%get3A_1081, %get3A_1082] {strides = array<i32>} : memref<100x64xf32, #tpu.memory_space<vmem>>, vector<1x16xf32>,
      %get3A_1084 = vector.shape_cast %get3A_1083 : vector<1x16xf32> to vector<16xf32>
      %add3A_1085 = arith.addf %add3A_1061, %get3A_1084 : vector<16xf32>
      %get3A_1086 = arith.constant 44 : i32
      %get3A_1087 = arith.index_cast %get3A_1086 : i32 to index
      %get3A_1088 = arith.constant 16 : index
      %get3A_1089 = tpu.vector_load %arg6[%get3A_1087, %get3A_1088] {strides = array<i32>} : memref<100x64xf32, #tpu.memory_space<vmem>>, vector<1x16xf32>,
      %get3A_1090 = vector.shape_cast %get3A_1089 : vector<1x16xf32> to vector<16xf32>
      %add3A_1091 = arith.addf %add3A_1067, %get3A_1090 : vector<16xf32>
      %get3A_1092 = arith.constant 44 : i32
      %get3A_1093 = arith.index_cast %get3A_1092 : i32 to index
      %get3A_1094 = arith.constant 32 : index
      %get3A_1095 = tpu.vector_load %arg6[%get3A_1093, %get3A_1094] {strides = array<i32>} : memref<100x64xf32, #tpu.memory_space<vmem>>, vector<1x16xf32>,
      %get3A_1096 = vector.shape_cast %get3A_1095 : vector<1x16xf32> to vector<16xf32>
      %add3A_1097 = arith.addf %add3A_1073, %get3A_1096 : vector<16xf32>
      %get3A_1098 = arith.constant 44 : i32
      %get3A_1099 = arith.index_cast %get3A_1098 : i32 to index
      %get3A_1100 = arith.constant 48 : index
      %get3A_1101 = tpu.vector_load %arg6[%get3A_1099, %get3A_1100] {strides = array<i32>} : memref<100x64xf32, #tpu.memory_space<vmem>>, vector<1x16xf32>,
      %get3A_1102 = vector.shape_cast %get3A_1101 : vector<1x16xf32> to vector<16xf32>
      %add3A_1103 = arith.addf %add3A_1079, %get3A_1102 : vector<16xf32>
      %get3A_1104 = arith.constant 45 : i32
      %get3A_1105 = arith.index_cast %get3A_1104 : i32 to index
      %get3A_1106 = arith.constant 0 : index
      %get3A_1107 = tpu.vector_load %arg6[%get3A_1105, %get3A_1106] {strides = array<i32>} : memref<100x64xf32, #tpu.memory_space<vmem>>, vector<1x16xf32>,
      %get3A_1108 = vector.shape_cast %get3A_1107 : vector<1x16xf32> to vector<16xf32>
      %add3A_1109 = arith.addf %add3A_1085, %get3A_1108 : vector<16xf32>
      %get3A_1110 = arith.constant 45 : i32
      %get3A_1111 = arith.index_cast %get3A_1110 : i32 to index
      %get3A_1112 = arith.constant 16 : index
      %get3A_1113 = tpu.vector_load %arg6[%get3A_1111, %get3A_1112] {strides = array<i32>} : memref<100x64xf32, #tpu.memory_space<vmem>>, vector<1x16xf32>,
      %get3A_1114 = vector.shape_cast %get3A_1113 : vector<1x16xf32> to vector<16xf32>
      %add3A_1115 = arith.addf %add3A_1091, %get3A_1114 : vector<16xf32>
      %get3A_1116 = arith.constant 45 : i32
      %get3A_1117 = arith.index_cast %get3A_1116 : i32 to index
      %get3A_1118 = arith.constant 32 : index
      %get3A_1119 = tpu.vector_load %arg6[%get3A_1117, %get3A_1118] {strides = array<i32>} : memref<100x64xf32, #tpu.memory_space<vmem>>, vector<1x16xf32>,
      %get3A_1120 = vector.shape_cast %get3A_1119 : vector<1x16xf32> to vector<16xf32>
      %add3A_1121 = arith.addf %add3A_1097, %get3A_1120 : vector<16xf32>
      %get3A_1122 = arith.constant 45 : i32
      %get3A_1123 = arith.index_cast %get3A_1122 : i32 to index
      %get3A_1124 = arith.constant 48 : index
      %get3A_1125 = tpu.vector_load %arg6[%get3A_1123, %get3A_1124] {strides = array<i32>} : memref<100x64xf32, #tpu.memory_space<vmem>>, vector<1x16xf32>,
      %get3A_1126 = vector.shape_cast %get3A_1125 : vector<1x16xf32> to vector<16xf32>
      %add3A_1127 = arith.addf %add3A_1103, %get3A_1126 : vector<16xf32>
      %get3A_1128 = arith.constant 46 : i32
      %get3A_1129 = arith.index_cast %get3A_1128 : i32 to index
      %get3A_1130 = arith.constant 0 : index
      %get3A_1131 = tpu.vector_load %arg6[%get3A_1129, %get3A_1130] {strides = array<i32>} : memref<100x64xf32, #tpu.memory_space<vmem>>, vector<1x16xf32>,
      %get3A_1132 = vector.shape_cast %get3A_1131 : vector<1x16xf32> to vector<16xf32>
      %add3A_1133 = arith.addf %add3A_1109, %get3A_1132 : vector<16xf32>
      %get3A_1134 = arith.constant 46 : i32
      %get3A_1135 = arith.index_cast %get3A_1134 : i32 to index
      %get3A_1136 = arith.constant 16 : index
      %get3A_1137 = tpu.vector_load %arg6[%get3A_1135, %get3A_1136] {strides = array<i32>} : memref<100x64xf32, #tpu.memory_space<vmem>>, vector<1x16xf32>,
      %get3A_1138 = vector.shape_cast %get3A_1137 : vector<1x16xf32> to vector<16xf32>
      %add3A_1139 = arith.addf %add3A_1115, %get3A_1138 : vector<16xf32>
      %get3A_1140 = arith.constant 46 : i32
      %get3A_1141 = arith.index_cast %get3A_1140 : i32 to index
      %get3A_1142 = arith.constant 32 : index
      %get3A_1143 = tpu.vector_load %arg6[%get3A_1141, %get3A_1142] {strides = array<i32>} : memref<100x64xf32, #tpu.memory_space<vmem>>, vector<1x16xf32>,
      %get3A_1144 = vector.shape_cast %get3A_1143 : vector<1x16xf32> to vector<16xf32>
      %add3A_1145 = arith.addf %add3A_1121, %get3A_1144 : vector<16xf32>
      %get3A_1146 = arith.constant 46 : i32
      %get3A_1147 = arith.index_cast %get3A_1146 : i32 to index
      %get3A_1148 = arith.constant 48 : index
      %get3A_1149 = tpu.vector_load %arg6[%get3A_1147, %get3A_1148] {strides = array<i32>} : memref<100x64xf32, #tpu.memory_space<vmem>>, vector<1x16xf32>,
      %get3A_1150 = vector.shape_cast %get3A_1149 : vector<1x16xf32> to vector<16xf32>
      %add3A_1151 = arith.addf %add3A_1127, %get3A_1150 : vector<16xf32>
      %get3A_1152 = arith.constant 47 : i32
      %get3A_1153 = arith.index_cast %get3A_1152 : i32 to index
      %get3A_1154 = arith.constant 0 : index
      %get3A_1155 = tpu.vector_load %arg6[%get3A_1153, %get3A_1154] {strides = array<i32>} : memref<100x64xf32, #tpu.memory_space<vmem>>, vector<1x16xf32>,
      %get3A_1156 = vector.shape_cast %get3A_1155 : vector<1x16xf32> to vector<16xf32>
      %add3A_1157 = arith.addf %add3A_1133, %get3A_1156 : vector<16xf32>
      %get3A_1158 = arith.constant 47 : i32
      %get3A_1159 = arith.index_cast %get3A_1158 : i32 to index
      %get3A_1160 = arith.constant 16 : index
      %get3A_1161 = tpu.vector_load %arg6[%get3A_1159, %get3A_1160] {strides = array<i32>} : memref<100x64xf32, #tpu.memory_space<vmem>>, vector<1x16xf32>,
      %get3A_1162 = vector.shape_cast %get3A_1161 : vector<1x16xf32> to vector<16xf32>
      %add3A_1163 = arith.addf %add3A_1139, %get3A_1162 : vector<16xf32>
      %get3A_1164 = arith.constant 47 : i32
      %get3A_1165 = arith.index_cast %get3A_1164 : i32 to index
      %get3A_1166 = arith.constant 32 : index
      %get3A_1167 = tpu.vector_load %arg6[%get3A_1165, %get3A_1166] {strides = array<i32>} : memref<100x64xf32, #tpu.memory_space<vmem>>, vector<1x16xf32>,
      %get3A_1168 = vector.shape_cast %get3A_1167 : vector<1x16xf32> to vector<16xf32>
      %add3A_1169 = arith.addf %add3A_1145, %get3A_1168 : vector<16xf32>
      %get3A_1170 = arith.constant 47 : i32
      %get3A_1171 = arith.index_cast %get3A_1170 : i32 to index
      %get3A_1172 = arith.constant 48 : index
      %get3A_1173 = tpu.vector_load %arg6[%get3A_1171, %get3A_1172] {strides = array<i32>} : memref<100x64xf32, #tpu.memory_space<vmem>>, vector<1x16xf32>,
      %get3A_1174 = vector.shape_cast %get3A_1173 : vector<1x16xf32> to vector<16xf32>
      %add3A_1175 = arith.addf %add3A_1151, %get3A_1174 : vector<16xf32>
      %get3A_1176 = arith.constant 48 : i32
      %get3A_1177 = arith.index_cast %get3A_1176 : i32 to index
      %get3A_1178 = arith.constant 0 : index
      %get3A_1179 = tpu.vector_load %arg6[%get3A_1177, %get3A_1178] {strides = array<i32>} : memref<100x64xf32, #tpu.memory_space<vmem>>, vector<1x16xf32>,
      %get3A_1180 = vector.shape_cast %get3A_1179 : vector<1x16xf32> to vector<16xf32>
      %add3A_1181 = arith.addf %add3A_1157, %get3A_1180 : vector<16xf32>
      %get3A_1182 = arith.constant 48 : i32
      %get3A_1183 = arith.index_cast %get3A_1182 : i32 to index
      %get3A_1184 = arith.constant 16 : index
      %get3A_1185 = tpu.vector_load %arg6[%get3A_1183, %get3A_1184] {strides = array<i32>} : memref<100x64xf32, #tpu.memory_space<vmem>>, vector<1x16xf32>,
      %get3A_1186 = vector.shape_cast %get3A_1185 : vector<1x16xf32> to vector<16xf32>
      %add3A_1187 = arith.addf %add3A_1163, %get3A_1186 : vector<16xf32>
      %get3A_1188 = arith.constant 48 : i32
      %get3A_1189 = arith.index_cast %get3A_1188 : i32 to index
      %get3A_1190 = arith.constant 32 : index
      %get3A_1191 = tpu.vector_load %arg6[%get3A_1189, %get3A_1190] {strides = array<i32>} : memref<100x64xf32, #tpu.memory_space<vmem>>, vector<1x16xf32>,
      %get3A_1192 = vector.shape_cast %get3A_1191 : vector<1x16xf32> to vector<16xf32>
      %add3A_1193 = arith.addf %add3A_1169, %get3A_1192 : vector<16xf32>
      %get3A_1194 = arith.constant 48 : i32
      %get3A_1195 = arith.index_cast %get3A_1194 : i32 to index
      %get3A_1196 = arith.constant 48 : index
      %get3A_1197 = tpu.vector_load %arg6[%get3A_1195, %get3A_1196] {strides = array<i32>} : memref<100x64xf32, #tpu.memory_space<vmem>>, vector<1x16xf32>,
      %get3A_1198 = vector.shape_cast %get3A_1197 : vector<1x16xf32> to vector<16xf32>
      %add3A_1199 = arith.addf %add3A_1175, %get3A_1198 : vector<16xf32>
      %get3A_1200 = arith.constant 49 : i32
      %get3A_1201 = arith.index_cast %get3A_1200 : i32 to index
      %get3A_1202 = arith.constant 0 : index
      %get3A_1203 = tpu.vector_load %arg6[%get3A_1201, %get3A_1202] {strides = array<i32>} : memref<100x64xf32, #tpu.memory_space<vmem>>, vector<1x16xf32>,
      %get3A_1204 = vector.shape_cast %get3A_1203 : vector<1x16xf32> to vector<16xf32>
      %add3A_1205 = arith.addf %add3A_1181, %get3A_1204 : vector<16xf32>
      %get3A_1206 = arith.constant 49 : i32
      %get3A_1207 = arith.index_cast %get3A_1206 : i32 to index
      %get3A_1208 = arith.constant 16 : index
      %get3A_1209 = tpu.vector_load %arg6[%get3A_1207, %get3A_1208] {strides = array<i32>} : memref<100x64xf32, #tpu.memory_space<vmem>>, vector<1x16xf32>,
      %get3A_1210 = vector.shape_cast %get3A_1209 : vector<1x16xf32> to vector<16xf32>
      %add3A_1211 = arith.addf %add3A_1187, %get3A_1210 : vector<16xf32>
      %get3A_1212 = arith.constant 49 : i32
      %get3A_1213 = arith.index_cast %get3A_1212 : i32 to index
      %get3A_1214 = arith.constant 32 : index
      %get3A_1215 = tpu.vector_load %arg6[%get3A_1213, %get3A_1214] {strides = array<i32>} : memref<100x64xf32, #tpu.memory_space<vmem>>, vector<1x16xf32>,
      %get3A_1216 = vector.shape_cast %get3A_1215 : vector<1x16xf32> to vector<16xf32>
      %add3A_1217 = arith.addf %add3A_1193, %get3A_1216 : vector<16xf32>
      %get3A_1218 = arith.constant 49 : i32
      %get3A_1219 = arith.index_cast %get3A_1218 : i32 to index
      %get3A_1220 = arith.constant 48 : index
      %get3A_1221 = tpu.vector_load %arg6[%get3A_1219, %get3A_1220] {strides = array<i32>} : memref<100x64xf32, #tpu.memory_space<vmem>>, vector<1x16xf32>,
      %get3A_1222 = vector.shape_cast %get3A_1221 : vector<1x16xf32> to vector<16xf32>
      %add3A_1223 = arith.addf %add3A_1199, %get3A_1222 : vector<16xf32>
      %mul3A_1224 = vector.broadcast %scan3A : f32 to vector<16xf32>
      %mul3A_1225 = arith.mulf %add3A_1205, %mul3A_1224 : vector<16xf32>
      %mul3A_1226 = arith.constant 2 : i32
      %mul3A_1227 = arith.muli %add3A_18, %mul3A_1226 : i32
      %add3A_1228 = arith.constant 0 : i32
      %add3A_1229 = arith.addi %mul3A_1227, %add3A_1228 : i32
      %swap3A = arith.index_cast %add3A_1229 : i32 to index
      %swap3A_1230 = arith.constant 0 : index
      %swap3A_1231 = tpu.vector_load %arg8[%swap3A, %swap3A_1230] {strides = array<i32>} : memref<128x64xf32, #tpu.memory_space<vmem>>, vector<1x16xf32>,
      %swap3A_1232 = vector.shape_cast %swap3A_1231 : vector<1x16xf32> to vector<16xf32>
      %swap3A_1233 = vector.shape_cast %mul3A_1225 : vector<16xf32> to vector<1x16xf32>
      tpu.vector_store %arg8[%swap3A, %swap3A_1230], %swap3A_1233 {strides = array<i32>} : memref<128x64xf32, #tpu.memory_space<vmem>>, vector<1x16xf32>,
      %mul3A_1234 = vector.broadcast %scan3A : f32 to vector<16xf32>
      %mul3A_1235 = arith.mulf %add3A_1211, %mul3A_1234 : vector<16xf32>
      %mul3A_1236 = arith.constant 2 : i32
      %mul3A_1237 = arith.muli %add3A_18, %mul3A_1236 : i32
      %add3A_1238 = arith.constant 0 : i32
      %add3A_1239 = arith.addi %mul3A_1237, %add3A_1238 : i32
      %swap3A_1240 = arith.index_cast %add3A_1239 : i32 to index
      %swap3A_1241 = arith.constant 16 : index
      %swap3A_1242 = tpu.vector_load %arg8[%swap3A_1240, %swap3A_1241] {strides = array<i32>} : memref<128x64xf32, #tpu.memory_space<vmem>>, vector<1x16xf32>,
      %swap3A_1243 = vector.shape_cast %swap3A_1242 : vector<1x16xf32> to vector<16xf32>
      %swap3A_1244 = vector.shape_cast %mul3A_1235 : vector<16xf32> to vector<1x16xf32>
      tpu.vector_store %arg8[%swap3A_1240, %swap3A_1241], %swap3A_1244 {strides = array<i32>} : memref<128x64xf32, #tpu.memory_space<vmem>>, vector<1x16xf32>,
      %mul3A_1245 = vector.broadcast %scan3A : f32 to vector<16xf32>
      %mul3A_1246 = arith.mulf %add3A_1217, %mul3A_1245 : vector<16xf32>
      %mul3A_1247 = arith.constant 2 : i32
      %mul3A_1248 = arith.muli %add3A_18, %mul3A_1247 : i32
      %add3A_1249 = arith.constant 0 : i32
      %add3A_1250 = arith.addi %mul3A_1248, %add3A_1249 : i32
      %swap3A_1251 = arith.index_cast %add3A_1250 : i32 to index
      %swap3A_1252 = arith.constant 32 : index
      %swap3A_1253 = tpu.vector_load %arg8[%swap3A_1251, %swap3A_1252] {strides = array<i32>} : memref<128x64xf32, #tpu.memory_space<vmem>>, vector<1x16xf32>,
      %swap3A_1254 = vector.shape_cast %swap3A_1253 : vector<1x16xf32> to vector<16xf32>
      %swap3A_1255 = vector.shape_cast %mul3A_1246 : vector<16xf32> to vector<1x16xf32>
      tpu.vector_store %arg8[%swap3A_1251, %swap3A_1252], %swap3A_1255 {strides = array<i32>} : memref<128x64xf32, #tpu.memory_space<vmem>>, vector<1x16xf32>,
      %mul3A_1256 = vector.broadcast %scan3A : f32 to vector<16xf32>
      %mul3A_1257 = arith.mulf %add3A_1223, %mul3A_1256 : vector<16xf32>
      %mul3A_1258 = arith.constant 2 : i32
      %mul3A_1259 = arith.muli %add3A_18, %mul3A_1258 : i32
      %add3A_1260 = arith.constant 0 : i32
      %add3A_1261 = arith.addi %mul3A_1259, %add3A_1260 : i32
      %swap3A_1262 = arith.index_cast %add3A_1261 : i32 to index
      %swap3A_1263 = arith.constant 48 : index
      %swap3A_1264 = tpu.vector_load %arg8[%swap3A_1262, %swap3A_1263] {strides = array<i32>} : memref<128x64xf32, #tpu.memory_space<vmem>>, vector<1x16xf32>,
      %swap3A_1265 = vector.shape_cast %swap3A_1264 : vector<1x16xf32> to vector<16xf32>
      %swap3A_1266 = vector.shape_cast %mul3A_1257 : vector<16xf32> to vector<1x16xf32>
      tpu.vector_store %arg8[%swap3A_1262, %swap3A_1263], %swap3A_1266 {strides = array<i32>} : memref<128x64xf32, #tpu.memory_space<vmem>>, vector<1x16xf32>,
      %get3A_1267 = arith.constant 50 : i32
      %get3A_1268 = arith.index_cast %get3A_1267 : i32 to index
      %get3A_1269 = arith.constant 0 : index
      %get3A_1270 = tpu.vector_load %arg6[%get3A_1268, %get3A_1269] {strides = array<i32>} : memref<100x64xf32, #tpu.memory_space<vmem>>, vector<1x16xf32>,
      %get3A_1271 = vector.shape_cast %get3A_1270 : vector<1x16xf32> to vector<16xf32>
      %get3A_1272 = arith.constant 50 : i32
      %get3A_1273 = arith.index_cast %get3A_1272 : i32 to index
      %get3A_1274 = arith.constant 16 : index
      %get3A_1275 = tpu.vector_load %arg6[%get3A_1273, %get3A_1274] {strides = array<i32>} : memref<100x64xf32, #tpu.memory_space<vmem>>, vector<1x16xf32>,
      %get3A_1276 = vector.shape_cast %get3A_1275 : vector<1x16xf32> to vector<16xf32>
      %get3A_1277 = arith.constant 50 : i32
      %get3A_1278 = arith.index_cast %get3A_1277 : i32 to index
      %get3A_1279 = arith.constant 32 : index
      %get3A_1280 = tpu.vector_load %arg6[%get3A_1278, %get3A_1279] {strides = array<i32>} : memref<100x64xf32, #tpu.memory_space<vmem>>, vector<1x16xf32>,
      %get3A_1281 = vector.shape_cast %get3A_1280 : vector<1x16xf32> to vector<16xf32>
      %get3A_1282 = arith.constant 50 : i32
      %get3A_1283 = arith.index_cast %get3A_1282 : i32 to index
      %get3A_1284 = arith.constant 48 : index
      %get3A_1285 = tpu.vector_load %arg6[%get3A_1283, %get3A_1284] {strides = array<i32>} : memref<100x64xf32, #tpu.memory_space<vmem>>, vector<1x16xf32>,
      %get3A_1286 = vector.shape_cast %get3A_1285 : vector<1x16xf32> to vector<16xf32>
      %get3A_1287 = arith.constant 51 : i32
      %get3A_1288 = arith.index_cast %get3A_1287 : i32 to index
      %get3A_1289 = arith.constant 0 : index
      %get3A_1290 = tpu.vector_load %arg6[%get3A_1288, %get3A_1289] {strides = array<i32>} : memref<100x64xf32, #tpu.memory_space<vmem>>, vector<1x16xf32>,
      %get3A_1291 = vector.shape_cast %get3A_1290 : vector<1x16xf32> to vector<16xf32>
      %add3A_1292 = arith.addf %get3A_1271, %get3A_1291 : vector<16xf32>
      %get3A_1293 = arith.constant 51 : i32
      %get3A_1294 = arith.index_cast %get3A_1293 : i32 to index
      %get3A_1295 = arith.constant 16 : index
      %get3A_1296 = tpu.vector_load %arg6[%get3A_1294, %get3A_1295] {strides = array<i32>} : memref<100x64xf32, #tpu.memory_space<vmem>>, vector<1x16xf32>,
      %get3A_1297 = vector.shape_cast %get3A_1296 : vector<1x16xf32> to vector<16xf32>
      %add3A_1298 = arith.addf %get3A_1276, %get3A_1297 : vector<16xf32>
      %get3A_1299 = arith.constant 51 : i32
      %get3A_1300 = arith.index_cast %get3A_1299 : i32 to index
      %get3A_1301 = arith.constant 32 : index
      %get3A_1302 = tpu.vector_load %arg6[%get3A_1300, %get3A_1301] {strides = array<i32>} : memref<100x64xf32, #tpu.memory_space<vmem>>, vector<1x16xf32>,
      %get3A_1303 = vector.shape_cast %get3A_1302 : vector<1x16xf32> to vector<16xf32>
      %add3A_1304 = arith.addf %get3A_1281, %get3A_1303 : vector<16xf32>
      %get3A_1305 = arith.constant 51 : i32
      %get3A_1306 = arith.index_cast %get3A_1305 : i32 to index
      %get3A_1307 = arith.constant 48 : index
      %get3A_1308 = tpu.vector_load %arg6[%get3A_1306, %get3A_1307] {strides = array<i32>} : memref<100x64xf32, #tpu.memory_space<vmem>>, vector<1x16xf32>,
      %get3A_1309 = vector.shape_cast %get3A_1308 : vector<1x16xf32> to vector<16xf32>
      %add3A_1310 = arith.addf %get3A_1286, %get3A_1309 : vector<16xf32>
      %get3A_1311 = arith.constant 52 : i32
      %get3A_1312 = arith.index_cast %get3A_1311 : i32 to index
      %get3A_1313 = arith.constant 0 : index
      %get3A_1314 = tpu.vector_load %arg6[%get3A_1312, %get3A_1313] {strides = array<i32>} : memref<100x64xf32, #tpu.memory_space<vmem>>, vector<1x16xf32>,
      %get3A_1315 = vector.shape_cast %get3A_1314 : vector<1x16xf32> to vector<16xf32>
      %add3A_1316 = arith.addf %add3A_1292, %get3A_1315 : vector<16xf32>
      %get3A_1317 = arith.constant 52 : i32
      %get3A_1318 = arith.index_cast %get3A_1317 : i32 to index
      %get3A_1319 = arith.constant 16 : index
      %get3A_1320 = tpu.vector_load %arg6[%get3A_1318, %get3A_1319] {strides = array<i32>} : memref<100x64xf32, #tpu.memory_space<vmem>>, vector<1x16xf32>,
      %get3A_1321 = vector.shape_cast %get3A_1320 : vector<1x16xf32> to vector<16xf32>
      %add3A_1322 = arith.addf %add3A_1298, %get3A_1321 : vector<16xf32>
      %get3A_1323 = arith.constant 52 : i32
      %get3A_1324 = arith.index_cast %get3A_1323 : i32 to index
      %get3A_1325 = arith.constant 32 : index
      %get3A_1326 = tpu.vector_load %arg6[%get3A_1324, %get3A_1325] {strides = array<i32>} : memref<100x64xf32, #tpu.memory_space<vmem>>, vector<1x16xf32>,
      %get3A_1327 = vector.shape_cast %get3A_1326 : vector<1x16xf32> to vector<16xf32>
      %add3A_1328 = arith.addf %add3A_1304, %get3A_1327 : vector<16xf32>
      %get3A_1329 = arith.constant 52 : i32
      %get3A_1330 = arith.index_cast %get3A_1329 : i32 to index
      %get3A_1331 = arith.constant 48 : index
      %get3A_1332 = tpu.vector_load %arg6[%get3A_1330, %get3A_1331] {strides = array<i32>} : memref<100x64xf32, #tpu.memory_space<vmem>>, vector<1x16xf32>,
      %get3A_1333 = vector.shape_cast %get3A_1332 : vector<1x16xf32> to vector<16xf32>
      %add3A_1334 = arith.addf %add3A_1310, %get3A_1333 : vector<16xf32>
      %get3A_1335 = arith.constant 53 : i32
      %get3A_1336 = arith.index_cast %get3A_1335 : i32 to index
      %get3A_1337 = arith.constant 0 : index
      %get3A_1338 = tpu.vector_load %arg6[%get3A_1336, %get3A_1337] {strides = array<i32>} : memref<100x64xf32, #tpu.memory_space<vmem>>, vector<1x16xf32>,
      %get3A_1339 = vector.shape_cast %get3A_1338 : vector<1x16xf32> to vector<16xf32>
      %add3A_1340 = arith.addf %add3A_1316, %get3A_1339 : vector<16xf32>
      %get3A_1341 = arith.constant 53 : i32
      %get3A_1342 = arith.index_cast %get3A_1341 : i32 to index
      %get3A_1343 = arith.constant 16 : index
      %get3A_1344 = tpu.vector_load %arg6[%get3A_1342, %get3A_1343] {strides = array<i32>} : memref<100x64xf32, #tpu.memory_space<vmem>>, vector<1x16xf32>,
      %get3A_1345 = vector.shape_cast %get3A_1344 : vector<1x16xf32> to vector<16xf32>
      %add3A_1346 = arith.addf %add3A_1322, %get3A_1345 : vector<16xf32>
      %get3A_1347 = arith.constant 53 : i32
      %get3A_1348 = arith.index_cast %get3A_1347 : i32 to index
      %get3A_1349 = arith.constant 32 : index
      %get3A_1350 = tpu.vector_load %arg6[%get3A_1348, %get3A_1349] {strides = array<i32>} : memref<100x64xf32, #tpu.memory_space<vmem>>, vector<1x16xf32>,
      %get3A_1351 = vector.shape_cast %get3A_1350 : vector<1x16xf32> to vector<16xf32>
      %add3A_1352 = arith.addf %add3A_1328, %get3A_1351 : vector<16xf32>
      %get3A_1353 = arith.constant 53 : i32
      %get3A_1354 = arith.index_cast %get3A_1353 : i32 to index
      %get3A_1355 = arith.constant 48 : index
      %get3A_1356 = tpu.vector_load %arg6[%get3A_1354, %get3A_1355] {strides = array<i32>} : memref<100x64xf32, #tpu.memory_space<vmem>>, vector<1x16xf32>,
      %get3A_1357 = vector.shape_cast %get3A_1356 : vector<1x16xf32> to vector<16xf32>
      %add3A_1358 = arith.addf %add3A_1334, %get3A_1357 : vector<16xf32>
      %get3A_1359 = arith.constant 54 : i32
      %get3A_1360 = arith.index_cast %get3A_1359 : i32 to index
      %get3A_1361 = arith.constant 0 : index
      %get3A_1362 = tpu.vector_load %arg6[%get3A_1360, %get3A_1361] {strides = array<i32>} : memref<100x64xf32, #tpu.memory_space<vmem>>, vector<1x16xf32>,
      %get3A_1363 = vector.shape_cast %get3A_1362 : vector<1x16xf32> to vector<16xf32>
      %add3A_1364 = arith.addf %add3A_1340, %get3A_1363 : vector<16xf32>
      %get3A_1365 = arith.constant 54 : i32
      %get3A_1366 = arith.index_cast %get3A_1365 : i32 to index
      %get3A_1367 = arith.constant 16 : index
      %get3A_1368 = tpu.vector_load %arg6[%get3A_1366, %get3A_1367] {strides = array<i32>} : memref<100x64xf32, #tpu.memory_space<vmem>>, vector<1x16xf32>,
      %get3A_1369 = vector.shape_cast %get3A_1368 : vector<1x16xf32> to vector<16xf32>
      %add3A_1370 = arith.addf %add3A_1346, %get3A_1369 : vector<16xf32>
      %get3A_1371 = arith.constant 54 : i32
      %get3A_1372 = arith.index_cast %get3A_1371 : i32 to index
      %get3A_1373 = arith.constant 32 : index
      %get3A_1374 = tpu.vector_load %arg6[%get3A_1372, %get3A_1373] {strides = array<i32>} : memref<100x64xf32, #tpu.memory_space<vmem>>, vector<1x16xf32>,
      %get3A_1375 = vector.shape_cast %get3A_1374 : vector<1x16xf32> to vector<16xf32>
      %add3A_1376 = arith.addf %add3A_1352, %get3A_1375 : vector<16xf32>
      %get3A_1377 = arith.constant 54 : i32
      %get3A_1378 = arith.index_cast %get3A_1377 : i32 to index
      %get3A_1379 = arith.constant 48 : index
      %get3A_1380 = tpu.vector_load %arg6[%get3A_1378, %get3A_1379] {strides = array<i32>} : memref<100x64xf32, #tpu.memory_space<vmem>>, vector<1x16xf32>,
      %get3A_1381 = vector.shape_cast %get3A_1380 : vector<1x16xf32> to vector<16xf32>
      %add3A_1382 = arith.addf %add3A_1358, %get3A_1381 : vector<16xf32>
      %get3A_1383 = arith.constant 55 : i32
      %get3A_1384 = arith.index_cast %get3A_1383 : i32 to index
      %get3A_1385 = arith.constant 0 : index
      %get3A_1386 = tpu.vector_load %arg6[%get3A_1384, %get3A_1385] {strides = array<i32>} : memref<100x64xf32, #tpu.memory_space<vmem>>, vector<1x16xf32>,
      %get3A_1387 = vector.shape_cast %get3A_1386 : vector<1x16xf32> to vector<16xf32>
      %add3A_1388 = arith.addf %add3A_1364, %get3A_1387 : vector<16xf32>
      %get3A_1389 = arith.constant 55 : i32
      %get3A_1390 = arith.index_cast %get3A_1389 : i32 to index
      %get3A_1391 = arith.constant 16 : index
      %get3A_1392 = tpu.vector_load %arg6[%get3A_1390, %get3A_1391] {strides = array<i32>} : memref<100x64xf32, #tpu.memory_space<vmem>>, vector<1x16xf32>,
      %get3A_1393 = vector.shape_cast %get3A_1392 : vector<1x16xf32> to vector<16xf32>
      %add3A_1394 = arith.addf %add3A_1370, %get3A_1393 : vector<16xf32>
      %get3A_1395 = arith.constant 55 : i32
      %get3A_1396 = arith.index_cast %get3A_1395 : i32 to index
      %get3A_1397 = arith.constant 32 : index
      %get3A_1398 = tpu.vector_load %arg6[%get3A_1396, %get3A_1397] {strides = array<i32>} : memref<100x64xf32, #tpu.memory_space<vmem>>, vector<1x16xf32>,
      %get3A_1399 = vector.shape_cast %get3A_1398 : vector<1x16xf32> to vector<16xf32>
      %add3A_1400 = arith.addf %add3A_1376, %get3A_1399 : vector<16xf32>
      %get3A_1401 = arith.constant 55 : i32
      %get3A_1402 = arith.index_cast %get3A_1401 : i32 to index
      %get3A_1403 = arith.constant 48 : index
      %get3A_1404 = tpu.vector_load %arg6[%get3A_1402, %get3A_1403] {strides = array<i32>} : memref<100x64xf32, #tpu.memory_space<vmem>>, vector<1x16xf32>,
      %get3A_1405 = vector.shape_cast %get3A_1404 : vector<1x16xf32> to vector<16xf32>
      %add3A_1406 = arith.addf %add3A_1382, %get3A_1405 : vector<16xf32>
      %get3A_1407 = arith.constant 56 : i32
      %get3A_1408 = arith.index_cast %get3A_1407 : i32 to index
      %get3A_1409 = arith.constant 0 : index
      %get3A_1410 = tpu.vector_load %arg6[%get3A_1408, %get3A_1409] {strides = array<i32>} : memref<100x64xf32, #tpu.memory_space<vmem>>, vector<1x16xf32>,
      %get3A_1411 = vector.shape_cast %get3A_1410 : vector<1x16xf32> to vector<16xf32>
      %add3A_1412 = arith.addf %add3A_1388, %get3A_1411 : vector<16xf32>
      %get3A_1413 = arith.constant 56 : i32
      %get3A_1414 = arith.index_cast %get3A_1413 : i32 to index
      %get3A_1415 = arith.constant 16 : index
      %get3A_1416 = tpu.vector_load %arg6[%get3A_1414, %get3A_1415] {strides = array<i32>} : memref<100x64xf32, #tpu.memory_space<vmem>>, vector<1x16xf32>,
      %get3A_1417 = vector.shape_cast %get3A_1416 : vector<1x16xf32> to vector<16xf32>
      %add3A_1418 = arith.addf %add3A_1394, %get3A_1417 : vector<16xf32>
      %get3A_1419 = arith.constant 56 : i32
      %get3A_1420 = arith.index_cast %get3A_1419 : i32 to index
      %get3A_1421 = arith.constant 32 : index
      %get3A_1422 = tpu.vector_load %arg6[%get3A_1420, %get3A_1421] {strides = array<i32>} : memref<100x64xf32, #tpu.memory_space<vmem>>, vector<1x16xf32>,
      %get3A_1423 = vector.shape_cast %get3A_1422 : vector<1x16xf32> to vector<16xf32>
      %add3A_1424 = arith.addf %add3A_1400, %get3A_1423 : vector<16xf32>
      %get3A_1425 = arith.constant 56 : i32
      %get3A_1426 = arith.index_cast %get3A_1425 : i32 to index
      %get3A_1427 = arith.constant 48 : index
      %get3A_1428 = tpu.vector_load %arg6[%get3A_1426, %get3A_1427] {strides = array<i32>} : memref<100x64xf32, #tpu.memory_space<vmem>>, vector<1x16xf32>,
      %get3A_1429 = vector.shape_cast %get3A_1428 : vector<1x16xf32> to vector<16xf32>
      %add3A_1430 = arith.addf %add3A_1406, %get3A_1429 : vector<16xf32>
      %get3A_1431 = arith.constant 57 : i32
      %get3A_1432 = arith.index_cast %get3A_1431 : i32 to index
      %get3A_1433 = arith.constant 0 : index
      %get3A_1434 = tpu.vector_load %arg6[%get3A_1432, %get3A_1433] {strides = array<i32>} : memref<100x64xf32, #tpu.memory_space<vmem>>, vector<1x16xf32>,
      %get3A_1435 = vector.shape_cast %get3A_1434 : vector<1x16xf32> to vector<16xf32>
      %add3A_1436 = arith.addf %add3A_1412, %get3A_1435 : vector<16xf32>
      %get3A_1437 = arith.constant 57 : i32
      %get3A_1438 = arith.index_cast %get3A_1437 : i32 to index
      %get3A_1439 = arith.constant 16 : index
      %get3A_1440 = tpu.vector_load %arg6[%get3A_1438, %get3A_1439] {strides = array<i32>} : memref<100x64xf32, #tpu.memory_space<vmem>>, vector<1x16xf32>,
      %get3A_1441 = vector.shape_cast %get3A_1440 : vector<1x16xf32> to vector<16xf32>
      %add3A_1442 = arith.addf %add3A_1418, %get3A_1441 : vector<16xf32>
      %get3A_1443 = arith.constant 57 : i32
      %get3A_1444 = arith.index_cast %get3A_1443 : i32 to index
      %get3A_1445 = arith.constant 32 : index
      %get3A_1446 = tpu.vector_load %arg6[%get3A_1444, %get3A_1445] {strides = array<i32>} : memref<100x64xf32, #tpu.memory_space<vmem>>, vector<1x16xf32>,
      %get3A_1447 = vector.shape_cast %get3A_1446 : vector<1x16xf32> to vector<16xf32>
      %add3A_1448 = arith.addf %add3A_1424, %get3A_1447 : vector<16xf32>
      %get3A_1449 = arith.constant 57 : i32
      %get3A_1450 = arith.index_cast %get3A_1449 : i32 to index
      %get3A_1451 = arith.constant 48 : index
      %get3A_1452 = tpu.vector_load %arg6[%get3A_1450, %get3A_1451] {strides = array<i32>} : memref<100x64xf32, #tpu.memory_space<vmem>>, vector<1x16xf32>,
      %get3A_1453 = vector.shape_cast %get3A_1452 : vector<1x16xf32> to vector<16xf32>
      %add3A_1454 = arith.addf %add3A_1430, %get3A_1453 : vector<16xf32>
      %get3A_1455 = arith.constant 58 : i32
      %get3A_1456 = arith.index_cast %get3A_1455 : i32 to index
      %get3A_1457 = arith.constant 0 : index
      %get3A_1458 = tpu.vector_load %arg6[%get3A_1456, %get3A_1457] {strides = array<i32>} : memref<100x64xf32, #tpu.memory_space<vmem>>, vector<1x16xf32>,
      %get3A_1459 = vector.shape_cast %get3A_1458 : vector<1x16xf32> to vector<16xf32>
      %add3A_1460 = arith.addf %add3A_1436, %get3A_1459 : vector<16xf32>
      %get3A_1461 = arith.constant 58 : i32
      %get3A_1462 = arith.index_cast %get3A_1461 : i32 to index
      %get3A_1463 = arith.constant 16 : index
      %get3A_1464 = tpu.vector_load %arg6[%get3A_1462, %get3A_1463] {strides = array<i32>} : memref<100x64xf32, #tpu.memory_space<vmem>>, vector<1x16xf32>,
      %get3A_1465 = vector.shape_cast %get3A_1464 : vector<1x16xf32> to vector<16xf32>
      %add3A_1466 = arith.addf %add3A_1442, %get3A_1465 : vector<16xf32>
      %get3A_1467 = arith.constant 58 : i32
      %get3A_1468 = arith.index_cast %get3A_1467 : i32 to index
      %get3A_1469 = arith.constant 32 : index
      %get3A_1470 = tpu.vector_load %arg6[%get3A_1468, %get3A_1469] {strides = array<i32>} : memref<100x64xf32, #tpu.memory_space<vmem>>, vector<1x16xf32>,
      %get3A_1471 = vector.shape_cast %get3A_1470 : vector<1x16xf32> to vector<16xf32>
      %add3A_1472 = arith.addf %add3A_1448, %get3A_1471 : vector<16xf32>
      %get3A_1473 = arith.constant 58 : i32
      %get3A_1474 = arith.index_cast %get3A_1473 : i32 to index
      %get3A_1475 = arith.constant 48 : index
      %get3A_1476 = tpu.vector_load %arg6[%get3A_1474, %get3A_1475] {strides = array<i32>} : memref<100x64xf32, #tpu.memory_space<vmem>>, vector<1x16xf32>,
      %get3A_1477 = vector.shape_cast %get3A_1476 : vector<1x16xf32> to vector<16xf32>
      %add3A_1478 = arith.addf %add3A_1454, %get3A_1477 : vector<16xf32>
      %get3A_1479 = arith.constant 59 : i32
      %get3A_1480 = arith.index_cast %get3A_1479 : i32 to index
      %get3A_1481 = arith.constant 0 : index
      %get3A_1482 = tpu.vector_load %arg6[%get3A_1480, %get3A_1481] {strides = array<i32>} : memref<100x64xf32, #tpu.memory_space<vmem>>, vector<1x16xf32>,
      %get3A_1483 = vector.shape_cast %get3A_1482 : vector<1x16xf32> to vector<16xf32>
      %add3A_1484 = arith.addf %add3A_1460, %get3A_1483 : vector<16xf32>
      %get3A_1485 = arith.constant 59 : i32
      %get3A_1486 = arith.index_cast %get3A_1485 : i32 to index
      %get3A_1487 = arith.constant 16 : index
      %get3A_1488 = tpu.vector_load %arg6[%get3A_1486, %get3A_1487] {strides = array<i32>} : memref<100x64xf32, #tpu.memory_space<vmem>>, vector<1x16xf32>,
      %get3A_1489 = vector.shape_cast %get3A_1488 : vector<1x16xf32> to vector<16xf32>
      %add3A_1490 = arith.addf %add3A_1466, %get3A_1489 : vector<16xf32>
      %get3A_1491 = arith.constant 59 : i32
      %get3A_1492 = arith.index_cast %get3A_1491 : i32 to index
      %get3A_1493 = arith.constant 32 : index
      %get3A_1494 = tpu.vector_load %arg6[%get3A_1492, %get3A_1493] {strides = array<i32>} : memref<100x64xf32, #tpu.memory_space<vmem>>, vector<1x16xf32>,
      %get3A_1495 = vector.shape_cast %get3A_1494 : vector<1x16xf32> to vector<16xf32>
      %add3A_1496 = arith.addf %add3A_1472, %get3A_1495 : vector<16xf32>
      %get3A_1497 = arith.constant 59 : i32
      %get3A_1498 = arith.index_cast %get3A_1497 : i32 to index
      %get3A_1499 = arith.constant 48 : index
      %get3A_1500 = tpu.vector_load %arg6[%get3A_1498, %get3A_1499] {strides = array<i32>} : memref<100x64xf32, #tpu.memory_space<vmem>>, vector<1x16xf32>,
      %get3A_1501 = vector.shape_cast %get3A_1500 : vector<1x16xf32> to vector<16xf32>
      %add3A_1502 = arith.addf %add3A_1478, %get3A_1501 : vector<16xf32>
      %get3A_1503 = arith.constant 60 : i32
      %get3A_1504 = arith.index_cast %get3A_1503 : i32 to index
      %get3A_1505 = arith.constant 0 : index
      %get3A_1506 = tpu.vector_load %arg6[%get3A_1504, %get3A_1505] {strides = array<i32>} : memref<100x64xf32, #tpu.memory_space<vmem>>, vector<1x16xf32>,
      %get3A_1507 = vector.shape_cast %get3A_1506 : vector<1x16xf32> to vector<16xf32>
      %add3A_1508 = arith.addf %add3A_1484, %get3A_1507 : vector<16xf32>
      %get3A_1509 = arith.constant 60 : i32
      %get3A_1510 = arith.index_cast %get3A_1509 : i32 to index
      %get3A_1511 = arith.constant 16 : index
      %get3A_1512 = tpu.vector_load %arg6[%get3A_1510, %get3A_1511] {strides = array<i32>} : memref<100x64xf32, #tpu.memory_space<vmem>>, vector<1x16xf32>,
      %get3A_1513 = vector.shape_cast %get3A_1512 : vector<1x16xf32> to vector<16xf32>
      %add3A_1514 = arith.addf %add3A_1490, %get3A_1513 : vector<16xf32>
      %get3A_1515 = arith.constant 60 : i32
      %get3A_1516 = arith.index_cast %get3A_1515 : i32 to index
      %get3A_1517 = arith.constant 32 : index
      %get3A_1518 = tpu.vector_load %arg6[%get3A_1516, %get3A_1517] {strides = array<i32>} : memref<100x64xf32, #tpu.memory_space<vmem>>, vector<1x16xf32>,
      %get3A_1519 = vector.shape_cast %get3A_1518 : vector<1x16xf32> to vector<16xf32>
      %add3A_1520 = arith.addf %add3A_1496, %get3A_1519 : vector<16xf32>
      %get3A_1521 = arith.constant 60 : i32
      %get3A_1522 = arith.index_cast %get3A_1521 : i32 to index
      %get3A_1523 = arith.constant 48 : index
      %get3A_1524 = tpu.vector_load %arg6[%get3A_1522, %get3A_1523] {strides = array<i32>} : memref<100x64xf32, #tpu.memory_space<vmem>>, vector<1x16xf32>,
      %get3A_1525 = vector.shape_cast %get3A_1524 : vector<1x16xf32> to vector<16xf32>
      %add3A_1526 = arith.addf %add3A_1502, %get3A_1525 : vector<16xf32>
      %get3A_1527 = arith.constant 61 : i32
      %get3A_1528 = arith.index_cast %get3A_1527 : i32 to index
      %get3A_1529 = arith.constant 0 : index
      %get3A_1530 = tpu.vector_load %arg6[%get3A_1528, %get3A_1529] {strides = array<i32>} : memref<100x64xf32, #tpu.memory_space<vmem>>, vector<1x16xf32>,
      %get3A_1531 = vector.shape_cast %get3A_1530 : vector<1x16xf32> to vector<16xf32>
      %add3A_1532 = arith.addf %add3A_1508, %get3A_1531 : vector<16xf32>
      %get3A_1533 = arith.constant 61 : i32
      %get3A_1534 = arith.index_cast %get3A_1533 : i32 to index
      %get3A_1535 = arith.constant 16 : index
      %get3A_1536 = tpu.vector_load %arg6[%get3A_1534, %get3A_1535] {strides = array<i32>} : memref<100x64xf32, #tpu.memory_space<vmem>>, vector<1x16xf32>,
      %get3A_1537 = vector.shape_cast %get3A_1536 : vector<1x16xf32> to vector<16xf32>
      %add3A_1538 = arith.addf %add3A_1514, %get3A_1537 : vector<16xf32>
      %get3A_1539 = arith.constant 61 : i32
      %get3A_1540 = arith.index_cast %get3A_1539 : i32 to index
      %get3A_1541 = arith.constant 32 : index
      %get3A_1542 = tpu.vector_load %arg6[%get3A_1540, %get3A_1541] {strides = array<i32>} : memref<100x64xf32, #tpu.memory_space<vmem>>, vector<1x16xf32>,
      %get3A_1543 = vector.shape_cast %get3A_1542 : vector<1x16xf32> to vector<16xf32>
      %add3A_1544 = arith.addf %add3A_1520, %get3A_1543 : vector<16xf32>
      %get3A_1545 = arith.constant 61 : i32
      %get3A_1546 = arith.index_cast %get3A_1545 : i32 to index
      %get3A_1547 = arith.constant 48 : index
      %get3A_1548 = tpu.vector_load %arg6[%get3A_1546, %get3A_1547] {strides = array<i32>} : memref<100x64xf32, #tpu.memory_space<vmem>>, vector<1x16xf32>,
      %get3A_1549 = vector.shape_cast %get3A_1548 : vector<1x16xf32> to vector<16xf32>
      %add3A_1550 = arith.addf %add3A_1526, %get3A_1549 : vector<16xf32>
      %get3A_1551 = arith.constant 62 : i32
      %get3A_1552 = arith.index_cast %get3A_1551 : i32 to index
      %get3A_1553 = arith.constant 0 : index
      %get3A_1554 = tpu.vector_load %arg6[%get3A_1552, %get3A_1553] {strides = array<i32>} : memref<100x64xf32, #tpu.memory_space<vmem>>, vector<1x16xf32>,
      %get3A_1555 = vector.shape_cast %get3A_1554 : vector<1x16xf32> to vector<16xf32>
      %add3A_1556 = arith.addf %add3A_1532, %get3A_1555 : vector<16xf32>
      %get3A_1557 = arith.constant 62 : i32
      %get3A_1558 = arith.index_cast %get3A_1557 : i32 to index
      %get3A_1559 = arith.constant 16 : index
      %get3A_1560 = tpu.vector_load %arg6[%get3A_1558, %get3A_1559] {strides = array<i32>} : memref<100x64xf32, #tpu.memory_space<vmem>>, vector<1x16xf32>,
      %get3A_1561 = vector.shape_cast %get3A_1560 : vector<1x16xf32> to vector<16xf32>
      %add3A_1562 = arith.addf %add3A_1538, %get3A_1561 : vector<16xf32>
      %get3A_1563 = arith.constant 62 : i32
      %get3A_1564 = arith.index_cast %get3A_1563 : i32 to index
      %get3A_1565 = arith.constant 32 : index
      %get3A_1566 = tpu.vector_load %arg6[%get3A_1564, %get3A_1565] {strides = array<i32>} : memref<100x64xf32, #tpu.memory_space<vmem>>, vector<1x16xf32>,
      %get3A_1567 = vector.shape_cast %get3A_1566 : vector<1x16xf32> to vector<16xf32>
      %add3A_1568 = arith.addf %add3A_1544, %get3A_1567 : vector<16xf32>
      %get3A_1569 = arith.constant 62 : i32
      %get3A_1570 = arith.index_cast %get3A_1569 : i32 to index
      %get3A_1571 = arith.constant 48 : index
      %get3A_1572 = tpu.vector_load %arg6[%get3A_1570, %get3A_1571] {strides = array<i32>} : memref<100x64xf32, #tpu.memory_space<vmem>>, vector<1x16xf32>,
      %get3A_1573 = vector.shape_cast %get3A_1572 : vector<1x16xf32> to vector<16xf32>
      %add3A_1574 = arith.addf %add3A_1550, %get3A_1573 : vector<16xf32>
      %get3A_1575 = arith.constant 63 : i32
      %get3A_1576 = arith.index_cast %get3A_1575 : i32 to index
      %get3A_1577 = arith.constant 0 : index
      %get3A_1578 = tpu.vector_load %arg6[%get3A_1576, %get3A_1577] {strides = array<i32>} : memref<100x64xf32, #tpu.memory_space<vmem>>, vector<1x16xf32>,
      %get3A_1579 = vector.shape_cast %get3A_1578 : vector<1x16xf32> to vector<16xf32>
      %add3A_1580 = arith.addf %add3A_1556, %get3A_1579 : vector<16xf32>
      %get3A_1581 = arith.constant 63 : i32
      %get3A_1582 = arith.index_cast %get3A_1581 : i32 to index
      %get3A_1583 = arith.constant 16 : index
      %get3A_1584 = tpu.vector_load %arg6[%get3A_1582, %get3A_1583] {strides = array<i32>} : memref<100x64xf32, #tpu.memory_space<vmem>>, vector<1x16xf32>,
      %get3A_1585 = vector.shape_cast %get3A_1584 : vector<1x16xf32> to vector<16xf32>
      %add3A_1586 = arith.addf %add3A_1562, %get3A_1585 : vector<16xf32>
      %get3A_1587 = arith.constant 63 : i32
      %get3A_1588 = arith.index_cast %get3A_1587 : i32 to index
      %get3A_1589 = arith.constant 32 : index
      %get3A_1590 = tpu.vector_load %arg6[%get3A_1588, %get3A_1589] {strides = array<i32>} : memref<100x64xf32, #tpu.memory_space<vmem>>, vector<1x16xf32>,
      %get3A_1591 = vector.shape_cast %get3A_1590 : vector<1x16xf32> to vector<16xf32>
      %add3A_1592 = arith.addf %add3A_1568, %get3A_1591 : vector<16xf32>
      %get3A_1593 = arith.constant 63 : i32
      %get3A_1594 = arith.index_cast %get3A_1593 : i32 to index
      %get3A_1595 = arith.constant 48 : index
      %get3A_1596 = tpu.vector_load %arg6[%get3A_1594, %get3A_1595] {strides = array<i32>} : memref<100x64xf32, #tpu.memory_space<vmem>>, vector<1x16xf32>,
      %get3A_1597 = vector.shape_cast %get3A_1596 : vector<1x16xf32> to vector<16xf32>
      %add3A_1598 = arith.addf %add3A_1574, %get3A_1597 : vector<16xf32>
      %get3A_1599 = arith.constant 64 : i32
      %get3A_1600 = arith.index_cast %get3A_1599 : i32 to index
      %get3A_1601 = arith.constant 0 : index
      %get3A_1602 = tpu.vector_load %arg6[%get3A_1600, %get3A_1601] {strides = array<i32>} : memref<100x64xf32, #tpu.memory_space<vmem>>, vector<1x16xf32>,
      %get3A_1603 = vector.shape_cast %get3A_1602 : vector<1x16xf32> to vector<16xf32>
      %add3A_1604 = arith.addf %add3A_1580, %get3A_1603 : vector<16xf32>
      %get3A_1605 = arith.constant 64 : i32
      %get3A_1606 = arith.index_cast %get3A_1605 : i32 to index
      %get3A_1607 = arith.constant 16 : index
      %get3A_1608 = tpu.vector_load %arg6[%get3A_1606, %get3A_1607] {strides = array<i32>} : memref<100x64xf32, #tpu.memory_space<vmem>>, vector<1x16xf32>,
      %get3A_1609 = vector.shape_cast %get3A_1608 : vector<1x16xf32> to vector<16xf32>
      %add3A_1610 = arith.addf %add3A_1586, %get3A_1609 : vector<16xf32>
      %get3A_1611 = arith.constant 64 : i32
      %get3A_1612 = arith.index_cast %get3A_1611 : i32 to index
      %get3A_1613 = arith.constant 32 : index
      %get3A_1614 = tpu.vector_load %arg6[%get3A_1612, %get3A_1613] {strides = array<i32>} : memref<100x64xf32, #tpu.memory_space<vmem>>, vector<1x16xf32>,
      %get3A_1615 = vector.shape_cast %get3A_1614 : vector<1x16xf32> to vector<16xf32>
      %add3A_1616 = arith.addf %add3A_1592, %get3A_1615 : vector<16xf32>
      %get3A_1617 = arith.constant 64 : i32
      %get3A_1618 = arith.index_cast %get3A_1617 : i32 to index
      %get3A_1619 = arith.constant 48 : index
      %get3A_1620 = tpu.vector_load %arg6[%get3A_1618, %get3A_1619] {strides = array<i32>} : memref<100x64xf32, #tpu.memory_space<vmem>>, vector<1x16xf32>,
      %get3A_1621 = vector.shape_cast %get3A_1620 : vector<1x16xf32> to vector<16xf32>
      %add3A_1622 = arith.addf %add3A_1598, %get3A_1621 : vector<16xf32>
      %get3A_1623 = arith.constant 65 : i32
      %get3A_1624 = arith.index_cast %get3A_1623 : i32 to index
      %get3A_1625 = arith.constant 0 : index
      %get3A_1626 = tpu.vector_load %arg6[%get3A_1624, %get3A_1625] {strides = array<i32>} : memref<100x64xf32, #tpu.memory_space<vmem>>, vector<1x16xf32>,
      %get3A_1627 = vector.shape_cast %get3A_1626 : vector<1x16xf32> to vector<16xf32>
      %add3A_1628 = arith.addf %add3A_1604, %get3A_1627 : vector<16xf32>
      %get3A_1629 = arith.constant 65 : i32
      %get3A_1630 = arith.index_cast %get3A_1629 : i32 to index
      %get3A_1631 = arith.constant 16 : index
      %get3A_1632 = tpu.vector_load %arg6[%get3A_1630, %get3A_1631] {strides = array<i32>} : memref<100x64xf32, #tpu.memory_space<vmem>>, vector<1x16xf32>,
      %get3A_1633 = vector.shape_cast %get3A_1632 : vector<1x16xf32> to vector<16xf32>
      %add3A_1634 = arith.addf %add3A_1610, %get3A_1633 : vector<16xf32>
      %get3A_1635 = arith.constant 65 : i32
      %get3A_1636 = arith.index_cast %get3A_1635 : i32 to index
      %get3A_1637 = arith.constant 32 : index
      %get3A_1638 = tpu.vector_load %arg6[%get3A_1636, %get3A_1637] {strides = array<i32>} : memref<100x64xf32, #tpu.memory_space<vmem>>, vector<1x16xf32>,
      %get3A_1639 = vector.shape_cast %get3A_1638 : vector<1x16xf32> to vector<16xf32>
      %add3A_1640 = arith.addf %add3A_1616, %get3A_1639 : vector<16xf32>
      %get3A_1641 = arith.constant 65 : i32
      %get3A_1642 = arith.index_cast %get3A_1641 : i32 to index
      %get3A_1643 = arith.constant 48 : index
      %get3A_1644 = tpu.vector_load %arg6[%get3A_1642, %get3A_1643] {strides = array<i32>} : memref<100x64xf32, #tpu.memory_space<vmem>>, vector<1x16xf32>,
      %get3A_1645 = vector.shape_cast %get3A_1644 : vector<1x16xf32> to vector<16xf32>
      %add3A_1646 = arith.addf %add3A_1622, %get3A_1645 : vector<16xf32>
      %get3A_1647 = arith.constant 66 : i32
      %get3A_1648 = arith.index_cast %get3A_1647 : i32 to index
      %get3A_1649 = arith.constant 0 : index
      %get3A_1650 = tpu.vector_load %arg6[%get3A_1648, %get3A_1649] {strides = array<i32>} : memref<100x64xf32, #tpu.memory_space<vmem>>, vector<1x16xf32>,
      %get3A_1651 = vector.shape_cast %get3A_1650 : vector<1x16xf32> to vector<16xf32>
      %add3A_1652 = arith.addf %add3A_1628, %get3A_1651 : vector<16xf32>
      %get3A_1653 = arith.constant 66 : i32
      %get3A_1654 = arith.index_cast %get3A_1653 : i32 to index
      %get3A_1655 = arith.constant 16 : index
      %get3A_1656 = tpu.vector_load %arg6[%get3A_1654, %get3A_1655] {strides = array<i32>} : memref<100x64xf32, #tpu.memory_space<vmem>>, vector<1x16xf32>,
      %get3A_1657 = vector.shape_cast %get3A_1656 : vector<1x16xf32> to vector<16xf32>
      %add3A_1658 = arith.addf %add3A_1634, %get3A_1657 : vector<16xf32>
      %get3A_1659 = arith.constant 66 : i32
      %get3A_1660 = arith.index_cast %get3A_1659 : i32 to index
      %get3A_1661 = arith.constant 32 : index
      %get3A_1662 = tpu.vector_load %arg6[%get3A_1660, %get3A_1661] {strides = array<i32>} : memref<100x64xf32, #tpu.memory_space<vmem>>, vector<1x16xf32>,
      %get3A_1663 = vector.shape_cast %get3A_1662 : vector<1x16xf32> to vector<16xf32>
      %add3A_1664 = arith.addf %add3A_1640, %get3A_1663 : vector<16xf32>
      %get3A_1665 = arith.constant 66 : i32
      %get3A_1666 = arith.index_cast %get3A_1665 : i32 to index
      %get3A_1667 = arith.constant 48 : index
      %get3A_1668 = tpu.vector_load %arg6[%get3A_1666, %get3A_1667] {strides = array<i32>} : memref<100x64xf32, #tpu.memory_space<vmem>>, vector<1x16xf32>,
      %get3A_1669 = vector.shape_cast %get3A_1668 : vector<1x16xf32> to vector<16xf32>
      %add3A_1670 = arith.addf %add3A_1646, %get3A_1669 : vector<16xf32>
      %get3A_1671 = arith.constant 67 : i32
      %get3A_1672 = arith.index_cast %get3A_1671 : i32 to index
      %get3A_1673 = arith.constant 0 : index
      %get3A_1674 = tpu.vector_load %arg6[%get3A_1672, %get3A_1673] {strides = array<i32>} : memref<100x64xf32, #tpu.memory_space<vmem>>, vector<1x16xf32>,
      %get3A_1675 = vector.shape_cast %get3A_1674 : vector<1x16xf32> to vector<16xf32>
      %add3A_1676 = arith.addf %add3A_1652, %get3A_1675 : vector<16xf32>
      %get3A_1677 = arith.constant 67 : i32
      %get3A_1678 = arith.index_cast %get3A_1677 : i32 to index
      %get3A_1679 = arith.constant 16 : index
      %get3A_1680 = tpu.vector_load %arg6[%get3A_1678, %get3A_1679] {strides = array<i32>} : memref<100x64xf32, #tpu.memory_space<vmem>>, vector<1x16xf32>,
      %get3A_1681 = vector.shape_cast %get3A_1680 : vector<1x16xf32> to vector<16xf32>
      %add3A_1682 = arith.addf %add3A_1658, %get3A_1681 : vector<16xf32>
      %get3A_1683 = arith.constant 67 : i32
      %get3A_1684 = arith.index_cast %get3A_1683 : i32 to index
      %get3A_1685 = arith.constant 32 : index
      %get3A_1686 = tpu.vector_load %arg6[%get3A_1684, %get3A_1685] {strides = array<i32>} : memref<100x64xf32, #tpu.memory_space<vmem>>, vector<1x16xf32>,
      %get3A_1687 = vector.shape_cast %get3A_1686 : vector<1x16xf32> to vector<16xf32>
      %add3A_1688 = arith.addf %add3A_1664, %get3A_1687 : vector<16xf32>
      %get3A_1689 = arith.constant 67 : i32
      %get3A_1690 = arith.index_cast %get3A_1689 : i32 to index
      %get3A_1691 = arith.constant 48 : index
      %get3A_1692 = tpu.vector_load %arg6[%get3A_1690, %get3A_1691] {strides = array<i32>} : memref<100x64xf32, #tpu.memory_space<vmem>>, vector<1x16xf32>,
      %get3A_1693 = vector.shape_cast %get3A_1692 : vector<1x16xf32> to vector<16xf32>
      %add3A_1694 = arith.addf %add3A_1670, %get3A_1693 : vector<16xf32>
      %get3A_1695 = arith.constant 68 : i32
      %get3A_1696 = arith.index_cast %get3A_1695 : i32 to index
      %get3A_1697 = arith.constant 0 : index
      %get3A_1698 = tpu.vector_load %arg6[%get3A_1696, %get3A_1697] {strides = array<i32>} : memref<100x64xf32, #tpu.memory_space<vmem>>, vector<1x16xf32>,
      %get3A_1699 = vector.shape_cast %get3A_1698 : vector<1x16xf32> to vector<16xf32>
      %add3A_1700 = arith.addf %add3A_1676, %get3A_1699 : vector<16xf32>
      %get3A_1701 = arith.constant 68 : i32
      %get3A_1702 = arith.index_cast %get3A_1701 : i32 to index
      %get3A_1703 = arith.constant 16 : index
      %get3A_1704 = tpu.vector_load %arg6[%get3A_1702, %get3A_1703] {strides = array<i32>} : memref<100x64xf32, #tpu.memory_space<vmem>>, vector<1x16xf32>,
      %get3A_1705 = vector.shape_cast %get3A_1704 : vector<1x16xf32> to vector<16xf32>
      %add3A_1706 = arith.addf %add3A_1682, %get3A_1705 : vector<16xf32>
      %get3A_1707 = arith.constant 68 : i32
      %get3A_1708 = arith.index_cast %get3A_1707 : i32 to index
      %get3A_1709 = arith.constant 32 : index
      %get3A_1710 = tpu.vector_load %arg6[%get3A_1708, %get3A_1709] {strides = array<i32>} : memref<100x64xf32, #tpu.memory_space<vmem>>, vector<1x16xf32>,
      %get3A_1711 = vector.shape_cast %get3A_1710 : vector<1x16xf32> to vector<16xf32>
      %add3A_1712 = arith.addf %add3A_1688, %get3A_1711 : vector<16xf32>
      %get3A_1713 = arith.constant 68 : i32
      %get3A_1714 = arith.index_cast %get3A_1713 : i32 to index
      %get3A_1715 = arith.constant 48 : index
      %get3A_1716 = tpu.vector_load %arg6[%get3A_1714, %get3A_1715] {strides = array<i32>} : memref<100x64xf32, #tpu.memory_space<vmem>>, vector<1x16xf32>,
      %get3A_1717 = vector.shape_cast %get3A_1716 : vector<1x16xf32> to vector<16xf32>
      %add3A_1718 = arith.addf %add3A_1694, %get3A_1717 : vector<16xf32>
      %get3A_1719 = arith.constant 69 : i32
      %get3A_1720 = arith.index_cast %get3A_1719 : i32 to index
      %get3A_1721 = arith.constant 0 : index
      %get3A_1722 = tpu.vector_load %arg6[%get3A_1720, %get3A_1721] {strides = array<i32>} : memref<100x64xf32, #tpu.memory_space<vmem>>, vector<1x16xf32>,
      %get3A_1723 = vector.shape_cast %get3A_1722 : vector<1x16xf32> to vector<16xf32>
      %add3A_1724 = arith.addf %add3A_1700, %get3A_1723 : vector<16xf32>
      %get3A_1725 = arith.constant 69 : i32
      %get3A_1726 = arith.index_cast %get3A_1725 : i32 to index
      %get3A_1727 = arith.constant 16 : index
      %get3A_1728 = tpu.vector_load %arg6[%get3A_1726, %get3A_1727] {strides = array<i32>} : memref<100x64xf32, #tpu.memory_space<vmem>>, vector<1x16xf32>,
      %get3A_1729 = vector.shape_cast %get3A_1728 : vector<1x16xf32> to vector<16xf32>
      %add3A_1730 = arith.addf %add3A_1706, %get3A_1729 : vector<16xf32>
      %get3A_1731 = arith.constant 69 : i32
      %get3A_1732 = arith.index_cast %get3A_1731 : i32 to index
      %get3A_1733 = arith.constant 32 : index
      %get3A_1734 = tpu.vector_load %arg6[%get3A_1732, %get3A_1733] {strides = array<i32>} : memref<100x64xf32, #tpu.memory_space<vmem>>, vector<1x16xf32>,
      %get3A_1735 = vector.shape_cast %get3A_1734 : vector<1x16xf32> to vector<16xf32>
      %add3A_1736 = arith.addf %add3A_1712, %get3A_1735 : vector<16xf32>
      %get3A_1737 = arith.constant 69 : i32
      %get3A_1738 = arith.index_cast %get3A_1737 : i32 to index
      %get3A_1739 = arith.constant 48 : index
      %get3A_1740 = tpu.vector_load %arg6[%get3A_1738, %get3A_1739] {strides = array<i32>} : memref<100x64xf32, #tpu.memory_space<vmem>>, vector<1x16xf32>,
      %get3A_1741 = vector.shape_cast %get3A_1740 : vector<1x16xf32> to vector<16xf32>
      %add3A_1742 = arith.addf %add3A_1718, %get3A_1741 : vector<16xf32>
      %get3A_1743 = arith.constant 70 : i32
      %get3A_1744 = arith.index_cast %get3A_1743 : i32 to index
      %get3A_1745 = arith.constant 0 : index
      %get3A_1746 = tpu.vector_load %arg6[%get3A_1744, %get3A_1745] {strides = array<i32>} : memref<100x64xf32, #tpu.memory_space<vmem>>, vector<1x16xf32>,
      %get3A_1747 = vector.shape_cast %get3A_1746 : vector<1x16xf32> to vector<16xf32>
      %add3A_1748 = arith.addf %add3A_1724, %get3A_1747 : vector<16xf32>
      %get3A_1749 = arith.constant 70 : i32
      %get3A_1750 = arith.index_cast %get3A_1749 : i32 to index
      %get3A_1751 = arith.constant 16 : index
      %get3A_1752 = tpu.vector_load %arg6[%get3A_1750, %get3A_1751] {strides = array<i32>} : memref<100x64xf32, #tpu.memory_space<vmem>>, vector<1x16xf32>,
      %get3A_1753 = vector.shape_cast %get3A_1752 : vector<1x16xf32> to vector<16xf32>
      %add3A_1754 = arith.addf %add3A_1730, %get3A_1753 : vector<16xf32>
      %get3A_1755 = arith.constant 70 : i32
      %get3A_1756 = arith.index_cast %get3A_1755 : i32 to index
      %get3A_1757 = arith.constant 32 : index
      %get3A_1758 = tpu.vector_load %arg6[%get3A_1756, %get3A_1757] {strides = array<i32>} : memref<100x64xf32, #tpu.memory_space<vmem>>, vector<1x16xf32>,
      %get3A_1759 = vector.shape_cast %get3A_1758 : vector<1x16xf32> to vector<16xf32>
      %add3A_1760 = arith.addf %add3A_1736, %get3A_1759 : vector<16xf32>
      %get3A_1761 = arith.constant 70 : i32
      %get3A_1762 = arith.index_cast %get3A_1761 : i32 to index
      %get3A_1763 = arith.constant 48 : index
      %get3A_1764 = tpu.vector_load %arg6[%get3A_1762, %get3A_1763] {strides = array<i32>} : memref<100x64xf32, #tpu.memory_space<vmem>>, vector<1x16xf32>,
      %get3A_1765 = vector.shape_cast %get3A_1764 : vector<1x16xf32> to vector<16xf32>
      %add3A_1766 = arith.addf %add3A_1742, %get3A_1765 : vector<16xf32>
      %get3A_1767 = arith.constant 71 : i32
      %get3A_1768 = arith.index_cast %get3A_1767 : i32 to index
      %get3A_1769 = arith.constant 0 : index
      %get3A_1770 = tpu.vector_load %arg6[%get3A_1768, %get3A_1769] {strides = array<i32>} : memref<100x64xf32, #tpu.memory_space<vmem>>, vector<1x16xf32>,
      %get3A_1771 = vector.shape_cast %get3A_1770 : vector<1x16xf32> to vector<16xf32>
      %add3A_1772 = arith.addf %add3A_1748, %get3A_1771 : vector<16xf32>
      %get3A_1773 = arith.constant 71 : i32
      %get3A_1774 = arith.index_cast %get3A_1773 : i32 to index
      %get3A_1775 = arith.constant 16 : index
      %get3A_1776 = tpu.vector_load %arg6[%get3A_1774, %get3A_1775] {strides = array<i32>} : memref<100x64xf32, #tpu.memory_space<vmem>>, vector<1x16xf32>,
      %get3A_1777 = vector.shape_cast %get3A_1776 : vector<1x16xf32> to vector<16xf32>
      %add3A_1778 = arith.addf %add3A_1754, %get3A_1777 : vector<16xf32>
      %get3A_1779 = arith.constant 71 : i32
      %get3A_1780 = arith.index_cast %get3A_1779 : i32 to index
      %get3A_1781 = arith.constant 32 : index
      %get3A_1782 = tpu.vector_load %arg6[%get3A_1780, %get3A_1781] {strides = array<i32>} : memref<100x64xf32, #tpu.memory_space<vmem>>, vector<1x16xf32>,
      %get3A_1783 = vector.shape_cast %get3A_1782 : vector<1x16xf32> to vector<16xf32>
      %add3A_1784 = arith.addf %add3A_1760, %get3A_1783 : vector<16xf32>
      %get3A_1785 = arith.constant 71 : i32
      %get3A_1786 = arith.index_cast %get3A_1785 : i32 to index
      %get3A_1787 = arith.constant 48 : index
      %get3A_1788 = tpu.vector_load %arg6[%get3A_1786, %get3A_1787] {strides = array<i32>} : memref<100x64xf32, #tpu.memory_space<vmem>>, vector<1x16xf32>,
      %get3A_1789 = vector.shape_cast %get3A_1788 : vector<1x16xf32> to vector<16xf32>
      %add3A_1790 = arith.addf %add3A_1766, %get3A_1789 : vector<16xf32>
      %get3A_1791 = arith.constant 72 : i32
      %get3A_1792 = arith.index_cast %get3A_1791 : i32 to index
      %get3A_1793 = arith.constant 0 : index
      %get3A_1794 = tpu.vector_load %arg6[%get3A_1792, %get3A_1793] {strides = array<i32>} : memref<100x64xf32, #tpu.memory_space<vmem>>, vector<1x16xf32>,
      %get3A_1795 = vector.shape_cast %get3A_1794 : vector<1x16xf32> to vector<16xf32>
      %add3A_1796 = arith.addf %add3A_1772, %get3A_1795 : vector<16xf32>
      %get3A_1797 = arith.constant 72 : i32
      %get3A_1798 = arith.index_cast %get3A_1797 : i32 to index
      %get3A_1799 = arith.constant 16 : index
      %get3A_1800 = tpu.vector_load %arg6[%get3A_1798, %get3A_1799] {strides = array<i32>} : memref<100x64xf32, #tpu.memory_space<vmem>>, vector<1x16xf32>,
      %get3A_1801 = vector.shape_cast %get3A_1800 : vector<1x16xf32> to vector<16xf32>
      %add3A_1802 = arith.addf %add3A_1778, %get3A_1801 : vector<16xf32>
      %get3A_1803 = arith.constant 72 : i32
      %get3A_1804 = arith.index_cast %get3A_1803 : i32 to index
      %get3A_1805 = arith.constant 32 : index
      %get3A_1806 = tpu.vector_load %arg6[%get3A_1804, %get3A_1805] {strides = array<i32>} : memref<100x64xf32, #tpu.memory_space<vmem>>, vector<1x16xf32>,
      %get3A_1807 = vector.shape_cast %get3A_1806 : vector<1x16xf32> to vector<16xf32>
      %add3A_1808 = arith.addf %add3A_1784, %get3A_1807 : vector<16xf32>
      %get3A_1809 = arith.constant 72 : i32
      %get3A_1810 = arith.index_cast %get3A_1809 : i32 to index
      %get3A_1811 = arith.constant 48 : index
      %get3A_1812 = tpu.vector_load %arg6[%get3A_1810, %get3A_1811] {strides = array<i32>} : memref<100x64xf32, #tpu.memory_space<vmem>>, vector<1x16xf32>,
      %get3A_1813 = vector.shape_cast %get3A_1812 : vector<1x16xf32> to vector<16xf32>
      %add3A_1814 = arith.addf %add3A_1790, %get3A_1813 : vector<16xf32>
      %get3A_1815 = arith.constant 73 : i32
      %get3A_1816 = arith.index_cast %get3A_1815 : i32 to index
      %get3A_1817 = arith.constant 0 : index
      %get3A_1818 = tpu.vector_load %arg6[%get3A_1816, %get3A_1817] {strides = array<i32>} : memref<100x64xf32, #tpu.memory_space<vmem>>, vector<1x16xf32>,
      %get3A_1819 = vector.shape_cast %get3A_1818 : vector<1x16xf32> to vector<16xf32>
      %add3A_1820 = arith.addf %add3A_1796, %get3A_1819 : vector<16xf32>
      %get3A_1821 = arith.constant 73 : i32
      %get3A_1822 = arith.index_cast %get3A_1821 : i32 to index
      %get3A_1823 = arith.constant 16 : index
      %get3A_1824 = tpu.vector_load %arg6[%get3A_1822, %get3A_1823] {strides = array<i32>} : memref<100x64xf32, #tpu.memory_space<vmem>>, vector<1x16xf32>,
      %get3A_1825 = vector.shape_cast %get3A_1824 : vector<1x16xf32> to vector<16xf32>
      %add3A_1826 = arith.addf %add3A_1802, %get3A_1825 : vector<16xf32>
      %get3A_1827 = arith.constant 73 : i32
      %get3A_1828 = arith.index_cast %get3A_1827 : i32 to index
      %get3A_1829 = arith.constant 32 : index
      %get3A_1830 = tpu.vector_load %arg6[%get3A_1828, %get3A_1829] {strides = array<i32>} : memref<100x64xf32, #tpu.memory_space<vmem>>, vector<1x16xf32>,
      %get3A_1831 = vector.shape_cast %get3A_1830 : vector<1x16xf32> to vector<16xf32>
      %add3A_1832 = arith.addf %add3A_1808, %get3A_1831 : vector<16xf32>
      %get3A_1833 = arith.constant 73 : i32
      %get3A_1834 = arith.index_cast %get3A_1833 : i32 to index
      %get3A_1835 = arith.constant 48 : index
      %get3A_1836 = tpu.vector_load %arg6[%get3A_1834, %get3A_1835] {strides = array<i32>} : memref<100x64xf32, #tpu.memory_space<vmem>>, vector<1x16xf32>,
      %get3A_1837 = vector.shape_cast %get3A_1836 : vector<1x16xf32> to vector<16xf32>
      %add3A_1838 = arith.addf %add3A_1814, %get3A_1837 : vector<16xf32>
      %get3A_1839 = arith.constant 74 : i32
      %get3A_1840 = arith.index_cast %get3A_1839 : i32 to index
      %get3A_1841 = arith.constant 0 : index
      %get3A_1842 = tpu.vector_load %arg6[%get3A_1840, %get3A_1841] {strides = array<i32>} : memref<100x64xf32, #tpu.memory_space<vmem>>, vector<1x16xf32>,
      %get3A_1843 = vector.shape_cast %get3A_1842 : vector<1x16xf32> to vector<16xf32>
      %add3A_1844 = arith.addf %add3A_1820, %get3A_1843 : vector<16xf32>
      %get3A_1845 = arith.constant 74 : i32
      %get3A_1846 = arith.index_cast %get3A_1845 : i32 to index
      %get3A_1847 = arith.constant 16 : index
      %get3A_1848 = tpu.vector_load %arg6[%get3A_1846, %get3A_1847] {strides = array<i32>} : memref<100x64xf32, #tpu.memory_space<vmem>>, vector<1x16xf32>,
      %get3A_1849 = vector.shape_cast %get3A_1848 : vector<1x16xf32> to vector<16xf32>
      %add3A_1850 = arith.addf %add3A_1826, %get3A_1849 : vector<16xf32>
      %get3A_1851 = arith.constant 74 : i32
      %get3A_1852 = arith.index_cast %get3A_1851 : i32 to index
      %get3A_1853 = arith.constant 32 : index
      %get3A_1854 = tpu.vector_load %arg6[%get3A_1852, %get3A_1853] {strides = array<i32>} : memref<100x64xf32, #tpu.memory_space<vmem>>, vector<1x16xf32>,
      %get3A_1855 = vector.shape_cast %get3A_1854 : vector<1x16xf32> to vector<16xf32>
      %add3A_1856 = arith.addf %add3A_1832, %get3A_1855 : vector<16xf32>
      %get3A_1857 = arith.constant 74 : i32
      %get3A_1858 = arith.index_cast %get3A_1857 : i32 to index
      %get3A_1859 = arith.constant 48 : index
      %get3A_1860 = tpu.vector_load %arg6[%get3A_1858, %get3A_1859] {strides = array<i32>} : memref<100x64xf32, #tpu.memory_space<vmem>>, vector<1x16xf32>,
      %get3A_1861 = vector.shape_cast %get3A_1860 : vector<1x16xf32> to vector<16xf32>
      %add3A_1862 = arith.addf %add3A_1838, %get3A_1861 : vector<16xf32>
      %get3A_1863 = arith.constant 75 : i32
      %get3A_1864 = arith.index_cast %get3A_1863 : i32 to index
      %get3A_1865 = arith.constant 0 : index
      %get3A_1866 = tpu.vector_load %arg6[%get3A_1864, %get3A_1865] {strides = array<i32>} : memref<100x64xf32, #tpu.memory_space<vmem>>, vector<1x16xf32>,
      %get3A_1867 = vector.shape_cast %get3A_1866 : vector<1x16xf32> to vector<16xf32>
      %add3A_1868 = arith.addf %add3A_1844, %get3A_1867 : vector<16xf32>
      %get3A_1869 = arith.constant 75 : i32
      %get3A_1870 = arith.index_cast %get3A_1869 : i32 to index
      %get3A_1871 = arith.constant 16 : index
      %get3A_1872 = tpu.vector_load %arg6[%get3A_1870, %get3A_1871] {strides = array<i32>} : memref<100x64xf32, #tpu.memory_space<vmem>>, vector<1x16xf32>,
      %get3A_1873 = vector.shape_cast %get3A_1872 : vector<1x16xf32> to vector<16xf32>
      %add3A_1874 = arith.addf %add3A_1850, %get3A_1873 : vector<16xf32>
      %get3A_1875 = arith.constant 75 : i32
      %get3A_1876 = arith.index_cast %get3A_1875 : i32 to index
      %get3A_1877 = arith.constant 32 : index
      %get3A_1878 = tpu.vector_load %arg6[%get3A_1876, %get3A_1877] {strides = array<i32>} : memref<100x64xf32, #tpu.memory_space<vmem>>, vector<1x16xf32>,
      %get3A_1879 = vector.shape_cast %get3A_1878 : vector<1x16xf32> to vector<16xf32>
      %add3A_1880 = arith.addf %add3A_1856, %get3A_1879 : vector<16xf32>
      %get3A_1881 = arith.constant 75 : i32
      %get3A_1882 = arith.index_cast %get3A_1881 : i32 to index
      %get3A_1883 = arith.constant 48 : index
      %get3A_1884 = tpu.vector_load %arg6[%get3A_1882, %get3A_1883] {strides = array<i32>} : memref<100x64xf32, #tpu.memory_space<vmem>>, vector<1x16xf32>,
      %get3A_1885 = vector.shape_cast %get3A_1884 : vector<1x16xf32> to vector<16xf32>
      %add3A_1886 = arith.addf %add3A_1862, %get3A_1885 : vector<16xf32>
      %get3A_1887 = arith.constant 76 : i32
      %get3A_1888 = arith.index_cast %get3A_1887 : i32 to index
      %get3A_1889 = arith.constant 0 : index
      %get3A_1890 = tpu.vector_load %arg6[%get3A_1888, %get3A_1889] {strides = array<i32>} : memref<100x64xf32, #tpu.memory_space<vmem>>, vector<1x16xf32>,
      %get3A_1891 = vector.shape_cast %get3A_1890 : vector<1x16xf32> to vector<16xf32>
      %add3A_1892 = arith.addf %add3A_1868, %get3A_1891 : vector<16xf32>
      %get3A_1893 = arith.constant 76 : i32
      %get3A_1894 = arith.index_cast %get3A_1893 : i32 to index
      %get3A_1895 = arith.constant 16 : index
      %get3A_1896 = tpu.vector_load %arg6[%get3A_1894, %get3A_1895] {strides = array<i32>} : memref<100x64xf32, #tpu.memory_space<vmem>>, vector<1x16xf32>,
      %get3A_1897 = vector.shape_cast %get3A_1896 : vector<1x16xf32> to vector<16xf32>
      %add3A_1898 = arith.addf %add3A_1874, %get3A_1897 : vector<16xf32>
      %get3A_1899 = arith.constant 76 : i32
      %get3A_1900 = arith.index_cast %get3A_1899 : i32 to index
      %get3A_1901 = arith.constant 32 : index
      %get3A_1902 = tpu.vector_load %arg6[%get3A_1900, %get3A_1901] {strides = array<i32>} : memref<100x64xf32, #tpu.memory_space<vmem>>, vector<1x16xf32>,
      %get3A_1903 = vector.shape_cast %get3A_1902 : vector<1x16xf32> to vector<16xf32>
      %add3A_1904 = arith.addf %add3A_1880, %get3A_1903 : vector<16xf32>
      %get3A_1905 = arith.constant 76 : i32
      %get3A_1906 = arith.index_cast %get3A_1905 : i32 to index
      %get3A_1907 = arith.constant 48 : index
      %get3A_1908 = tpu.vector_load %arg6[%get3A_1906, %get3A_1907] {strides = array<i32>} : memref<100x64xf32, #tpu.memory_space<vmem>>, vector<1x16xf32>,
      %get3A_1909 = vector.shape_cast %get3A_1908 : vector<1x16xf32> to vector<16xf32>
      %add3A_1910 = arith.addf %add3A_1886, %get3A_1909 : vector<16xf32>
      %get3A_1911 = arith.constant 77 : i32
      %get3A_1912 = arith.index_cast %get3A_1911 : i32 to index
      %get3A_1913 = arith.constant 0 : index
      %get3A_1914 = tpu.vector_load %arg6[%get3A_1912, %get3A_1913] {strides = array<i32>} : memref<100x64xf32, #tpu.memory_space<vmem>>, vector<1x16xf32>,
      %get3A_1915 = vector.shape_cast %get3A_1914 : vector<1x16xf32> to vector<16xf32>
      %add3A_1916 = arith.addf %add3A_1892, %get3A_1915 : vector<16xf32>
      %get3A_1917 = arith.constant 77 : i32
      %get3A_1918 = arith.index_cast %get3A_1917 : i32 to index
      %get3A_1919 = arith.constant 16 : index
      %get3A_1920 = tpu.vector_load %arg6[%get3A_1918, %get3A_1919] {strides = array<i32>} : memref<100x64xf32, #tpu.memory_space<vmem>>, vector<1x16xf32>,
      %get3A_1921 = vector.shape_cast %get3A_1920 : vector<1x16xf32> to vector<16xf32>
      %add3A_1922 = arith.addf %add3A_1898, %get3A_1921 : vector<16xf32>
      %get3A_1923 = arith.constant 77 : i32
      %get3A_1924 = arith.index_cast %get3A_1923 : i32 to index
      %get3A_1925 = arith.constant 32 : index
      %get3A_1926 = tpu.vector_load %arg6[%get3A_1924, %get3A_1925] {strides = array<i32>} : memref<100x64xf32, #tpu.memory_space<vmem>>, vector<1x16xf32>,
      %get3A_1927 = vector.shape_cast %get3A_1926 : vector<1x16xf32> to vector<16xf32>
      %add3A_1928 = arith.addf %add3A_1904, %get3A_1927 : vector<16xf32>
      %get3A_1929 = arith.constant 77 : i32
      %get3A_1930 = arith.index_cast %get3A_1929 : i32 to index
      %get3A_1931 = arith.constant 48 : index
      %get3A_1932 = tpu.vector_load %arg6[%get3A_1930, %get3A_1931] {strides = array<i32>} : memref<100x64xf32, #tpu.memory_space<vmem>>, vector<1x16xf32>,
      %get3A_1933 = vector.shape_cast %get3A_1932 : vector<1x16xf32> to vector<16xf32>
      %add3A_1934 = arith.addf %add3A_1910, %get3A_1933 : vector<16xf32>
      %get3A_1935 = arith.constant 78 : i32
      %get3A_1936 = arith.index_cast %get3A_1935 : i32 to index
      %get3A_1937 = arith.constant 0 : index
      %get3A_1938 = tpu.vector_load %arg6[%get3A_1936, %get3A_1937] {strides = array<i32>} : memref<100x64xf32, #tpu.memory_space<vmem>>, vector<1x16xf32>,
      %get3A_1939 = vector.shape_cast %get3A_1938 : vector<1x16xf32> to vector<16xf32>
      %add3A_1940 = arith.addf %add3A_1916, %get3A_1939 : vector<16xf32>
      %get3A_1941 = arith.constant 78 : i32
      %get3A_1942 = arith.index_cast %get3A_1941 : i32 to index
      %get3A_1943 = arith.constant 16 : index
      %get3A_1944 = tpu.vector_load %arg6[%get3A_1942, %get3A_1943] {strides = array<i32>} : memref<100x64xf32, #tpu.memory_space<vmem>>, vector<1x16xf32>,
      %get3A_1945 = vector.shape_cast %get3A_1944 : vector<1x16xf32> to vector<16xf32>
      %add3A_1946 = arith.addf %add3A_1922, %get3A_1945 : vector<16xf32>
      %get3A_1947 = arith.constant 78 : i32
      %get3A_1948 = arith.index_cast %get3A_1947 : i32 to index
      %get3A_1949 = arith.constant 32 : index
      %get3A_1950 = tpu.vector_load %arg6[%get3A_1948, %get3A_1949] {strides = array<i32>} : memref<100x64xf32, #tpu.memory_space<vmem>>, vector<1x16xf32>,
      %get3A_1951 = vector.shape_cast %get3A_1950 : vector<1x16xf32> to vector<16xf32>
      %add3A_1952 = arith.addf %add3A_1928, %get3A_1951 : vector<16xf32>
      %get3A_1953 = arith.constant 78 : i32
      %get3A_1954 = arith.index_cast %get3A_1953 : i32 to index
      %get3A_1955 = arith.constant 48 : index
      %get3A_1956 = tpu.vector_load %arg6[%get3A_1954, %get3A_1955] {strides = array<i32>} : memref<100x64xf32, #tpu.memory_space<vmem>>, vector<1x16xf32>,
      %get3A_1957 = vector.shape_cast %get3A_1956 : vector<1x16xf32> to vector<16xf32>
      %add3A_1958 = arith.addf %add3A_1934, %get3A_1957 : vector<16xf32>
      %get3A_1959 = arith.constant 79 : i32
      %get3A_1960 = arith.index_cast %get3A_1959 : i32 to index
      %get3A_1961 = arith.constant 0 : index
      %get3A_1962 = tpu.vector_load %arg6[%get3A_1960, %get3A_1961] {strides = array<i32>} : memref<100x64xf32, #tpu.memory_space<vmem>>, vector<1x16xf32>,
      %get3A_1963 = vector.shape_cast %get3A_1962 : vector<1x16xf32> to vector<16xf32>
      %add3A_1964 = arith.addf %add3A_1940, %get3A_1963 : vector<16xf32>
      %get3A_1965 = arith.constant 79 : i32
      %get3A_1966 = arith.index_cast %get3A_1965 : i32 to index
      %get3A_1967 = arith.constant 16 : index
      %get3A_1968 = tpu.vector_load %arg6[%get3A_1966, %get3A_1967] {strides = array<i32>} : memref<100x64xf32, #tpu.memory_space<vmem>>, vector<1x16xf32>,
      %get3A_1969 = vector.shape_cast %get3A_1968 : vector<1x16xf32> to vector<16xf32>
      %add3A_1970 = arith.addf %add3A_1946, %get3A_1969 : vector<16xf32>
      %get3A_1971 = arith.constant 79 : i32
      %get3A_1972 = arith.index_cast %get3A_1971 : i32 to index
      %get3A_1973 = arith.constant 32 : index
      %get3A_1974 = tpu.vector_load %arg6[%get3A_1972, %get3A_1973] {strides = array<i32>} : memref<100x64xf32, #tpu.memory_space<vmem>>, vector<1x16xf32>,
      %get3A_1975 = vector.shape_cast %get3A_1974 : vector<1x16xf32> to vector<16xf32>
      %add3A_1976 = arith.addf %add3A_1952, %get3A_1975 : vector<16xf32>
      %get3A_1977 = arith.constant 79 : i32
      %get3A_1978 = arith.index_cast %get3A_1977 : i32 to index
      %get3A_1979 = arith.constant 48 : index
      %get3A_1980 = tpu.vector_load %arg6[%get3A_1978, %get3A_1979] {strides = array<i32>} : memref<100x64xf32, #tpu.memory_space<vmem>>, vector<1x16xf32>,
      %get3A_1981 = vector.shape_cast %get3A_1980 : vector<1x16xf32> to vector<16xf32>
      %add3A_1982 = arith.addf %add3A_1958, %get3A_1981 : vector<16xf32>
      %get3A_1983 = arith.constant 80 : i32
      %get3A_1984 = arith.index_cast %get3A_1983 : i32 to index
      %get3A_1985 = arith.constant 0 : index
      %get3A_1986 = tpu.vector_load %arg6[%get3A_1984, %get3A_1985] {strides = array<i32>} : memref<100x64xf32, #tpu.memory_space<vmem>>, vector<1x16xf32>,
      %get3A_1987 = vector.shape_cast %get3A_1986 : vector<1x16xf32> to vector<16xf32>
      %add3A_1988 = arith.addf %add3A_1964, %get3A_1987 : vector<16xf32>
      %get3A_1989 = arith.constant 80 : i32
      %get3A_1990 = arith.index_cast %get3A_1989 : i32 to index
      %get3A_1991 = arith.constant 16 : index
      %get3A_1992 = tpu.vector_load %arg6[%get3A_1990, %get3A_1991] {strides = array<i32>} : memref<100x64xf32, #tpu.memory_space<vmem>>, vector<1x16xf32>,
      %get3A_1993 = vector.shape_cast %get3A_1992 : vector<1x16xf32> to vector<16xf32>
      %add3A_1994 = arith.addf %add3A_1970, %get3A_1993 : vector<16xf32>
      %get3A_1995 = arith.constant 80 : i32
      %get3A_1996 = arith.index_cast %get3A_1995 : i32 to index
      %get3A_1997 = arith.constant 32 : index
      %get3A_1998 = tpu.vector_load %arg6[%get3A_1996, %get3A_1997] {strides = array<i32>} : memref<100x64xf32, #tpu.memory_space<vmem>>, vector<1x16xf32>,
      %get3A_1999 = vector.shape_cast %get3A_1998 : vector<1x16xf32> to vector<16xf32>
      %add3A_2000 = arith.addf %add3A_1976, %get3A_1999 : vector<16xf32>
      %get3A_2001 = arith.constant 80 : i32
      %get3A_2002 = arith.index_cast %get3A_2001 : i32 to index
      %get3A_2003 = arith.constant 48 : index
      %get3A_2004 = tpu.vector_load %arg6[%get3A_2002, %get3A_2003] {strides = array<i32>} : memref<100x64xf32, #tpu.memory_space<vmem>>, vector<1x16xf32>,
      %get3A_2005 = vector.shape_cast %get3A_2004 : vector<1x16xf32> to vector<16xf32>
      %add3A_2006 = arith.addf %add3A_1982, %get3A_2005 : vector<16xf32>
      %get3A_2007 = arith.constant 81 : i32
      %get3A_2008 = arith.index_cast %get3A_2007 : i32 to index
      %get3A_2009 = arith.constant 0 : index
      %get3A_2010 = tpu.vector_load %arg6[%get3A_2008, %get3A_2009] {strides = array<i32>} : memref<100x64xf32, #tpu.memory_space<vmem>>, vector<1x16xf32>,
      %get3A_2011 = vector.shape_cast %get3A_2010 : vector<1x16xf32> to vector<16xf32>
      %add3A_2012 = arith.addf %add3A_1988, %get3A_2011 : vector<16xf32>
      %get3A_2013 = arith.constant 81 : i32
      %get3A_2014 = arith.index_cast %get3A_2013 : i32 to index
      %get3A_2015 = arith.constant 16 : index
      %get3A_2016 = tpu.vector_load %arg6[%get3A_2014, %get3A_2015] {strides = array<i32>} : memref<100x64xf32, #tpu.memory_space<vmem>>, vector<1x16xf32>,
      %get3A_2017 = vector.shape_cast %get3A_2016 : vector<1x16xf32> to vector<16xf32>
      %add3A_2018 = arith.addf %add3A_1994, %get3A_2017 : vector<16xf32>
      %get3A_2019 = arith.constant 81 : i32
      %get3A_2020 = arith.index_cast %get3A_2019 : i32 to index
      %get3A_2021 = arith.constant 32 : index
      %get3A_2022 = tpu.vector_load %arg6[%get3A_2020, %get3A_2021] {strides = array<i32>} : memref<100x64xf32, #tpu.memory_space<vmem>>, vector<1x16xf32>,
      %get3A_2023 = vector.shape_cast %get3A_2022 : vector<1x16xf32> to vector<16xf32>
      %add3A_2024 = arith.addf %add3A_2000, %get3A_2023 : vector<16xf32>
      %get3A_2025 = arith.constant 81 : i32
      %get3A_2026 = arith.index_cast %get3A_2025 : i32 to index
      %get3A_2027 = arith.constant 48 : index
      %get3A_2028 = tpu.vector_load %arg6[%get3A_2026, %get3A_2027] {strides = array<i32>} : memref<100x64xf32, #tpu.memory_space<vmem>>, vector<1x16xf32>,
      %get3A_2029 = vector.shape_cast %get3A_2028 : vector<1x16xf32> to vector<16xf32>
      %add3A_2030 = arith.addf %add3A_2006, %get3A_2029 : vector<16xf32>
      %get3A_2031 = arith.constant 82 : i32
      %get3A_2032 = arith.index_cast %get3A_2031 : i32 to index
      %get3A_2033 = arith.constant 0 : index
      %get3A_2034 = tpu.vector_load %arg6[%get3A_2032, %get3A_2033] {strides = array<i32>} : memref<100x64xf32, #tpu.memory_space<vmem>>, vector<1x16xf32>,
      %get3A_2035 = vector.shape_cast %get3A_2034 : vector<1x16xf32> to vector<16xf32>
      %add3A_2036 = arith.addf %add3A_2012, %get3A_2035 : vector<16xf32>
      %get3A_2037 = arith.constant 82 : i32
      %get3A_2038 = arith.index_cast %get3A_2037 : i32 to index
      %get3A_2039 = arith.constant 16 : index
      %get3A_2040 = tpu.vector_load %arg6[%get3A_2038, %get3A_2039] {strides = array<i32>} : memref<100x64xf32, #tpu.memory_space<vmem>>, vector<1x16xf32>,
      %get3A_2041 = vector.shape_cast %get3A_2040 : vector<1x16xf32> to vector<16xf32>
      %add3A_2042 = arith.addf %add3A_2018, %get3A_2041 : vector<16xf32>
      %get3A_2043 = arith.constant 82 : i32
      %get3A_2044 = arith.index_cast %get3A_2043 : i32 to index
      %get3A_2045 = arith.constant 32 : index
      %get3A_2046 = tpu.vector_load %arg6[%get3A_2044, %get3A_2045] {strides = array<i32>} : memref<100x64xf32, #tpu.memory_space<vmem>>, vector<1x16xf32>,
      %get3A_2047 = vector.shape_cast %get3A_2046 : vector<1x16xf32> to vector<16xf32>
      %add3A_2048 = arith.addf %add3A_2024, %get3A_2047 : vector<16xf32>
      %get3A_2049 = arith.constant 82 : i32
      %get3A_2050 = arith.index_cast %get3A_2049 : i32 to index
      %get3A_2051 = arith.constant 48 : index
      %get3A_2052 = tpu.vector_load %arg6[%get3A_2050, %get3A_2051] {strides = array<i32>} : memref<100x64xf32, #tpu.memory_space<vmem>>, vector<1x16xf32>,
      %get3A_2053 = vector.shape_cast %get3A_2052 : vector<1x16xf32> to vector<16xf32>
      %add3A_2054 = arith.addf %add3A_2030, %get3A_2053 : vector<16xf32>
      %get3A_2055 = arith.constant 83 : i32
      %get3A_2056 = arith.index_cast %get3A_2055 : i32 to index
      %get3A_2057 = arith.constant 0 : index
      %get3A_2058 = tpu.vector_load %arg6[%get3A_2056, %get3A_2057] {strides = array<i32>} : memref<100x64xf32, #tpu.memory_space<vmem>>, vector<1x16xf32>,
      %get3A_2059 = vector.shape_cast %get3A_2058 : vector<1x16xf32> to vector<16xf32>
      %add3A_2060 = arith.addf %add3A_2036, %get3A_2059 : vector<16xf32>
      %get3A_2061 = arith.constant 83 : i32
      %get3A_2062 = arith.index_cast %get3A_2061 : i32 to index
      %get3A_2063 = arith.constant 16 : index
      %get3A_2064 = tpu.vector_load %arg6[%get3A_2062, %get3A_2063] {strides = array<i32>} : memref<100x64xf32, #tpu.memory_space<vmem>>, vector<1x16xf32>,
      %get3A_2065 = vector.shape_cast %get3A_2064 : vector<1x16xf32> to vector<16xf32>
      %add3A_2066 = arith.addf %add3A_2042, %get3A_2065 : vector<16xf32>
      %get3A_2067 = arith.constant 83 : i32
      %get3A_2068 = arith.index_cast %get3A_2067 : i32 to index
      %get3A_2069 = arith.constant 32 : index
      %get3A_2070 = tpu.vector_load %arg6[%get3A_2068, %get3A_2069] {strides = array<i32>} : memref<100x64xf32, #tpu.memory_space<vmem>>, vector<1x16xf32>,
      %get3A_2071 = vector.shape_cast %get3A_2070 : vector<1x16xf32> to vector<16xf32>
      %add3A_2072 = arith.addf %add3A_2048, %get3A_2071 : vector<16xf32>
      %get3A_2073 = arith.constant 83 : i32
      %get3A_2074 = arith.index_cast %get3A_2073 : i32 to index
      %get3A_2075 = arith.constant 48 : index
      %get3A_2076 = tpu.vector_load %arg6[%get3A_2074, %get3A_2075] {strides = array<i32>} : memref<100x64xf32, #tpu.memory_space<vmem>>, vector<1x16xf32>,
      %get3A_2077 = vector.shape_cast %get3A_2076 : vector<1x16xf32> to vector<16xf32>
      %add3A_2078 = arith.addf %add3A_2054, %get3A_2077 : vector<16xf32>
      %get3A_2079 = arith.constant 84 : i32
      %get3A_2080 = arith.index_cast %get3A_2079 : i32 to index
      %get3A_2081 = arith.constant 0 : index
      %get3A_2082 = tpu.vector_load %arg6[%get3A_2080, %get3A_2081] {strides = array<i32>} : memref<100x64xf32, #tpu.memory_space<vmem>>, vector<1x16xf32>,
      %get3A_2083 = vector.shape_cast %get3A_2082 : vector<1x16xf32> to vector<16xf32>
      %add3A_2084 = arith.addf %add3A_2060, %get3A_2083 : vector<16xf32>
      %get3A_2085 = arith.constant 84 : i32
      %get3A_2086 = arith.index_cast %get3A_2085 : i32 to index
      %get3A_2087 = arith.constant 16 : index
      %get3A_2088 = tpu.vector_load %arg6[%get3A_2086, %get3A_2087] {strides = array<i32>} : memref<100x64xf32, #tpu.memory_space<vmem>>, vector<1x16xf32>,
      %get3A_2089 = vector.shape_cast %get3A_2088 : vector<1x16xf32> to vector<16xf32>
      %add3A_2090 = arith.addf %add3A_2066, %get3A_2089 : vector<16xf32>
      %get3A_2091 = arith.constant 84 : i32
      %get3A_2092 = arith.index_cast %get3A_2091 : i32 to index
      %get3A_2093 = arith.constant 32 : index
      %get3A_2094 = tpu.vector_load %arg6[%get3A_2092, %get3A_2093] {strides = array<i32>} : memref<100x64xf32, #tpu.memory_space<vmem>>, vector<1x16xf32>,
      %get3A_2095 = vector.shape_cast %get3A_2094 : vector<1x16xf32> to vector<16xf32>
      %add3A_2096 = arith.addf %add3A_2072, %get3A_2095 : vector<16xf32>
      %get3A_2097 = arith.constant 84 : i32
      %get3A_2098 = arith.index_cast %get3A_2097 : i32 to index
      %get3A_2099 = arith.constant 48 : index
      %get3A_2100 = tpu.vector_load %arg6[%get3A_2098, %get3A_2099] {strides = array<i32>} : memref<100x64xf32, #tpu.memory_space<vmem>>, vector<1x16xf32>,
      %get3A_2101 = vector.shape_cast %get3A_2100 : vector<1x16xf32> to vector<16xf32>
      %add3A_2102 = arith.addf %add3A_2078, %get3A_2101 : vector<16xf32>
      %get3A_2103 = arith.constant 85 : i32
      %get3A_2104 = arith.index_cast %get3A_2103 : i32 to index
      %get3A_2105 = arith.constant 0 : index
      %get3A_2106 = tpu.vector_load %arg6[%get3A_2104, %get3A_2105] {strides = array<i32>} : memref<100x64xf32, #tpu.memory_space<vmem>>, vector<1x16xf32>,
      %get3A_2107 = vector.shape_cast %get3A_2106 : vector<1x16xf32> to vector<16xf32>
      %add3A_2108 = arith.addf %add3A_2084, %get3A_2107 : vector<16xf32>
      %get3A_2109 = arith.constant 85 : i32
      %get3A_2110 = arith.index_cast %get3A_2109 : i32 to index
      %get3A_2111 = arith.constant 16 : index
      %get3A_2112 = tpu.vector_load %arg6[%get3A_2110, %get3A_2111] {strides = array<i32>} : memref<100x64xf32, #tpu.memory_space<vmem>>, vector<1x16xf32>,
      %get3A_2113 = vector.shape_cast %get3A_2112 : vector<1x16xf32> to vector<16xf32>
      %add3A_2114 = arith.addf %add3A_2090, %get3A_2113 : vector<16xf32>
      %get3A_2115 = arith.constant 85 : i32
      %get3A_2116 = arith.index_cast %get3A_2115 : i32 to index
      %get3A_2117 = arith.constant 32 : index
      %get3A_2118 = tpu.vector_load %arg6[%get3A_2116, %get3A_2117] {strides = array<i32>} : memref<100x64xf32, #tpu.memory_space<vmem>>, vector<1x16xf32>,
      %get3A_2119 = vector.shape_cast %get3A_2118 : vector<1x16xf32> to vector<16xf32>
      %add3A_2120 = arith.addf %add3A_2096, %get3A_2119 : vector<16xf32>
      %get3A_2121 = arith.constant 85 : i32
      %get3A_2122 = arith.index_cast %get3A_2121 : i32 to index
      %get3A_2123 = arith.constant 48 : index
      %get3A_2124 = tpu.vector_load %arg6[%get3A_2122, %get3A_2123] {strides = array<i32>} : memref<100x64xf32, #tpu.memory_space<vmem>>, vector<1x16xf32>,
      %get3A_2125 = vector.shape_cast %get3A_2124 : vector<1x16xf32> to vector<16xf32>
      %add3A_2126 = arith.addf %add3A_2102, %get3A_2125 : vector<16xf32>
      %get3A_2127 = arith.constant 86 : i32
      %get3A_2128 = arith.index_cast %get3A_2127 : i32 to index
      %get3A_2129 = arith.constant 0 : index
      %get3A_2130 = tpu.vector_load %arg6[%get3A_2128, %get3A_2129] {strides = array<i32>} : memref<100x64xf32, #tpu.memory_space<vmem>>, vector<1x16xf32>,
      %get3A_2131 = vector.shape_cast %get3A_2130 : vector<1x16xf32> to vector<16xf32>
      %add3A_2132 = arith.addf %add3A_2108, %get3A_2131 : vector<16xf32>
      %get3A_2133 = arith.constant 86 : i32
      %get3A_2134 = arith.index_cast %get3A_2133 : i32 to index
      %get3A_2135 = arith.constant 16 : index
      %get3A_2136 = tpu.vector_load %arg6[%get3A_2134, %get3A_2135] {strides = array<i32>} : memref<100x64xf32, #tpu.memory_space<vmem>>, vector<1x16xf32>,
      %get3A_2137 = vector.shape_cast %get3A_2136 : vector<1x16xf32> to vector<16xf32>
      %add3A_2138 = arith.addf %add3A_2114, %get3A_2137 : vector<16xf32>
      %get3A_2139 = arith.constant 86 : i32
      %get3A_2140 = arith.index_cast %get3A_2139 : i32 to index
      %get3A_2141 = arith.constant 32 : index
      %get3A_2142 = tpu.vector_load %arg6[%get3A_2140, %get3A_2141] {strides = array<i32>} : memref<100x64xf32, #tpu.memory_space<vmem>>, vector<1x16xf32>,
      %get3A_2143 = vector.shape_cast %get3A_2142 : vector<1x16xf32> to vector<16xf32>
      %add3A_2144 = arith.addf %add3A_2120, %get3A_2143 : vector<16xf32>
      %get3A_2145 = arith.constant 86 : i32
      %get3A_2146 = arith.index_cast %get3A_2145 : i32 to index
      %get3A_2147 = arith.constant 48 : index
      %get3A_2148 = tpu.vector_load %arg6[%get3A_2146, %get3A_2147] {strides = array<i32>} : memref<100x64xf32, #tpu.memory_space<vmem>>, vector<1x16xf32>,
      %get3A_2149 = vector.shape_cast %get3A_2148 : vector<1x16xf32> to vector<16xf32>
      %add3A_2150 = arith.addf %add3A_2126, %get3A_2149 : vector<16xf32>
      %get3A_2151 = arith.constant 87 : i32
      %get3A_2152 = arith.index_cast %get3A_2151 : i32 to index
      %get3A_2153 = arith.constant 0 : index
      %get3A_2154 = tpu.vector_load %arg6[%get3A_2152, %get3A_2153] {strides = array<i32>} : memref<100x64xf32, #tpu.memory_space<vmem>>, vector<1x16xf32>,
      %get3A_2155 = vector.shape_cast %get3A_2154 : vector<1x16xf32> to vector<16xf32>
      %add3A_2156 = arith.addf %add3A_2132, %get3A_2155 : vector<16xf32>
      %get3A_2157 = arith.constant 87 : i32
      %get3A_2158 = arith.index_cast %get3A_2157 : i32 to index
      %get3A_2159 = arith.constant 16 : index
      %get3A_2160 = tpu.vector_load %arg6[%get3A_2158, %get3A_2159] {strides = array<i32>} : memref<100x64xf32, #tpu.memory_space<vmem>>, vector<1x16xf32>,
      %get3A_2161 = vector.shape_cast %get3A_2160 : vector<1x16xf32> to vector<16xf32>
      %add3A_2162 = arith.addf %add3A_2138, %get3A_2161 : vector<16xf32>
      %get3A_2163 = arith.constant 87 : i32
      %get3A_2164 = arith.index_cast %get3A_2163 : i32 to index
      %get3A_2165 = arith.constant 32 : index
      %get3A_2166 = tpu.vector_load %arg6[%get3A_2164, %get3A_2165] {strides = array<i32>} : memref<100x64xf32, #tpu.memory_space<vmem>>, vector<1x16xf32>,
      %get3A_2167 = vector.shape_cast %get3A_2166 : vector<1x16xf32> to vector<16xf32>
      %add3A_2168 = arith.addf %add3A_2144, %get3A_2167 : vector<16xf32>
      %get3A_2169 = arith.constant 87 : i32
      %get3A_2170 = arith.index_cast %get3A_2169 : i32 to index
      %get3A_2171 = arith.constant 48 : index
      %get3A_2172 = tpu.vector_load %arg6[%get3A_2170, %get3A_2171] {strides = array<i32>} : memref<100x64xf32, #tpu.memory_space<vmem>>, vector<1x16xf32>,
      %get3A_2173 = vector.shape_cast %get3A_2172 : vector<1x16xf32> to vector<16xf32>
      %add3A_2174 = arith.addf %add3A_2150, %get3A_2173 : vector<16xf32>
      %get3A_2175 = arith.constant 88 : i32
      %get3A_2176 = arith.index_cast %get3A_2175 : i32 to index
      %get3A_2177 = arith.constant 0 : index
      %get3A_2178 = tpu.vector_load %arg6[%get3A_2176, %get3A_2177] {strides = array<i32>} : memref<100x64xf32, #tpu.memory_space<vmem>>, vector<1x16xf32>,
      %get3A_2179 = vector.shape_cast %get3A_2178 : vector<1x16xf32> to vector<16xf32>
      %add3A_2180 = arith.addf %add3A_2156, %get3A_2179 : vector<16xf32>
      %get3A_2181 = arith.constant 88 : i32
      %get3A_2182 = arith.index_cast %get3A_2181 : i32 to index
      %get3A_2183 = arith.constant 16 : index
      %get3A_2184 = tpu.vector_load %arg6[%get3A_2182, %get3A_2183] {strides = array<i32>} : memref<100x64xf32, #tpu.memory_space<vmem>>, vector<1x16xf32>,
      %get3A_2185 = vector.shape_cast %get3A_2184 : vector<1x16xf32> to vector<16xf32>
      %add3A_2186 = arith.addf %add3A_2162, %get3A_2185 : vector<16xf32>
      %get3A_2187 = arith.constant 88 : i32
      %get3A_2188 = arith.index_cast %get3A_2187 : i32 to index
      %get3A_2189 = arith.constant 32 : index
      %get3A_2190 = tpu.vector_load %arg6[%get3A_2188, %get3A_2189] {strides = array<i32>} : memref<100x64xf32, #tpu.memory_space<vmem>>, vector<1x16xf32>,
      %get3A_2191 = vector.shape_cast %get3A_2190 : vector<1x16xf32> to vector<16xf32>
      %add3A_2192 = arith.addf %add3A_2168, %get3A_2191 : vector<16xf32>
      %get3A_2193 = arith.constant 88 : i32
      %get3A_2194 = arith.index_cast %get3A_2193 : i32 to index
      %get3A_2195 = arith.constant 48 : index
      %get3A_2196 = tpu.vector_load %arg6[%get3A_2194, %get3A_2195] {strides = array<i32>} : memref<100x64xf32, #tpu.memory_space<vmem>>, vector<1x16xf32>,
      %get3A_2197 = vector.shape_cast %get3A_2196 : vector<1x16xf32> to vector<16xf32>
      %add3A_2198 = arith.addf %add3A_2174, %get3A_2197 : vector<16xf32>
      %get3A_2199 = arith.constant 89 : i32
      %get3A_2200 = arith.index_cast %get3A_2199 : i32 to index
      %get3A_2201 = arith.constant 0 : index
      %get3A_2202 = tpu.vector_load %arg6[%get3A_2200, %get3A_2201] {strides = array<i32>} : memref<100x64xf32, #tpu.memory_space<vmem>>, vector<1x16xf32>,
      %get3A_2203 = vector.shape_cast %get3A_2202 : vector<1x16xf32> to vector<16xf32>
      %add3A_2204 = arith.addf %add3A_2180, %get3A_2203 : vector<16xf32>
      %get3A_2205 = arith.constant 89 : i32
      %get3A_2206 = arith.index_cast %get3A_2205 : i32 to index
      %get3A_2207 = arith.constant 16 : index
      %get3A_2208 = tpu.vector_load %arg6[%get3A_2206, %get3A_2207] {strides = array<i32>} : memref<100x64xf32, #tpu.memory_space<vmem>>, vector<1x16xf32>,
      %get3A_2209 = vector.shape_cast %get3A_2208 : vector<1x16xf32> to vector<16xf32>
      %add3A_2210 = arith.addf %add3A_2186, %get3A_2209 : vector<16xf32>
      %get3A_2211 = arith.constant 89 : i32
      %get3A_2212 = arith.index_cast %get3A_2211 : i32 to index
      %get3A_2213 = arith.constant 32 : index
      %get3A_2214 = tpu.vector_load %arg6[%get3A_2212, %get3A_2213] {strides = array<i32>} : memref<100x64xf32, #tpu.memory_space<vmem>>, vector<1x16xf32>,
      %get3A_2215 = vector.shape_cast %get3A_2214 : vector<1x16xf32> to vector<16xf32>
      %add3A_2216 = arith.addf %add3A_2192, %get3A_2215 : vector<16xf32>
      %get3A_2217 = arith.constant 89 : i32
      %get3A_2218 = arith.index_cast %get3A_2217 : i32 to index
      %get3A_2219 = arith.constant 48 : index
      %get3A_2220 = tpu.vector_load %arg6[%get3A_2218, %get3A_2219] {strides = array<i32>} : memref<100x64xf32, #tpu.memory_space<vmem>>, vector<1x16xf32>,
      %get3A_2221 = vector.shape_cast %get3A_2220 : vector<1x16xf32> to vector<16xf32>
      %add3A_2222 = arith.addf %add3A_2198, %get3A_2221 : vector<16xf32>
      %get3A_2223 = arith.constant 90 : i32
      %get3A_2224 = arith.index_cast %get3A_2223 : i32 to index
      %get3A_2225 = arith.constant 0 : index
      %get3A_2226 = tpu.vector_load %arg6[%get3A_2224, %get3A_2225] {strides = array<i32>} : memref<100x64xf32, #tpu.memory_space<vmem>>, vector<1x16xf32>,
      %get3A_2227 = vector.shape_cast %get3A_2226 : vector<1x16xf32> to vector<16xf32>
      %add3A_2228 = arith.addf %add3A_2204, %get3A_2227 : vector<16xf32>
      %get3A_2229 = arith.constant 90 : i32
      %get3A_2230 = arith.index_cast %get3A_2229 : i32 to index
      %get3A_2231 = arith.constant 16 : index
      %get3A_2232 = tpu.vector_load %arg6[%get3A_2230, %get3A_2231] {strides = array<i32>} : memref<100x64xf32, #tpu.memory_space<vmem>>, vector<1x16xf32>,
      %get3A_2233 = vector.shape_cast %get3A_2232 : vector<1x16xf32> to vector<16xf32>
      %add3A_2234 = arith.addf %add3A_2210, %get3A_2233 : vector<16xf32>
      %get3A_2235 = arith.constant 90 : i32
      %get3A_2236 = arith.index_cast %get3A_2235 : i32 to index
      %get3A_2237 = arith.constant 32 : index
      %get3A_2238 = tpu.vector_load %arg6[%get3A_2236, %get3A_2237] {strides = array<i32>} : memref<100x64xf32, #tpu.memory_space<vmem>>, vector<1x16xf32>,
      %get3A_2239 = vector.shape_cast %get3A_2238 : vector<1x16xf32> to vector<16xf32>
      %add3A_2240 = arith.addf %add3A_2216, %get3A_2239 : vector<16xf32>
      %get3A_2241 = arith.constant 90 : i32
      %get3A_2242 = arith.index_cast %get3A_2241 : i32 to index
      %get3A_2243 = arith.constant 48 : index
      %get3A_2244 = tpu.vector_load %arg6[%get3A_2242, %get3A_2243] {strides = array<i32>} : memref<100x64xf32, #tpu.memory_space<vmem>>, vector<1x16xf32>,
      %get3A_2245 = vector.shape_cast %get3A_2244 : vector<1x16xf32> to vector<16xf32>
      %add3A_2246 = arith.addf %add3A_2222, %get3A_2245 : vector<16xf32>
      %get3A_2247 = arith.constant 91 : i32
      %get3A_2248 = arith.index_cast %get3A_2247 : i32 to index
      %get3A_2249 = arith.constant 0 : index
      %get3A_2250 = tpu.vector_load %arg6[%get3A_2248, %get3A_2249] {strides = array<i32>} : memref<100x64xf32, #tpu.memory_space<vmem>>, vector<1x16xf32>,
      %get3A_2251 = vector.shape_cast %get3A_2250 : vector<1x16xf32> to vector<16xf32>
      %add3A_2252 = arith.addf %add3A_2228, %get3A_2251 : vector<16xf32>
      %get3A_2253 = arith.constant 91 : i32
      %get3A_2254 = arith.index_cast %get3A_2253 : i32 to index
      %get3A_2255 = arith.constant 16 : index
      %get3A_2256 = tpu.vector_load %arg6[%get3A_2254, %get3A_2255] {strides = array<i32>} : memref<100x64xf32, #tpu.memory_space<vmem>>, vector<1x16xf32>,
      %get3A_2257 = vector.shape_cast %get3A_2256 : vector<1x16xf32> to vector<16xf32>
      %add3A_2258 = arith.addf %add3A_2234, %get3A_2257 : vector<16xf32>
      %get3A_2259 = arith.constant 91 : i32
      %get3A_2260 = arith.index_cast %get3A_2259 : i32 to index
      %get3A_2261 = arith.constant 32 : index
      %get3A_2262 = tpu.vector_load %arg6[%get3A_2260, %get3A_2261] {strides = array<i32>} : memref<100x64xf32, #tpu.memory_space<vmem>>, vector<1x16xf32>,
      %get3A_2263 = vector.shape_cast %get3A_2262 : vector<1x16xf32> to vector<16xf32>
      %add3A_2264 = arith.addf %add3A_2240, %get3A_2263 : vector<16xf32>
      %get3A_2265 = arith.constant 91 : i32
      %get3A_2266 = arith.index_cast %get3A_2265 : i32 to index
      %get3A_2267 = arith.constant 48 : index
      %get3A_2268 = tpu.vector_load %arg6[%get3A_2266, %get3A_2267] {strides = array<i32>} : memref<100x64xf32, #tpu.memory_space<vmem>>, vector<1x16xf32>,
      %get3A_2269 = vector.shape_cast %get3A_2268 : vector<1x16xf32> to vector<16xf32>
      %add3A_2270 = arith.addf %add3A_2246, %get3A_2269 : vector<16xf32>
      %get3A_2271 = arith.constant 92 : i32
      %get3A_2272 = arith.index_cast %get3A_2271 : i32 to index
      %get3A_2273 = arith.constant 0 : index
      %get3A_2274 = tpu.vector_load %arg6[%get3A_2272, %get3A_2273] {strides = array<i32>} : memref<100x64xf32, #tpu.memory_space<vmem>>, vector<1x16xf32>,
      %get3A_2275 = vector.shape_cast %get3A_2274 : vector<1x16xf32> to vector<16xf32>
      %add3A_2276 = arith.addf %add3A_2252, %get3A_2275 : vector<16xf32>
      %get3A_2277 = arith.constant 92 : i32
      %get3A_2278 = arith.index_cast %get3A_2277 : i32 to index
      %get3A_2279 = arith.constant 16 : index
      %get3A_2280 = tpu.vector_load %arg6[%get3A_2278, %get3A_2279] {strides = array<i32>} : memref<100x64xf32, #tpu.memory_space<vmem>>, vector<1x16xf32>,
      %get3A_2281 = vector.shape_cast %get3A_2280 : vector<1x16xf32> to vector<16xf32>
      %add3A_2282 = arith.addf %add3A_2258, %get3A_2281 : vector<16xf32>
      %get3A_2283 = arith.constant 92 : i32
      %get3A_2284 = arith.index_cast %get3A_2283 : i32 to index
      %get3A_2285 = arith.constant 32 : index
      %get3A_2286 = tpu.vector_load %arg6[%get3A_2284, %get3A_2285] {strides = array<i32>} : memref<100x64xf32, #tpu.memory_space<vmem>>, vector<1x16xf32>,
      %get3A_2287 = vector.shape_cast %get3A_2286 : vector<1x16xf32> to vector<16xf32>
      %add3A_2288 = arith.addf %add3A_2264, %get3A_2287 : vector<16xf32>
      %get3A_2289 = arith.constant 92 : i32
      %get3A_2290 = arith.index_cast %get3A_2289 : i32 to index
      %get3A_2291 = arith.constant 48 : index
      %get3A_2292 = tpu.vector_load %arg6[%get3A_2290, %get3A_2291] {strides = array<i32>} : memref<100x64xf32, #tpu.memory_space<vmem>>, vector<1x16xf32>,
      %get3A_2293 = vector.shape_cast %get3A_2292 : vector<1x16xf32> to vector<16xf32>
      %add3A_2294 = arith.addf %add3A_2270, %get3A_2293 : vector<16xf32>
      %get3A_2295 = arith.constant 93 : i32
      %get3A_2296 = arith.index_cast %get3A_2295 : i32 to index
      %get3A_2297 = arith.constant 0 : index
      %get3A_2298 = tpu.vector_load %arg6[%get3A_2296, %get3A_2297] {strides = array<i32>} : memref<100x64xf32, #tpu.memory_space<vmem>>, vector<1x16xf32>,
      %get3A_2299 = vector.shape_cast %get3A_2298 : vector<1x16xf32> to vector<16xf32>
      %add3A_2300 = arith.addf %add3A_2276, %get3A_2299 : vector<16xf32>
      %get3A_2301 = arith.constant 93 : i32
      %get3A_2302 = arith.index_cast %get3A_2301 : i32 to index
      %get3A_2303 = arith.constant 16 : index
      %get3A_2304 = tpu.vector_load %arg6[%get3A_2302, %get3A_2303] {strides = array<i32>} : memref<100x64xf32, #tpu.memory_space<vmem>>, vector<1x16xf32>,
      %get3A_2305 = vector.shape_cast %get3A_2304 : vector<1x16xf32> to vector<16xf32>
      %add3A_2306 = arith.addf %add3A_2282, %get3A_2305 : vector<16xf32>
      %get3A_2307 = arith.constant 93 : i32
      %get3A_2308 = arith.index_cast %get3A_2307 : i32 to index
      %get3A_2309 = arith.constant 32 : index
      %get3A_2310 = tpu.vector_load %arg6[%get3A_2308, %get3A_2309] {strides = array<i32>} : memref<100x64xf32, #tpu.memory_space<vmem>>, vector<1x16xf32>,
      %get3A_2311 = vector.shape_cast %get3A_2310 : vector<1x16xf32> to vector<16xf32>
      %add3A_2312 = arith.addf %add3A_2288, %get3A_2311 : vector<16xf32>
      %get3A_2313 = arith.constant 93 : i32
      %get3A_2314 = arith.index_cast %get3A_2313 : i32 to index
      %get3A_2315 = arith.constant 48 : index
      %get3A_2316 = tpu.vector_load %arg6[%get3A_2314, %get3A_2315] {strides = array<i32>} : memref<100x64xf32, #tpu.memory_space<vmem>>, vector<1x16xf32>,
      %get3A_2317 = vector.shape_cast %get3A_2316 : vector<1x16xf32> to vector<16xf32>
      %add3A_2318 = arith.addf %add3A_2294, %get3A_2317 : vector<16xf32>
      %get3A_2319 = arith.constant 94 : i32
      %get3A_2320 = arith.index_cast %get3A_2319 : i32 to index
      %get3A_2321 = arith.constant 0 : index
      %get3A_2322 = tpu.vector_load %arg6[%get3A_2320, %get3A_2321] {strides = array<i32>} : memref<100x64xf32, #tpu.memory_space<vmem>>, vector<1x16xf32>,
      %get3A_2323 = vector.shape_cast %get3A_2322 : vector<1x16xf32> to vector<16xf32>
      %add3A_2324 = arith.addf %add3A_2300, %get3A_2323 : vector<16xf32>
      %get3A_2325 = arith.constant 94 : i32
      %get3A_2326 = arith.index_cast %get3A_2325 : i32 to index
      %get3A_2327 = arith.constant 16 : index
      %get3A_2328 = tpu.vector_load %arg6[%get3A_2326, %get3A_2327] {strides = array<i32>} : memref<100x64xf32, #tpu.memory_space<vmem>>, vector<1x16xf32>,
      %get3A_2329 = vector.shape_cast %get3A_2328 : vector<1x16xf32> to vector<16xf32>
      %add3A_2330 = arith.addf %add3A_2306, %get3A_2329 : vector<16xf32>
      %get3A_2331 = arith.constant 94 : i32
      %get3A_2332 = arith.index_cast %get3A_2331 : i32 to index
      %get3A_2333 = arith.constant 32 : index
      %get3A_2334 = tpu.vector_load %arg6[%get3A_2332, %get3A_2333] {strides = array<i32>} : memref<100x64xf32, #tpu.memory_space<vmem>>, vector<1x16xf32>,
      %get3A_2335 = vector.shape_cast %get3A_2334 : vector<1x16xf32> to vector<16xf32>
      %add3A_2336 = arith.addf %add3A_2312, %get3A_2335 : vector<16xf32>
      %get3A_2337 = arith.constant 94 : i32
      %get3A_2338 = arith.index_cast %get3A_2337 : i32 to index
      %get3A_2339 = arith.constant 48 : index
      %get3A_2340 = tpu.vector_load %arg6[%get3A_2338, %get3A_2339] {strides = array<i32>} : memref<100x64xf32, #tpu.memory_space<vmem>>, vector<1x16xf32>,
      %get3A_2341 = vector.shape_cast %get3A_2340 : vector<1x16xf32> to vector<16xf32>
      %add3A_2342 = arith.addf %add3A_2318, %get3A_2341 : vector<16xf32>
      %get3A_2343 = arith.constant 95 : i32
      %get3A_2344 = arith.index_cast %get3A_2343 : i32 to index
      %get3A_2345 = arith.constant 0 : index
      %get3A_2346 = tpu.vector_load %arg6[%get3A_2344, %get3A_2345] {strides = array<i32>} : memref<100x64xf32, #tpu.memory_space<vmem>>, vector<1x16xf32>,
      %get3A_2347 = vector.shape_cast %get3A_2346 : vector<1x16xf32> to vector<16xf32>
      %add3A_2348 = arith.addf %add3A_2324, %get3A_2347 : vector<16xf32>
      %get3A_2349 = arith.constant 95 : i32
      %get3A_2350 = arith.index_cast %get3A_2349 : i32 to index
      %get3A_2351 = arith.constant 16 : index
      %get3A_2352 = tpu.vector_load %arg6[%get3A_2350, %get3A_2351] {strides = array<i32>} : memref<100x64xf32, #tpu.memory_space<vmem>>, vector<1x16xf32>,
      %get3A_2353 = vector.shape_cast %get3A_2352 : vector<1x16xf32> to vector<16xf32>
      %add3A_2354 = arith.addf %add3A_2330, %get3A_2353 : vector<16xf32>
      %get3A_2355 = arith.constant 95 : i32
      %get3A_2356 = arith.index_cast %get3A_2355 : i32 to index
      %get3A_2357 = arith.constant 32 : index
      %get3A_2358 = tpu.vector_load %arg6[%get3A_2356, %get3A_2357] {strides = array<i32>} : memref<100x64xf32, #tpu.memory_space<vmem>>, vector<1x16xf32>,
      %get3A_2359 = vector.shape_cast %get3A_2358 : vector<1x16xf32> to vector<16xf32>
      %add3A_2360 = arith.addf %add3A_2336, %get3A_2359 : vector<16xf32>
      %get3A_2361 = arith.constant 95 : i32
      %get3A_2362 = arith.index_cast %get3A_2361 : i32 to index
      %get3A_2363 = arith.constant 48 : index
      %get3A_2364 = tpu.vector_load %arg6[%get3A_2362, %get3A_2363] {strides = array<i32>} : memref<100x64xf32, #tpu.memory_space<vmem>>, vector<1x16xf32>,
      %get3A_2365 = vector.shape_cast %get3A_2364 : vector<1x16xf32> to vector<16xf32>
      %add3A_2366 = arith.addf %add3A_2342, %get3A_2365 : vector<16xf32>
      %get3A_2367 = arith.constant 96 : i32
      %get3A_2368 = arith.index_cast %get3A_2367 : i32 to index
      %get3A_2369 = arith.constant 0 : index
      %get3A_2370 = tpu.vector_load %arg6[%get3A_2368, %get3A_2369] {strides = array<i32>} : memref<100x64xf32, #tpu.memory_space<vmem>>, vector<1x16xf32>,
      %get3A_2371 = vector.shape_cast %get3A_2370 : vector<1x16xf32> to vector<16xf32>
      %add3A_2372 = arith.addf %add3A_2348, %get3A_2371 : vector<16xf32>
      %get3A_2373 = arith.constant 96 : i32
      %get3A_2374 = arith.index_cast %get3A_2373 : i32 to index
      %get3A_2375 = arith.constant 16 : index
      %get3A_2376 = tpu.vector_load %arg6[%get3A_2374, %get3A_2375] {strides = array<i32>} : memref<100x64xf32, #tpu.memory_space<vmem>>, vector<1x16xf32>,
      %get3A_2377 = vector.shape_cast %get3A_2376 : vector<1x16xf32> to vector<16xf32>
      %add3A_2378 = arith.addf %add3A_2354, %get3A_2377 : vector<16xf32>
      %get3A_2379 = arith.constant 96 : i32
      %get3A_2380 = arith.index_cast %get3A_2379 : i32 to index
      %get3A_2381 = arith.constant 32 : index
      %get3A_2382 = tpu.vector_load %arg6[%get3A_2380, %get3A_2381] {strides = array<i32>} : memref<100x64xf32, #tpu.memory_space<vmem>>, vector<1x16xf32>,
      %get3A_2383 = vector.shape_cast %get3A_2382 : vector<1x16xf32> to vector<16xf32>
      %add3A_2384 = arith.addf %add3A_2360, %get3A_2383 : vector<16xf32>
      %get3A_2385 = arith.constant 96 : i32
      %get3A_2386 = arith.index_cast %get3A_2385 : i32 to index
      %get3A_2387 = arith.constant 48 : index
      %get3A_2388 = tpu.vector_load %arg6[%get3A_2386, %get3A_2387] {strides = array<i32>} : memref<100x64xf32, #tpu.memory_space<vmem>>, vector<1x16xf32>,
      %get3A_2389 = vector.shape_cast %get3A_2388 : vector<1x16xf32> to vector<16xf32>
      %add3A_2390 = arith.addf %add3A_2366, %get3A_2389 : vector<16xf32>
      %get3A_2391 = arith.constant 97 : i32
      %get3A_2392 = arith.index_cast %get3A_2391 : i32 to index
      %get3A_2393 = arith.constant 0 : index
      %get3A_2394 = tpu.vector_load %arg6[%get3A_2392, %get3A_2393] {strides = array<i32>} : memref<100x64xf32, #tpu.memory_space<vmem>>, vector<1x16xf32>,
      %get3A_2395 = vector.shape_cast %get3A_2394 : vector<1x16xf32> to vector<16xf32>
      %add3A_2396 = arith.addf %add3A_2372, %get3A_2395 : vector<16xf32>
      %get3A_2397 = arith.constant 97 : i32
      %get3A_2398 = arith.index_cast %get3A_2397 : i32 to index
      %get3A_2399 = arith.constant 16 : index
      %get3A_2400 = tpu.vector_load %arg6[%get3A_2398, %get3A_2399] {strides = array<i32>} : memref<100x64xf32, #tpu.memory_space<vmem>>, vector<1x16xf32>,
      %get3A_2401 = vector.shape_cast %get3A_2400 : vector<1x16xf32> to vector<16xf32>
      %add3A_2402 = arith.addf %add3A_2378, %get3A_2401 : vector<16xf32>
      %get3A_2403 = arith.constant 97 : i32
      %get3A_2404 = arith.index_cast %get3A_2403 : i32 to index
      %get3A_2405 = arith.constant 32 : index
      %get3A_2406 = tpu.vector_load %arg6[%get3A_2404, %get3A_2405] {strides = array<i32>} : memref<100x64xf32, #tpu.memory_space<vmem>>, vector<1x16xf32>,
      %get3A_2407 = vector.shape_cast %get3A_2406 : vector<1x16xf32> to vector<16xf32>
      %add3A_2408 = arith.addf %add3A_2384, %get3A_2407 : vector<16xf32>
      %get3A_2409 = arith.constant 97 : i32
      %get3A_2410 = arith.index_cast %get3A_2409 : i32 to index
      %get3A_2411 = arith.constant 48 : index
      %get3A_2412 = tpu.vector_load %arg6[%get3A_2410, %get3A_2411] {strides = array<i32>} : memref<100x64xf32, #tpu.memory_space<vmem>>, vector<1x16xf32>,
      %get3A_2413 = vector.shape_cast %get3A_2412 : vector<1x16xf32> to vector<16xf32>
      %add3A_2414 = arith.addf %add3A_2390, %get3A_2413 : vector<16xf32>
      %get3A_2415 = arith.constant 98 : i32
      %get3A_2416 = arith.index_cast %get3A_2415 : i32 to index
      %get3A_2417 = arith.constant 0 : index
      %get3A_2418 = tpu.vector_load %arg6[%get3A_2416, %get3A_2417] {strides = array<i32>} : memref<100x64xf32, #tpu.memory_space<vmem>>, vector<1x16xf32>,
      %get3A_2419 = vector.shape_cast %get3A_2418 : vector<1x16xf32> to vector<16xf32>
      %add3A_2420 = arith.addf %add3A_2396, %get3A_2419 : vector<16xf32>
      %get3A_2421 = arith.constant 98 : i32
      %get3A_2422 = arith.index_cast %get3A_2421 : i32 to index
      %get3A_2423 = arith.constant 16 : index
      %get3A_2424 = tpu.vector_load %arg6[%get3A_2422, %get3A_2423] {strides = array<i32>} : memref<100x64xf32, #tpu.memory_space<vmem>>, vector<1x16xf32>,
      %get3A_2425 = vector.shape_cast %get3A_2424 : vector<1x16xf32> to vector<16xf32>
      %add3A_2426 = arith.addf %add3A_2402, %get3A_2425 : vector<16xf32>
      %get3A_2427 = arith.constant 98 : i32
      %get3A_2428 = arith.index_cast %get3A_2427 : i32 to index
      %get3A_2429 = arith.constant 32 : index
      %get3A_2430 = tpu.vector_load %arg6[%get3A_2428, %get3A_2429] {strides = array<i32>} : memref<100x64xf32, #tpu.memory_space<vmem>>, vector<1x16xf32>,
      %get3A_2431 = vector.shape_cast %get3A_2430 : vector<1x16xf32> to vector<16xf32>
      %add3A_2432 = arith.addf %add3A_2408, %get3A_2431 : vector<16xf32>
      %get3A_2433 = arith.constant 98 : i32
      %get3A_2434 = arith.index_cast %get3A_2433 : i32 to index
      %get3A_2435 = arith.constant 48 : index
      %get3A_2436 = tpu.vector_load %arg6[%get3A_2434, %get3A_2435] {strides = array<i32>} : memref<100x64xf32, #tpu.memory_space<vmem>>, vector<1x16xf32>,
      %get3A_2437 = vector.shape_cast %get3A_2436 : vector<1x16xf32> to vector<16xf32>
      %add3A_2438 = arith.addf %add3A_2414, %get3A_2437 : vector<16xf32>
      %get3A_2439 = arith.constant 99 : i32
      %get3A_2440 = arith.index_cast %get3A_2439 : i32 to index
      %get3A_2441 = arith.constant 0 : index
      %get3A_2442 = tpu.vector_load %arg6[%get3A_2440, %get3A_2441] {strides = array<i32>} : memref<100x64xf32, #tpu.memory_space<vmem>>, vector<1x16xf32>,
      %get3A_2443 = vector.shape_cast %get3A_2442 : vector<1x16xf32> to vector<16xf32>
      %add3A_2444 = arith.addf %add3A_2420, %get3A_2443 : vector<16xf32>
      %get3A_2445 = arith.constant 99 : i32
      %get3A_2446 = arith.index_cast %get3A_2445 : i32 to index
      %get3A_2447 = arith.constant 16 : index
      %get3A_2448 = tpu.vector_load %arg6[%get3A_2446, %get3A_2447] {strides = array<i32>} : memref<100x64xf32, #tpu.memory_space<vmem>>, vector<1x16xf32>,
      %get3A_2449 = vector.shape_cast %get3A_2448 : vector<1x16xf32> to vector<16xf32>
      %add3A_2450 = arith.addf %add3A_2426, %get3A_2449 : vector<16xf32>
      %get3A_2451 = arith.constant 99 : i32
      %get3A_2452 = arith.index_cast %get3A_2451 : i32 to index
      %get3A_2453 = arith.constant 32 : index
      %get3A_2454 = tpu.vector_load %arg6[%get3A_2452, %get3A_2453] {strides = array<i32>} : memref<100x64xf32, #tpu.memory_space<vmem>>, vector<1x16xf32>,
      %get3A_2455 = vector.shape_cast %get3A_2454 : vector<1x16xf32> to vector<16xf32>
      %add3A_2456 = arith.addf %add3A_2432, %get3A_2455 : vector<16xf32>
      %get3A_2457 = arith.constant 99 : i32
      %get3A_2458 = arith.index_cast %get3A_2457 : i32 to index
      %get3A_2459 = arith.constant 48 : index
      %get3A_2460 = tpu.vector_load %arg6[%get3A_2458, %get3A_2459] {strides = array<i32>} : memref<100x64xf32, #tpu.memory_space<vmem>>, vector<1x16xf32>,
      %get3A_2461 = vector.shape_cast %get3A_2460 : vector<1x16xf32> to vector<16xf32>
      %add3A_2462 = arith.addf %add3A_2438, %get3A_2461 : vector<16xf32>
      %mul3A_2463 = vector.broadcast %scan3A : f32 to vector<16xf32>
      %mul3A_2464 = arith.mulf %add3A_2444, %mul3A_2463 : vector<16xf32>
      %mul3A_2465 = arith.constant 2 : i32
      %mul3A_2466 = arith.muli %add3A_18, %mul3A_2465 : i32
      %add3A_2467 = arith.constant 1 : i32
      %add3A_2468 = arith.addi %mul3A_2466, %add3A_2467 : i32
      %swap3A_2469 = arith.index_cast %add3A_2468 : i32 to index
      %swap3A_2470 = arith.constant 0 : index
      %swap3A_2471 = tpu.vector_load %arg8[%swap3A_2469, %swap3A_2470] {strides = array<i32>} : memref<128x64xf32, #tpu.memory_space<vmem>>, vector<1x16xf32>,
      %swap3A_2472 = vector.shape_cast %swap3A_2471 : vector<1x16xf32> to vector<16xf32>
      %swap3A_2473 = vector.shape_cast %mul3A_2464 : vector<16xf32> to vector<1x16xf32>
      tpu.vector_store %arg8[%swap3A_2469, %swap3A_2470], %swap3A_2473 {strides = array<i32>} : memref<128x64xf32, #tpu.memory_space<vmem>>, vector<1x16xf32>,
      %mul3A_2474 = vector.broadcast %scan3A : f32 to vector<16xf32>
      %mul3A_2475 = arith.mulf %add3A_2450, %mul3A_2474 : vector<16xf32>
      %mul3A_2476 = arith.constant 2 : i32
      %mul3A_2477 = arith.muli %add3A_18, %mul3A_2476 : i32
      %add3A_2478 = arith.constant 1 : i32
      %add3A_2479 = arith.addi %mul3A_2477, %add3A_2478 : i32
      %swap3A_2480 = arith.index_cast %add3A_2479 : i32 to index
      %swap3A_2481 = arith.constant 16 : index
      %swap3A_2482 = tpu.vector_load %arg8[%swap3A_2480, %swap3A_2481] {strides = array<i32>} : memref<128x64xf32, #tpu.memory_space<vmem>>, vector<1x16xf32>,
      %swap3A_2483 = vector.shape_cast %swap3A_2482 : vector<1x16xf32> to vector<16xf32>
      %swap3A_2484 = vector.shape_cast %mul3A_2475 : vector<16xf32> to vector<1x16xf32>
      tpu.vector_store %arg8[%swap3A_2480, %swap3A_2481], %swap3A_2484 {strides = array<i32>} : memref<128x64xf32, #tpu.memory_space<vmem>>, vector<1x16xf32>,
      %mul3A_2485 = vector.broadcast %scan3A : f32 to vector<16xf32>
      %mul3A_2486 = arith.mulf %add3A_2456, %mul3A_2485 : vector<16xf32>
      %mul3A_2487 = arith.constant 2 : i32
      %mul3A_2488 = arith.muli %add3A_18, %mul3A_2487 : i32
      %add3A_2489 = arith.constant 1 : i32
      %add3A_2490 = arith.addi %mul3A_2488, %add3A_2489 : i32
      %swap3A_2491 = arith.index_cast %add3A_2490 : i32 to index
      %swap3A_2492 = arith.constant 32 : index
      %swap3A_2493 = tpu.vector_load %arg8[%swap3A_2491, %swap3A_2492] {strides = array<i32>} : memref<128x64xf32, #tpu.memory_space<vmem>>, vector<1x16xf32>,
      %swap3A_2494 = vector.shape_cast %swap3A_2493 : vector<1x16xf32> to vector<16xf32>
      %swap3A_2495 = vector.shape_cast %mul3A_2486 : vector<16xf32> to vector<1x16xf32>
      tpu.vector_store %arg8[%swap3A_2491, %swap3A_2492], %swap3A_2495 {strides = array<i32>} : memref<128x64xf32, #tpu.memory_space<vmem>>, vector<1x16xf32>,
      %mul3A_2496 = vector.broadcast %scan3A : f32 to vector<16xf32>
      %mul3A_2497 = arith.mulf %add3A_2462, %mul3A_2496 : vector<16xf32>
      %mul3A_2498 = arith.constant 2 : i32
      %mul3A_2499 = arith.muli %add3A_18, %mul3A_2498 : i32
      %add3A_2500 = arith.constant 1 : i32
      %add3A_2501 = arith.addi %mul3A_2499, %add3A_2500 : i32
      %swap3A_2502 = arith.index_cast %add3A_2501 : i32 to index
      %swap3A_2503 = arith.constant 48 : index
      %swap3A_2504 = tpu.vector_load %arg8[%swap3A_2502, %swap3A_2503] {strides = array<i32>} : memref<128x64xf32, #tpu.memory_space<vmem>>, vector<1x16xf32>,
      %swap3A_2505 = vector.shape_cast %swap3A_2504 : vector<1x16xf32> to vector<16xf32>
      %swap3A_2506 = vector.shape_cast %mul3A_2497 : vector<16xf32> to vector<1x16xf32>
      tpu.vector_store %arg8[%swap3A_2502, %swap3A_2503], %swap3A_2506 {strides = array<i32>} : memref<128x64xf32, #tpu.memory_space<vmem>>, vector<1x16xf32>,
      %add3A_2507 = arith.constant 1 : i32
      %add3A_2508 = arith.addi %add3A_16, %add3A_2507 : i32
      %add3A_2509 = arith.constant 2 : i32
      %add3A_2510 = arith.addi %add3A_2508, %add3A_2509 : i32
      %sub3A_2511 = arith.constant 1 : i32
      %sub3A_2512 = arith.subi %add3A_2510, %sub3A_2511 : i32
      %lt3A_2513 = arith.constant 64 : i32
      %lt3A_2514 = arith.cmpi slt, %sub3A_2512, %lt3A_2513 : i32
      %convert_element_type3A_2515 = arith.extui %lt3A_2514 : i1 to i32
      %cond3A_2516 = arith.constant 0 : i32
      %cond3A_2517 = arith.cmpi ne, %convert_element_type3A_2515, %cond3A_2516 : i32
      scf.if %cond3A_2517 {
        %add3A_5004 = arith.constant 2 : i32
        %add3A_5005 = arith.addi %add3A_2508, %add3A_5004 : i32
        %sub3A_5006 = arith.constant 1 : i32
        %sub3A_5007 = arith.subi %add3A_5005, %sub3A_5006 : i32
        %dma_start3A_5008 = arith.constant 0 : i32
        %dma_start3A_5009 = tpu.memref_slice %arg5[%sub3A_5007, %dma_start3A_5008] : memref<64x100xi32, #tpu.memory_space<vmem>> -> memref<1x100xi32, #tpu.memory_space<vmem>>
        %dma_start3A_5010 = tpu.memref_squeeze %dma_start3A_5009 : memref<1x100xi32, #tpu.memory_space<vmem>> -> memref<100xi32, #tpu.memory_space<vmem>>
        %dma_start3A_5011 = arith.constant 0 : i32
        %dma_start3A_5012 = arith.constant 0 : i32
        %dma_start3A_5013 = tpu.memref_slice %arg3[%dma_start3A_5011, %dma_start3A_5012] : memref<100096x64xf32, #tpu.memory_space<hbm>> -> memref<100096x64xf32, #tpu.memory_space<hbm>>
        tpu.enqueue_indirect_dma source(%dma_start3A_5013 : memref<100096x64xf32, #tpu.memory_space<hbm>>) target(%arg6 : memref<100x64xf32, #tpu.memory_space<vmem>>) offsets(%dma_start3A_5010 : memref<100xi32, #tpu.memory_space<vmem>>) semaphore(%arg9 : memref<!tpu.dma_semaphore, #tpu.memory_space<semaphore_mem>>)
      } else {
      }
      %dma_wait3A_2518 = arith.constant 0 : i32
      %dma_wait3A_2519 = tpu.memref_slice %arg5[%add3A_2508, %dma_wait3A_2518] : memref<64x100xi32, #tpu.memory_space<vmem>> -> memref<1x100xi32, #tpu.memory_space<vmem>>
      %dma_wait3A_2520 = tpu.memref_squeeze %dma_wait3A_2519 : memref<1x100xi32, #tpu.memory_space<vmem>> -> memref<100xi32, #tpu.memory_space<vmem>>
      %dma_wait3A_2521 = arith.constant 0 : i32
      %dma_wait3A_2522 = arith.constant 0 : i32
      %dma_wait3A_2523 = tpu.memref_slice %arg3[%dma_wait3A_2521, %dma_wait3A_2522] : memref<100096x64xf32, #tpu.memory_space<hbm>> -> memref<100096x64xf32, #tpu.memory_space<hbm>>
      tpu.wait_indirect_dma semaphore(%arg10 : memref<!tpu.dma_semaphore, #tpu.memory_space<semaphore_mem>>) src(%dma_wait3A_2523 : memref<100096x64xf32, #tpu.memory_space<hbm>>) dst(%arg7 : memref<100x64xf32, #tpu.memory_space<vmem>>)
      %get3A_2524 = arith.constant 0 : i32
      %get3A_2525 = arith.index_cast %get3A_2524 : i32 to index
      %get3A_2526 = arith.constant 0 : index
      %get3A_2527 = tpu.vector_load %arg7[%get3A_2525, %get3A_2526] {strides = array<i32>} : memref<100x64xf32, #tpu.memory_space<vmem>>, vector<1x16xf32>,
      %get3A_2528 = vector.shape_cast %get3A_2527 : vector<1x16xf32> to vector<16xf32>
      %get3A_2529 = arith.constant 0 : i32
      %get3A_2530 = arith.index_cast %get3A_2529 : i32 to index
      %get3A_2531 = arith.constant 16 : index
      %get3A_2532 = tpu.vector_load %arg7[%get3A_2530, %get3A_2531] {strides = array<i32>} : memref<100x64xf32, #tpu.memory_space<vmem>>, vector<1x16xf32>,
      %get3A_2533 = vector.shape_cast %get3A_2532 : vector<1x16xf32> to vector<16xf32>
      %get3A_2534 = arith.constant 0 : i32
      %get3A_2535 = arith.index_cast %get3A_2534 : i32 to index
      %get3A_2536 = arith.constant 32 : index
      %get3A_2537 = tpu.vector_load %arg7[%get3A_2535, %get3A_2536] {strides = array<i32>} : memref<100x64xf32, #tpu.memory_space<vmem>>, vector<1x16xf32>,
      %get3A_2538 = vector.shape_cast %get3A_2537 : vector<1x16xf32> to vector<16xf32>
      %get3A_2539 = arith.constant 0 : i32
      %get3A_2540 = arith.index_cast %get3A_2539 : i32 to index
      %get3A_2541 = arith.constant 48 : index
      %get3A_2542 = tpu.vector_load %arg7[%get3A_2540, %get3A_2541] {strides = array<i32>} : memref<100x64xf32, #tpu.memory_space<vmem>>, vector<1x16xf32>,
      %get3A_2543 = vector.shape_cast %get3A_2542 : vector<1x16xf32> to vector<16xf32>
      %get3A_2544 = arith.constant 1 : i32
      %get3A_2545 = arith.index_cast %get3A_2544 : i32 to index
      %get3A_2546 = arith.constant 0 : index
      %get3A_2547 = tpu.vector_load %arg7[%get3A_2545, %get3A_2546] {strides = array<i32>} : memref<100x64xf32, #tpu.memory_space<vmem>>, vector<1x16xf32>,
      %get3A_2548 = vector.shape_cast %get3A_2547 : vector<1x16xf32> to vector<16xf32>
      %add3A_2549 = arith.addf %get3A_2528, %get3A_2548 : vector<16xf32>
      %get3A_2550 = arith.constant 1 : i32
      %get3A_2551 = arith.index_cast %get3A_2550 : i32 to index
      %get3A_2552 = arith.constant 16 : index
      %get3A_2553 = tpu.vector_load %arg7[%get3A_2551, %get3A_2552] {strides = array<i32>} : memref<100x64xf32, #tpu.memory_space<vmem>>, vector<1x16xf32>,
      %get3A_2554 = vector.shape_cast %get3A_2553 : vector<1x16xf32> to vector<16xf32>
      %add3A_2555 = arith.addf %get3A_2533, %get3A_2554 : vector<16xf32>
      %get3A_2556 = arith.constant 1 : i32
      %get3A_2557 = arith.index_cast %get3A_2556 : i32 to index
      %get3A_2558 = arith.constant 32 : index
      %get3A_2559 = tpu.vector_load %arg7[%get3A_2557, %get3A_2558] {strides = array<i32>} : memref<100x64xf32, #tpu.memory_space<vmem>>, vector<1x16xf32>,
      %get3A_2560 = vector.shape_cast %get3A_2559 : vector<1x16xf32> to vector<16xf32>
      %add3A_2561 = arith.addf %get3A_2538, %get3A_2560 : vector<16xf32>
      %get3A_2562 = arith.constant 1 : i32
      %get3A_2563 = arith.index_cast %get3A_2562 : i32 to index
      %get3A_2564 = arith.constant 48 : index
      %get3A_2565 = tpu.vector_load %arg7[%get3A_2563, %get3A_2564] {strides = array<i32>} : memref<100x64xf32, #tpu.memory_space<vmem>>, vector<1x16xf32>,
      %get3A_2566 = vector.shape_cast %get3A_2565 : vector<1x16xf32> to vector<16xf32>
      %add3A_2567 = arith.addf %get3A_2543, %get3A_2566 : vector<16xf32>
      %get3A_2568 = arith.constant 2 : i32
      %get3A_2569 = arith.index_cast %get3A_2568 : i32 to index
      %get3A_2570 = arith.constant 0 : index
      %get3A_2571 = tpu.vector_load %arg7[%get3A_2569, %get3A_2570] {strides = array<i32>} : memref<100x64xf32, #tpu.memory_space<vmem>>, vector<1x16xf32>,
      %get3A_2572 = vector.shape_cast %get3A_2571 : vector<1x16xf32> to vector<16xf32>
      %add3A_2573 = arith.addf %add3A_2549, %get3A_2572 : vector<16xf32>
      %get3A_2574 = arith.constant 2 : i32
      %get3A_2575 = arith.index_cast %get3A_2574 : i32 to index
      %get3A_2576 = arith.constant 16 : index
      %get3A_2577 = tpu.vector_load %arg7[%get3A_2575, %get3A_2576] {strides = array<i32>} : memref<100x64xf32, #tpu.memory_space<vmem>>, vector<1x16xf32>,
      %get3A_2578 = vector.shape_cast %get3A_2577 : vector<1x16xf32> to vector<16xf32>
      %add3A_2579 = arith.addf %add3A_2555, %get3A_2578 : vector<16xf32>
      %get3A_2580 = arith.constant 2 : i32
      %get3A_2581 = arith.index_cast %get3A_2580 : i32 to index
      %get3A_2582 = arith.constant 32 : index
      %get3A_2583 = tpu.vector_load %arg7[%get3A_2581, %get3A_2582] {strides = array<i32>} : memref<100x64xf32, #tpu.memory_space<vmem>>, vector<1x16xf32>,
      %get3A_2584 = vector.shape_cast %get3A_2583 : vector<1x16xf32> to vector<16xf32>
      %add3A_2585 = arith.addf %add3A_2561, %get3A_2584 : vector<16xf32>
      %get3A_2586 = arith.constant 2 : i32
      %get3A_2587 = arith.index_cast %get3A_2586 : i32 to index
      %get3A_2588 = arith.constant 48 : index
      %get3A_2589 = tpu.vector_load %arg7[%get3A_2587, %get3A_2588] {strides = array<i32>} : memref<100x64xf32, #tpu.memory_space<vmem>>, vector<1x16xf32>,
      %get3A_2590 = vector.shape_cast %get3A_2589 : vector<1x16xf32> to vector<16xf32>
      %add3A_2591 = arith.addf %add3A_2567, %get3A_2590 : vector<16xf32>
      %get3A_2592 = arith.constant 3 : i32
      %get3A_2593 = arith.index_cast %get3A_2592 : i32 to index
      %get3A_2594 = arith.constant 0 : index
      %get3A_2595 = tpu.vector_load %arg7[%get3A_2593, %get3A_2594] {strides = array<i32>} : memref<100x64xf32, #tpu.memory_space<vmem>>, vector<1x16xf32>,
      %get3A_2596 = vector.shape_cast %get3A_2595 : vector<1x16xf32> to vector<16xf32>
      %add3A_2597 = arith.addf %add3A_2573, %get3A_2596 : vector<16xf32>
      %get3A_2598 = arith.constant 3 : i32
      %get3A_2599 = arith.index_cast %get3A_2598 : i32 to index
      %get3A_2600 = arith.constant 16 : index
      %get3A_2601 = tpu.vector_load %arg7[%get3A_2599, %get3A_2600] {strides = array<i32>} : memref<100x64xf32, #tpu.memory_space<vmem>>, vector<1x16xf32>,
      %get3A_2602 = vector.shape_cast %get3A_2601 : vector<1x16xf32> to vector<16xf32>
      %add3A_2603 = arith.addf %add3A_2579, %get3A_2602 : vector<16xf32>
      %get3A_2604 = arith.constant 3 : i32
      %get3A_2605 = arith.index_cast %get3A_2604 : i32 to index
      %get3A_2606 = arith.constant 32 : index
      %get3A_2607 = tpu.vector_load %arg7[%get3A_2605, %get3A_2606] {strides = array<i32>} : memref<100x64xf32, #tpu.memory_space<vmem>>, vector<1x16xf32>,
      %get3A_2608 = vector.shape_cast %get3A_2607 : vector<1x16xf32> to vector<16xf32>
      %add3A_2609 = arith.addf %add3A_2585, %get3A_2608 : vector<16xf32>
      %get3A_2610 = arith.constant 3 : i32
      %get3A_2611 = arith.index_cast %get3A_2610 : i32 to index
      %get3A_2612 = arith.constant 48 : index
      %get3A_2613 = tpu.vector_load %arg7[%get3A_2611, %get3A_2612] {strides = array<i32>} : memref<100x64xf32, #tpu.memory_space<vmem>>, vector<1x16xf32>,
      %get3A_2614 = vector.shape_cast %get3A_2613 : vector<1x16xf32> to vector<16xf32>
      %add3A_2615 = arith.addf %add3A_2591, %get3A_2614 : vector<16xf32>
      %get3A_2616 = arith.constant 4 : i32
      %get3A_2617 = arith.index_cast %get3A_2616 : i32 to index
      %get3A_2618 = arith.constant 0 : index
      %get3A_2619 = tpu.vector_load %arg7[%get3A_2617, %get3A_2618] {strides = array<i32>} : memref<100x64xf32, #tpu.memory_space<vmem>>, vector<1x16xf32>,
      %get3A_2620 = vector.shape_cast %get3A_2619 : vector<1x16xf32> to vector<16xf32>
      %add3A_2621 = arith.addf %add3A_2597, %get3A_2620 : vector<16xf32>
      %get3A_2622 = arith.constant 4 : i32
      %get3A_2623 = arith.index_cast %get3A_2622 : i32 to index
      %get3A_2624 = arith.constant 16 : index
      %get3A_2625 = tpu.vector_load %arg7[%get3A_2623, %get3A_2624] {strides = array<i32>} : memref<100x64xf32, #tpu.memory_space<vmem>>, vector<1x16xf32>,
      %get3A_2626 = vector.shape_cast %get3A_2625 : vector<1x16xf32> to vector<16xf32>
      %add3A_2627 = arith.addf %add3A_2603, %get3A_2626 : vector<16xf32>
      %get3A_2628 = arith.constant 4 : i32
      %get3A_2629 = arith.index_cast %get3A_2628 : i32 to index
      %get3A_2630 = arith.constant 32 : index
      %get3A_2631 = tpu.vector_load %arg7[%get3A_2629, %get3A_2630] {strides = array<i32>} : memref<100x64xf32, #tpu.memory_space<vmem>>, vector<1x16xf32>,
      %get3A_2632 = vector.shape_cast %get3A_2631 : vector<1x16xf32> to vector<16xf32>
      %add3A_2633 = arith.addf %add3A_2609, %get3A_2632 : vector<16xf32>
      %get3A_2634 = arith.constant 4 : i32
      %get3A_2635 = arith.index_cast %get3A_2634 : i32 to index
      %get3A_2636 = arith.constant 48 : index
      %get3A_2637 = tpu.vector_load %arg7[%get3A_2635, %get3A_2636] {strides = array<i32>} : memref<100x64xf32, #tpu.memory_space<vmem>>, vector<1x16xf32>,
      %get3A_2638 = vector.shape_cast %get3A_2637 : vector<1x16xf32> to vector<16xf32>
      %add3A_2639 = arith.addf %add3A_2615, %get3A_2638 : vector<16xf32>
      %get3A_2640 = arith.constant 5 : i32
      %get3A_2641 = arith.index_cast %get3A_2640 : i32 to index
      %get3A_2642 = arith.constant 0 : index
      %get3A_2643 = tpu.vector_load %arg7[%get3A_2641, %get3A_2642] {strides = array<i32>} : memref<100x64xf32, #tpu.memory_space<vmem>>, vector<1x16xf32>,
      %get3A_2644 = vector.shape_cast %get3A_2643 : vector<1x16xf32> to vector<16xf32>
      %add3A_2645 = arith.addf %add3A_2621, %get3A_2644 : vector<16xf32>
      %get3A_2646 = arith.constant 5 : i32
      %get3A_2647 = arith.index_cast %get3A_2646 : i32 to index
      %get3A_2648 = arith.constant 16 : index
      %get3A_2649 = tpu.vector_load %arg7[%get3A_2647, %get3A_2648] {strides = array<i32>} : memref<100x64xf32, #tpu.memory_space<vmem>>, vector<1x16xf32>,
      %get3A_2650 = vector.shape_cast %get3A_2649 : vector<1x16xf32> to vector<16xf32>
      %add3A_2651 = arith.addf %add3A_2627, %get3A_2650 : vector<16xf32>
      %get3A_2652 = arith.constant 5 : i32
      %get3A_2653 = arith.index_cast %get3A_2652 : i32 to index
      %get3A_2654 = arith.constant 32 : index
      %get3A_2655 = tpu.vector_load %arg7[%get3A_2653, %get3A_2654] {strides = array<i32>} : memref<100x64xf32, #tpu.memory_space<vmem>>, vector<1x16xf32>,
      %get3A_2656 = vector.shape_cast %get3A_2655 : vector<1x16xf32> to vector<16xf32>
      %add3A_2657 = arith.addf %add3A_2633, %get3A_2656 : vector<16xf32>
      %get3A_2658 = arith.constant 5 : i32
      %get3A_2659 = arith.index_cast %get3A_2658 : i32 to index
      %get3A_2660 = arith.constant 48 : index
      %get3A_2661 = tpu.vector_load %arg7[%get3A_2659, %get3A_2660] {strides = array<i32>} : memref<100x64xf32, #tpu.memory_space<vmem>>, vector<1x16xf32>,
      %get3A_2662 = vector.shape_cast %get3A_2661 : vector<1x16xf32> to vector<16xf32>
      %add3A_2663 = arith.addf %add3A_2639, %get3A_2662 : vector<16xf32>
      %get3A_2664 = arith.constant 6 : i32
      %get3A_2665 = arith.index_cast %get3A_2664 : i32 to index
      %get3A_2666 = arith.constant 0 : index
      %get3A_2667 = tpu.vector_load %arg7[%get3A_2665, %get3A_2666] {strides = array<i32>} : memref<100x64xf32, #tpu.memory_space<vmem>>, vector<1x16xf32>,
      %get3A_2668 = vector.shape_cast %get3A_2667 : vector<1x16xf32> to vector<16xf32>
      %add3A_2669 = arith.addf %add3A_2645, %get3A_2668 : vector<16xf32>
      %get3A_2670 = arith.constant 6 : i32
      %get3A_2671 = arith.index_cast %get3A_2670 : i32 to index
      %get3A_2672 = arith.constant 16 : index
      %get3A_2673 = tpu.vector_load %arg7[%get3A_2671, %get3A_2672] {strides = array<i32>} : memref<100x64xf32, #tpu.memory_space<vmem>>, vector<1x16xf32>,
      %get3A_2674 = vector.shape_cast %get3A_2673 : vector<1x16xf32> to vector<16xf32>
      %add3A_2675 = arith.addf %add3A_2651, %get3A_2674 : vector<16xf32>
      %get3A_2676 = arith.constant 6 : i32
      %get3A_2677 = arith.index_cast %get3A_2676 : i32 to index
      %get3A_2678 = arith.constant 32 : index
      %get3A_2679 = tpu.vector_load %arg7[%get3A_2677, %get3A_2678] {strides = array<i32>} : memref<100x64xf32, #tpu.memory_space<vmem>>, vector<1x16xf32>,
      %get3A_2680 = vector.shape_cast %get3A_2679 : vector<1x16xf32> to vector<16xf32>
      %add3A_2681 = arith.addf %add3A_2657, %get3A_2680 : vector<16xf32>
      %get3A_2682 = arith.constant 6 : i32
      %get3A_2683 = arith.index_cast %get3A_2682 : i32 to index
      %get3A_2684 = arith.constant 48 : index
      %get3A_2685 = tpu.vector_load %arg7[%get3A_2683, %get3A_2684] {strides = array<i32>} : memref<100x64xf32, #tpu.memory_space<vmem>>, vector<1x16xf32>,
      %get3A_2686 = vector.shape_cast %get3A_2685 : vector<1x16xf32> to vector<16xf32>
      %add3A_2687 = arith.addf %add3A_2663, %get3A_2686 : vector<16xf32>
      %get3A_2688 = arith.constant 7 : i32
      %get3A_2689 = arith.index_cast %get3A_2688 : i32 to index
      %get3A_2690 = arith.constant 0 : index
      %get3A_2691 = tpu.vector_load %arg7[%get3A_2689, %get3A_2690] {strides = array<i32>} : memref<100x64xf32, #tpu.memory_space<vmem>>, vector<1x16xf32>,
      %get3A_2692 = vector.shape_cast %get3A_2691 : vector<1x16xf32> to vector<16xf32>
      %add3A_2693 = arith.addf %add3A_2669, %get3A_2692 : vector<16xf32>
      %get3A_2694 = arith.constant 7 : i32
      %get3A_2695 = arith.index_cast %get3A_2694 : i32 to index
      %get3A_2696 = arith.constant 16 : index
      %get3A_2697 = tpu.vector_load %arg7[%get3A_2695, %get3A_2696] {strides = array<i32>} : memref<100x64xf32, #tpu.memory_space<vmem>>, vector<1x16xf32>,
      %get3A_2698 = vector.shape_cast %get3A_2697 : vector<1x16xf32> to vector<16xf32>
      %add3A_2699 = arith.addf %add3A_2675, %get3A_2698 : vector<16xf32>
      %get3A_2700 = arith.constant 7 : i32
      %get3A_2701 = arith.index_cast %get3A_2700 : i32 to index
      %get3A_2702 = arith.constant 32 : index
      %get3A_2703 = tpu.vector_load %arg7[%get3A_2701, %get3A_2702] {strides = array<i32>} : memref<100x64xf32, #tpu.memory_space<vmem>>, vector<1x16xf32>,
      %get3A_2704 = vector.shape_cast %get3A_2703 : vector<1x16xf32> to vector<16xf32>
      %add3A_2705 = arith.addf %add3A_2681, %get3A_2704 : vector<16xf32>
      %get3A_2706 = arith.constant 7 : i32
      %get3A_2707 = arith.index_cast %get3A_2706 : i32 to index
      %get3A_2708 = arith.constant 48 : index
      %get3A_2709 = tpu.vector_load %arg7[%get3A_2707, %get3A_2708] {strides = array<i32>} : memref<100x64xf32, #tpu.memory_space<vmem>>, vector<1x16xf32>,
      %get3A_2710 = vector.shape_cast %get3A_2709 : vector<1x16xf32> to vector<16xf32>
      %add3A_2711 = arith.addf %add3A_2687, %get3A_2710 : vector<16xf32>
      %get3A_2712 = arith.constant 8 : i32
      %get3A_2713 = arith.index_cast %get3A_2712 : i32 to index
      %get3A_2714 = arith.constant 0 : index
      %get3A_2715 = tpu.vector_load %arg7[%get3A_2713, %get3A_2714] {strides = array<i32>} : memref<100x64xf32, #tpu.memory_space<vmem>>, vector<1x16xf32>,
      %get3A_2716 = vector.shape_cast %get3A_2715 : vector<1x16xf32> to vector<16xf32>
      %add3A_2717 = arith.addf %add3A_2693, %get3A_2716 : vector<16xf32>
      %get3A_2718 = arith.constant 8 : i32
      %get3A_2719 = arith.index_cast %get3A_2718 : i32 to index
      %get3A_2720 = arith.constant 16 : index
      %get3A_2721 = tpu.vector_load %arg7[%get3A_2719, %get3A_2720] {strides = array<i32>} : memref<100x64xf32, #tpu.memory_space<vmem>>, vector<1x16xf32>,
      %get3A_2722 = vector.shape_cast %get3A_2721 : vector<1x16xf32> to vector<16xf32>
      %add3A_2723 = arith.addf %add3A_2699, %get3A_2722 : vector<16xf32>
      %get3A_2724 = arith.constant 8 : i32
      %get3A_2725 = arith.index_cast %get3A_2724 : i32 to index
      %get3A_2726 = arith.constant 32 : index
      %get3A_2727 = tpu.vector_load %arg7[%get3A_2725, %get3A_2726] {strides = array<i32>} : memref<100x64xf32, #tpu.memory_space<vmem>>, vector<1x16xf32>,
      %get3A_2728 = vector.shape_cast %get3A_2727 : vector<1x16xf32> to vector<16xf32>
      %add3A_2729 = arith.addf %add3A_2705, %get3A_2728 : vector<16xf32>
      %get3A_2730 = arith.constant 8 : i32
      %get3A_2731 = arith.index_cast %get3A_2730 : i32 to index
      %get3A_2732 = arith.constant 48 : index
      %get3A_2733 = tpu.vector_load %arg7[%get3A_2731, %get3A_2732] {strides = array<i32>} : memref<100x64xf32, #tpu.memory_space<vmem>>, vector<1x16xf32>,
      %get3A_2734 = vector.shape_cast %get3A_2733 : vector<1x16xf32> to vector<16xf32>
      %add3A_2735 = arith.addf %add3A_2711, %get3A_2734 : vector<16xf32>
      %get3A_2736 = arith.constant 9 : i32
      %get3A_2737 = arith.index_cast %get3A_2736 : i32 to index
      %get3A_2738 = arith.constant 0 : index
      %get3A_2739 = tpu.vector_load %arg7[%get3A_2737, %get3A_2738] {strides = array<i32>} : memref<100x64xf32, #tpu.memory_space<vmem>>, vector<1x16xf32>,
      %get3A_2740 = vector.shape_cast %get3A_2739 : vector<1x16xf32> to vector<16xf32>
      %add3A_2741 = arith.addf %add3A_2717, %get3A_2740 : vector<16xf32>
      %get3A_2742 = arith.constant 9 : i32
      %get3A_2743 = arith.index_cast %get3A_2742 : i32 to index
      %get3A_2744 = arith.constant 16 : index
      %get3A_2745 = tpu.vector_load %arg7[%get3A_2743, %get3A_2744] {strides = array<i32>} : memref<100x64xf32, #tpu.memory_space<vmem>>, vector<1x16xf32>,
      %get3A_2746 = vector.shape_cast %get3A_2745 : vector<1x16xf32> to vector<16xf32>
      %add3A_2747 = arith.addf %add3A_2723, %get3A_2746 : vector<16xf32>
      %get3A_2748 = arith.constant 9 : i32
      %get3A_2749 = arith.index_cast %get3A_2748 : i32 to index
      %get3A_2750 = arith.constant 32 : index
      %get3A_2751 = tpu.vector_load %arg7[%get3A_2749, %get3A_2750] {strides = array<i32>} : memref<100x64xf32, #tpu.memory_space<vmem>>, vector<1x16xf32>,
      %get3A_2752 = vector.shape_cast %get3A_2751 : vector<1x16xf32> to vector<16xf32>
      %add3A_2753 = arith.addf %add3A_2729, %get3A_2752 : vector<16xf32>
      %get3A_2754 = arith.constant 9 : i32
      %get3A_2755 = arith.index_cast %get3A_2754 : i32 to index
      %get3A_2756 = arith.constant 48 : index
      %get3A_2757 = tpu.vector_load %arg7[%get3A_2755, %get3A_2756] {strides = array<i32>} : memref<100x64xf32, #tpu.memory_space<vmem>>, vector<1x16xf32>,
      %get3A_2758 = vector.shape_cast %get3A_2757 : vector<1x16xf32> to vector<16xf32>
      %add3A_2759 = arith.addf %add3A_2735, %get3A_2758 : vector<16xf32>
      %get3A_2760 = arith.constant 10 : i32
      %get3A_2761 = arith.index_cast %get3A_2760 : i32 to index
      %get3A_2762 = arith.constant 0 : index
      %get3A_2763 = tpu.vector_load %arg7[%get3A_2761, %get3A_2762] {strides = array<i32>} : memref<100x64xf32, #tpu.memory_space<vmem>>, vector<1x16xf32>,
      %get3A_2764 = vector.shape_cast %get3A_2763 : vector<1x16xf32> to vector<16xf32>
      %add3A_2765 = arith.addf %add3A_2741, %get3A_2764 : vector<16xf32>
      %get3A_2766 = arith.constant 10 : i32
      %get3A_2767 = arith.index_cast %get3A_2766 : i32 to index
      %get3A_2768 = arith.constant 16 : index
      %get3A_2769 = tpu.vector_load %arg7[%get3A_2767, %get3A_2768] {strides = array<i32>} : memref<100x64xf32, #tpu.memory_space<vmem>>, vector<1x16xf32>,
      %get3A_2770 = vector.shape_cast %get3A_2769 : vector<1x16xf32> to vector<16xf32>
      %add3A_2771 = arith.addf %add3A_2747, %get3A_2770 : vector<16xf32>
      %get3A_2772 = arith.constant 10 : i32
      %get3A_2773 = arith.index_cast %get3A_2772 : i32 to index
      %get3A_2774 = arith.constant 32 : index
      %get3A_2775 = tpu.vector_load %arg7[%get3A_2773, %get3A_2774] {strides = array<i32>} : memref<100x64xf32, #tpu.memory_space<vmem>>, vector<1x16xf32>,
      %get3A_2776 = vector.shape_cast %get3A_2775 : vector<1x16xf32> to vector<16xf32>
      %add3A_2777 = arith.addf %add3A_2753, %get3A_2776 : vector<16xf32>
      %get3A_2778 = arith.constant 10 : i32
      %get3A_2779 = arith.index_cast %get3A_2778 : i32 to index
      %get3A_2780 = arith.constant 48 : index
      %get3A_2781 = tpu.vector_load %arg7[%get3A_2779, %get3A_2780] {strides = array<i32>} : memref<100x64xf32, #tpu.memory_space<vmem>>, vector<1x16xf32>,
      %get3A_2782 = vector.shape_cast %get3A_2781 : vector<1x16xf32> to vector<16xf32>
      %add3A_2783 = arith.addf %add3A_2759, %get3A_2782 : vector<16xf32>
      %get3A_2784 = arith.constant 11 : i32
      %get3A_2785 = arith.index_cast %get3A_2784 : i32 to index
      %get3A_2786 = arith.constant 0 : index
      %get3A_2787 = tpu.vector_load %arg7[%get3A_2785, %get3A_2786] {strides = array<i32>} : memref<100x64xf32, #tpu.memory_space<vmem>>, vector<1x16xf32>,
      %get3A_2788 = vector.shape_cast %get3A_2787 : vector<1x16xf32> to vector<16xf32>
      %add3A_2789 = arith.addf %add3A_2765, %get3A_2788 : vector<16xf32>
      %get3A_2790 = arith.constant 11 : i32
      %get3A_2791 = arith.index_cast %get3A_2790 : i32 to index
      %get3A_2792 = arith.constant 16 : index
      %get3A_2793 = tpu.vector_load %arg7[%get3A_2791, %get3A_2792] {strides = array<i32>} : memref<100x64xf32, #tpu.memory_space<vmem>>, vector<1x16xf32>,
      %get3A_2794 = vector.shape_cast %get3A_2793 : vector<1x16xf32> to vector<16xf32>
      %add3A_2795 = arith.addf %add3A_2771, %get3A_2794 : vector<16xf32>
      %get3A_2796 = arith.constant 11 : i32
      %get3A_2797 = arith.index_cast %get3A_2796 : i32 to index
      %get3A_2798 = arith.constant 32 : index
      %get3A_2799 = tpu.vector_load %arg7[%get3A_2797, %get3A_2798] {strides = array<i32>} : memref<100x64xf32, #tpu.memory_space<vmem>>, vector<1x16xf32>,
      %get3A_2800 = vector.shape_cast %get3A_2799 : vector<1x16xf32> to vector<16xf32>
      %add3A_2801 = arith.addf %add3A_2777, %get3A_2800 : vector<16xf32>
      %get3A_2802 = arith.constant 11 : i32
      %get3A_2803 = arith.index_cast %get3A_2802 : i32 to index
      %get3A_2804 = arith.constant 48 : index
      %get3A_2805 = tpu.vector_load %arg7[%get3A_2803, %get3A_2804] {strides = array<i32>} : memref<100x64xf32, #tpu.memory_space<vmem>>, vector<1x16xf32>,
      %get3A_2806 = vector.shape_cast %get3A_2805 : vector<1x16xf32> to vector<16xf32>
      %add3A_2807 = arith.addf %add3A_2783, %get3A_2806 : vector<16xf32>
      %get3A_2808 = arith.constant 12 : i32
      %get3A_2809 = arith.index_cast %get3A_2808 : i32 to index
      %get3A_2810 = arith.constant 0 : index
      %get3A_2811 = tpu.vector_load %arg7[%get3A_2809, %get3A_2810] {strides = array<i32>} : memref<100x64xf32, #tpu.memory_space<vmem>>, vector<1x16xf32>,
      %get3A_2812 = vector.shape_cast %get3A_2811 : vector<1x16xf32> to vector<16xf32>
      %add3A_2813 = arith.addf %add3A_2789, %get3A_2812 : vector<16xf32>
      %get3A_2814 = arith.constant 12 : i32
      %get3A_2815 = arith.index_cast %get3A_2814 : i32 to index
      %get3A_2816 = arith.constant 16 : index
      %get3A_2817 = tpu.vector_load %arg7[%get3A_2815, %get3A_2816] {strides = array<i32>} : memref<100x64xf32, #tpu.memory_space<vmem>>, vector<1x16xf32>,
      %get3A_2818 = vector.shape_cast %get3A_2817 : vector<1x16xf32> to vector<16xf32>
      %add3A_2819 = arith.addf %add3A_2795, %get3A_2818 : vector<16xf32>
      %get3A_2820 = arith.constant 12 : i32
      %get3A_2821 = arith.index_cast %get3A_2820 : i32 to index
      %get3A_2822 = arith.constant 32 : index
      %get3A_2823 = tpu.vector_load %arg7[%get3A_2821, %get3A_2822] {strides = array<i32>} : memref<100x64xf32, #tpu.memory_space<vmem>>, vector<1x16xf32>,
      %get3A_2824 = vector.shape_cast %get3A_2823 : vector<1x16xf32> to vector<16xf32>
      %add3A_2825 = arith.addf %add3A_2801, %get3A_2824 : vector<16xf32>
      %get3A_2826 = arith.constant 12 : i32
      %get3A_2827 = arith.index_cast %get3A_2826 : i32 to index
      %get3A_2828 = arith.constant 48 : index
      %get3A_2829 = tpu.vector_load %arg7[%get3A_2827, %get3A_2828] {strides = array<i32>} : memref<100x64xf32, #tpu.memory_space<vmem>>, vector<1x16xf32>,
      %get3A_2830 = vector.shape_cast %get3A_2829 : vector<1x16xf32> to vector<16xf32>
      %add3A_2831 = arith.addf %add3A_2807, %get3A_2830 : vector<16xf32>
      %get3A_2832 = arith.constant 13 : i32
      %get3A_2833 = arith.index_cast %get3A_2832 : i32 to index
      %get3A_2834 = arith.constant 0 : index
      %get3A_2835 = tpu.vector_load %arg7[%get3A_2833, %get3A_2834] {strides = array<i32>} : memref<100x64xf32, #tpu.memory_space<vmem>>, vector<1x16xf32>,
      %get3A_2836 = vector.shape_cast %get3A_2835 : vector<1x16xf32> to vector<16xf32>
      %add3A_2837 = arith.addf %add3A_2813, %get3A_2836 : vector<16xf32>
      %get3A_2838 = arith.constant 13 : i32
      %get3A_2839 = arith.index_cast %get3A_2838 : i32 to index
      %get3A_2840 = arith.constant 16 : index
      %get3A_2841 = tpu.vector_load %arg7[%get3A_2839, %get3A_2840] {strides = array<i32>} : memref<100x64xf32, #tpu.memory_space<vmem>>, vector<1x16xf32>,
      %get3A_2842 = vector.shape_cast %get3A_2841 : vector<1x16xf32> to vector<16xf32>
      %add3A_2843 = arith.addf %add3A_2819, %get3A_2842 : vector<16xf32>
      %get3A_2844 = arith.constant 13 : i32
      %get3A_2845 = arith.index_cast %get3A_2844 : i32 to index
      %get3A_2846 = arith.constant 32 : index
      %get3A_2847 = tpu.vector_load %arg7[%get3A_2845, %get3A_2846] {strides = array<i32>} : memref<100x64xf32, #tpu.memory_space<vmem>>, vector<1x16xf32>,
      %get3A_2848 = vector.shape_cast %get3A_2847 : vector<1x16xf32> to vector<16xf32>
      %add3A_2849 = arith.addf %add3A_2825, %get3A_2848 : vector<16xf32>
      %get3A_2850 = arith.constant 13 : i32
      %get3A_2851 = arith.index_cast %get3A_2850 : i32 to index
      %get3A_2852 = arith.constant 48 : index
      %get3A_2853 = tpu.vector_load %arg7[%get3A_2851, %get3A_2852] {strides = array<i32>} : memref<100x64xf32, #tpu.memory_space<vmem>>, vector<1x16xf32>,
      %get3A_2854 = vector.shape_cast %get3A_2853 : vector<1x16xf32> to vector<16xf32>
      %add3A_2855 = arith.addf %add3A_2831, %get3A_2854 : vector<16xf32>
      %get3A_2856 = arith.constant 14 : i32
      %get3A_2857 = arith.index_cast %get3A_2856 : i32 to index
      %get3A_2858 = arith.constant 0 : index
      %get3A_2859 = tpu.vector_load %arg7[%get3A_2857, %get3A_2858] {strides = array<i32>} : memref<100x64xf32, #tpu.memory_space<vmem>>, vector<1x16xf32>,
      %get3A_2860 = vector.shape_cast %get3A_2859 : vector<1x16xf32> to vector<16xf32>
      %add3A_2861 = arith.addf %add3A_2837, %get3A_2860 : vector<16xf32>
      %get3A_2862 = arith.constant 14 : i32
      %get3A_2863 = arith.index_cast %get3A_2862 : i32 to index
      %get3A_2864 = arith.constant 16 : index
      %get3A_2865 = tpu.vector_load %arg7[%get3A_2863, %get3A_2864] {strides = array<i32>} : memref<100x64xf32, #tpu.memory_space<vmem>>, vector<1x16xf32>,
      %get3A_2866 = vector.shape_cast %get3A_2865 : vector<1x16xf32> to vector<16xf32>
      %add3A_2867 = arith.addf %add3A_2843, %get3A_2866 : vector<16xf32>
      %get3A_2868 = arith.constant 14 : i32
      %get3A_2869 = arith.index_cast %get3A_2868 : i32 to index
      %get3A_2870 = arith.constant 32 : index
      %get3A_2871 = tpu.vector_load %arg7[%get3A_2869, %get3A_2870] {strides = array<i32>} : memref<100x64xf32, #tpu.memory_space<vmem>>, vector<1x16xf32>,
      %get3A_2872 = vector.shape_cast %get3A_2871 : vector<1x16xf32> to vector<16xf32>
      %add3A_2873 = arith.addf %add3A_2849, %get3A_2872 : vector<16xf32>
      %get3A_2874 = arith.constant 14 : i32
      %get3A_2875 = arith.index_cast %get3A_2874 : i32 to index
      %get3A_2876 = arith.constant 48 : index
      %get3A_2877 = tpu.vector_load %arg7[%get3A_2875, %get3A_2876] {strides = array<i32>} : memref<100x64xf32, #tpu.memory_space<vmem>>, vector<1x16xf32>,
      %get3A_2878 = vector.shape_cast %get3A_2877 : vector<1x16xf32> to vector<16xf32>
      %add3A_2879 = arith.addf %add3A_2855, %get3A_2878 : vector<16xf32>
      %get3A_2880 = arith.constant 15 : i32
      %get3A_2881 = arith.index_cast %get3A_2880 : i32 to index
      %get3A_2882 = arith.constant 0 : index
      %get3A_2883 = tpu.vector_load %arg7[%get3A_2881, %get3A_2882] {strides = array<i32>} : memref<100x64xf32, #tpu.memory_space<vmem>>, vector<1x16xf32>,
      %get3A_2884 = vector.shape_cast %get3A_2883 : vector<1x16xf32> to vector<16xf32>
      %add3A_2885 = arith.addf %add3A_2861, %get3A_2884 : vector<16xf32>
      %get3A_2886 = arith.constant 15 : i32
      %get3A_2887 = arith.index_cast %get3A_2886 : i32 to index
      %get3A_2888 = arith.constant 16 : index
      %get3A_2889 = tpu.vector_load %arg7[%get3A_2887, %get3A_2888] {strides = array<i32>} : memref<100x64xf32, #tpu.memory_space<vmem>>, vector<1x16xf32>,
      %get3A_2890 = vector.shape_cast %get3A_2889 : vector<1x16xf32> to vector<16xf32>
      %add3A_2891 = arith.addf %add3A_2867, %get3A_2890 : vector<16xf32>
      %get3A_2892 = arith.constant 15 : i32
      %get3A_2893 = arith.index_cast %get3A_2892 : i32 to index
      %get3A_2894 = arith.constant 32 : index
      %get3A_2895 = tpu.vector_load %arg7[%get3A_2893, %get3A_2894] {strides = array<i32>} : memref<100x64xf32, #tpu.memory_space<vmem>>, vector<1x16xf32>,
      %get3A_2896 = vector.shape_cast %get3A_2895 : vector<1x16xf32> to vector<16xf32>
      %add3A_2897 = arith.addf %add3A_2873, %get3A_2896 : vector<16xf32>
      %get3A_2898 = arith.constant 15 : i32
      %get3A_2899 = arith.index_cast %get3A_2898 : i32 to index
      %get3A_2900 = arith.constant 48 : index
      %get3A_2901 = tpu.vector_load %arg7[%get3A_2899, %get3A_2900] {strides = array<i32>} : memref<100x64xf32, #tpu.memory_space<vmem>>, vector<1x16xf32>,
      %get3A_2902 = vector.shape_cast %get3A_2901 : vector<1x16xf32> to vector<16xf32>
      %add3A_2903 = arith.addf %add3A_2879, %get3A_2902 : vector<16xf32>
      %get3A_2904 = arith.constant 16 : i32
      %get3A_2905 = arith.index_cast %get3A_2904 : i32 to index
      %get3A_2906 = arith.constant 0 : index
      %get3A_2907 = tpu.vector_load %arg7[%get3A_2905, %get3A_2906] {strides = array<i32>} : memref<100x64xf32, #tpu.memory_space<vmem>>, vector<1x16xf32>,
      %get3A_2908 = vector.shape_cast %get3A_2907 : vector<1x16xf32> to vector<16xf32>
      %add3A_2909 = arith.addf %add3A_2885, %get3A_2908 : vector<16xf32>
      %get3A_2910 = arith.constant 16 : i32
      %get3A_2911 = arith.index_cast %get3A_2910 : i32 to index
      %get3A_2912 = arith.constant 16 : index
      %get3A_2913 = tpu.vector_load %arg7[%get3A_2911, %get3A_2912] {strides = array<i32>} : memref<100x64xf32, #tpu.memory_space<vmem>>, vector<1x16xf32>,
      %get3A_2914 = vector.shape_cast %get3A_2913 : vector<1x16xf32> to vector<16xf32>
      %add3A_2915 = arith.addf %add3A_2891, %get3A_2914 : vector<16xf32>
      %get3A_2916 = arith.constant 16 : i32
      %get3A_2917 = arith.index_cast %get3A_2916 : i32 to index
      %get3A_2918 = arith.constant 32 : index
      %get3A_2919 = tpu.vector_load %arg7[%get3A_2917, %get3A_2918] {strides = array<i32>} : memref<100x64xf32, #tpu.memory_space<vmem>>, vector<1x16xf32>,
      %get3A_2920 = vector.shape_cast %get3A_2919 : vector<1x16xf32> to vector<16xf32>
      %add3A_2921 = arith.addf %add3A_2897, %get3A_2920 : vector<16xf32>
      %get3A_2922 = arith.constant 16 : i32
      %get3A_2923 = arith.index_cast %get3A_2922 : i32 to index
      %get3A_2924 = arith.constant 48 : index
      %get3A_2925 = tpu.vector_load %arg7[%get3A_2923, %get3A_2924] {strides = array<i32>} : memref<100x64xf32, #tpu.memory_space<vmem>>, vector<1x16xf32>,
      %get3A_2926 = vector.shape_cast %get3A_2925 : vector<1x16xf32> to vector<16xf32>
      %add3A_2927 = arith.addf %add3A_2903, %get3A_2926 : vector<16xf32>
      %get3A_2928 = arith.constant 17 : i32
      %get3A_2929 = arith.index_cast %get3A_2928 : i32 to index
      %get3A_2930 = arith.constant 0 : index
      %get3A_2931 = tpu.vector_load %arg7[%get3A_2929, %get3A_2930] {strides = array<i32>} : memref<100x64xf32, #tpu.memory_space<vmem>>, vector<1x16xf32>,
      %get3A_2932 = vector.shape_cast %get3A_2931 : vector<1x16xf32> to vector<16xf32>
      %add3A_2933 = arith.addf %add3A_2909, %get3A_2932 : vector<16xf32>
      %get3A_2934 = arith.constant 17 : i32
      %get3A_2935 = arith.index_cast %get3A_2934 : i32 to index
      %get3A_2936 = arith.constant 16 : index
      %get3A_2937 = tpu.vector_load %arg7[%get3A_2935, %get3A_2936] {strides = array<i32>} : memref<100x64xf32, #tpu.memory_space<vmem>>, vector<1x16xf32>,
      %get3A_2938 = vector.shape_cast %get3A_2937 : vector<1x16xf32> to vector<16xf32>
      %add3A_2939 = arith.addf %add3A_2915, %get3A_2938 : vector<16xf32>
      %get3A_2940 = arith.constant 17 : i32
      %get3A_2941 = arith.index_cast %get3A_2940 : i32 to index
      %get3A_2942 = arith.constant 32 : index
      %get3A_2943 = tpu.vector_load %arg7[%get3A_2941, %get3A_2942] {strides = array<i32>} : memref<100x64xf32, #tpu.memory_space<vmem>>, vector<1x16xf32>,
      %get3A_2944 = vector.shape_cast %get3A_2943 : vector<1x16xf32> to vector<16xf32>
      %add3A_2945 = arith.addf %add3A_2921, %get3A_2944 : vector<16xf32>
      %get3A_2946 = arith.constant 17 : i32
      %get3A_2947 = arith.index_cast %get3A_2946 : i32 to index
      %get3A_2948 = arith.constant 48 : index
      %get3A_2949 = tpu.vector_load %arg7[%get3A_2947, %get3A_2948] {strides = array<i32>} : memref<100x64xf32, #tpu.memory_space<vmem>>, vector<1x16xf32>,
      %get3A_2950 = vector.shape_cast %get3A_2949 : vector<1x16xf32> to vector<16xf32>
      %add3A_2951 = arith.addf %add3A_2927, %get3A_2950 : vector<16xf32>
      %get3A_2952 = arith.constant 18 : i32
      %get3A_2953 = arith.index_cast %get3A_2952 : i32 to index
      %get3A_2954 = arith.constant 0 : index
      %get3A_2955 = tpu.vector_load %arg7[%get3A_2953, %get3A_2954] {strides = array<i32>} : memref<100x64xf32, #tpu.memory_space<vmem>>, vector<1x16xf32>,
      %get3A_2956 = vector.shape_cast %get3A_2955 : vector<1x16xf32> to vector<16xf32>
      %add3A_2957 = arith.addf %add3A_2933, %get3A_2956 : vector<16xf32>
      %get3A_2958 = arith.constant 18 : i32
      %get3A_2959 = arith.index_cast %get3A_2958 : i32 to index
      %get3A_2960 = arith.constant 16 : index
      %get3A_2961 = tpu.vector_load %arg7[%get3A_2959, %get3A_2960] {strides = array<i32>} : memref<100x64xf32, #tpu.memory_space<vmem>>, vector<1x16xf32>,
      %get3A_2962 = vector.shape_cast %get3A_2961 : vector<1x16xf32> to vector<16xf32>
      %add3A_2963 = arith.addf %add3A_2939, %get3A_2962 : vector<16xf32>
      %get3A_2964 = arith.constant 18 : i32
      %get3A_2965 = arith.index_cast %get3A_2964 : i32 to index
      %get3A_2966 = arith.constant 32 : index
      %get3A_2967 = tpu.vector_load %arg7[%get3A_2965, %get3A_2966] {strides = array<i32>} : memref<100x64xf32, #tpu.memory_space<vmem>>, vector<1x16xf32>,
      %get3A_2968 = vector.shape_cast %get3A_2967 : vector<1x16xf32> to vector<16xf32>
      %add3A_2969 = arith.addf %add3A_2945, %get3A_2968 : vector<16xf32>
      %get3A_2970 = arith.constant 18 : i32
      %get3A_2971 = arith.index_cast %get3A_2970 : i32 to index
      %get3A_2972 = arith.constant 48 : index
      %get3A_2973 = tpu.vector_load %arg7[%get3A_2971, %get3A_2972] {strides = array<i32>} : memref<100x64xf32, #tpu.memory_space<vmem>>, vector<1x16xf32>,
      %get3A_2974 = vector.shape_cast %get3A_2973 : vector<1x16xf32> to vector<16xf32>
      %add3A_2975 = arith.addf %add3A_2951, %get3A_2974 : vector<16xf32>
      %get3A_2976 = arith.constant 19 : i32
      %get3A_2977 = arith.index_cast %get3A_2976 : i32 to index
      %get3A_2978 = arith.constant 0 : index
      %get3A_2979 = tpu.vector_load %arg7[%get3A_2977, %get3A_2978] {strides = array<i32>} : memref<100x64xf32, #tpu.memory_space<vmem>>, vector<1x16xf32>,
      %get3A_2980 = vector.shape_cast %get3A_2979 : vector<1x16xf32> to vector<16xf32>
      %add3A_2981 = arith.addf %add3A_2957, %get3A_2980 : vector<16xf32>
      %get3A_2982 = arith.constant 19 : i32
      %get3A_2983 = arith.index_cast %get3A_2982 : i32 to index
      %get3A_2984 = arith.constant 16 : index
      %get3A_2985 = tpu.vector_load %arg7[%get3A_2983, %get3A_2984] {strides = array<i32>} : memref<100x64xf32, #tpu.memory_space<vmem>>, vector<1x16xf32>,
      %get3A_2986 = vector.shape_cast %get3A_2985 : vector<1x16xf32> to vector<16xf32>
      %add3A_2987 = arith.addf %add3A_2963, %get3A_2986 : vector<16xf32>
      %get3A_2988 = arith.constant 19 : i32
      %get3A_2989 = arith.index_cast %get3A_2988 : i32 to index
      %get3A_2990 = arith.constant 32 : index
      %get3A_2991 = tpu.vector_load %arg7[%get3A_2989, %get3A_2990] {strides = array<i32>} : memref<100x64xf32, #tpu.memory_space<vmem>>, vector<1x16xf32>,
      %get3A_2992 = vector.shape_cast %get3A_2991 : vector<1x16xf32> to vector<16xf32>
      %add3A_2993 = arith.addf %add3A_2969, %get3A_2992 : vector<16xf32>
      %get3A_2994 = arith.constant 19 : i32
      %get3A_2995 = arith.index_cast %get3A_2994 : i32 to index
      %get3A_2996 = arith.constant 48 : index
      %get3A_2997 = tpu.vector_load %arg7[%get3A_2995, %get3A_2996] {strides = array<i32>} : memref<100x64xf32, #tpu.memory_space<vmem>>, vector<1x16xf32>,
      %get3A_2998 = vector.shape_cast %get3A_2997 : vector<1x16xf32> to vector<16xf32>
      %add3A_2999 = arith.addf %add3A_2975, %get3A_2998 : vector<16xf32>
      %get3A_3000 = arith.constant 20 : i32
      %get3A_3001 = arith.index_cast %get3A_3000 : i32 to index
      %get3A_3002 = arith.constant 0 : index
      %get3A_3003 = tpu.vector_load %arg7[%get3A_3001, %get3A_3002] {strides = array<i32>} : memref<100x64xf32, #tpu.memory_space<vmem>>, vector<1x16xf32>,
      %get3A_3004 = vector.shape_cast %get3A_3003 : vector<1x16xf32> to vector<16xf32>
      %add3A_3005 = arith.addf %add3A_2981, %get3A_3004 : vector<16xf32>
      %get3A_3006 = arith.constant 20 : i32
      %get3A_3007 = arith.index_cast %get3A_3006 : i32 to index
      %get3A_3008 = arith.constant 16 : index
      %get3A_3009 = tpu.vector_load %arg7[%get3A_3007, %get3A_3008] {strides = array<i32>} : memref<100x64xf32, #tpu.memory_space<vmem>>, vector<1x16xf32>,
      %get3A_3010 = vector.shape_cast %get3A_3009 : vector<1x16xf32> to vector<16xf32>
      %add3A_3011 = arith.addf %add3A_2987, %get3A_3010 : vector<16xf32>
      %get3A_3012 = arith.constant 20 : i32
      %get3A_3013 = arith.index_cast %get3A_3012 : i32 to index
      %get3A_3014 = arith.constant 32 : index
      %get3A_3015 = tpu.vector_load %arg7[%get3A_3013, %get3A_3014] {strides = array<i32>} : memref<100x64xf32, #tpu.memory_space<vmem>>, vector<1x16xf32>,
      %get3A_3016 = vector.shape_cast %get3A_3015 : vector<1x16xf32> to vector<16xf32>
      %add3A_3017 = arith.addf %add3A_2993, %get3A_3016 : vector<16xf32>
      %get3A_3018 = arith.constant 20 : i32
      %get3A_3019 = arith.index_cast %get3A_3018 : i32 to index
      %get3A_3020 = arith.constant 48 : index
      %get3A_3021 = tpu.vector_load %arg7[%get3A_3019, %get3A_3020] {strides = array<i32>} : memref<100x64xf32, #tpu.memory_space<vmem>>, vector<1x16xf32>,
      %get3A_3022 = vector.shape_cast %get3A_3021 : vector<1x16xf32> to vector<16xf32>
      %add3A_3023 = arith.addf %add3A_2999, %get3A_3022 : vector<16xf32>
      %get3A_3024 = arith.constant 21 : i32
      %get3A_3025 = arith.index_cast %get3A_3024 : i32 to index
      %get3A_3026 = arith.constant 0 : index
      %get3A_3027 = tpu.vector_load %arg7[%get3A_3025, %get3A_3026] {strides = array<i32>} : memref<100x64xf32, #tpu.memory_space<vmem>>, vector<1x16xf32>,
      %get3A_3028 = vector.shape_cast %get3A_3027 : vector<1x16xf32> to vector<16xf32>
      %add3A_3029 = arith.addf %add3A_3005, %get3A_3028 : vector<16xf32>
      %get3A_3030 = arith.constant 21 : i32
      %get3A_3031 = arith.index_cast %get3A_3030 : i32 to index
      %get3A_3032 = arith.constant 16 : index
      %get3A_3033 = tpu.vector_load %arg7[%get3A_3031, %get3A_3032] {strides = array<i32>} : memref<100x64xf32, #tpu.memory_space<vmem>>, vector<1x16xf32>,
      %get3A_3034 = vector.shape_cast %get3A_3033 : vector<1x16xf32> to vector<16xf32>
      %add3A_3035 = arith.addf %add3A_3011, %get3A_3034 : vector<16xf32>
      %get3A_3036 = arith.constant 21 : i32
      %get3A_3037 = arith.index_cast %get3A_3036 : i32 to index
      %get3A_3038 = arith.constant 32 : index
      %get3A_3039 = tpu.vector_load %arg7[%get3A_3037, %get3A_3038] {strides = array<i32>} : memref<100x64xf32, #tpu.memory_space<vmem>>, vector<1x16xf32>,
      %get3A_3040 = vector.shape_cast %get3A_3039 : vector<1x16xf32> to vector<16xf32>
      %add3A_3041 = arith.addf %add3A_3017, %get3A_3040 : vector<16xf32>
      %get3A_3042 = arith.constant 21 : i32
      %get3A_3043 = arith.index_cast %get3A_3042 : i32 to index
      %get3A_3044 = arith.constant 48 : index
      %get3A_3045 = tpu.vector_load %arg7[%get3A_3043, %get3A_3044] {strides = array<i32>} : memref<100x64xf32, #tpu.memory_space<vmem>>, vector<1x16xf32>,
      %get3A_3046 = vector.shape_cast %get3A_3045 : vector<1x16xf32> to vector<16xf32>
      %add3A_3047 = arith.addf %add3A_3023, %get3A_3046 : vector<16xf32>
      %get3A_3048 = arith.constant 22 : i32
      %get3A_3049 = arith.index_cast %get3A_3048 : i32 to index
      %get3A_3050 = arith.constant 0 : index
      %get3A_3051 = tpu.vector_load %arg7[%get3A_3049, %get3A_3050] {strides = array<i32>} : memref<100x64xf32, #tpu.memory_space<vmem>>, vector<1x16xf32>,
      %get3A_3052 = vector.shape_cast %get3A_3051 : vector<1x16xf32> to vector<16xf32>
      %add3A_3053 = arith.addf %add3A_3029, %get3A_3052 : vector<16xf32>
      %get3A_3054 = arith.constant 22 : i32
      %get3A_3055 = arith.index_cast %get3A_3054 : i32 to index
      %get3A_3056 = arith.constant 16 : index
      %get3A_3057 = tpu.vector_load %arg7[%get3A_3055, %get3A_3056] {strides = array<i32>} : memref<100x64xf32, #tpu.memory_space<vmem>>, vector<1x16xf32>,
      %get3A_3058 = vector.shape_cast %get3A_3057 : vector<1x16xf32> to vector<16xf32>
      %add3A_3059 = arith.addf %add3A_3035, %get3A_3058 : vector<16xf32>
      %get3A_3060 = arith.constant 22 : i32
      %get3A_3061 = arith.index_cast %get3A_3060 : i32 to index
      %get3A_3062 = arith.constant 32 : index
      %get3A_3063 = tpu.vector_load %arg7[%get3A_3061, %get3A_3062] {strides = array<i32>} : memref<100x64xf32, #tpu.memory_space<vmem>>, vector<1x16xf32>,
      %get3A_3064 = vector.shape_cast %get3A_3063 : vector<1x16xf32> to vector<16xf32>
      %add3A_3065 = arith.addf %add3A_3041, %get3A_3064 : vector<16xf32>
      %get3A_3066 = arith.constant 22 : i32
      %get3A_3067 = arith.index_cast %get3A_3066 : i32 to index
      %get3A_3068 = arith.constant 48 : index
      %get3A_3069 = tpu.vector_load %arg7[%get3A_3067, %get3A_3068] {strides = array<i32>} : memref<100x64xf32, #tpu.memory_space<vmem>>, vector<1x16xf32>,
      %get3A_3070 = vector.shape_cast %get3A_3069 : vector<1x16xf32> to vector<16xf32>
      %add3A_3071 = arith.addf %add3A_3047, %get3A_3070 : vector<16xf32>
      %get3A_3072 = arith.constant 23 : i32
      %get3A_3073 = arith.index_cast %get3A_3072 : i32 to index
      %get3A_3074 = arith.constant 0 : index
      %get3A_3075 = tpu.vector_load %arg7[%get3A_3073, %get3A_3074] {strides = array<i32>} : memref<100x64xf32, #tpu.memory_space<vmem>>, vector<1x16xf32>,
      %get3A_3076 = vector.shape_cast %get3A_3075 : vector<1x16xf32> to vector<16xf32>
      %add3A_3077 = arith.addf %add3A_3053, %get3A_3076 : vector<16xf32>
      %get3A_3078 = arith.constant 23 : i32
      %get3A_3079 = arith.index_cast %get3A_3078 : i32 to index
      %get3A_3080 = arith.constant 16 : index
      %get3A_3081 = tpu.vector_load %arg7[%get3A_3079, %get3A_3080] {strides = array<i32>} : memref<100x64xf32, #tpu.memory_space<vmem>>, vector<1x16xf32>,
      %get3A_3082 = vector.shape_cast %get3A_3081 : vector<1x16xf32> to vector<16xf32>
      %add3A_3083 = arith.addf %add3A_3059, %get3A_3082 : vector<16xf32>
      %get3A_3084 = arith.constant 23 : i32
      %get3A_3085 = arith.index_cast %get3A_3084 : i32 to index
      %get3A_3086 = arith.constant 32 : index
      %get3A_3087 = tpu.vector_load %arg7[%get3A_3085, %get3A_3086] {strides = array<i32>} : memref<100x64xf32, #tpu.memory_space<vmem>>, vector<1x16xf32>,
      %get3A_3088 = vector.shape_cast %get3A_3087 : vector<1x16xf32> to vector<16xf32>
      %add3A_3089 = arith.addf %add3A_3065, %get3A_3088 : vector<16xf32>
      %get3A_3090 = arith.constant 23 : i32
      %get3A_3091 = arith.index_cast %get3A_3090 : i32 to index
      %get3A_3092 = arith.constant 48 : index
      %get3A_3093 = tpu.vector_load %arg7[%get3A_3091, %get3A_3092] {strides = array<i32>} : memref<100x64xf32, #tpu.memory_space<vmem>>, vector<1x16xf32>,
      %get3A_3094 = vector.shape_cast %get3A_3093 : vector<1x16xf32> to vector<16xf32>
      %add3A_3095 = arith.addf %add3A_3071, %get3A_3094 : vector<16xf32>
      %get3A_3096 = arith.constant 24 : i32
      %get3A_3097 = arith.index_cast %get3A_3096 : i32 to index
      %get3A_3098 = arith.constant 0 : index
      %get3A_3099 = tpu.vector_load %arg7[%get3A_3097, %get3A_3098] {strides = array<i32>} : memref<100x64xf32, #tpu.memory_space<vmem>>, vector<1x16xf32>,
      %get3A_3100 = vector.shape_cast %get3A_3099 : vector<1x16xf32> to vector<16xf32>
      %add3A_3101 = arith.addf %add3A_3077, %get3A_3100 : vector<16xf32>
      %get3A_3102 = arith.constant 24 : i32
      %get3A_3103 = arith.index_cast %get3A_3102 : i32 to index
      %get3A_3104 = arith.constant 16 : index
      %get3A_3105 = tpu.vector_load %arg7[%get3A_3103, %get3A_3104] {strides = array<i32>} : memref<100x64xf32, #tpu.memory_space<vmem>>, vector<1x16xf32>,
      %get3A_3106 = vector.shape_cast %get3A_3105 : vector<1x16xf32> to vector<16xf32>
      %add3A_3107 = arith.addf %add3A_3083, %get3A_3106 : vector<16xf32>
      %get3A_3108 = arith.constant 24 : i32
      %get3A_3109 = arith.index_cast %get3A_3108 : i32 to index
      %get3A_3110 = arith.constant 32 : index
      %get3A_3111 = tpu.vector_load %arg7[%get3A_3109, %get3A_3110] {strides = array<i32>} : memref<100x64xf32, #tpu.memory_space<vmem>>, vector<1x16xf32>,
      %get3A_3112 = vector.shape_cast %get3A_3111 : vector<1x16xf32> to vector<16xf32>
      %add3A_3113 = arith.addf %add3A_3089, %get3A_3112 : vector<16xf32>
      %get3A_3114 = arith.constant 24 : i32
      %get3A_3115 = arith.index_cast %get3A_3114 : i32 to index
      %get3A_3116 = arith.constant 48 : index
      %get3A_3117 = tpu.vector_load %arg7[%get3A_3115, %get3A_3116] {strides = array<i32>} : memref<100x64xf32, #tpu.memory_space<vmem>>, vector<1x16xf32>,
      %get3A_3118 = vector.shape_cast %get3A_3117 : vector<1x16xf32> to vector<16xf32>
      %add3A_3119 = arith.addf %add3A_3095, %get3A_3118 : vector<16xf32>
      %get3A_3120 = arith.constant 25 : i32
      %get3A_3121 = arith.index_cast %get3A_3120 : i32 to index
      %get3A_3122 = arith.constant 0 : index
      %get3A_3123 = tpu.vector_load %arg7[%get3A_3121, %get3A_3122] {strides = array<i32>} : memref<100x64xf32, #tpu.memory_space<vmem>>, vector<1x16xf32>,
      %get3A_3124 = vector.shape_cast %get3A_3123 : vector<1x16xf32> to vector<16xf32>
      %add3A_3125 = arith.addf %add3A_3101, %get3A_3124 : vector<16xf32>
      %get3A_3126 = arith.constant 25 : i32
      %get3A_3127 = arith.index_cast %get3A_3126 : i32 to index
      %get3A_3128 = arith.constant 16 : index
      %get3A_3129 = tpu.vector_load %arg7[%get3A_3127, %get3A_3128] {strides = array<i32>} : memref<100x64xf32, #tpu.memory_space<vmem>>, vector<1x16xf32>,
      %get3A_3130 = vector.shape_cast %get3A_3129 : vector<1x16xf32> to vector<16xf32>
      %add3A_3131 = arith.addf %add3A_3107, %get3A_3130 : vector<16xf32>
      %get3A_3132 = arith.constant 25 : i32
      %get3A_3133 = arith.index_cast %get3A_3132 : i32 to index
      %get3A_3134 = arith.constant 32 : index
      %get3A_3135 = tpu.vector_load %arg7[%get3A_3133, %get3A_3134] {strides = array<i32>} : memref<100x64xf32, #tpu.memory_space<vmem>>, vector<1x16xf32>,
      %get3A_3136 = vector.shape_cast %get3A_3135 : vector<1x16xf32> to vector<16xf32>
      %add3A_3137 = arith.addf %add3A_3113, %get3A_3136 : vector<16xf32>
      %get3A_3138 = arith.constant 25 : i32
      %get3A_3139 = arith.index_cast %get3A_3138 : i32 to index
      %get3A_3140 = arith.constant 48 : index
      %get3A_3141 = tpu.vector_load %arg7[%get3A_3139, %get3A_3140] {strides = array<i32>} : memref<100x64xf32, #tpu.memory_space<vmem>>, vector<1x16xf32>,
      %get3A_3142 = vector.shape_cast %get3A_3141 : vector<1x16xf32> to vector<16xf32>
      %add3A_3143 = arith.addf %add3A_3119, %get3A_3142 : vector<16xf32>
      %get3A_3144 = arith.constant 26 : i32
      %get3A_3145 = arith.index_cast %get3A_3144 : i32 to index
      %get3A_3146 = arith.constant 0 : index
      %get3A_3147 = tpu.vector_load %arg7[%get3A_3145, %get3A_3146] {strides = array<i32>} : memref<100x64xf32, #tpu.memory_space<vmem>>, vector<1x16xf32>,
      %get3A_3148 = vector.shape_cast %get3A_3147 : vector<1x16xf32> to vector<16xf32>
      %add3A_3149 = arith.addf %add3A_3125, %get3A_3148 : vector<16xf32>
      %get3A_3150 = arith.constant 26 : i32
      %get3A_3151 = arith.index_cast %get3A_3150 : i32 to index
      %get3A_3152 = arith.constant 16 : index
      %get3A_3153 = tpu.vector_load %arg7[%get3A_3151, %get3A_3152] {strides = array<i32>} : memref<100x64xf32, #tpu.memory_space<vmem>>, vector<1x16xf32>,
      %get3A_3154 = vector.shape_cast %get3A_3153 : vector<1x16xf32> to vector<16xf32>
      %add3A_3155 = arith.addf %add3A_3131, %get3A_3154 : vector<16xf32>
      %get3A_3156 = arith.constant 26 : i32
      %get3A_3157 = arith.index_cast %get3A_3156 : i32 to index
      %get3A_3158 = arith.constant 32 : index
      %get3A_3159 = tpu.vector_load %arg7[%get3A_3157, %get3A_3158] {strides = array<i32>} : memref<100x64xf32, #tpu.memory_space<vmem>>, vector<1x16xf32>,
      %get3A_3160 = vector.shape_cast %get3A_3159 : vector<1x16xf32> to vector<16xf32>
      %add3A_3161 = arith.addf %add3A_3137, %get3A_3160 : vector<16xf32>
      %get3A_3162 = arith.constant 26 : i32
      %get3A_3163 = arith.index_cast %get3A_3162 : i32 to index
      %get3A_3164 = arith.constant 48 : index
      %get3A_3165 = tpu.vector_load %arg7[%get3A_3163, %get3A_3164] {strides = array<i32>} : memref<100x64xf32, #tpu.memory_space<vmem>>, vector<1x16xf32>,
      %get3A_3166 = vector.shape_cast %get3A_3165 : vector<1x16xf32> to vector<16xf32>
      %add3A_3167 = arith.addf %add3A_3143, %get3A_3166 : vector<16xf32>
      %get3A_3168 = arith.constant 27 : i32
      %get3A_3169 = arith.index_cast %get3A_3168 : i32 to index
      %get3A_3170 = arith.constant 0 : index
      %get3A_3171 = tpu.vector_load %arg7[%get3A_3169, %get3A_3170] {strides = array<i32>} : memref<100x64xf32, #tpu.memory_space<vmem>>, vector<1x16xf32>,
      %get3A_3172 = vector.shape_cast %get3A_3171 : vector<1x16xf32> to vector<16xf32>
      %add3A_3173 = arith.addf %add3A_3149, %get3A_3172 : vector<16xf32>
      %get3A_3174 = arith.constant 27 : i32
      %get3A_3175 = arith.index_cast %get3A_3174 : i32 to index
      %get3A_3176 = arith.constant 16 : index
      %get3A_3177 = tpu.vector_load %arg7[%get3A_3175, %get3A_3176] {strides = array<i32>} : memref<100x64xf32, #tpu.memory_space<vmem>>, vector<1x16xf32>,
      %get3A_3178 = vector.shape_cast %get3A_3177 : vector<1x16xf32> to vector<16xf32>
      %add3A_3179 = arith.addf %add3A_3155, %get3A_3178 : vector<16xf32>
      %get3A_3180 = arith.constant 27 : i32
      %get3A_3181 = arith.index_cast %get3A_3180 : i32 to index
      %get3A_3182 = arith.constant 32 : index
      %get3A_3183 = tpu.vector_load %arg7[%get3A_3181, %get3A_3182] {strides = array<i32>} : memref<100x64xf32, #tpu.memory_space<vmem>>, vector<1x16xf32>,
      %get3A_3184 = vector.shape_cast %get3A_3183 : vector<1x16xf32> to vector<16xf32>
      %add3A_3185 = arith.addf %add3A_3161, %get3A_3184 : vector<16xf32>
      %get3A_3186 = arith.constant 27 : i32
      %get3A_3187 = arith.index_cast %get3A_3186 : i32 to index
      %get3A_3188 = arith.constant 48 : index
      %get3A_3189 = tpu.vector_load %arg7[%get3A_3187, %get3A_3188] {strides = array<i32>} : memref<100x64xf32, #tpu.memory_space<vmem>>, vector<1x16xf32>,
      %get3A_3190 = vector.shape_cast %get3A_3189 : vector<1x16xf32> to vector<16xf32>
      %add3A_3191 = arith.addf %add3A_3167, %get3A_3190 : vector<16xf32>
      %get3A_3192 = arith.constant 28 : i32
      %get3A_3193 = arith.index_cast %get3A_3192 : i32 to index
      %get3A_3194 = arith.constant 0 : index
      %get3A_3195 = tpu.vector_load %arg7[%get3A_3193, %get3A_3194] {strides = array<i32>} : memref<100x64xf32, #tpu.memory_space<vmem>>, vector<1x16xf32>,
      %get3A_3196 = vector.shape_cast %get3A_3195 : vector<1x16xf32> to vector<16xf32>
      %add3A_3197 = arith.addf %add3A_3173, %get3A_3196 : vector<16xf32>
      %get3A_3198 = arith.constant 28 : i32
      %get3A_3199 = arith.index_cast %get3A_3198 : i32 to index
      %get3A_3200 = arith.constant 16 : index
      %get3A_3201 = tpu.vector_load %arg7[%get3A_3199, %get3A_3200] {strides = array<i32>} : memref<100x64xf32, #tpu.memory_space<vmem>>, vector<1x16xf32>,
      %get3A_3202 = vector.shape_cast %get3A_3201 : vector<1x16xf32> to vector<16xf32>
      %add3A_3203 = arith.addf %add3A_3179, %get3A_3202 : vector<16xf32>
      %get3A_3204 = arith.constant 28 : i32
      %get3A_3205 = arith.index_cast %get3A_3204 : i32 to index
      %get3A_3206 = arith.constant 32 : index
      %get3A_3207 = tpu.vector_load %arg7[%get3A_3205, %get3A_3206] {strides = array<i32>} : memref<100x64xf32, #tpu.memory_space<vmem>>, vector<1x16xf32>,
      %get3A_3208 = vector.shape_cast %get3A_3207 : vector<1x16xf32> to vector<16xf32>
      %add3A_3209 = arith.addf %add3A_3185, %get3A_3208 : vector<16xf32>
      %get3A_3210 = arith.constant 28 : i32
      %get3A_3211 = arith.index_cast %get3A_3210 : i32 to index
      %get3A_3212 = arith.constant 48 : index
      %get3A_3213 = tpu.vector_load %arg7[%get3A_3211, %get3A_3212] {strides = array<i32>} : memref<100x64xf32, #tpu.memory_space<vmem>>, vector<1x16xf32>,
      %get3A_3214 = vector.shape_cast %get3A_3213 : vector<1x16xf32> to vector<16xf32>
      %add3A_3215 = arith.addf %add3A_3191, %get3A_3214 : vector<16xf32>
      %get3A_3216 = arith.constant 29 : i32
      %get3A_3217 = arith.index_cast %get3A_3216 : i32 to index
      %get3A_3218 = arith.constant 0 : index
      %get3A_3219 = tpu.vector_load %arg7[%get3A_3217, %get3A_3218] {strides = array<i32>} : memref<100x64xf32, #tpu.memory_space<vmem>>, vector<1x16xf32>,
      %get3A_3220 = vector.shape_cast %get3A_3219 : vector<1x16xf32> to vector<16xf32>
      %add3A_3221 = arith.addf %add3A_3197, %get3A_3220 : vector<16xf32>
      %get3A_3222 = arith.constant 29 : i32
      %get3A_3223 = arith.index_cast %get3A_3222 : i32 to index
      %get3A_3224 = arith.constant 16 : index
      %get3A_3225 = tpu.vector_load %arg7[%get3A_3223, %get3A_3224] {strides = array<i32>} : memref<100x64xf32, #tpu.memory_space<vmem>>, vector<1x16xf32>,
      %get3A_3226 = vector.shape_cast %get3A_3225 : vector<1x16xf32> to vector<16xf32>
      %add3A_3227 = arith.addf %add3A_3203, %get3A_3226 : vector<16xf32>
      %get3A_3228 = arith.constant 29 : i32
      %get3A_3229 = arith.index_cast %get3A_3228 : i32 to index
      %get3A_3230 = arith.constant 32 : index
      %get3A_3231 = tpu.vector_load %arg7[%get3A_3229, %get3A_3230] {strides = array<i32>} : memref<100x64xf32, #tpu.memory_space<vmem>>, vector<1x16xf32>,
      %get3A_3232 = vector.shape_cast %get3A_3231 : vector<1x16xf32> to vector<16xf32>
      %add3A_3233 = arith.addf %add3A_3209, %get3A_3232 : vector<16xf32>
      %get3A_3234 = arith.constant 29 : i32
      %get3A_3235 = arith.index_cast %get3A_3234 : i32 to index
      %get3A_3236 = arith.constant 48 : index
      %get3A_3237 = tpu.vector_load %arg7[%get3A_3235, %get3A_3236] {strides = array<i32>} : memref<100x64xf32, #tpu.memory_space<vmem>>, vector<1x16xf32>,
      %get3A_3238 = vector.shape_cast %get3A_3237 : vector<1x16xf32> to vector<16xf32>
      %add3A_3239 = arith.addf %add3A_3215, %get3A_3238 : vector<16xf32>
      %get3A_3240 = arith.constant 30 : i32
      %get3A_3241 = arith.index_cast %get3A_3240 : i32 to index
      %get3A_3242 = arith.constant 0 : index
      %get3A_3243 = tpu.vector_load %arg7[%get3A_3241, %get3A_3242] {strides = array<i32>} : memref<100x64xf32, #tpu.memory_space<vmem>>, vector<1x16xf32>,
      %get3A_3244 = vector.shape_cast %get3A_3243 : vector<1x16xf32> to vector<16xf32>
      %add3A_3245 = arith.addf %add3A_3221, %get3A_3244 : vector<16xf32>
      %get3A_3246 = arith.constant 30 : i32
      %get3A_3247 = arith.index_cast %get3A_3246 : i32 to index
      %get3A_3248 = arith.constant 16 : index
      %get3A_3249 = tpu.vector_load %arg7[%get3A_3247, %get3A_3248] {strides = array<i32>} : memref<100x64xf32, #tpu.memory_space<vmem>>, vector<1x16xf32>,
      %get3A_3250 = vector.shape_cast %get3A_3249 : vector<1x16xf32> to vector<16xf32>
      %add3A_3251 = arith.addf %add3A_3227, %get3A_3250 : vector<16xf32>
      %get3A_3252 = arith.constant 30 : i32
      %get3A_3253 = arith.index_cast %get3A_3252 : i32 to index
      %get3A_3254 = arith.constant 32 : index
      %get3A_3255 = tpu.vector_load %arg7[%get3A_3253, %get3A_3254] {strides = array<i32>} : memref<100x64xf32, #tpu.memory_space<vmem>>, vector<1x16xf32>,
      %get3A_3256 = vector.shape_cast %get3A_3255 : vector<1x16xf32> to vector<16xf32>
      %add3A_3257 = arith.addf %add3A_3233, %get3A_3256 : vector<16xf32>
      %get3A_3258 = arith.constant 30 : i32
      %get3A_3259 = arith.index_cast %get3A_3258 : i32 to index
      %get3A_3260 = arith.constant 48 : index
      %get3A_3261 = tpu.vector_load %arg7[%get3A_3259, %get3A_3260] {strides = array<i32>} : memref<100x64xf32, #tpu.memory_space<vmem>>, vector<1x16xf32>,
      %get3A_3262 = vector.shape_cast %get3A_3261 : vector<1x16xf32> to vector<16xf32>
      %add3A_3263 = arith.addf %add3A_3239, %get3A_3262 : vector<16xf32>
      %get3A_3264 = arith.constant 31 : i32
      %get3A_3265 = arith.index_cast %get3A_3264 : i32 to index
      %get3A_3266 = arith.constant 0 : index
      %get3A_3267 = tpu.vector_load %arg7[%get3A_3265, %get3A_3266] {strides = array<i32>} : memref<100x64xf32, #tpu.memory_space<vmem>>, vector<1x16xf32>,
      %get3A_3268 = vector.shape_cast %get3A_3267 : vector<1x16xf32> to vector<16xf32>
      %add3A_3269 = arith.addf %add3A_3245, %get3A_3268 : vector<16xf32>
      %get3A_3270 = arith.constant 31 : i32
      %get3A_3271 = arith.index_cast %get3A_3270 : i32 to index
      %get3A_3272 = arith.constant 16 : index
      %get3A_3273 = tpu.vector_load %arg7[%get3A_3271, %get3A_3272] {strides = array<i32>} : memref<100x64xf32, #tpu.memory_space<vmem>>, vector<1x16xf32>,
      %get3A_3274 = vector.shape_cast %get3A_3273 : vector<1x16xf32> to vector<16xf32>
      %add3A_3275 = arith.addf %add3A_3251, %get3A_3274 : vector<16xf32>
      %get3A_3276 = arith.constant 31 : i32
      %get3A_3277 = arith.index_cast %get3A_3276 : i32 to index
      %get3A_3278 = arith.constant 32 : index
      %get3A_3279 = tpu.vector_load %arg7[%get3A_3277, %get3A_3278] {strides = array<i32>} : memref<100x64xf32, #tpu.memory_space<vmem>>, vector<1x16xf32>,
      %get3A_3280 = vector.shape_cast %get3A_3279 : vector<1x16xf32> to vector<16xf32>
      %add3A_3281 = arith.addf %add3A_3257, %get3A_3280 : vector<16xf32>
      %get3A_3282 = arith.constant 31 : i32
      %get3A_3283 = arith.index_cast %get3A_3282 : i32 to index
      %get3A_3284 = arith.constant 48 : index
      %get3A_3285 = tpu.vector_load %arg7[%get3A_3283, %get3A_3284] {strides = array<i32>} : memref<100x64xf32, #tpu.memory_space<vmem>>, vector<1x16xf32>,
      %get3A_3286 = vector.shape_cast %get3A_3285 : vector<1x16xf32> to vector<16xf32>
      %add3A_3287 = arith.addf %add3A_3263, %get3A_3286 : vector<16xf32>
      %get3A_3288 = arith.constant 32 : i32
      %get3A_3289 = arith.index_cast %get3A_3288 : i32 to index
      %get3A_3290 = arith.constant 0 : index
      %get3A_3291 = tpu.vector_load %arg7[%get3A_3289, %get3A_3290] {strides = array<i32>} : memref<100x64xf32, #tpu.memory_space<vmem>>, vector<1x16xf32>,
      %get3A_3292 = vector.shape_cast %get3A_3291 : vector<1x16xf32> to vector<16xf32>
      %add3A_3293 = arith.addf %add3A_3269, %get3A_3292 : vector<16xf32>
      %get3A_3294 = arith.constant 32 : i32
      %get3A_3295 = arith.index_cast %get3A_3294 : i32 to index
      %get3A_3296 = arith.constant 16 : index
      %get3A_3297 = tpu.vector_load %arg7[%get3A_3295, %get3A_3296] {strides = array<i32>} : memref<100x64xf32, #tpu.memory_space<vmem>>, vector<1x16xf32>,
      %get3A_3298 = vector.shape_cast %get3A_3297 : vector<1x16xf32> to vector<16xf32>
      %add3A_3299 = arith.addf %add3A_3275, %get3A_3298 : vector<16xf32>
      %get3A_3300 = arith.constant 32 : i32
      %get3A_3301 = arith.index_cast %get3A_3300 : i32 to index
      %get3A_3302 = arith.constant 32 : index
      %get3A_3303 = tpu.vector_load %arg7[%get3A_3301, %get3A_3302] {strides = array<i32>} : memref<100x64xf32, #tpu.memory_space<vmem>>, vector<1x16xf32>,
      %get3A_3304 = vector.shape_cast %get3A_3303 : vector<1x16xf32> to vector<16xf32>
      %add3A_3305 = arith.addf %add3A_3281, %get3A_3304 : vector<16xf32>
      %get3A_3306 = arith.constant 32 : i32
      %get3A_3307 = arith.index_cast %get3A_3306 : i32 to index
      %get3A_3308 = arith.constant 48 : index
      %get3A_3309 = tpu.vector_load %arg7[%get3A_3307, %get3A_3308] {strides = array<i32>} : memref<100x64xf32, #tpu.memory_space<vmem>>, vector<1x16xf32>,
      %get3A_3310 = vector.shape_cast %get3A_3309 : vector<1x16xf32> to vector<16xf32>
      %add3A_3311 = arith.addf %add3A_3287, %get3A_3310 : vector<16xf32>
      %get3A_3312 = arith.constant 33 : i32
      %get3A_3313 = arith.index_cast %get3A_3312 : i32 to index
      %get3A_3314 = arith.constant 0 : index
      %get3A_3315 = tpu.vector_load %arg7[%get3A_3313, %get3A_3314] {strides = array<i32>} : memref<100x64xf32, #tpu.memory_space<vmem>>, vector<1x16xf32>,
      %get3A_3316 = vector.shape_cast %get3A_3315 : vector<1x16xf32> to vector<16xf32>
      %add3A_3317 = arith.addf %add3A_3293, %get3A_3316 : vector<16xf32>
      %get3A_3318 = arith.constant 33 : i32
      %get3A_3319 = arith.index_cast %get3A_3318 : i32 to index
      %get3A_3320 = arith.constant 16 : index
      %get3A_3321 = tpu.vector_load %arg7[%get3A_3319, %get3A_3320] {strides = array<i32>} : memref<100x64xf32, #tpu.memory_space<vmem>>, vector<1x16xf32>,
      %get3A_3322 = vector.shape_cast %get3A_3321 : vector<1x16xf32> to vector<16xf32>
      %add3A_3323 = arith.addf %add3A_3299, %get3A_3322 : vector<16xf32>
      %get3A_3324 = arith.constant 33 : i32
      %get3A_3325 = arith.index_cast %get3A_3324 : i32 to index
      %get3A_3326 = arith.constant 32 : index
      %get3A_3327 = tpu.vector_load %arg7[%get3A_3325, %get3A_3326] {strides = array<i32>} : memref<100x64xf32, #tpu.memory_space<vmem>>, vector<1x16xf32>,
      %get3A_3328 = vector.shape_cast %get3A_3327 : vector<1x16xf32> to vector<16xf32>
      %add3A_3329 = arith.addf %add3A_3305, %get3A_3328 : vector<16xf32>
      %get3A_3330 = arith.constant 33 : i32
      %get3A_3331 = arith.index_cast %get3A_3330 : i32 to index
      %get3A_3332 = arith.constant 48 : index
      %get3A_3333 = tpu.vector_load %arg7[%get3A_3331, %get3A_3332] {strides = array<i32>} : memref<100x64xf32, #tpu.memory_space<vmem>>, vector<1x16xf32>,
      %get3A_3334 = vector.shape_cast %get3A_3333 : vector<1x16xf32> to vector<16xf32>
      %add3A_3335 = arith.addf %add3A_3311, %get3A_3334 : vector<16xf32>
      %get3A_3336 = arith.constant 34 : i32
      %get3A_3337 = arith.index_cast %get3A_3336 : i32 to index
      %get3A_3338 = arith.constant 0 : index
      %get3A_3339 = tpu.vector_load %arg7[%get3A_3337, %get3A_3338] {strides = array<i32>} : memref<100x64xf32, #tpu.memory_space<vmem>>, vector<1x16xf32>,
      %get3A_3340 = vector.shape_cast %get3A_3339 : vector<1x16xf32> to vector<16xf32>
      %add3A_3341 = arith.addf %add3A_3317, %get3A_3340 : vector<16xf32>
      %get3A_3342 = arith.constant 34 : i32
      %get3A_3343 = arith.index_cast %get3A_3342 : i32 to index
      %get3A_3344 = arith.constant 16 : index
      %get3A_3345 = tpu.vector_load %arg7[%get3A_3343, %get3A_3344] {strides = array<i32>} : memref<100x64xf32, #tpu.memory_space<vmem>>, vector<1x16xf32>,
      %get3A_3346 = vector.shape_cast %get3A_3345 : vector<1x16xf32> to vector<16xf32>
      %add3A_3347 = arith.addf %add3A_3323, %get3A_3346 : vector<16xf32>
      %get3A_3348 = arith.constant 34 : i32
      %get3A_3349 = arith.index_cast %get3A_3348 : i32 to index
      %get3A_3350 = arith.constant 32 : index
      %get3A_3351 = tpu.vector_load %arg7[%get3A_3349, %get3A_3350] {strides = array<i32>} : memref<100x64xf32, #tpu.memory_space<vmem>>, vector<1x16xf32>,
      %get3A_3352 = vector.shape_cast %get3A_3351 : vector<1x16xf32> to vector<16xf32>
      %add3A_3353 = arith.addf %add3A_3329, %get3A_3352 : vector<16xf32>
      %get3A_3354 = arith.constant 34 : i32
      %get3A_3355 = arith.index_cast %get3A_3354 : i32 to index
      %get3A_3356 = arith.constant 48 : index
      %get3A_3357 = tpu.vector_load %arg7[%get3A_3355, %get3A_3356] {strides = array<i32>} : memref<100x64xf32, #tpu.memory_space<vmem>>, vector<1x16xf32>,
      %get3A_3358 = vector.shape_cast %get3A_3357 : vector<1x16xf32> to vector<16xf32>
      %add3A_3359 = arith.addf %add3A_3335, %get3A_3358 : vector<16xf32>
      %get3A_3360 = arith.constant 35 : i32
      %get3A_3361 = arith.index_cast %get3A_3360 : i32 to index
      %get3A_3362 = arith.constant 0 : index
      %get3A_3363 = tpu.vector_load %arg7[%get3A_3361, %get3A_3362] {strides = array<i32>} : memref<100x64xf32, #tpu.memory_space<vmem>>, vector<1x16xf32>,
      %get3A_3364 = vector.shape_cast %get3A_3363 : vector<1x16xf32> to vector<16xf32>
      %add3A_3365 = arith.addf %add3A_3341, %get3A_3364 : vector<16xf32>
      %get3A_3366 = arith.constant 35 : i32
      %get3A_3367 = arith.index_cast %get3A_3366 : i32 to index
      %get3A_3368 = arith.constant 16 : index
      %get3A_3369 = tpu.vector_load %arg7[%get3A_3367, %get3A_3368] {strides = array<i32>} : memref<100x64xf32, #tpu.memory_space<vmem>>, vector<1x16xf32>,
      %get3A_3370 = vector.shape_cast %get3A_3369 : vector<1x16xf32> to vector<16xf32>
      %add3A_3371 = arith.addf %add3A_3347, %get3A_3370 : vector<16xf32>
      %get3A_3372 = arith.constant 35 : i32
      %get3A_3373 = arith.index_cast %get3A_3372 : i32 to index
      %get3A_3374 = arith.constant 32 : index
      %get3A_3375 = tpu.vector_load %arg7[%get3A_3373, %get3A_3374] {strides = array<i32>} : memref<100x64xf32, #tpu.memory_space<vmem>>, vector<1x16xf32>,
      %get3A_3376 = vector.shape_cast %get3A_3375 : vector<1x16xf32> to vector<16xf32>
      %add3A_3377 = arith.addf %add3A_3353, %get3A_3376 : vector<16xf32>
      %get3A_3378 = arith.constant 35 : i32
      %get3A_3379 = arith.index_cast %get3A_3378 : i32 to index
      %get3A_3380 = arith.constant 48 : index
      %get3A_3381 = tpu.vector_load %arg7[%get3A_3379, %get3A_3380] {strides = array<i32>} : memref<100x64xf32, #tpu.memory_space<vmem>>, vector<1x16xf32>,
      %get3A_3382 = vector.shape_cast %get3A_3381 : vector<1x16xf32> to vector<16xf32>
      %add3A_3383 = arith.addf %add3A_3359, %get3A_3382 : vector<16xf32>
      %get3A_3384 = arith.constant 36 : i32
      %get3A_3385 = arith.index_cast %get3A_3384 : i32 to index
      %get3A_3386 = arith.constant 0 : index
      %get3A_3387 = tpu.vector_load %arg7[%get3A_3385, %get3A_3386] {strides = array<i32>} : memref<100x64xf32, #tpu.memory_space<vmem>>, vector<1x16xf32>,
      %get3A_3388 = vector.shape_cast %get3A_3387 : vector<1x16xf32> to vector<16xf32>
      %add3A_3389 = arith.addf %add3A_3365, %get3A_3388 : vector<16xf32>
      %get3A_3390 = arith.constant 36 : i32
      %get3A_3391 = arith.index_cast %get3A_3390 : i32 to index
      %get3A_3392 = arith.constant 16 : index
      %get3A_3393 = tpu.vector_load %arg7[%get3A_3391, %get3A_3392] {strides = array<i32>} : memref<100x64xf32, #tpu.memory_space<vmem>>, vector<1x16xf32>,
      %get3A_3394 = vector.shape_cast %get3A_3393 : vector<1x16xf32> to vector<16xf32>
      %add3A_3395 = arith.addf %add3A_3371, %get3A_3394 : vector<16xf32>
      %get3A_3396 = arith.constant 36 : i32
      %get3A_3397 = arith.index_cast %get3A_3396 : i32 to index
      %get3A_3398 = arith.constant 32 : index
      %get3A_3399 = tpu.vector_load %arg7[%get3A_3397, %get3A_3398] {strides = array<i32>} : memref<100x64xf32, #tpu.memory_space<vmem>>, vector<1x16xf32>,
      %get3A_3400 = vector.shape_cast %get3A_3399 : vector<1x16xf32> to vector<16xf32>
      %add3A_3401 = arith.addf %add3A_3377, %get3A_3400 : vector<16xf32>
      %get3A_3402 = arith.constant 36 : i32
      %get3A_3403 = arith.index_cast %get3A_3402 : i32 to index
      %get3A_3404 = arith.constant 48 : index
      %get3A_3405 = tpu.vector_load %arg7[%get3A_3403, %get3A_3404] {strides = array<i32>} : memref<100x64xf32, #tpu.memory_space<vmem>>, vector<1x16xf32>,
      %get3A_3406 = vector.shape_cast %get3A_3405 : vector<1x16xf32> to vector<16xf32>
      %add3A_3407 = arith.addf %add3A_3383, %get3A_3406 : vector<16xf32>
      %get3A_3408 = arith.constant 37 : i32
      %get3A_3409 = arith.index_cast %get3A_3408 : i32 to index
      %get3A_3410 = arith.constant 0 : index
      %get3A_3411 = tpu.vector_load %arg7[%get3A_3409, %get3A_3410] {strides = array<i32>} : memref<100x64xf32, #tpu.memory_space<vmem>>, vector<1x16xf32>,
      %get3A_3412 = vector.shape_cast %get3A_3411 : vector<1x16xf32> to vector<16xf32>
      %add3A_3413 = arith.addf %add3A_3389, %get3A_3412 : vector<16xf32>
      %get3A_3414 = arith.constant 37 : i32
      %get3A_3415 = arith.index_cast %get3A_3414 : i32 to index
      %get3A_3416 = arith.constant 16 : index
      %get3A_3417 = tpu.vector_load %arg7[%get3A_3415, %get3A_3416] {strides = array<i32>} : memref<100x64xf32, #tpu.memory_space<vmem>>, vector<1x16xf32>,
      %get3A_3418 = vector.shape_cast %get3A_3417 : vector<1x16xf32> to vector<16xf32>
      %add3A_3419 = arith.addf %add3A_3395, %get3A_3418 : vector<16xf32>
      %get3A_3420 = arith.constant 37 : i32
      %get3A_3421 = arith.index_cast %get3A_3420 : i32 to index
      %get3A_3422 = arith.constant 32 : index
      %get3A_3423 = tpu.vector_load %arg7[%get3A_3421, %get3A_3422] {strides = array<i32>} : memref<100x64xf32, #tpu.memory_space<vmem>>, vector<1x16xf32>,
      %get3A_3424 = vector.shape_cast %get3A_3423 : vector<1x16xf32> to vector<16xf32>
      %add3A_3425 = arith.addf %add3A_3401, %get3A_3424 : vector<16xf32>
      %get3A_3426 = arith.constant 37 : i32
      %get3A_3427 = arith.index_cast %get3A_3426 : i32 to index
      %get3A_3428 = arith.constant 48 : index
      %get3A_3429 = tpu.vector_load %arg7[%get3A_3427, %get3A_3428] {strides = array<i32>} : memref<100x64xf32, #tpu.memory_space<vmem>>, vector<1x16xf32>,
      %get3A_3430 = vector.shape_cast %get3A_3429 : vector<1x16xf32> to vector<16xf32>
      %add3A_3431 = arith.addf %add3A_3407, %get3A_3430 : vector<16xf32>
      %get3A_3432 = arith.constant 38 : i32
      %get3A_3433 = arith.index_cast %get3A_3432 : i32 to index
      %get3A_3434 = arith.constant 0 : index
      %get3A_3435 = tpu.vector_load %arg7[%get3A_3433, %get3A_3434] {strides = array<i32>} : memref<100x64xf32, #tpu.memory_space<vmem>>, vector<1x16xf32>,
      %get3A_3436 = vector.shape_cast %get3A_3435 : vector<1x16xf32> to vector<16xf32>
      %add3A_3437 = arith.addf %add3A_3413, %get3A_3436 : vector<16xf32>
      %get3A_3438 = arith.constant 38 : i32
      %get3A_3439 = arith.index_cast %get3A_3438 : i32 to index
      %get3A_3440 = arith.constant 16 : index
      %get3A_3441 = tpu.vector_load %arg7[%get3A_3439, %get3A_3440] {strides = array<i32>} : memref<100x64xf32, #tpu.memory_space<vmem>>, vector<1x16xf32>,
      %get3A_3442 = vector.shape_cast %get3A_3441 : vector<1x16xf32> to vector<16xf32>
      %add3A_3443 = arith.addf %add3A_3419, %get3A_3442 : vector<16xf32>
      %get3A_3444 = arith.constant 38 : i32
      %get3A_3445 = arith.index_cast %get3A_3444 : i32 to index
      %get3A_3446 = arith.constant 32 : index
      %get3A_3447 = tpu.vector_load %arg7[%get3A_3445, %get3A_3446] {strides = array<i32>} : memref<100x64xf32, #tpu.memory_space<vmem>>, vector<1x16xf32>,
      %get3A_3448 = vector.shape_cast %get3A_3447 : vector<1x16xf32> to vector<16xf32>
      %add3A_3449 = arith.addf %add3A_3425, %get3A_3448 : vector<16xf32>
      %get3A_3450 = arith.constant 38 : i32
      %get3A_3451 = arith.index_cast %get3A_3450 : i32 to index
      %get3A_3452 = arith.constant 48 : index
      %get3A_3453 = tpu.vector_load %arg7[%get3A_3451, %get3A_3452] {strides = array<i32>} : memref<100x64xf32, #tpu.memory_space<vmem>>, vector<1x16xf32>,
      %get3A_3454 = vector.shape_cast %get3A_3453 : vector<1x16xf32> to vector<16xf32>
      %add3A_3455 = arith.addf %add3A_3431, %get3A_3454 : vector<16xf32>
      %get3A_3456 = arith.constant 39 : i32
      %get3A_3457 = arith.index_cast %get3A_3456 : i32 to index
      %get3A_3458 = arith.constant 0 : index
      %get3A_3459 = tpu.vector_load %arg7[%get3A_3457, %get3A_3458] {strides = array<i32>} : memref<100x64xf32, #tpu.memory_space<vmem>>, vector<1x16xf32>,
      %get3A_3460 = vector.shape_cast %get3A_3459 : vector<1x16xf32> to vector<16xf32>
      %add3A_3461 = arith.addf %add3A_3437, %get3A_3460 : vector<16xf32>
      %get3A_3462 = arith.constant 39 : i32
      %get3A_3463 = arith.index_cast %get3A_3462 : i32 to index
      %get3A_3464 = arith.constant 16 : index
      %get3A_3465 = tpu.vector_load %arg7[%get3A_3463, %get3A_3464] {strides = array<i32>} : memref<100x64xf32, #tpu.memory_space<vmem>>, vector<1x16xf32>,
      %get3A_3466 = vector.shape_cast %get3A_3465 : vector<1x16xf32> to vector<16xf32>
      %add3A_3467 = arith.addf %add3A_3443, %get3A_3466 : vector<16xf32>
      %get3A_3468 = arith.constant 39 : i32
      %get3A_3469 = arith.index_cast %get3A_3468 : i32 to index
      %get3A_3470 = arith.constant 32 : index
      %get3A_3471 = tpu.vector_load %arg7[%get3A_3469, %get3A_3470] {strides = array<i32>} : memref<100x64xf32, #tpu.memory_space<vmem>>, vector<1x16xf32>,
      %get3A_3472 = vector.shape_cast %get3A_3471 : vector<1x16xf32> to vector<16xf32>
      %add3A_3473 = arith.addf %add3A_3449, %get3A_3472 : vector<16xf32>
      %get3A_3474 = arith.constant 39 : i32
      %get3A_3475 = arith.index_cast %get3A_3474 : i32 to index
      %get3A_3476 = arith.constant 48 : index
      %get3A_3477 = tpu.vector_load %arg7[%get3A_3475, %get3A_3476] {strides = array<i32>} : memref<100x64xf32, #tpu.memory_space<vmem>>, vector<1x16xf32>,
      %get3A_3478 = vector.shape_cast %get3A_3477 : vector<1x16xf32> to vector<16xf32>
      %add3A_3479 = arith.addf %add3A_3455, %get3A_3478 : vector<16xf32>
      %get3A_3480 = arith.constant 40 : i32
      %get3A_3481 = arith.index_cast %get3A_3480 : i32 to index
      %get3A_3482 = arith.constant 0 : index
      %get3A_3483 = tpu.vector_load %arg7[%get3A_3481, %get3A_3482] {strides = array<i32>} : memref<100x64xf32, #tpu.memory_space<vmem>>, vector<1x16xf32>,
      %get3A_3484 = vector.shape_cast %get3A_3483 : vector<1x16xf32> to vector<16xf32>
      %add3A_3485 = arith.addf %add3A_3461, %get3A_3484 : vector<16xf32>
      %get3A_3486 = arith.constant 40 : i32
      %get3A_3487 = arith.index_cast %get3A_3486 : i32 to index
      %get3A_3488 = arith.constant 16 : index
      %get3A_3489 = tpu.vector_load %arg7[%get3A_3487, %get3A_3488] {strides = array<i32>} : memref<100x64xf32, #tpu.memory_space<vmem>>, vector<1x16xf32>,
      %get3A_3490 = vector.shape_cast %get3A_3489 : vector<1x16xf32> to vector<16xf32>
      %add3A_3491 = arith.addf %add3A_3467, %get3A_3490 : vector<16xf32>
      %get3A_3492 = arith.constant 40 : i32
      %get3A_3493 = arith.index_cast %get3A_3492 : i32 to index
      %get3A_3494 = arith.constant 32 : index
      %get3A_3495 = tpu.vector_load %arg7[%get3A_3493, %get3A_3494] {strides = array<i32>} : memref<100x64xf32, #tpu.memory_space<vmem>>, vector<1x16xf32>,
      %get3A_3496 = vector.shape_cast %get3A_3495 : vector<1x16xf32> to vector<16xf32>
      %add3A_3497 = arith.addf %add3A_3473, %get3A_3496 : vector<16xf32>
      %get3A_3498 = arith.constant 40 : i32
      %get3A_3499 = arith.index_cast %get3A_3498 : i32 to index
      %get3A_3500 = arith.constant 48 : index
      %get3A_3501 = tpu.vector_load %arg7[%get3A_3499, %get3A_3500] {strides = array<i32>} : memref<100x64xf32, #tpu.memory_space<vmem>>, vector<1x16xf32>,
      %get3A_3502 = vector.shape_cast %get3A_3501 : vector<1x16xf32> to vector<16xf32>
      %add3A_3503 = arith.addf %add3A_3479, %get3A_3502 : vector<16xf32>
      %get3A_3504 = arith.constant 41 : i32
      %get3A_3505 = arith.index_cast %get3A_3504 : i32 to index
      %get3A_3506 = arith.constant 0 : index
      %get3A_3507 = tpu.vector_load %arg7[%get3A_3505, %get3A_3506] {strides = array<i32>} : memref<100x64xf32, #tpu.memory_space<vmem>>, vector<1x16xf32>,
      %get3A_3508 = vector.shape_cast %get3A_3507 : vector<1x16xf32> to vector<16xf32>
      %add3A_3509 = arith.addf %add3A_3485, %get3A_3508 : vector<16xf32>
      %get3A_3510 = arith.constant 41 : i32
      %get3A_3511 = arith.index_cast %get3A_3510 : i32 to index
      %get3A_3512 = arith.constant 16 : index
      %get3A_3513 = tpu.vector_load %arg7[%get3A_3511, %get3A_3512] {strides = array<i32>} : memref<100x64xf32, #tpu.memory_space<vmem>>, vector<1x16xf32>,
      %get3A_3514 = vector.shape_cast %get3A_3513 : vector<1x16xf32> to vector<16xf32>
      %add3A_3515 = arith.addf %add3A_3491, %get3A_3514 : vector<16xf32>
      %get3A_3516 = arith.constant 41 : i32
      %get3A_3517 = arith.index_cast %get3A_3516 : i32 to index
      %get3A_3518 = arith.constant 32 : index
      %get3A_3519 = tpu.vector_load %arg7[%get3A_3517, %get3A_3518] {strides = array<i32>} : memref<100x64xf32, #tpu.memory_space<vmem>>, vector<1x16xf32>,
      %get3A_3520 = vector.shape_cast %get3A_3519 : vector<1x16xf32> to vector<16xf32>
      %add3A_3521 = arith.addf %add3A_3497, %get3A_3520 : vector<16xf32>
      %get3A_3522 = arith.constant 41 : i32
      %get3A_3523 = arith.index_cast %get3A_3522 : i32 to index
      %get3A_3524 = arith.constant 48 : index
      %get3A_3525 = tpu.vector_load %arg7[%get3A_3523, %get3A_3524] {strides = array<i32>} : memref<100x64xf32, #tpu.memory_space<vmem>>, vector<1x16xf32>,
      %get3A_3526 = vector.shape_cast %get3A_3525 : vector<1x16xf32> to vector<16xf32>
      %add3A_3527 = arith.addf %add3A_3503, %get3A_3526 : vector<16xf32>
      %get3A_3528 = arith.constant 42 : i32
      %get3A_3529 = arith.index_cast %get3A_3528 : i32 to index
      %get3A_3530 = arith.constant 0 : index
      %get3A_3531 = tpu.vector_load %arg7[%get3A_3529, %get3A_3530] {strides = array<i32>} : memref<100x64xf32, #tpu.memory_space<vmem>>, vector<1x16xf32>,
      %get3A_3532 = vector.shape_cast %get3A_3531 : vector<1x16xf32> to vector<16xf32>
      %add3A_3533 = arith.addf %add3A_3509, %get3A_3532 : vector<16xf32>
      %get3A_3534 = arith.constant 42 : i32
      %get3A_3535 = arith.index_cast %get3A_3534 : i32 to index
      %get3A_3536 = arith.constant 16 : index
      %get3A_3537 = tpu.vector_load %arg7[%get3A_3535, %get3A_3536] {strides = array<i32>} : memref<100x64xf32, #tpu.memory_space<vmem>>, vector<1x16xf32>,
      %get3A_3538 = vector.shape_cast %get3A_3537 : vector<1x16xf32> to vector<16xf32>
      %add3A_3539 = arith.addf %add3A_3515, %get3A_3538 : vector<16xf32>
      %get3A_3540 = arith.constant 42 : i32
      %get3A_3541 = arith.index_cast %get3A_3540 : i32 to index
      %get3A_3542 = arith.constant 32 : index
      %get3A_3543 = tpu.vector_load %arg7[%get3A_3541, %get3A_3542] {strides = array<i32>} : memref<100x64xf32, #tpu.memory_space<vmem>>, vector<1x16xf32>,
      %get3A_3544 = vector.shape_cast %get3A_3543 : vector<1x16xf32> to vector<16xf32>
      %add3A_3545 = arith.addf %add3A_3521, %get3A_3544 : vector<16xf32>
      %get3A_3546 = arith.constant 42 : i32
      %get3A_3547 = arith.index_cast %get3A_3546 : i32 to index
      %get3A_3548 = arith.constant 48 : index
      %get3A_3549 = tpu.vector_load %arg7[%get3A_3547, %get3A_3548] {strides = array<i32>} : memref<100x64xf32, #tpu.memory_space<vmem>>, vector<1x16xf32>,
      %get3A_3550 = vector.shape_cast %get3A_3549 : vector<1x16xf32> to vector<16xf32>
      %add3A_3551 = arith.addf %add3A_3527, %get3A_3550 : vector<16xf32>
      %get3A_3552 = arith.constant 43 : i32
      %get3A_3553 = arith.index_cast %get3A_3552 : i32 to index
      %get3A_3554 = arith.constant 0 : index
      %get3A_3555 = tpu.vector_load %arg7[%get3A_3553, %get3A_3554] {strides = array<i32>} : memref<100x64xf32, #tpu.memory_space<vmem>>, vector<1x16xf32>,
      %get3A_3556 = vector.shape_cast %get3A_3555 : vector<1x16xf32> to vector<16xf32>
      %add3A_3557 = arith.addf %add3A_3533, %get3A_3556 : vector<16xf32>
      %get3A_3558 = arith.constant 43 : i32
      %get3A_3559 = arith.index_cast %get3A_3558 : i32 to index
      %get3A_3560 = arith.constant 16 : index
      %get3A_3561 = tpu.vector_load %arg7[%get3A_3559, %get3A_3560] {strides = array<i32>} : memref<100x64xf32, #tpu.memory_space<vmem>>, vector<1x16xf32>,
      %get3A_3562 = vector.shape_cast %get3A_3561 : vector<1x16xf32> to vector<16xf32>
      %add3A_3563 = arith.addf %add3A_3539, %get3A_3562 : vector<16xf32>
      %get3A_3564 = arith.constant 43 : i32
      %get3A_3565 = arith.index_cast %get3A_3564 : i32 to index
      %get3A_3566 = arith.constant 32 : index
      %get3A_3567 = tpu.vector_load %arg7[%get3A_3565, %get3A_3566] {strides = array<i32>} : memref<100x64xf32, #tpu.memory_space<vmem>>, vector<1x16xf32>,
      %get3A_3568 = vector.shape_cast %get3A_3567 : vector<1x16xf32> to vector<16xf32>
      %add3A_3569 = arith.addf %add3A_3545, %get3A_3568 : vector<16xf32>
      %get3A_3570 = arith.constant 43 : i32
      %get3A_3571 = arith.index_cast %get3A_3570 : i32 to index
      %get3A_3572 = arith.constant 48 : index
      %get3A_3573 = tpu.vector_load %arg7[%get3A_3571, %get3A_3572] {strides = array<i32>} : memref<100x64xf32, #tpu.memory_space<vmem>>, vector<1x16xf32>,
      %get3A_3574 = vector.shape_cast %get3A_3573 : vector<1x16xf32> to vector<16xf32>
      %add3A_3575 = arith.addf %add3A_3551, %get3A_3574 : vector<16xf32>
      %get3A_3576 = arith.constant 44 : i32
      %get3A_3577 = arith.index_cast %get3A_3576 : i32 to index
      %get3A_3578 = arith.constant 0 : index
      %get3A_3579 = tpu.vector_load %arg7[%get3A_3577, %get3A_3578] {strides = array<i32>} : memref<100x64xf32, #tpu.memory_space<vmem>>, vector<1x16xf32>,
      %get3A_3580 = vector.shape_cast %get3A_3579 : vector<1x16xf32> to vector<16xf32>
      %add3A_3581 = arith.addf %add3A_3557, %get3A_3580 : vector<16xf32>
      %get3A_3582 = arith.constant 44 : i32
      %get3A_3583 = arith.index_cast %get3A_3582 : i32 to index
      %get3A_3584 = arith.constant 16 : index
      %get3A_3585 = tpu.vector_load %arg7[%get3A_3583, %get3A_3584] {strides = array<i32>} : memref<100x64xf32, #tpu.memory_space<vmem>>, vector<1x16xf32>,
      %get3A_3586 = vector.shape_cast %get3A_3585 : vector<1x16xf32> to vector<16xf32>
      %add3A_3587 = arith.addf %add3A_3563, %get3A_3586 : vector<16xf32>
      %get3A_3588 = arith.constant 44 : i32
      %get3A_3589 = arith.index_cast %get3A_3588 : i32 to index
      %get3A_3590 = arith.constant 32 : index
      %get3A_3591 = tpu.vector_load %arg7[%get3A_3589, %get3A_3590] {strides = array<i32>} : memref<100x64xf32, #tpu.memory_space<vmem>>, vector<1x16xf32>,
      %get3A_3592 = vector.shape_cast %get3A_3591 : vector<1x16xf32> to vector<16xf32>
      %add3A_3593 = arith.addf %add3A_3569, %get3A_3592 : vector<16xf32>
      %get3A_3594 = arith.constant 44 : i32
      %get3A_3595 = arith.index_cast %get3A_3594 : i32 to index
      %get3A_3596 = arith.constant 48 : index
      %get3A_3597 = tpu.vector_load %arg7[%get3A_3595, %get3A_3596] {strides = array<i32>} : memref<100x64xf32, #tpu.memory_space<vmem>>, vector<1x16xf32>,
      %get3A_3598 = vector.shape_cast %get3A_3597 : vector<1x16xf32> to vector<16xf32>
      %add3A_3599 = arith.addf %add3A_3575, %get3A_3598 : vector<16xf32>
      %get3A_3600 = arith.constant 45 : i32
      %get3A_3601 = arith.index_cast %get3A_3600 : i32 to index
      %get3A_3602 = arith.constant 0 : index
      %get3A_3603 = tpu.vector_load %arg7[%get3A_3601, %get3A_3602] {strides = array<i32>} : memref<100x64xf32, #tpu.memory_space<vmem>>, vector<1x16xf32>,
      %get3A_3604 = vector.shape_cast %get3A_3603 : vector<1x16xf32> to vector<16xf32>
      %add3A_3605 = arith.addf %add3A_3581, %get3A_3604 : vector<16xf32>
      %get3A_3606 = arith.constant 45 : i32
      %get3A_3607 = arith.index_cast %get3A_3606 : i32 to index
      %get3A_3608 = arith.constant 16 : index
      %get3A_3609 = tpu.vector_load %arg7[%get3A_3607, %get3A_3608] {strides = array<i32>} : memref<100x64xf32, #tpu.memory_space<vmem>>, vector<1x16xf32>,
      %get3A_3610 = vector.shape_cast %get3A_3609 : vector<1x16xf32> to vector<16xf32>
      %add3A_3611 = arith.addf %add3A_3587, %get3A_3610 : vector<16xf32>
      %get3A_3612 = arith.constant 45 : i32
      %get3A_3613 = arith.index_cast %get3A_3612 : i32 to index
      %get3A_3614 = arith.constant 32 : index
      %get3A_3615 = tpu.vector_load %arg7[%get3A_3613, %get3A_3614] {strides = array<i32>} : memref<100x64xf32, #tpu.memory_space<vmem>>, vector<1x16xf32>,
      %get3A_3616 = vector.shape_cast %get3A_3615 : vector<1x16xf32> to vector<16xf32>
      %add3A_3617 = arith.addf %add3A_3593, %get3A_3616 : vector<16xf32>
      %get3A_3618 = arith.constant 45 : i32
      %get3A_3619 = arith.index_cast %get3A_3618 : i32 to index
      %get3A_3620 = arith.constant 48 : index
      %get3A_3621 = tpu.vector_load %arg7[%get3A_3619, %get3A_3620] {strides = array<i32>} : memref<100x64xf32, #tpu.memory_space<vmem>>, vector<1x16xf32>,
      %get3A_3622 = vector.shape_cast %get3A_3621 : vector<1x16xf32> to vector<16xf32>
      %add3A_3623 = arith.addf %add3A_3599, %get3A_3622 : vector<16xf32>
      %get3A_3624 = arith.constant 46 : i32
      %get3A_3625 = arith.index_cast %get3A_3624 : i32 to index
      %get3A_3626 = arith.constant 0 : index
      %get3A_3627 = tpu.vector_load %arg7[%get3A_3625, %get3A_3626] {strides = array<i32>} : memref<100x64xf32, #tpu.memory_space<vmem>>, vector<1x16xf32>,
      %get3A_3628 = vector.shape_cast %get3A_3627 : vector<1x16xf32> to vector<16xf32>
      %add3A_3629 = arith.addf %add3A_3605, %get3A_3628 : vector<16xf32>
      %get3A_3630 = arith.constant 46 : i32
      %get3A_3631 = arith.index_cast %get3A_3630 : i32 to index
      %get3A_3632 = arith.constant 16 : index
      %get3A_3633 = tpu.vector_load %arg7[%get3A_3631, %get3A_3632] {strides = array<i32>} : memref<100x64xf32, #tpu.memory_space<vmem>>, vector<1x16xf32>,
      %get3A_3634 = vector.shape_cast %get3A_3633 : vector<1x16xf32> to vector<16xf32>
      %add3A_3635 = arith.addf %add3A_3611, %get3A_3634 : vector<16xf32>
      %get3A_3636 = arith.constant 46 : i32
      %get3A_3637 = arith.index_cast %get3A_3636 : i32 to index
      %get3A_3638 = arith.constant 32 : index
      %get3A_3639 = tpu.vector_load %arg7[%get3A_3637, %get3A_3638] {strides = array<i32>} : memref<100x64xf32, #tpu.memory_space<vmem>>, vector<1x16xf32>,
      %get3A_3640 = vector.shape_cast %get3A_3639 : vector<1x16xf32> to vector<16xf32>
      %add3A_3641 = arith.addf %add3A_3617, %get3A_3640 : vector<16xf32>
      %get3A_3642 = arith.constant 46 : i32
      %get3A_3643 = arith.index_cast %get3A_3642 : i32 to index
      %get3A_3644 = arith.constant 48 : index
      %get3A_3645 = tpu.vector_load %arg7[%get3A_3643, %get3A_3644] {strides = array<i32>} : memref<100x64xf32, #tpu.memory_space<vmem>>, vector<1x16xf32>,
      %get3A_3646 = vector.shape_cast %get3A_3645 : vector<1x16xf32> to vector<16xf32>
      %add3A_3647 = arith.addf %add3A_3623, %get3A_3646 : vector<16xf32>
      %get3A_3648 = arith.constant 47 : i32
      %get3A_3649 = arith.index_cast %get3A_3648 : i32 to index
      %get3A_3650 = arith.constant 0 : index
      %get3A_3651 = tpu.vector_load %arg7[%get3A_3649, %get3A_3650] {strides = array<i32>} : memref<100x64xf32, #tpu.memory_space<vmem>>, vector<1x16xf32>,
      %get3A_3652 = vector.shape_cast %get3A_3651 : vector<1x16xf32> to vector<16xf32>
      %add3A_3653 = arith.addf %add3A_3629, %get3A_3652 : vector<16xf32>
      %get3A_3654 = arith.constant 47 : i32
      %get3A_3655 = arith.index_cast %get3A_3654 : i32 to index
      %get3A_3656 = arith.constant 16 : index
      %get3A_3657 = tpu.vector_load %arg7[%get3A_3655, %get3A_3656] {strides = array<i32>} : memref<100x64xf32, #tpu.memory_space<vmem>>, vector<1x16xf32>,
      %get3A_3658 = vector.shape_cast %get3A_3657 : vector<1x16xf32> to vector<16xf32>
      %add3A_3659 = arith.addf %add3A_3635, %get3A_3658 : vector<16xf32>
      %get3A_3660 = arith.constant 47 : i32
      %get3A_3661 = arith.index_cast %get3A_3660 : i32 to index
      %get3A_3662 = arith.constant 32 : index
      %get3A_3663 = tpu.vector_load %arg7[%get3A_3661, %get3A_3662] {strides = array<i32>} : memref<100x64xf32, #tpu.memory_space<vmem>>, vector<1x16xf32>,
      %get3A_3664 = vector.shape_cast %get3A_3663 : vector<1x16xf32> to vector<16xf32>
      %add3A_3665 = arith.addf %add3A_3641, %get3A_3664 : vector<16xf32>
      %get3A_3666 = arith.constant 47 : i32
      %get3A_3667 = arith.index_cast %get3A_3666 : i32 to index
      %get3A_3668 = arith.constant 48 : index
      %get3A_3669 = tpu.vector_load %arg7[%get3A_3667, %get3A_3668] {strides = array<i32>} : memref<100x64xf32, #tpu.memory_space<vmem>>, vector<1x16xf32>,
      %get3A_3670 = vector.shape_cast %get3A_3669 : vector<1x16xf32> to vector<16xf32>
      %add3A_3671 = arith.addf %add3A_3647, %get3A_3670 : vector<16xf32>
      %get3A_3672 = arith.constant 48 : i32
      %get3A_3673 = arith.index_cast %get3A_3672 : i32 to index
      %get3A_3674 = arith.constant 0 : index
      %get3A_3675 = tpu.vector_load %arg7[%get3A_3673, %get3A_3674] {strides = array<i32>} : memref<100x64xf32, #tpu.memory_space<vmem>>, vector<1x16xf32>,
      %get3A_3676 = vector.shape_cast %get3A_3675 : vector<1x16xf32> to vector<16xf32>
      %add3A_3677 = arith.addf %add3A_3653, %get3A_3676 : vector<16xf32>
      %get3A_3678 = arith.constant 48 : i32
      %get3A_3679 = arith.index_cast %get3A_3678 : i32 to index
      %get3A_3680 = arith.constant 16 : index
      %get3A_3681 = tpu.vector_load %arg7[%get3A_3679, %get3A_3680] {strides = array<i32>} : memref<100x64xf32, #tpu.memory_space<vmem>>, vector<1x16xf32>,
      %get3A_3682 = vector.shape_cast %get3A_3681 : vector<1x16xf32> to vector<16xf32>
      %add3A_3683 = arith.addf %add3A_3659, %get3A_3682 : vector<16xf32>
      %get3A_3684 = arith.constant 48 : i32
      %get3A_3685 = arith.index_cast %get3A_3684 : i32 to index
      %get3A_3686 = arith.constant 32 : index
      %get3A_3687 = tpu.vector_load %arg7[%get3A_3685, %get3A_3686] {strides = array<i32>} : memref<100x64xf32, #tpu.memory_space<vmem>>, vector<1x16xf32>,
      %get3A_3688 = vector.shape_cast %get3A_3687 : vector<1x16xf32> to vector<16xf32>
      %add3A_3689 = arith.addf %add3A_3665, %get3A_3688 : vector<16xf32>
      %get3A_3690 = arith.constant 48 : i32
      %get3A_3691 = arith.index_cast %get3A_3690 : i32 to index
      %get3A_3692 = arith.constant 48 : index
      %get3A_3693 = tpu.vector_load %arg7[%get3A_3691, %get3A_3692] {strides = array<i32>} : memref<100x64xf32, #tpu.memory_space<vmem>>, vector<1x16xf32>,
      %get3A_3694 = vector.shape_cast %get3A_3693 : vector<1x16xf32> to vector<16xf32>
      %add3A_3695 = arith.addf %add3A_3671, %get3A_3694 : vector<16xf32>
      %get3A_3696 = arith.constant 49 : i32
      %get3A_3697 = arith.index_cast %get3A_3696 : i32 to index
      %get3A_3698 = arith.constant 0 : index
      %get3A_3699 = tpu.vector_load %arg7[%get3A_3697, %get3A_3698] {strides = array<i32>} : memref<100x64xf32, #tpu.memory_space<vmem>>, vector<1x16xf32>,
      %get3A_3700 = vector.shape_cast %get3A_3699 : vector<1x16xf32> to vector<16xf32>
      %add3A_3701 = arith.addf %add3A_3677, %get3A_3700 : vector<16xf32>
      %get3A_3702 = arith.constant 49 : i32
      %get3A_3703 = arith.index_cast %get3A_3702 : i32 to index
      %get3A_3704 = arith.constant 16 : index
      %get3A_3705 = tpu.vector_load %arg7[%get3A_3703, %get3A_3704] {strides = array<i32>} : memref<100x64xf32, #tpu.memory_space<vmem>>, vector<1x16xf32>,
      %get3A_3706 = vector.shape_cast %get3A_3705 : vector<1x16xf32> to vector<16xf32>
      %add3A_3707 = arith.addf %add3A_3683, %get3A_3706 : vector<16xf32>
      %get3A_3708 = arith.constant 49 : i32
      %get3A_3709 = arith.index_cast %get3A_3708 : i32 to index
      %get3A_3710 = arith.constant 32 : index
      %get3A_3711 = tpu.vector_load %arg7[%get3A_3709, %get3A_3710] {strides = array<i32>} : memref<100x64xf32, #tpu.memory_space<vmem>>, vector<1x16xf32>,
      %get3A_3712 = vector.shape_cast %get3A_3711 : vector<1x16xf32> to vector<16xf32>
      %add3A_3713 = arith.addf %add3A_3689, %get3A_3712 : vector<16xf32>
      %get3A_3714 = arith.constant 49 : i32
      %get3A_3715 = arith.index_cast %get3A_3714 : i32 to index
      %get3A_3716 = arith.constant 48 : index
      %get3A_3717 = tpu.vector_load %arg7[%get3A_3715, %get3A_3716] {strides = array<i32>} : memref<100x64xf32, #tpu.memory_space<vmem>>, vector<1x16xf32>,
      %get3A_3718 = vector.shape_cast %get3A_3717 : vector<1x16xf32> to vector<16xf32>
      %add3A_3719 = arith.addf %add3A_3695, %get3A_3718 : vector<16xf32>
      %mul3A_3720 = vector.broadcast %scan3A : f32 to vector<16xf32>
      %mul3A_3721 = arith.mulf %add3A_3701, %mul3A_3720 : vector<16xf32>
      %mul3A_3722 = arith.constant 2 : i32
      %mul3A_3723 = arith.muli %add3A_2508, %mul3A_3722 : i32
      %add3A_3724 = arith.constant 0 : i32
      %add3A_3725 = arith.addi %mul3A_3723, %add3A_3724 : i32
      %swap3A_3726 = arith.index_cast %add3A_3725 : i32 to index
      %swap3A_3727 = arith.constant 0 : index
      %swap3A_3728 = tpu.vector_load %arg8[%swap3A_3726, %swap3A_3727] {strides = array<i32>} : memref<128x64xf32, #tpu.memory_space<vmem>>, vector<1x16xf32>,
      %swap3A_3729 = vector.shape_cast %swap3A_3728 : vector<1x16xf32> to vector<16xf32>
      %swap3A_3730 = vector.shape_cast %mul3A_3721 : vector<16xf32> to vector<1x16xf32>
      tpu.vector_store %arg8[%swap3A_3726, %swap3A_3727], %swap3A_3730 {strides = array<i32>} : memref<128x64xf32, #tpu.memory_space<vmem>>, vector<1x16xf32>,
      %mul3A_3731 = vector.broadcast %scan3A : f32 to vector<16xf32>
      %mul3A_3732 = arith.mulf %add3A_3707, %mul3A_3731 : vector<16xf32>
      %mul3A_3733 = arith.constant 2 : i32
      %mul3A_3734 = arith.muli %add3A_2508, %mul3A_3733 : i32
      %add3A_3735 = arith.constant 0 : i32
      %add3A_3736 = arith.addi %mul3A_3734, %add3A_3735 : i32
      %swap3A_3737 = arith.index_cast %add3A_3736 : i32 to index
      %swap3A_3738 = arith.constant 16 : index
      %swap3A_3739 = tpu.vector_load %arg8[%swap3A_3737, %swap3A_3738] {strides = array<i32>} : memref<128x64xf32, #tpu.memory_space<vmem>>, vector<1x16xf32>,
      %swap3A_3740 = vector.shape_cast %swap3A_3739 : vector<1x16xf32> to vector<16xf32>
      %swap3A_3741 = vector.shape_cast %mul3A_3732 : vector<16xf32> to vector<1x16xf32>
      tpu.vector_store %arg8[%swap3A_3737, %swap3A_3738], %swap3A_3741 {strides = array<i32>} : memref<128x64xf32, #tpu.memory_space<vmem>>, vector<1x16xf32>,
      %mul3A_3742 = vector.broadcast %scan3A : f32 to vector<16xf32>
      %mul3A_3743 = arith.mulf %add3A_3713, %mul3A_3742 : vector<16xf32>
      %mul3A_3744 = arith.constant 2 : i32
      %mul3A_3745 = arith.muli %add3A_2508, %mul3A_3744 : i32
      %add3A_3746 = arith.constant 0 : i32
      %add3A_3747 = arith.addi %mul3A_3745, %add3A_3746 : i32
      %swap3A_3748 = arith.index_cast %add3A_3747 : i32 to index
      %swap3A_3749 = arith.constant 32 : index
      %swap3A_3750 = tpu.vector_load %arg8[%swap3A_3748, %swap3A_3749] {strides = array<i32>} : memref<128x64xf32, #tpu.memory_space<vmem>>, vector<1x16xf32>,
      %swap3A_3751 = vector.shape_cast %swap3A_3750 : vector<1x16xf32> to vector<16xf32>
      %swap3A_3752 = vector.shape_cast %mul3A_3743 : vector<16xf32> to vector<1x16xf32>
      tpu.vector_store %arg8[%swap3A_3748, %swap3A_3749], %swap3A_3752 {strides = array<i32>} : memref<128x64xf32, #tpu.memory_space<vmem>>, vector<1x16xf32>,
      %mul3A_3753 = vector.broadcast %scan3A : f32 to vector<16xf32>
      %mul3A_3754 = arith.mulf %add3A_3719, %mul3A_3753 : vector<16xf32>
      %mul3A_3755 = arith.constant 2 : i32
      %mul3A_3756 = arith.muli %add3A_2508, %mul3A_3755 : i32
      %add3A_3757 = arith.constant 0 : i32
      %add3A_3758 = arith.addi %mul3A_3756, %add3A_3757 : i32
      %swap3A_3759 = arith.index_cast %add3A_3758 : i32 to index
      %swap3A_3760 = arith.constant 48 : index
      %swap3A_3761 = tpu.vector_load %arg8[%swap3A_3759, %swap3A_3760] {strides = array<i32>} : memref<128x64xf32, #tpu.memory_space<vmem>>, vector<1x16xf32>,
      %swap3A_3762 = vector.shape_cast %swap3A_3761 : vector<1x16xf32> to vector<16xf32>
      %swap3A_3763 = vector.shape_cast %mul3A_3754 : vector<16xf32> to vector<1x16xf32>
      tpu.vector_store %arg8[%swap3A_3759, %swap3A_3760], %swap3A_3763 {strides = array<i32>} : memref<128x64xf32, #tpu.memory_space<vmem>>, vector<1x16xf32>,
      %get3A_3764 = arith.constant 50 : i32
      %get3A_3765 = arith.index_cast %get3A_3764 : i32 to index
      %get3A_3766 = arith.constant 0 : index
      %get3A_3767 = tpu.vector_load %arg7[%get3A_3765, %get3A_3766] {strides = array<i32>} : memref<100x64xf32, #tpu.memory_space<vmem>>, vector<1x16xf32>,
      %get3A_3768 = vector.shape_cast %get3A_3767 : vector<1x16xf32> to vector<16xf32>
      %get3A_3769 = arith.constant 50 : i32
      %get3A_3770 = arith.index_cast %get3A_3769 : i32 to index
      %get3A_3771 = arith.constant 16 : index
      %get3A_3772 = tpu.vector_load %arg7[%get3A_3770, %get3A_3771] {strides = array<i32>} : memref<100x64xf32, #tpu.memory_space<vmem>>, vector<1x16xf32>,
      %get3A_3773 = vector.shape_cast %get3A_3772 : vector<1x16xf32> to vector<16xf32>
      %get3A_3774 = arith.constant 50 : i32
      %get3A_3775 = arith.index_cast %get3A_3774 : i32 to index
      %get3A_3776 = arith.constant 32 : index
      %get3A_3777 = tpu.vector_load %arg7[%get3A_3775, %get3A_3776] {strides = array<i32>} : memref<100x64xf32, #tpu.memory_space<vmem>>, vector<1x16xf32>,
      %get3A_3778 = vector.shape_cast %get3A_3777 : vector<1x16xf32> to vector<16xf32>
      %get3A_3779 = arith.constant 50 : i32
      %get3A_3780 = arith.index_cast %get3A_3779 : i32 to index
      %get3A_3781 = arith.constant 48 : index
      %get3A_3782 = tpu.vector_load %arg7[%get3A_3780, %get3A_3781] {strides = array<i32>} : memref<100x64xf32, #tpu.memory_space<vmem>>, vector<1x16xf32>,
      %get3A_3783 = vector.shape_cast %get3A_3782 : vector<1x16xf32> to vector<16xf32>
      %get3A_3784 = arith.constant 51 : i32
      %get3A_3785 = arith.index_cast %get3A_3784 : i32 to index
      %get3A_3786 = arith.constant 0 : index
      %get3A_3787 = tpu.vector_load %arg7[%get3A_3785, %get3A_3786] {strides = array<i32>} : memref<100x64xf32, #tpu.memory_space<vmem>>, vector<1x16xf32>,
      %get3A_3788 = vector.shape_cast %get3A_3787 : vector<1x16xf32> to vector<16xf32>
      %add3A_3789 = arith.addf %get3A_3768, %get3A_3788 : vector<16xf32>
      %get3A_3790 = arith.constant 51 : i32
      %get3A_3791 = arith.index_cast %get3A_3790 : i32 to index
      %get3A_3792 = arith.constant 16 : index
      %get3A_3793 = tpu.vector_load %arg7[%get3A_3791, %get3A_3792] {strides = array<i32>} : memref<100x64xf32, #tpu.memory_space<vmem>>, vector<1x16xf32>,
      %get3A_3794 = vector.shape_cast %get3A_3793 : vector<1x16xf32> to vector<16xf32>
      %add3A_3795 = arith.addf %get3A_3773, %get3A_3794 : vector<16xf32>
      %get3A_3796 = arith.constant 51 : i32
      %get3A_3797 = arith.index_cast %get3A_3796 : i32 to index
      %get3A_3798 = arith.constant 32 : index
      %get3A_3799 = tpu.vector_load %arg7[%get3A_3797, %get3A_3798] {strides = array<i32>} : memref<100x64xf32, #tpu.memory_space<vmem>>, vector<1x16xf32>,
      %get3A_3800 = vector.shape_cast %get3A_3799 : vector<1x16xf32> to vector<16xf32>
      %add3A_3801 = arith.addf %get3A_3778, %get3A_3800 : vector<16xf32>
      %get3A_3802 = arith.constant 51 : i32
      %get3A_3803 = arith.index_cast %get3A_3802 : i32 to index
      %get3A_3804 = arith.constant 48 : index
      %get3A_3805 = tpu.vector_load %arg7[%get3A_3803, %get3A_3804] {strides = array<i32>} : memref<100x64xf32, #tpu.memory_space<vmem>>, vector<1x16xf32>,
      %get3A_3806 = vector.shape_cast %get3A_3805 : vector<1x16xf32> to vector<16xf32>
      %add3A_3807 = arith.addf %get3A_3783, %get3A_3806 : vector<16xf32>
      %get3A_3808 = arith.constant 52 : i32
      %get3A_3809 = arith.index_cast %get3A_3808 : i32 to index
      %get3A_3810 = arith.constant 0 : index
      %get3A_3811 = tpu.vector_load %arg7[%get3A_3809, %get3A_3810] {strides = array<i32>} : memref<100x64xf32, #tpu.memory_space<vmem>>, vector<1x16xf32>,
      %get3A_3812 = vector.shape_cast %get3A_3811 : vector<1x16xf32> to vector<16xf32>
      %add3A_3813 = arith.addf %add3A_3789, %get3A_3812 : vector<16xf32>
      %get3A_3814 = arith.constant 52 : i32
      %get3A_3815 = arith.index_cast %get3A_3814 : i32 to index
      %get3A_3816 = arith.constant 16 : index
      %get3A_3817 = tpu.vector_load %arg7[%get3A_3815, %get3A_3816] {strides = array<i32>} : memref<100x64xf32, #tpu.memory_space<vmem>>, vector<1x16xf32>,
      %get3A_3818 = vector.shape_cast %get3A_3817 : vector<1x16xf32> to vector<16xf32>
      %add3A_3819 = arith.addf %add3A_3795, %get3A_3818 : vector<16xf32>
      %get3A_3820 = arith.constant 52 : i32
      %get3A_3821 = arith.index_cast %get3A_3820 : i32 to index
      %get3A_3822 = arith.constant 32 : index
      %get3A_3823 = tpu.vector_load %arg7[%get3A_3821, %get3A_3822] {strides = array<i32>} : memref<100x64xf32, #tpu.memory_space<vmem>>, vector<1x16xf32>,
      %get3A_3824 = vector.shape_cast %get3A_3823 : vector<1x16xf32> to vector<16xf32>
      %add3A_3825 = arith.addf %add3A_3801, %get3A_3824 : vector<16xf32>
      %get3A_3826 = arith.constant 52 : i32
      %get3A_3827 = arith.index_cast %get3A_3826 : i32 to index
      %get3A_3828 = arith.constant 48 : index
      %get3A_3829 = tpu.vector_load %arg7[%get3A_3827, %get3A_3828] {strides = array<i32>} : memref<100x64xf32, #tpu.memory_space<vmem>>, vector<1x16xf32>,
      %get3A_3830 = vector.shape_cast %get3A_3829 : vector<1x16xf32> to vector<16xf32>
      %add3A_3831 = arith.addf %add3A_3807, %get3A_3830 : vector<16xf32>
      %get3A_3832 = arith.constant 53 : i32
      %get3A_3833 = arith.index_cast %get3A_3832 : i32 to index
      %get3A_3834 = arith.constant 0 : index
      %get3A_3835 = tpu.vector_load %arg7[%get3A_3833, %get3A_3834] {strides = array<i32>} : memref<100x64xf32, #tpu.memory_space<vmem>>, vector<1x16xf32>,
      %get3A_3836 = vector.shape_cast %get3A_3835 : vector<1x16xf32> to vector<16xf32>
      %add3A_3837 = arith.addf %add3A_3813, %get3A_3836 : vector<16xf32>
      %get3A_3838 = arith.constant 53 : i32
      %get3A_3839 = arith.index_cast %get3A_3838 : i32 to index
      %get3A_3840 = arith.constant 16 : index
      %get3A_3841 = tpu.vector_load %arg7[%get3A_3839, %get3A_3840] {strides = array<i32>} : memref<100x64xf32, #tpu.memory_space<vmem>>, vector<1x16xf32>,
      %get3A_3842 = vector.shape_cast %get3A_3841 : vector<1x16xf32> to vector<16xf32>
      %add3A_3843 = arith.addf %add3A_3819, %get3A_3842 : vector<16xf32>
      %get3A_3844 = arith.constant 53 : i32
      %get3A_3845 = arith.index_cast %get3A_3844 : i32 to index
      %get3A_3846 = arith.constant 32 : index
      %get3A_3847 = tpu.vector_load %arg7[%get3A_3845, %get3A_3846] {strides = array<i32>} : memref<100x64xf32, #tpu.memory_space<vmem>>, vector<1x16xf32>,
      %get3A_3848 = vector.shape_cast %get3A_3847 : vector<1x16xf32> to vector<16xf32>
      %add3A_3849 = arith.addf %add3A_3825, %get3A_3848 : vector<16xf32>
      %get3A_3850 = arith.constant 53 : i32
      %get3A_3851 = arith.index_cast %get3A_3850 : i32 to index
      %get3A_3852 = arith.constant 48 : index
      %get3A_3853 = tpu.vector_load %arg7[%get3A_3851, %get3A_3852] {strides = array<i32>} : memref<100x64xf32, #tpu.memory_space<vmem>>, vector<1x16xf32>,
      %get3A_3854 = vector.shape_cast %get3A_3853 : vector<1x16xf32> to vector<16xf32>
      %add3A_3855 = arith.addf %add3A_3831, %get3A_3854 : vector<16xf32>
      %get3A_3856 = arith.constant 54 : i32
      %get3A_3857 = arith.index_cast %get3A_3856 : i32 to index
      %get3A_3858 = arith.constant 0 : index
      %get3A_3859 = tpu.vector_load %arg7[%get3A_3857, %get3A_3858] {strides = array<i32>} : memref<100x64xf32, #tpu.memory_space<vmem>>, vector<1x16xf32>,
      %get3A_3860 = vector.shape_cast %get3A_3859 : vector<1x16xf32> to vector<16xf32>
      %add3A_3861 = arith.addf %add3A_3837, %get3A_3860 : vector<16xf32>
      %get3A_3862 = arith.constant 54 : i32
      %get3A_3863 = arith.index_cast %get3A_3862 : i32 to index
      %get3A_3864 = arith.constant 16 : index
      %get3A_3865 = tpu.vector_load %arg7[%get3A_3863, %get3A_3864] {strides = array<i32>} : memref<100x64xf32, #tpu.memory_space<vmem>>, vector<1x16xf32>,
      %get3A_3866 = vector.shape_cast %get3A_3865 : vector<1x16xf32> to vector<16xf32>
      %add3A_3867 = arith.addf %add3A_3843, %get3A_3866 : vector<16xf32>
      %get3A_3868 = arith.constant 54 : i32
      %get3A_3869 = arith.index_cast %get3A_3868 : i32 to index
      %get3A_3870 = arith.constant 32 : index
      %get3A_3871 = tpu.vector_load %arg7[%get3A_3869, %get3A_3870] {strides = array<i32>} : memref<100x64xf32, #tpu.memory_space<vmem>>, vector<1x16xf32>,
      %get3A_3872 = vector.shape_cast %get3A_3871 : vector<1x16xf32> to vector<16xf32>
      %add3A_3873 = arith.addf %add3A_3849, %get3A_3872 : vector<16xf32>
      %get3A_3874 = arith.constant 54 : i32
      %get3A_3875 = arith.index_cast %get3A_3874 : i32 to index
      %get3A_3876 = arith.constant 48 : index
      %get3A_3877 = tpu.vector_load %arg7[%get3A_3875, %get3A_3876] {strides = array<i32>} : memref<100x64xf32, #tpu.memory_space<vmem>>, vector<1x16xf32>,
      %get3A_3878 = vector.shape_cast %get3A_3877 : vector<1x16xf32> to vector<16xf32>
      %add3A_3879 = arith.addf %add3A_3855, %get3A_3878 : vector<16xf32>
      %get3A_3880 = arith.constant 55 : i32
      %get3A_3881 = arith.index_cast %get3A_3880 : i32 to index
      %get3A_3882 = arith.constant 0 : index
      %get3A_3883 = tpu.vector_load %arg7[%get3A_3881, %get3A_3882] {strides = array<i32>} : memref<100x64xf32, #tpu.memory_space<vmem>>, vector<1x16xf32>,
      %get3A_3884 = vector.shape_cast %get3A_3883 : vector<1x16xf32> to vector<16xf32>
      %add3A_3885 = arith.addf %add3A_3861, %get3A_3884 : vector<16xf32>
      %get3A_3886 = arith.constant 55 : i32
      %get3A_3887 = arith.index_cast %get3A_3886 : i32 to index
      %get3A_3888 = arith.constant 16 : index
      %get3A_3889 = tpu.vector_load %arg7[%get3A_3887, %get3A_3888] {strides = array<i32>} : memref<100x64xf32, #tpu.memory_space<vmem>>, vector<1x16xf32>,
      %get3A_3890 = vector.shape_cast %get3A_3889 : vector<1x16xf32> to vector<16xf32>
      %add3A_3891 = arith.addf %add3A_3867, %get3A_3890 : vector<16xf32>
      %get3A_3892 = arith.constant 55 : i32
      %get3A_3893 = arith.index_cast %get3A_3892 : i32 to index
      %get3A_3894 = arith.constant 32 : index
      %get3A_3895 = tpu.vector_load %arg7[%get3A_3893, %get3A_3894] {strides = array<i32>} : memref<100x64xf32, #tpu.memory_space<vmem>>, vector<1x16xf32>,
      %get3A_3896 = vector.shape_cast %get3A_3895 : vector<1x16xf32> to vector<16xf32>
      %add3A_3897 = arith.addf %add3A_3873, %get3A_3896 : vector<16xf32>
      %get3A_3898 = arith.constant 55 : i32
      %get3A_3899 = arith.index_cast %get3A_3898 : i32 to index
      %get3A_3900 = arith.constant 48 : index
      %get3A_3901 = tpu.vector_load %arg7[%get3A_3899, %get3A_3900] {strides = array<i32>} : memref<100x64xf32, #tpu.memory_space<vmem>>, vector<1x16xf32>,
      %get3A_3902 = vector.shape_cast %get3A_3901 : vector<1x16xf32> to vector<16xf32>
      %add3A_3903 = arith.addf %add3A_3879, %get3A_3902 : vector<16xf32>
      %get3A_3904 = arith.constant 56 : i32
      %get3A_3905 = arith.index_cast %get3A_3904 : i32 to index
      %get3A_3906 = arith.constant 0 : index
      %get3A_3907 = tpu.vector_load %arg7[%get3A_3905, %get3A_3906] {strides = array<i32>} : memref<100x64xf32, #tpu.memory_space<vmem>>, vector<1x16xf32>,
      %get3A_3908 = vector.shape_cast %get3A_3907 : vector<1x16xf32> to vector<16xf32>
      %add3A_3909 = arith.addf %add3A_3885, %get3A_3908 : vector<16xf32>
      %get3A_3910 = arith.constant 56 : i32
      %get3A_3911 = arith.index_cast %get3A_3910 : i32 to index
      %get3A_3912 = arith.constant 16 : index
      %get3A_3913 = tpu.vector_load %arg7[%get3A_3911, %get3A_3912] {strides = array<i32>} : memref<100x64xf32, #tpu.memory_space<vmem>>, vector<1x16xf32>,
      %get3A_3914 = vector.shape_cast %get3A_3913 : vector<1x16xf32> to vector<16xf32>
      %add3A_3915 = arith.addf %add3A_3891, %get3A_3914 : vector<16xf32>
      %get3A_3916 = arith.constant 56 : i32
      %get3A_3917 = arith.index_cast %get3A_3916 : i32 to index
      %get3A_3918 = arith.constant 32 : index
      %get3A_3919 = tpu.vector_load %arg7[%get3A_3917, %get3A_3918] {strides = array<i32>} : memref<100x64xf32, #tpu.memory_space<vmem>>, vector<1x16xf32>,
      %get3A_3920 = vector.shape_cast %get3A_3919 : vector<1x16xf32> to vector<16xf32>
      %add3A_3921 = arith.addf %add3A_3897, %get3A_3920 : vector<16xf32>
      %get3A_3922 = arith.constant 56 : i32
      %get3A_3923 = arith.index_cast %get3A_3922 : i32 to index
      %get3A_3924 = arith.constant 48 : index
      %get3A_3925 = tpu.vector_load %arg7[%get3A_3923, %get3A_3924] {strides = array<i32>} : memref<100x64xf32, #tpu.memory_space<vmem>>, vector<1x16xf32>,
      %get3A_3926 = vector.shape_cast %get3A_3925 : vector<1x16xf32> to vector<16xf32>
      %add3A_3927 = arith.addf %add3A_3903, %get3A_3926 : vector<16xf32>
      %get3A_3928 = arith.constant 57 : i32
      %get3A_3929 = arith.index_cast %get3A_3928 : i32 to index
      %get3A_3930 = arith.constant 0 : index
      %get3A_3931 = tpu.vector_load %arg7[%get3A_3929, %get3A_3930] {strides = array<i32>} : memref<100x64xf32, #tpu.memory_space<vmem>>, vector<1x16xf32>,
      %get3A_3932 = vector.shape_cast %get3A_3931 : vector<1x16xf32> to vector<16xf32>
      %add3A_3933 = arith.addf %add3A_3909, %get3A_3932 : vector<16xf32>
      %get3A_3934 = arith.constant 57 : i32
      %get3A_3935 = arith.index_cast %get3A_3934 : i32 to index
      %get3A_3936 = arith.constant 16 : index
      %get3A_3937 = tpu.vector_load %arg7[%get3A_3935, %get3A_3936] {strides = array<i32>} : memref<100x64xf32, #tpu.memory_space<vmem>>, vector<1x16xf32>,
      %get3A_3938 = vector.shape_cast %get3A_3937 : vector<1x16xf32> to vector<16xf32>
      %add3A_3939 = arith.addf %add3A_3915, %get3A_3938 : vector<16xf32>
      %get3A_3940 = arith.constant 57 : i32
      %get3A_3941 = arith.index_cast %get3A_3940 : i32 to index
      %get3A_3942 = arith.constant 32 : index
      %get3A_3943 = tpu.vector_load %arg7[%get3A_3941, %get3A_3942] {strides = array<i32>} : memref<100x64xf32, #tpu.memory_space<vmem>>, vector<1x16xf32>,
      %get3A_3944 = vector.shape_cast %get3A_3943 : vector<1x16xf32> to vector<16xf32>
      %add3A_3945 = arith.addf %add3A_3921, %get3A_3944 : vector<16xf32>
      %get3A_3946 = arith.constant 57 : i32
      %get3A_3947 = arith.index_cast %get3A_3946 : i32 to index
      %get3A_3948 = arith.constant 48 : index
      %get3A_3949 = tpu.vector_load %arg7[%get3A_3947, %get3A_3948] {strides = array<i32>} : memref<100x64xf32, #tpu.memory_space<vmem>>, vector<1x16xf32>,
      %get3A_3950 = vector.shape_cast %get3A_3949 : vector<1x16xf32> to vector<16xf32>
      %add3A_3951 = arith.addf %add3A_3927, %get3A_3950 : vector<16xf32>
      %get3A_3952 = arith.constant 58 : i32
      %get3A_3953 = arith.index_cast %get3A_3952 : i32 to index
      %get3A_3954 = arith.constant 0 : index
      %get3A_3955 = tpu.vector_load %arg7[%get3A_3953, %get3A_3954] {strides = array<i32>} : memref<100x64xf32, #tpu.memory_space<vmem>>, vector<1x16xf32>,
      %get3A_3956 = vector.shape_cast %get3A_3955 : vector<1x16xf32> to vector<16xf32>
      %add3A_3957 = arith.addf %add3A_3933, %get3A_3956 : vector<16xf32>
      %get3A_3958 = arith.constant 58 : i32
      %get3A_3959 = arith.index_cast %get3A_3958 : i32 to index
      %get3A_3960 = arith.constant 16 : index
      %get3A_3961 = tpu.vector_load %arg7[%get3A_3959, %get3A_3960] {strides = array<i32>} : memref<100x64xf32, #tpu.memory_space<vmem>>, vector<1x16xf32>,
      %get3A_3962 = vector.shape_cast %get3A_3961 : vector<1x16xf32> to vector<16xf32>
      %add3A_3963 = arith.addf %add3A_3939, %get3A_3962 : vector<16xf32>
      %get3A_3964 = arith.constant 58 : i32
      %get3A_3965 = arith.index_cast %get3A_3964 : i32 to index
      %get3A_3966 = arith.constant 32 : index
      %get3A_3967 = tpu.vector_load %arg7[%get3A_3965, %get3A_3966] {strides = array<i32>} : memref<100x64xf32, #tpu.memory_space<vmem>>, vector<1x16xf32>,
      %get3A_3968 = vector.shape_cast %get3A_3967 : vector<1x16xf32> to vector<16xf32>
      %add3A_3969 = arith.addf %add3A_3945, %get3A_3968 : vector<16xf32>
      %get3A_3970 = arith.constant 58 : i32
      %get3A_3971 = arith.index_cast %get3A_3970 : i32 to index
      %get3A_3972 = arith.constant 48 : index
      %get3A_3973 = tpu.vector_load %arg7[%get3A_3971, %get3A_3972] {strides = array<i32>} : memref<100x64xf32, #tpu.memory_space<vmem>>, vector<1x16xf32>,
      %get3A_3974 = vector.shape_cast %get3A_3973 : vector<1x16xf32> to vector<16xf32>
      %add3A_3975 = arith.addf %add3A_3951, %get3A_3974 : vector<16xf32>
      %get3A_3976 = arith.constant 59 : i32
      %get3A_3977 = arith.index_cast %get3A_3976 : i32 to index
      %get3A_3978 = arith.constant 0 : index
      %get3A_3979 = tpu.vector_load %arg7[%get3A_3977, %get3A_3978] {strides = array<i32>} : memref<100x64xf32, #tpu.memory_space<vmem>>, vector<1x16xf32>,
      %get3A_3980 = vector.shape_cast %get3A_3979 : vector<1x16xf32> to vector<16xf32>
      %add3A_3981 = arith.addf %add3A_3957, %get3A_3980 : vector<16xf32>
      %get3A_3982 = arith.constant 59 : i32
      %get3A_3983 = arith.index_cast %get3A_3982 : i32 to index
      %get3A_3984 = arith.constant 16 : index
      %get3A_3985 = tpu.vector_load %arg7[%get3A_3983, %get3A_3984] {strides = array<i32>} : memref<100x64xf32, #tpu.memory_space<vmem>>, vector<1x16xf32>,
      %get3A_3986 = vector.shape_cast %get3A_3985 : vector<1x16xf32> to vector<16xf32>
      %add3A_3987 = arith.addf %add3A_3963, %get3A_3986 : vector<16xf32>
      %get3A_3988 = arith.constant 59 : i32
      %get3A_3989 = arith.index_cast %get3A_3988 : i32 to index
      %get3A_3990 = arith.constant 32 : index
      %get3A_3991 = tpu.vector_load %arg7[%get3A_3989, %get3A_3990] {strides = array<i32>} : memref<100x64xf32, #tpu.memory_space<vmem>>, vector<1x16xf32>,
      %get3A_3992 = vector.shape_cast %get3A_3991 : vector<1x16xf32> to vector<16xf32>
      %add3A_3993 = arith.addf %add3A_3969, %get3A_3992 : vector<16xf32>
      %get3A_3994 = arith.constant 59 : i32
      %get3A_3995 = arith.index_cast %get3A_3994 : i32 to index
      %get3A_3996 = arith.constant 48 : index
      %get3A_3997 = tpu.vector_load %arg7[%get3A_3995, %get3A_3996] {strides = array<i32>} : memref<100x64xf32, #tpu.memory_space<vmem>>, vector<1x16xf32>,
      %get3A_3998 = vector.shape_cast %get3A_3997 : vector<1x16xf32> to vector<16xf32>
      %add3A_3999 = arith.addf %add3A_3975, %get3A_3998 : vector<16xf32>
      %get3A_4000 = arith.constant 60 : i32
      %get3A_4001 = arith.index_cast %get3A_4000 : i32 to index
      %get3A_4002 = arith.constant 0 : index
      %get3A_4003 = tpu.vector_load %arg7[%get3A_4001, %get3A_4002] {strides = array<i32>} : memref<100x64xf32, #tpu.memory_space<vmem>>, vector<1x16xf32>,
      %get3A_4004 = vector.shape_cast %get3A_4003 : vector<1x16xf32> to vector<16xf32>
      %add3A_4005 = arith.addf %add3A_3981, %get3A_4004 : vector<16xf32>
      %get3A_4006 = arith.constant 60 : i32
      %get3A_4007 = arith.index_cast %get3A_4006 : i32 to index
      %get3A_4008 = arith.constant 16 : index
      %get3A_4009 = tpu.vector_load %arg7[%get3A_4007, %get3A_4008] {strides = array<i32>} : memref<100x64xf32, #tpu.memory_space<vmem>>, vector<1x16xf32>,
      %get3A_4010 = vector.shape_cast %get3A_4009 : vector<1x16xf32> to vector<16xf32>
      %add3A_4011 = arith.addf %add3A_3987, %get3A_4010 : vector<16xf32>
      %get3A_4012 = arith.constant 60 : i32
      %get3A_4013 = arith.index_cast %get3A_4012 : i32 to index
      %get3A_4014 = arith.constant 32 : index
      %get3A_4015 = tpu.vector_load %arg7[%get3A_4013, %get3A_4014] {strides = array<i32>} : memref<100x64xf32, #tpu.memory_space<vmem>>, vector<1x16xf32>,
      %get3A_4016 = vector.shape_cast %get3A_4015 : vector<1x16xf32> to vector<16xf32>
      %add3A_4017 = arith.addf %add3A_3993, %get3A_4016 : vector<16xf32>
      %get3A_4018 = arith.constant 60 : i32
      %get3A_4019 = arith.index_cast %get3A_4018 : i32 to index
      %get3A_4020 = arith.constant 48 : index
      %get3A_4021 = tpu.vector_load %arg7[%get3A_4019, %get3A_4020] {strides = array<i32>} : memref<100x64xf32, #tpu.memory_space<vmem>>, vector<1x16xf32>,
      %get3A_4022 = vector.shape_cast %get3A_4021 : vector<1x16xf32> to vector<16xf32>
      %add3A_4023 = arith.addf %add3A_3999, %get3A_4022 : vector<16xf32>
      %get3A_4024 = arith.constant 61 : i32
      %get3A_4025 = arith.index_cast %get3A_4024 : i32 to index
      %get3A_4026 = arith.constant 0 : index
      %get3A_4027 = tpu.vector_load %arg7[%get3A_4025, %get3A_4026] {strides = array<i32>} : memref<100x64xf32, #tpu.memory_space<vmem>>, vector<1x16xf32>,
      %get3A_4028 = vector.shape_cast %get3A_4027 : vector<1x16xf32> to vector<16xf32>
      %add3A_4029 = arith.addf %add3A_4005, %get3A_4028 : vector<16xf32>
      %get3A_4030 = arith.constant 61 : i32
      %get3A_4031 = arith.index_cast %get3A_4030 : i32 to index
      %get3A_4032 = arith.constant 16 : index
      %get3A_4033 = tpu.vector_load %arg7[%get3A_4031, %get3A_4032] {strides = array<i32>} : memref<100x64xf32, #tpu.memory_space<vmem>>, vector<1x16xf32>,
      %get3A_4034 = vector.shape_cast %get3A_4033 : vector<1x16xf32> to vector<16xf32>
      %add3A_4035 = arith.addf %add3A_4011, %get3A_4034 : vector<16xf32>
      %get3A_4036 = arith.constant 61 : i32
      %get3A_4037 = arith.index_cast %get3A_4036 : i32 to index
      %get3A_4038 = arith.constant 32 : index
      %get3A_4039 = tpu.vector_load %arg7[%get3A_4037, %get3A_4038] {strides = array<i32>} : memref<100x64xf32, #tpu.memory_space<vmem>>, vector<1x16xf32>,
      %get3A_4040 = vector.shape_cast %get3A_4039 : vector<1x16xf32> to vector<16xf32>
      %add3A_4041 = arith.addf %add3A_4017, %get3A_4040 : vector<16xf32>
      %get3A_4042 = arith.constant 61 : i32
      %get3A_4043 = arith.index_cast %get3A_4042 : i32 to index
      %get3A_4044 = arith.constant 48 : index
      %get3A_4045 = tpu.vector_load %arg7[%get3A_4043, %get3A_4044] {strides = array<i32>} : memref<100x64xf32, #tpu.memory_space<vmem>>, vector<1x16xf32>,
      %get3A_4046 = vector.shape_cast %get3A_4045 : vector<1x16xf32> to vector<16xf32>
      %add3A_4047 = arith.addf %add3A_4023, %get3A_4046 : vector<16xf32>
      %get3A_4048 = arith.constant 62 : i32
      %get3A_4049 = arith.index_cast %get3A_4048 : i32 to index
      %get3A_4050 = arith.constant 0 : index
      %get3A_4051 = tpu.vector_load %arg7[%get3A_4049, %get3A_4050] {strides = array<i32>} : memref<100x64xf32, #tpu.memory_space<vmem>>, vector<1x16xf32>,
      %get3A_4052 = vector.shape_cast %get3A_4051 : vector<1x16xf32> to vector<16xf32>
      %add3A_4053 = arith.addf %add3A_4029, %get3A_4052 : vector<16xf32>
      %get3A_4054 = arith.constant 62 : i32
      %get3A_4055 = arith.index_cast %get3A_4054 : i32 to index
      %get3A_4056 = arith.constant 16 : index
      %get3A_4057 = tpu.vector_load %arg7[%get3A_4055, %get3A_4056] {strides = array<i32>} : memref<100x64xf32, #tpu.memory_space<vmem>>, vector<1x16xf32>,
      %get3A_4058 = vector.shape_cast %get3A_4057 : vector<1x16xf32> to vector<16xf32>
      %add3A_4059 = arith.addf %add3A_4035, %get3A_4058 : vector<16xf32>
      %get3A_4060 = arith.constant 62 : i32
      %get3A_4061 = arith.index_cast %get3A_4060 : i32 to index
      %get3A_4062 = arith.constant 32 : index
      %get3A_4063 = tpu.vector_load %arg7[%get3A_4061, %get3A_4062] {strides = array<i32>} : memref<100x64xf32, #tpu.memory_space<vmem>>, vector<1x16xf32>,
      %get3A_4064 = vector.shape_cast %get3A_4063 : vector<1x16xf32> to vector<16xf32>
      %add3A_4065 = arith.addf %add3A_4041, %get3A_4064 : vector<16xf32>
      %get3A_4066 = arith.constant 62 : i32
      %get3A_4067 = arith.index_cast %get3A_4066 : i32 to index
      %get3A_4068 = arith.constant 48 : index
      %get3A_4069 = tpu.vector_load %arg7[%get3A_4067, %get3A_4068] {strides = array<i32>} : memref<100x64xf32, #tpu.memory_space<vmem>>, vector<1x16xf32>,
      %get3A_4070 = vector.shape_cast %get3A_4069 : vector<1x16xf32> to vector<16xf32>
      %add3A_4071 = arith.addf %add3A_4047, %get3A_4070 : vector<16xf32>
      %get3A_4072 = arith.constant 63 : i32
      %get3A_4073 = arith.index_cast %get3A_4072 : i32 to index
      %get3A_4074 = arith.constant 0 : index
      %get3A_4075 = tpu.vector_load %arg7[%get3A_4073, %get3A_4074] {strides = array<i32>} : memref<100x64xf32, #tpu.memory_space<vmem>>, vector<1x16xf32>,
      %get3A_4076 = vector.shape_cast %get3A_4075 : vector<1x16xf32> to vector<16xf32>
      %add3A_4077 = arith.addf %add3A_4053, %get3A_4076 : vector<16xf32>
      %get3A_4078 = arith.constant 63 : i32
      %get3A_4079 = arith.index_cast %get3A_4078 : i32 to index
      %get3A_4080 = arith.constant 16 : index
      %get3A_4081 = tpu.vector_load %arg7[%get3A_4079, %get3A_4080] {strides = array<i32>} : memref<100x64xf32, #tpu.memory_space<vmem>>, vector<1x16xf32>,
      %get3A_4082 = vector.shape_cast %get3A_4081 : vector<1x16xf32> to vector<16xf32>
      %add3A_4083 = arith.addf %add3A_4059, %get3A_4082 : vector<16xf32>
      %get3A_4084 = arith.constant 63 : i32
      %get3A_4085 = arith.index_cast %get3A_4084 : i32 to index
      %get3A_4086 = arith.constant 32 : index
      %get3A_4087 = tpu.vector_load %arg7[%get3A_4085, %get3A_4086] {strides = array<i32>} : memref<100x64xf32, #tpu.memory_space<vmem>>, vector<1x16xf32>,
      %get3A_4088 = vector.shape_cast %get3A_4087 : vector<1x16xf32> to vector<16xf32>
      %add3A_4089 = arith.addf %add3A_4065, %get3A_4088 : vector<16xf32>
      %get3A_4090 = arith.constant 63 : i32
      %get3A_4091 = arith.index_cast %get3A_4090 : i32 to index
      %get3A_4092 = arith.constant 48 : index
      %get3A_4093 = tpu.vector_load %arg7[%get3A_4091, %get3A_4092] {strides = array<i32>} : memref<100x64xf32, #tpu.memory_space<vmem>>, vector<1x16xf32>,
      %get3A_4094 = vector.shape_cast %get3A_4093 : vector<1x16xf32> to vector<16xf32>
      %add3A_4095 = arith.addf %add3A_4071, %get3A_4094 : vector<16xf32>
      %get3A_4096 = arith.constant 64 : i32
      %get3A_4097 = arith.index_cast %get3A_4096 : i32 to index
      %get3A_4098 = arith.constant 0 : index
      %get3A_4099 = tpu.vector_load %arg7[%get3A_4097, %get3A_4098] {strides = array<i32>} : memref<100x64xf32, #tpu.memory_space<vmem>>, vector<1x16xf32>,
      %get3A_4100 = vector.shape_cast %get3A_4099 : vector<1x16xf32> to vector<16xf32>
      %add3A_4101 = arith.addf %add3A_4077, %get3A_4100 : vector<16xf32>
      %get3A_4102 = arith.constant 64 : i32
      %get3A_4103 = arith.index_cast %get3A_4102 : i32 to index
      %get3A_4104 = arith.constant 16 : index
      %get3A_4105 = tpu.vector_load %arg7[%get3A_4103, %get3A_4104] {strides = array<i32>} : memref<100x64xf32, #tpu.memory_space<vmem>>, vector<1x16xf32>,
      %get3A_4106 = vector.shape_cast %get3A_4105 : vector<1x16xf32> to vector<16xf32>
      %add3A_4107 = arith.addf %add3A_4083, %get3A_4106 : vector<16xf32>
      %get3A_4108 = arith.constant 64 : i32
      %get3A_4109 = arith.index_cast %get3A_4108 : i32 to index
      %get3A_4110 = arith.constant 32 : index
      %get3A_4111 = tpu.vector_load %arg7[%get3A_4109, %get3A_4110] {strides = array<i32>} : memref<100x64xf32, #tpu.memory_space<vmem>>, vector<1x16xf32>,
      %get3A_4112 = vector.shape_cast %get3A_4111 : vector<1x16xf32> to vector<16xf32>
      %add3A_4113 = arith.addf %add3A_4089, %get3A_4112 : vector<16xf32>
      %get3A_4114 = arith.constant 64 : i32
      %get3A_4115 = arith.index_cast %get3A_4114 : i32 to index
      %get3A_4116 = arith.constant 48 : index
      %get3A_4117 = tpu.vector_load %arg7[%get3A_4115, %get3A_4116] {strides = array<i32>} : memref<100x64xf32, #tpu.memory_space<vmem>>, vector<1x16xf32>,
      %get3A_4118 = vector.shape_cast %get3A_4117 : vector<1x16xf32> to vector<16xf32>
      %add3A_4119 = arith.addf %add3A_4095, %get3A_4118 : vector<16xf32>
      %get3A_4120 = arith.constant 65 : i32
      %get3A_4121 = arith.index_cast %get3A_4120 : i32 to index
      %get3A_4122 = arith.constant 0 : index
      %get3A_4123 = tpu.vector_load %arg7[%get3A_4121, %get3A_4122] {strides = array<i32>} : memref<100x64xf32, #tpu.memory_space<vmem>>, vector<1x16xf32>,
      %get3A_4124 = vector.shape_cast %get3A_4123 : vector<1x16xf32> to vector<16xf32>
      %add3A_4125 = arith.addf %add3A_4101, %get3A_4124 : vector<16xf32>
      %get3A_4126 = arith.constant 65 : i32
      %get3A_4127 = arith.index_cast %get3A_4126 : i32 to index
      %get3A_4128 = arith.constant 16 : index
      %get3A_4129 = tpu.vector_load %arg7[%get3A_4127, %get3A_4128] {strides = array<i32>} : memref<100x64xf32, #tpu.memory_space<vmem>>, vector<1x16xf32>,
      %get3A_4130 = vector.shape_cast %get3A_4129 : vector<1x16xf32> to vector<16xf32>
      %add3A_4131 = arith.addf %add3A_4107, %get3A_4130 : vector<16xf32>
      %get3A_4132 = arith.constant 65 : i32
      %get3A_4133 = arith.index_cast %get3A_4132 : i32 to index
      %get3A_4134 = arith.constant 32 : index
      %get3A_4135 = tpu.vector_load %arg7[%get3A_4133, %get3A_4134] {strides = array<i32>} : memref<100x64xf32, #tpu.memory_space<vmem>>, vector<1x16xf32>,
      %get3A_4136 = vector.shape_cast %get3A_4135 : vector<1x16xf32> to vector<16xf32>
      %add3A_4137 = arith.addf %add3A_4113, %get3A_4136 : vector<16xf32>
      %get3A_4138 = arith.constant 65 : i32
      %get3A_4139 = arith.index_cast %get3A_4138 : i32 to index
      %get3A_4140 = arith.constant 48 : index
      %get3A_4141 = tpu.vector_load %arg7[%get3A_4139, %get3A_4140] {strides = array<i32>} : memref<100x64xf32, #tpu.memory_space<vmem>>, vector<1x16xf32>,
      %get3A_4142 = vector.shape_cast %get3A_4141 : vector<1x16xf32> to vector<16xf32>
      %add3A_4143 = arith.addf %add3A_4119, %get3A_4142 : vector<16xf32>
      %get3A_4144 = arith.constant 66 : i32
      %get3A_4145 = arith.index_cast %get3A_4144 : i32 to index
      %get3A_4146 = arith.constant 0 : index
      %get3A_4147 = tpu.vector_load %arg7[%get3A_4145, %get3A_4146] {strides = array<i32>} : memref<100x64xf32, #tpu.memory_space<vmem>>, vector<1x16xf32>,
      %get3A_4148 = vector.shape_cast %get3A_4147 : vector<1x16xf32> to vector<16xf32>
      %add3A_4149 = arith.addf %add3A_4125, %get3A_4148 : vector<16xf32>
      %get3A_4150 = arith.constant 66 : i32
      %get3A_4151 = arith.index_cast %get3A_4150 : i32 to index
      %get3A_4152 = arith.constant 16 : index
      %get3A_4153 = tpu.vector_load %arg7[%get3A_4151, %get3A_4152] {strides = array<i32>} : memref<100x64xf32, #tpu.memory_space<vmem>>, vector<1x16xf32>,
      %get3A_4154 = vector.shape_cast %get3A_4153 : vector<1x16xf32> to vector<16xf32>
      %add3A_4155 = arith.addf %add3A_4131, %get3A_4154 : vector<16xf32>
      %get3A_4156 = arith.constant 66 : i32
      %get3A_4157 = arith.index_cast %get3A_4156 : i32 to index
      %get3A_4158 = arith.constant 32 : index
      %get3A_4159 = tpu.vector_load %arg7[%get3A_4157, %get3A_4158] {strides = array<i32>} : memref<100x64xf32, #tpu.memory_space<vmem>>, vector<1x16xf32>,
      %get3A_4160 = vector.shape_cast %get3A_4159 : vector<1x16xf32> to vector<16xf32>
      %add3A_4161 = arith.addf %add3A_4137, %get3A_4160 : vector<16xf32>
      %get3A_4162 = arith.constant 66 : i32
      %get3A_4163 = arith.index_cast %get3A_4162 : i32 to index
      %get3A_4164 = arith.constant 48 : index
      %get3A_4165 = tpu.vector_load %arg7[%get3A_4163, %get3A_4164] {strides = array<i32>} : memref<100x64xf32, #tpu.memory_space<vmem>>, vector<1x16xf32>,
      %get3A_4166 = vector.shape_cast %get3A_4165 : vector<1x16xf32> to vector<16xf32>
      %add3A_4167 = arith.addf %add3A_4143, %get3A_4166 : vector<16xf32>
      %get3A_4168 = arith.constant 67 : i32
      %get3A_4169 = arith.index_cast %get3A_4168 : i32 to index
      %get3A_4170 = arith.constant 0 : index
      %get3A_4171 = tpu.vector_load %arg7[%get3A_4169, %get3A_4170] {strides = array<i32>} : memref<100x64xf32, #tpu.memory_space<vmem>>, vector<1x16xf32>,
      %get3A_4172 = vector.shape_cast %get3A_4171 : vector<1x16xf32> to vector<16xf32>
      %add3A_4173 = arith.addf %add3A_4149, %get3A_4172 : vector<16xf32>
      %get3A_4174 = arith.constant 67 : i32
      %get3A_4175 = arith.index_cast %get3A_4174 : i32 to index
      %get3A_4176 = arith.constant 16 : index
      %get3A_4177 = tpu.vector_load %arg7[%get3A_4175, %get3A_4176] {strides = array<i32>} : memref<100x64xf32, #tpu.memory_space<vmem>>, vector<1x16xf32>,
      %get3A_4178 = vector.shape_cast %get3A_4177 : vector<1x16xf32> to vector<16xf32>
      %add3A_4179 = arith.addf %add3A_4155, %get3A_4178 : vector<16xf32>
      %get3A_4180 = arith.constant 67 : i32
      %get3A_4181 = arith.index_cast %get3A_4180 : i32 to index
      %get3A_4182 = arith.constant 32 : index
      %get3A_4183 = tpu.vector_load %arg7[%get3A_4181, %get3A_4182] {strides = array<i32>} : memref<100x64xf32, #tpu.memory_space<vmem>>, vector<1x16xf32>,
      %get3A_4184 = vector.shape_cast %get3A_4183 : vector<1x16xf32> to vector<16xf32>
      %add3A_4185 = arith.addf %add3A_4161, %get3A_4184 : vector<16xf32>
      %get3A_4186 = arith.constant 67 : i32
      %get3A_4187 = arith.index_cast %get3A_4186 : i32 to index
      %get3A_4188 = arith.constant 48 : index
      %get3A_4189 = tpu.vector_load %arg7[%get3A_4187, %get3A_4188] {strides = array<i32>} : memref<100x64xf32, #tpu.memory_space<vmem>>, vector<1x16xf32>,
      %get3A_4190 = vector.shape_cast %get3A_4189 : vector<1x16xf32> to vector<16xf32>
      %add3A_4191 = arith.addf %add3A_4167, %get3A_4190 : vector<16xf32>
      %get3A_4192 = arith.constant 68 : i32
      %get3A_4193 = arith.index_cast %get3A_4192 : i32 to index
      %get3A_4194 = arith.constant 0 : index
      %get3A_4195 = tpu.vector_load %arg7[%get3A_4193, %get3A_4194] {strides = array<i32>} : memref<100x64xf32, #tpu.memory_space<vmem>>, vector<1x16xf32>,
      %get3A_4196 = vector.shape_cast %get3A_4195 : vector<1x16xf32> to vector<16xf32>
      %add3A_4197 = arith.addf %add3A_4173, %get3A_4196 : vector<16xf32>
      %get3A_4198 = arith.constant 68 : i32
      %get3A_4199 = arith.index_cast %get3A_4198 : i32 to index
      %get3A_4200 = arith.constant 16 : index
      %get3A_4201 = tpu.vector_load %arg7[%get3A_4199, %get3A_4200] {strides = array<i32>} : memref<100x64xf32, #tpu.memory_space<vmem>>, vector<1x16xf32>,
      %get3A_4202 = vector.shape_cast %get3A_4201 : vector<1x16xf32> to vector<16xf32>
      %add3A_4203 = arith.addf %add3A_4179, %get3A_4202 : vector<16xf32>
      %get3A_4204 = arith.constant 68 : i32
      %get3A_4205 = arith.index_cast %get3A_4204 : i32 to index
      %get3A_4206 = arith.constant 32 : index
      %get3A_4207 = tpu.vector_load %arg7[%get3A_4205, %get3A_4206] {strides = array<i32>} : memref<100x64xf32, #tpu.memory_space<vmem>>, vector<1x16xf32>,
      %get3A_4208 = vector.shape_cast %get3A_4207 : vector<1x16xf32> to vector<16xf32>
      %add3A_4209 = arith.addf %add3A_4185, %get3A_4208 : vector<16xf32>
      %get3A_4210 = arith.constant 68 : i32
      %get3A_4211 = arith.index_cast %get3A_4210 : i32 to index
      %get3A_4212 = arith.constant 48 : index
      %get3A_4213 = tpu.vector_load %arg7[%get3A_4211, %get3A_4212] {strides = array<i32>} : memref<100x64xf32, #tpu.memory_space<vmem>>, vector<1x16xf32>,
      %get3A_4214 = vector.shape_cast %get3A_4213 : vector<1x16xf32> to vector<16xf32>
      %add3A_4215 = arith.addf %add3A_4191, %get3A_4214 : vector<16xf32>
      %get3A_4216 = arith.constant 69 : i32
      %get3A_4217 = arith.index_cast %get3A_4216 : i32 to index
      %get3A_4218 = arith.constant 0 : index
      %get3A_4219 = tpu.vector_load %arg7[%get3A_4217, %get3A_4218] {strides = array<i32>} : memref<100x64xf32, #tpu.memory_space<vmem>>, vector<1x16xf32>,
      %get3A_4220 = vector.shape_cast %get3A_4219 : vector<1x16xf32> to vector<16xf32>
      %add3A_4221 = arith.addf %add3A_4197, %get3A_4220 : vector<16xf32>
      %get3A_4222 = arith.constant 69 : i32
      %get3A_4223 = arith.index_cast %get3A_4222 : i32 to index
      %get3A_4224 = arith.constant 16 : index
      %get3A_4225 = tpu.vector_load %arg7[%get3A_4223, %get3A_4224] {strides = array<i32>} : memref<100x64xf32, #tpu.memory_space<vmem>>, vector<1x16xf32>,
      %get3A_4226 = vector.shape_cast %get3A_4225 : vector<1x16xf32> to vector<16xf32>
      %add3A_4227 = arith.addf %add3A_4203, %get3A_4226 : vector<16xf32>
      %get3A_4228 = arith.constant 69 : i32
      %get3A_4229 = arith.index_cast %get3A_4228 : i32 to index
      %get3A_4230 = arith.constant 32 : index
      %get3A_4231 = tpu.vector_load %arg7[%get3A_4229, %get3A_4230] {strides = array<i32>} : memref<100x64xf32, #tpu.memory_space<vmem>>, vector<1x16xf32>,
      %get3A_4232 = vector.shape_cast %get3A_4231 : vector<1x16xf32> to vector<16xf32>
      %add3A_4233 = arith.addf %add3A_4209, %get3A_4232 : vector<16xf32>
      %get3A_4234 = arith.constant 69 : i32
      %get3A_4235 = arith.index_cast %get3A_4234 : i32 to index
      %get3A_4236 = arith.constant 48 : index
      %get3A_4237 = tpu.vector_load %arg7[%get3A_4235, %get3A_4236] {strides = array<i32>} : memref<100x64xf32, #tpu.memory_space<vmem>>, vector<1x16xf32>,
      %get3A_4238 = vector.shape_cast %get3A_4237 : vector<1x16xf32> to vector<16xf32>
      %add3A_4239 = arith.addf %add3A_4215, %get3A_4238 : vector<16xf32>
      %get3A_4240 = arith.constant 70 : i32
      %get3A_4241 = arith.index_cast %get3A_4240 : i32 to index
      %get3A_4242 = arith.constant 0 : index
      %get3A_4243 = tpu.vector_load %arg7[%get3A_4241, %get3A_4242] {strides = array<i32>} : memref<100x64xf32, #tpu.memory_space<vmem>>, vector<1x16xf32>,
      %get3A_4244 = vector.shape_cast %get3A_4243 : vector<1x16xf32> to vector<16xf32>
      %add3A_4245 = arith.addf %add3A_4221, %get3A_4244 : vector<16xf32>
      %get3A_4246 = arith.constant 70 : i32
      %get3A_4247 = arith.index_cast %get3A_4246 : i32 to index
      %get3A_4248 = arith.constant 16 : index
      %get3A_4249 = tpu.vector_load %arg7[%get3A_4247, %get3A_4248] {strides = array<i32>} : memref<100x64xf32, #tpu.memory_space<vmem>>, vector<1x16xf32>,
      %get3A_4250 = vector.shape_cast %get3A_4249 : vector<1x16xf32> to vector<16xf32>
      %add3A_4251 = arith.addf %add3A_4227, %get3A_4250 : vector<16xf32>
      %get3A_4252 = arith.constant 70 : i32
      %get3A_4253 = arith.index_cast %get3A_4252 : i32 to index
      %get3A_4254 = arith.constant 32 : index
      %get3A_4255 = tpu.vector_load %arg7[%get3A_4253, %get3A_4254] {strides = array<i32>} : memref<100x64xf32, #tpu.memory_space<vmem>>, vector<1x16xf32>,
      %get3A_4256 = vector.shape_cast %get3A_4255 : vector<1x16xf32> to vector<16xf32>
      %add3A_4257 = arith.addf %add3A_4233, %get3A_4256 : vector<16xf32>
      %get3A_4258 = arith.constant 70 : i32
      %get3A_4259 = arith.index_cast %get3A_4258 : i32 to index
      %get3A_4260 = arith.constant 48 : index
      %get3A_4261 = tpu.vector_load %arg7[%get3A_4259, %get3A_4260] {strides = array<i32>} : memref<100x64xf32, #tpu.memory_space<vmem>>, vector<1x16xf32>,
      %get3A_4262 = vector.shape_cast %get3A_4261 : vector<1x16xf32> to vector<16xf32>
      %add3A_4263 = arith.addf %add3A_4239, %get3A_4262 : vector<16xf32>
      %get3A_4264 = arith.constant 71 : i32
      %get3A_4265 = arith.index_cast %get3A_4264 : i32 to index
      %get3A_4266 = arith.constant 0 : index
      %get3A_4267 = tpu.vector_load %arg7[%get3A_4265, %get3A_4266] {strides = array<i32>} : memref<100x64xf32, #tpu.memory_space<vmem>>, vector<1x16xf32>,
      %get3A_4268 = vector.shape_cast %get3A_4267 : vector<1x16xf32> to vector<16xf32>
      %add3A_4269 = arith.addf %add3A_4245, %get3A_4268 : vector<16xf32>
      %get3A_4270 = arith.constant 71 : i32
      %get3A_4271 = arith.index_cast %get3A_4270 : i32 to index
      %get3A_4272 = arith.constant 16 : index
      %get3A_4273 = tpu.vector_load %arg7[%get3A_4271, %get3A_4272] {strides = array<i32>} : memref<100x64xf32, #tpu.memory_space<vmem>>, vector<1x16xf32>,
      %get3A_4274 = vector.shape_cast %get3A_4273 : vector<1x16xf32> to vector<16xf32>
      %add3A_4275 = arith.addf %add3A_4251, %get3A_4274 : vector<16xf32>
      %get3A_4276 = arith.constant 71 : i32
      %get3A_4277 = arith.index_cast %get3A_4276 : i32 to index
      %get3A_4278 = arith.constant 32 : index
      %get3A_4279 = tpu.vector_load %arg7[%get3A_4277, %get3A_4278] {strides = array<i32>} : memref<100x64xf32, #tpu.memory_space<vmem>>, vector<1x16xf32>,
      %get3A_4280 = vector.shape_cast %get3A_4279 : vector<1x16xf32> to vector<16xf32>
      %add3A_4281 = arith.addf %add3A_4257, %get3A_4280 : vector<16xf32>
      %get3A_4282 = arith.constant 71 : i32
      %get3A_4283 = arith.index_cast %get3A_4282 : i32 to index
      %get3A_4284 = arith.constant 48 : index
      %get3A_4285 = tpu.vector_load %arg7[%get3A_4283, %get3A_4284] {strides = array<i32>} : memref<100x64xf32, #tpu.memory_space<vmem>>, vector<1x16xf32>,
      %get3A_4286 = vector.shape_cast %get3A_4285 : vector<1x16xf32> to vector<16xf32>
      %add3A_4287 = arith.addf %add3A_4263, %get3A_4286 : vector<16xf32>
      %get3A_4288 = arith.constant 72 : i32
      %get3A_4289 = arith.index_cast %get3A_4288 : i32 to index
      %get3A_4290 = arith.constant 0 : index
      %get3A_4291 = tpu.vector_load %arg7[%get3A_4289, %get3A_4290] {strides = array<i32>} : memref<100x64xf32, #tpu.memory_space<vmem>>, vector<1x16xf32>,
      %get3A_4292 = vector.shape_cast %get3A_4291 : vector<1x16xf32> to vector<16xf32>
      %add3A_4293 = arith.addf %add3A_4269, %get3A_4292 : vector<16xf32>
      %get3A_4294 = arith.constant 72 : i32
      %get3A_4295 = arith.index_cast %get3A_4294 : i32 to index
      %get3A_4296 = arith.constant 16 : index
      %get3A_4297 = tpu.vector_load %arg7[%get3A_4295, %get3A_4296] {strides = array<i32>} : memref<100x64xf32, #tpu.memory_space<vmem>>, vector<1x16xf32>,
      %get3A_4298 = vector.shape_cast %get3A_4297 : vector<1x16xf32> to vector<16xf32>
      %add3A_4299 = arith.addf %add3A_4275, %get3A_4298 : vector<16xf32>
      %get3A_4300 = arith.constant 72 : i32
      %get3A_4301 = arith.index_cast %get3A_4300 : i32 to index
      %get3A_4302 = arith.constant 32 : index
      %get3A_4303 = tpu.vector_load %arg7[%get3A_4301, %get3A_4302] {strides = array<i32>} : memref<100x64xf32, #tpu.memory_space<vmem>>, vector<1x16xf32>,
      %get3A_4304 = vector.shape_cast %get3A_4303 : vector<1x16xf32> to vector<16xf32>
      %add3A_4305 = arith.addf %add3A_4281, %get3A_4304 : vector<16xf32>
      %get3A_4306 = arith.constant 72 : i32
      %get3A_4307 = arith.index_cast %get3A_4306 : i32 to index
      %get3A_4308 = arith.constant 48 : index
      %get3A_4309 = tpu.vector_load %arg7[%get3A_4307, %get3A_4308] {strides = array<i32>} : memref<100x64xf32, #tpu.memory_space<vmem>>, vector<1x16xf32>,
      %get3A_4310 = vector.shape_cast %get3A_4309 : vector<1x16xf32> to vector<16xf32>
      %add3A_4311 = arith.addf %add3A_4287, %get3A_4310 : vector<16xf32>
      %get3A_4312 = arith.constant 73 : i32
      %get3A_4313 = arith.index_cast %get3A_4312 : i32 to index
      %get3A_4314 = arith.constant 0 : index
      %get3A_4315 = tpu.vector_load %arg7[%get3A_4313, %get3A_4314] {strides = array<i32>} : memref<100x64xf32, #tpu.memory_space<vmem>>, vector<1x16xf32>,
      %get3A_4316 = vector.shape_cast %get3A_4315 : vector<1x16xf32> to vector<16xf32>
      %add3A_4317 = arith.addf %add3A_4293, %get3A_4316 : vector<16xf32>
      %get3A_4318 = arith.constant 73 : i32
      %get3A_4319 = arith.index_cast %get3A_4318 : i32 to index
      %get3A_4320 = arith.constant 16 : index
      %get3A_4321 = tpu.vector_load %arg7[%get3A_4319, %get3A_4320] {strides = array<i32>} : memref<100x64xf32, #tpu.memory_space<vmem>>, vector<1x16xf32>,
      %get3A_4322 = vector.shape_cast %get3A_4321 : vector<1x16xf32> to vector<16xf32>
      %add3A_4323 = arith.addf %add3A_4299, %get3A_4322 : vector<16xf32>
      %get3A_4324 = arith.constant 73 : i32
      %get3A_4325 = arith.index_cast %get3A_4324 : i32 to index
      %get3A_4326 = arith.constant 32 : index
      %get3A_4327 = tpu.vector_load %arg7[%get3A_4325, %get3A_4326] {strides = array<i32>} : memref<100x64xf32, #tpu.memory_space<vmem>>, vector<1x16xf32>,
      %get3A_4328 = vector.shape_cast %get3A_4327 : vector<1x16xf32> to vector<16xf32>
      %add3A_4329 = arith.addf %add3A_4305, %get3A_4328 : vector<16xf32>
      %get3A_4330 = arith.constant 73 : i32
      %get3A_4331 = arith.index_cast %get3A_4330 : i32 to index
      %get3A_4332 = arith.constant 48 : index
      %get3A_4333 = tpu.vector_load %arg7[%get3A_4331, %get3A_4332] {strides = array<i32>} : memref<100x64xf32, #tpu.memory_space<vmem>>, vector<1x16xf32>,
      %get3A_4334 = vector.shape_cast %get3A_4333 : vector<1x16xf32> to vector<16xf32>
      %add3A_4335 = arith.addf %add3A_4311, %get3A_4334 : vector<16xf32>
      %get3A_4336 = arith.constant 74 : i32
      %get3A_4337 = arith.index_cast %get3A_4336 : i32 to index
      %get3A_4338 = arith.constant 0 : index
      %get3A_4339 = tpu.vector_load %arg7[%get3A_4337, %get3A_4338] {strides = array<i32>} : memref<100x64xf32, #tpu.memory_space<vmem>>, vector<1x16xf32>,
      %get3A_4340 = vector.shape_cast %get3A_4339 : vector<1x16xf32> to vector<16xf32>
      %add3A_4341 = arith.addf %add3A_4317, %get3A_4340 : vector<16xf32>
      %get3A_4342 = arith.constant 74 : i32
      %get3A_4343 = arith.index_cast %get3A_4342 : i32 to index
      %get3A_4344 = arith.constant 16 : index
      %get3A_4345 = tpu.vector_load %arg7[%get3A_4343, %get3A_4344] {strides = array<i32>} : memref<100x64xf32, #tpu.memory_space<vmem>>, vector<1x16xf32>,
      %get3A_4346 = vector.shape_cast %get3A_4345 : vector<1x16xf32> to vector<16xf32>
      %add3A_4347 = arith.addf %add3A_4323, %get3A_4346 : vector<16xf32>
      %get3A_4348 = arith.constant 74 : i32
      %get3A_4349 = arith.index_cast %get3A_4348 : i32 to index
      %get3A_4350 = arith.constant 32 : index
      %get3A_4351 = tpu.vector_load %arg7[%get3A_4349, %get3A_4350] {strides = array<i32>} : memref<100x64xf32, #tpu.memory_space<vmem>>, vector<1x16xf32>,
      %get3A_4352 = vector.shape_cast %get3A_4351 : vector<1x16xf32> to vector<16xf32>
      %add3A_4353 = arith.addf %add3A_4329, %get3A_4352 : vector<16xf32>
      %get3A_4354 = arith.constant 74 : i32
      %get3A_4355 = arith.index_cast %get3A_4354 : i32 to index
      %get3A_4356 = arith.constant 48 : index
      %get3A_4357 = tpu.vector_load %arg7[%get3A_4355, %get3A_4356] {strides = array<i32>} : memref<100x64xf32, #tpu.memory_space<vmem>>, vector<1x16xf32>,
      %get3A_4358 = vector.shape_cast %get3A_4357 : vector<1x16xf32> to vector<16xf32>
      %add3A_4359 = arith.addf %add3A_4335, %get3A_4358 : vector<16xf32>
      %get3A_4360 = arith.constant 75 : i32
      %get3A_4361 = arith.index_cast %get3A_4360 : i32 to index
      %get3A_4362 = arith.constant 0 : index
      %get3A_4363 = tpu.vector_load %arg7[%get3A_4361, %get3A_4362] {strides = array<i32>} : memref<100x64xf32, #tpu.memory_space<vmem>>, vector<1x16xf32>,
      %get3A_4364 = vector.shape_cast %get3A_4363 : vector<1x16xf32> to vector<16xf32>
      %add3A_4365 = arith.addf %add3A_4341, %get3A_4364 : vector<16xf32>
      %get3A_4366 = arith.constant 75 : i32
      %get3A_4367 = arith.index_cast %get3A_4366 : i32 to index
      %get3A_4368 = arith.constant 16 : index
      %get3A_4369 = tpu.vector_load %arg7[%get3A_4367, %get3A_4368] {strides = array<i32>} : memref<100x64xf32, #tpu.memory_space<vmem>>, vector<1x16xf32>,
      %get3A_4370 = vector.shape_cast %get3A_4369 : vector<1x16xf32> to vector<16xf32>
      %add3A_4371 = arith.addf %add3A_4347, %get3A_4370 : vector<16xf32>
      %get3A_4372 = arith.constant 75 : i32
      %get3A_4373 = arith.index_cast %get3A_4372 : i32 to index
      %get3A_4374 = arith.constant 32 : index
      %get3A_4375 = tpu.vector_load %arg7[%get3A_4373, %get3A_4374] {strides = array<i32>} : memref<100x64xf32, #tpu.memory_space<vmem>>, vector<1x16xf32>,
      %get3A_4376 = vector.shape_cast %get3A_4375 : vector<1x16xf32> to vector<16xf32>
      %add3A_4377 = arith.addf %add3A_4353, %get3A_4376 : vector<16xf32>
      %get3A_4378 = arith.constant 75 : i32
      %get3A_4379 = arith.index_cast %get3A_4378 : i32 to index
      %get3A_4380 = arith.constant 48 : index
      %get3A_4381 = tpu.vector_load %arg7[%get3A_4379, %get3A_4380] {strides = array<i32>} : memref<100x64xf32, #tpu.memory_space<vmem>>, vector<1x16xf32>,
      %get3A_4382 = vector.shape_cast %get3A_4381 : vector<1x16xf32> to vector<16xf32>
      %add3A_4383 = arith.addf %add3A_4359, %get3A_4382 : vector<16xf32>
      %get3A_4384 = arith.constant 76 : i32
      %get3A_4385 = arith.index_cast %get3A_4384 : i32 to index
      %get3A_4386 = arith.constant 0 : index
      %get3A_4387 = tpu.vector_load %arg7[%get3A_4385, %get3A_4386] {strides = array<i32>} : memref<100x64xf32, #tpu.memory_space<vmem>>, vector<1x16xf32>,
      %get3A_4388 = vector.shape_cast %get3A_4387 : vector<1x16xf32> to vector<16xf32>
      %add3A_4389 = arith.addf %add3A_4365, %get3A_4388 : vector<16xf32>
      %get3A_4390 = arith.constant 76 : i32
      %get3A_4391 = arith.index_cast %get3A_4390 : i32 to index
      %get3A_4392 = arith.constant 16 : index
      %get3A_4393 = tpu.vector_load %arg7[%get3A_4391, %get3A_4392] {strides = array<i32>} : memref<100x64xf32, #tpu.memory_space<vmem>>, vector<1x16xf32>,
      %get3A_4394 = vector.shape_cast %get3A_4393 : vector<1x16xf32> to vector<16xf32>
      %add3A_4395 = arith.addf %add3A_4371, %get3A_4394 : vector<16xf32>
      %get3A_4396 = arith.constant 76 : i32
      %get3A_4397 = arith.index_cast %get3A_4396 : i32 to index
      %get3A_4398 = arith.constant 32 : index
      %get3A_4399 = tpu.vector_load %arg7[%get3A_4397, %get3A_4398] {strides = array<i32>} : memref<100x64xf32, #tpu.memory_space<vmem>>, vector<1x16xf32>,
      %get3A_4400 = vector.shape_cast %get3A_4399 : vector<1x16xf32> to vector<16xf32>
      %add3A_4401 = arith.addf %add3A_4377, %get3A_4400 : vector<16xf32>
      %get3A_4402 = arith.constant 76 : i32
      %get3A_4403 = arith.index_cast %get3A_4402 : i32 to index
      %get3A_4404 = arith.constant 48 : index
      %get3A_4405 = tpu.vector_load %arg7[%get3A_4403, %get3A_4404] {strides = array<i32>} : memref<100x64xf32, #tpu.memory_space<vmem>>, vector<1x16xf32>,
      %get3A_4406 = vector.shape_cast %get3A_4405 : vector<1x16xf32> to vector<16xf32>
      %add3A_4407 = arith.addf %add3A_4383, %get3A_4406 : vector<16xf32>
      %get3A_4408 = arith.constant 77 : i32
      %get3A_4409 = arith.index_cast %get3A_4408 : i32 to index
      %get3A_4410 = arith.constant 0 : index
      %get3A_4411 = tpu.vector_load %arg7[%get3A_4409, %get3A_4410] {strides = array<i32>} : memref<100x64xf32, #tpu.memory_space<vmem>>, vector<1x16xf32>,
      %get3A_4412 = vector.shape_cast %get3A_4411 : vector<1x16xf32> to vector<16xf32>
      %add3A_4413 = arith.addf %add3A_4389, %get3A_4412 : vector<16xf32>
      %get3A_4414 = arith.constant 77 : i32
      %get3A_4415 = arith.index_cast %get3A_4414 : i32 to index
      %get3A_4416 = arith.constant 16 : index
      %get3A_4417 = tpu.vector_load %arg7[%get3A_4415, %get3A_4416] {strides = array<i32>} : memref<100x64xf32, #tpu.memory_space<vmem>>, vector<1x16xf32>,
      %get3A_4418 = vector.shape_cast %get3A_4417 : vector<1x16xf32> to vector<16xf32>
      %add3A_4419 = arith.addf %add3A_4395, %get3A_4418 : vector<16xf32>
      %get3A_4420 = arith.constant 77 : i32
      %get3A_4421 = arith.index_cast %get3A_4420 : i32 to index
      %get3A_4422 = arith.constant 32 : index
      %get3A_4423 = tpu.vector_load %arg7[%get3A_4421, %get3A_4422] {strides = array<i32>} : memref<100x64xf32, #tpu.memory_space<vmem>>, vector<1x16xf32>,
      %get3A_4424 = vector.shape_cast %get3A_4423 : vector<1x16xf32> to vector<16xf32>
      %add3A_4425 = arith.addf %add3A_4401, %get3A_4424 : vector<16xf32>
      %get3A_4426 = arith.constant 77 : i32
      %get3A_4427 = arith.index_cast %get3A_4426 : i32 to index
      %get3A_4428 = arith.constant 48 : index
      %get3A_4429 = tpu.vector_load %arg7[%get3A_4427, %get3A_4428] {strides = array<i32>} : memref<100x64xf32, #tpu.memory_space<vmem>>, vector<1x16xf32>,
      %get3A_4430 = vector.shape_cast %get3A_4429 : vector<1x16xf32> to vector<16xf32>
      %add3A_4431 = arith.addf %add3A_4407, %get3A_4430 : vector<16xf32>
      %get3A_4432 = arith.constant 78 : i32
      %get3A_4433 = arith.index_cast %get3A_4432 : i32 to index
      %get3A_4434 = arith.constant 0 : index
      %get3A_4435 = tpu.vector_load %arg7[%get3A_4433, %get3A_4434] {strides = array<i32>} : memref<100x64xf32, #tpu.memory_space<vmem>>, vector<1x16xf32>,
      %get3A_4436 = vector.shape_cast %get3A_4435 : vector<1x16xf32> to vector<16xf32>
      %add3A_4437 = arith.addf %add3A_4413, %get3A_4436 : vector<16xf32>
      %get3A_4438 = arith.constant 78 : i32
      %get3A_4439 = arith.index_cast %get3A_4438 : i32 to index
      %get3A_4440 = arith.constant 16 : index
      %get3A_4441 = tpu.vector_load %arg7[%get3A_4439, %get3A_4440] {strides = array<i32>} : memref<100x64xf32, #tpu.memory_space<vmem>>, vector<1x16xf32>,
      %get3A_4442 = vector.shape_cast %get3A_4441 : vector<1x16xf32> to vector<16xf32>
      %add3A_4443 = arith.addf %add3A_4419, %get3A_4442 : vector<16xf32>
      %get3A_4444 = arith.constant 78 : i32
      %get3A_4445 = arith.index_cast %get3A_4444 : i32 to index
      %get3A_4446 = arith.constant 32 : index
      %get3A_4447 = tpu.vector_load %arg7[%get3A_4445, %get3A_4446] {strides = array<i32>} : memref<100x64xf32, #tpu.memory_space<vmem>>, vector<1x16xf32>,
      %get3A_4448 = vector.shape_cast %get3A_4447 : vector<1x16xf32> to vector<16xf32>
      %add3A_4449 = arith.addf %add3A_4425, %get3A_4448 : vector<16xf32>
      %get3A_4450 = arith.constant 78 : i32
      %get3A_4451 = arith.index_cast %get3A_4450 : i32 to index
      %get3A_4452 = arith.constant 48 : index
      %get3A_4453 = tpu.vector_load %arg7[%get3A_4451, %get3A_4452] {strides = array<i32>} : memref<100x64xf32, #tpu.memory_space<vmem>>, vector<1x16xf32>,
      %get3A_4454 = vector.shape_cast %get3A_4453 : vector<1x16xf32> to vector<16xf32>
      %add3A_4455 = arith.addf %add3A_4431, %get3A_4454 : vector<16xf32>
      %get3A_4456 = arith.constant 79 : i32
      %get3A_4457 = arith.index_cast %get3A_4456 : i32 to index
      %get3A_4458 = arith.constant 0 : index
      %get3A_4459 = tpu.vector_load %arg7[%get3A_4457, %get3A_4458] {strides = array<i32>} : memref<100x64xf32, #tpu.memory_space<vmem>>, vector<1x16xf32>,
      %get3A_4460 = vector.shape_cast %get3A_4459 : vector<1x16xf32> to vector<16xf32>
      %add3A_4461 = arith.addf %add3A_4437, %get3A_4460 : vector<16xf32>
      %get3A_4462 = arith.constant 79 : i32
      %get3A_4463 = arith.index_cast %get3A_4462 : i32 to index
      %get3A_4464 = arith.constant 16 : index
      %get3A_4465 = tpu.vector_load %arg7[%get3A_4463, %get3A_4464] {strides = array<i32>} : memref<100x64xf32, #tpu.memory_space<vmem>>, vector<1x16xf32>,
      %get3A_4466 = vector.shape_cast %get3A_4465 : vector<1x16xf32> to vector<16xf32>
      %add3A_4467 = arith.addf %add3A_4443, %get3A_4466 : vector<16xf32>
      %get3A_4468 = arith.constant 79 : i32
      %get3A_4469 = arith.index_cast %get3A_4468 : i32 to index
      %get3A_4470 = arith.constant 32 : index
      %get3A_4471 = tpu.vector_load %arg7[%get3A_4469, %get3A_4470] {strides = array<i32>} : memref<100x64xf32, #tpu.memory_space<vmem>>, vector<1x16xf32>,
      %get3A_4472 = vector.shape_cast %get3A_4471 : vector<1x16xf32> to vector<16xf32>
      %add3A_4473 = arith.addf %add3A_4449, %get3A_4472 : vector<16xf32>
      %get3A_4474 = arith.constant 79 : i32
      %get3A_4475 = arith.index_cast %get3A_4474 : i32 to index
      %get3A_4476 = arith.constant 48 : index
      %get3A_4477 = tpu.vector_load %arg7[%get3A_4475, %get3A_4476] {strides = array<i32>} : memref<100x64xf32, #tpu.memory_space<vmem>>, vector<1x16xf32>,
      %get3A_4478 = vector.shape_cast %get3A_4477 : vector<1x16xf32> to vector<16xf32>
      %add3A_4479 = arith.addf %add3A_4455, %get3A_4478 : vector<16xf32>
      %get3A_4480 = arith.constant 80 : i32
      %get3A_4481 = arith.index_cast %get3A_4480 : i32 to index
      %get3A_4482 = arith.constant 0 : index
      %get3A_4483 = tpu.vector_load %arg7[%get3A_4481, %get3A_4482] {strides = array<i32>} : memref<100x64xf32, #tpu.memory_space<vmem>>, vector<1x16xf32>,
      %get3A_4484 = vector.shape_cast %get3A_4483 : vector<1x16xf32> to vector<16xf32>
      %add3A_4485 = arith.addf %add3A_4461, %get3A_4484 : vector<16xf32>
      %get3A_4486 = arith.constant 80 : i32
      %get3A_4487 = arith.index_cast %get3A_4486 : i32 to index
      %get3A_4488 = arith.constant 16 : index
      %get3A_4489 = tpu.vector_load %arg7[%get3A_4487, %get3A_4488] {strides = array<i32>} : memref<100x64xf32, #tpu.memory_space<vmem>>, vector<1x16xf32>,
      %get3A_4490 = vector.shape_cast %get3A_4489 : vector<1x16xf32> to vector<16xf32>
      %add3A_4491 = arith.addf %add3A_4467, %get3A_4490 : vector<16xf32>
      %get3A_4492 = arith.constant 80 : i32
      %get3A_4493 = arith.index_cast %get3A_4492 : i32 to index
      %get3A_4494 = arith.constant 32 : index
      %get3A_4495 = tpu.vector_load %arg7[%get3A_4493, %get3A_4494] {strides = array<i32>} : memref<100x64xf32, #tpu.memory_space<vmem>>, vector<1x16xf32>,
      %get3A_4496 = vector.shape_cast %get3A_4495 : vector<1x16xf32> to vector<16xf32>
      %add3A_4497 = arith.addf %add3A_4473, %get3A_4496 : vector<16xf32>
      %get3A_4498 = arith.constant 80 : i32
      %get3A_4499 = arith.index_cast %get3A_4498 : i32 to index
      %get3A_4500 = arith.constant 48 : index
      %get3A_4501 = tpu.vector_load %arg7[%get3A_4499, %get3A_4500] {strides = array<i32>} : memref<100x64xf32, #tpu.memory_space<vmem>>, vector<1x16xf32>,
      %get3A_4502 = vector.shape_cast %get3A_4501 : vector<1x16xf32> to vector<16xf32>
      %add3A_4503 = arith.addf %add3A_4479, %get3A_4502 : vector<16xf32>
      %get3A_4504 = arith.constant 81 : i32
      %get3A_4505 = arith.index_cast %get3A_4504 : i32 to index
      %get3A_4506 = arith.constant 0 : index
      %get3A_4507 = tpu.vector_load %arg7[%get3A_4505, %get3A_4506] {strides = array<i32>} : memref<100x64xf32, #tpu.memory_space<vmem>>, vector<1x16xf32>,
      %get3A_4508 = vector.shape_cast %get3A_4507 : vector<1x16xf32> to vector<16xf32>
      %add3A_4509 = arith.addf %add3A_4485, %get3A_4508 : vector<16xf32>
      %get3A_4510 = arith.constant 81 : i32
      %get3A_4511 = arith.index_cast %get3A_4510 : i32 to index
      %get3A_4512 = arith.constant 16 : index
      %get3A_4513 = tpu.vector_load %arg7[%get3A_4511, %get3A_4512] {strides = array<i32>} : memref<100x64xf32, #tpu.memory_space<vmem>>, vector<1x16xf32>,
      %get3A_4514 = vector.shape_cast %get3A_4513 : vector<1x16xf32> to vector<16xf32>
      %add3A_4515 = arith.addf %add3A_4491, %get3A_4514 : vector<16xf32>
      %get3A_4516 = arith.constant 81 : i32
      %get3A_4517 = arith.index_cast %get3A_4516 : i32 to index
      %get3A_4518 = arith.constant 32 : index
      %get3A_4519 = tpu.vector_load %arg7[%get3A_4517, %get3A_4518] {strides = array<i32>} : memref<100x64xf32, #tpu.memory_space<vmem>>, vector<1x16xf32>,
      %get3A_4520 = vector.shape_cast %get3A_4519 : vector<1x16xf32> to vector<16xf32>
      %add3A_4521 = arith.addf %add3A_4497, %get3A_4520 : vector<16xf32>
      %get3A_4522 = arith.constant 81 : i32
      %get3A_4523 = arith.index_cast %get3A_4522 : i32 to index
      %get3A_4524 = arith.constant 48 : index
      %get3A_4525 = tpu.vector_load %arg7[%get3A_4523, %get3A_4524] {strides = array<i32>} : memref<100x64xf32, #tpu.memory_space<vmem>>, vector<1x16xf32>,
      %get3A_4526 = vector.shape_cast %get3A_4525 : vector<1x16xf32> to vector<16xf32>
      %add3A_4527 = arith.addf %add3A_4503, %get3A_4526 : vector<16xf32>
      %get3A_4528 = arith.constant 82 : i32
      %get3A_4529 = arith.index_cast %get3A_4528 : i32 to index
      %get3A_4530 = arith.constant 0 : index
      %get3A_4531 = tpu.vector_load %arg7[%get3A_4529, %get3A_4530] {strides = array<i32>} : memref<100x64xf32, #tpu.memory_space<vmem>>, vector<1x16xf32>,
      %get3A_4532 = vector.shape_cast %get3A_4531 : vector<1x16xf32> to vector<16xf32>
      %add3A_4533 = arith.addf %add3A_4509, %get3A_4532 : vector<16xf32>
      %get3A_4534 = arith.constant 82 : i32
      %get3A_4535 = arith.index_cast %get3A_4534 : i32 to index
      %get3A_4536 = arith.constant 16 : index
      %get3A_4537 = tpu.vector_load %arg7[%get3A_4535, %get3A_4536] {strides = array<i32>} : memref<100x64xf32, #tpu.memory_space<vmem>>, vector<1x16xf32>,
      %get3A_4538 = vector.shape_cast %get3A_4537 : vector<1x16xf32> to vector<16xf32>
      %add3A_4539 = arith.addf %add3A_4515, %get3A_4538 : vector<16xf32>
      %get3A_4540 = arith.constant 82 : i32
      %get3A_4541 = arith.index_cast %get3A_4540 : i32 to index
      %get3A_4542 = arith.constant 32 : index
      %get3A_4543 = tpu.vector_load %arg7[%get3A_4541, %get3A_4542] {strides = array<i32>} : memref<100x64xf32, #tpu.memory_space<vmem>>, vector<1x16xf32>,
      %get3A_4544 = vector.shape_cast %get3A_4543 : vector<1x16xf32> to vector<16xf32>
      %add3A_4545 = arith.addf %add3A_4521, %get3A_4544 : vector<16xf32>
      %get3A_4546 = arith.constant 82 : i32
      %get3A_4547 = arith.index_cast %get3A_4546 : i32 to index
      %get3A_4548 = arith.constant 48 : index
      %get3A_4549 = tpu.vector_load %arg7[%get3A_4547, %get3A_4548] {strides = array<i32>} : memref<100x64xf32, #tpu.memory_space<vmem>>, vector<1x16xf32>,
      %get3A_4550 = vector.shape_cast %get3A_4549 : vector<1x16xf32> to vector<16xf32>
      %add3A_4551 = arith.addf %add3A_4527, %get3A_4550 : vector<16xf32>
      %get3A_4552 = arith.constant 83 : i32
      %get3A_4553 = arith.index_cast %get3A_4552 : i32 to index
      %get3A_4554 = arith.constant 0 : index
      %get3A_4555 = tpu.vector_load %arg7[%get3A_4553, %get3A_4554] {strides = array<i32>} : memref<100x64xf32, #tpu.memory_space<vmem>>, vector<1x16xf32>,
      %get3A_4556 = vector.shape_cast %get3A_4555 : vector<1x16xf32> to vector<16xf32>
      %add3A_4557 = arith.addf %add3A_4533, %get3A_4556 : vector<16xf32>
      %get3A_4558 = arith.constant 83 : i32
      %get3A_4559 = arith.index_cast %get3A_4558 : i32 to index
      %get3A_4560 = arith.constant 16 : index
      %get3A_4561 = tpu.vector_load %arg7[%get3A_4559, %get3A_4560] {strides = array<i32>} : memref<100x64xf32, #tpu.memory_space<vmem>>, vector<1x16xf32>,
      %get3A_4562 = vector.shape_cast %get3A_4561 : vector<1x16xf32> to vector<16xf32>
      %add3A_4563 = arith.addf %add3A_4539, %get3A_4562 : vector<16xf32>
      %get3A_4564 = arith.constant 83 : i32
      %get3A_4565 = arith.index_cast %get3A_4564 : i32 to index
      %get3A_4566 = arith.constant 32 : index
      %get3A_4567 = tpu.vector_load %arg7[%get3A_4565, %get3A_4566] {strides = array<i32>} : memref<100x64xf32, #tpu.memory_space<vmem>>, vector<1x16xf32>,
      %get3A_4568 = vector.shape_cast %get3A_4567 : vector<1x16xf32> to vector<16xf32>
      %add3A_4569 = arith.addf %add3A_4545, %get3A_4568 : vector<16xf32>
      %get3A_4570 = arith.constant 83 : i32
      %get3A_4571 = arith.index_cast %get3A_4570 : i32 to index
      %get3A_4572 = arith.constant 48 : index
      %get3A_4573 = tpu.vector_load %arg7[%get3A_4571, %get3A_4572] {strides = array<i32>} : memref<100x64xf32, #tpu.memory_space<vmem>>, vector<1x16xf32>,
      %get3A_4574 = vector.shape_cast %get3A_4573 : vector<1x16xf32> to vector<16xf32>
      %add3A_4575 = arith.addf %add3A_4551, %get3A_4574 : vector<16xf32>
      %get3A_4576 = arith.constant 84 : i32
      %get3A_4577 = arith.index_cast %get3A_4576 : i32 to index
      %get3A_4578 = arith.constant 0 : index
      %get3A_4579 = tpu.vector_load %arg7[%get3A_4577, %get3A_4578] {strides = array<i32>} : memref<100x64xf32, #tpu.memory_space<vmem>>, vector<1x16xf32>,
      %get3A_4580 = vector.shape_cast %get3A_4579 : vector<1x16xf32> to vector<16xf32>
      %add3A_4581 = arith.addf %add3A_4557, %get3A_4580 : vector<16xf32>
      %get3A_4582 = arith.constant 84 : i32
      %get3A_4583 = arith.index_cast %get3A_4582 : i32 to index
      %get3A_4584 = arith.constant 16 : index
      %get3A_4585 = tpu.vector_load %arg7[%get3A_4583, %get3A_4584] {strides = array<i32>} : memref<100x64xf32, #tpu.memory_space<vmem>>, vector<1x16xf32>,
      %get3A_4586 = vector.shape_cast %get3A_4585 : vector<1x16xf32> to vector<16xf32>
      %add3A_4587 = arith.addf %add3A_4563, %get3A_4586 : vector<16xf32>
      %get3A_4588 = arith.constant 84 : i32
      %get3A_4589 = arith.index_cast %get3A_4588 : i32 to index
      %get3A_4590 = arith.constant 32 : index
      %get3A_4591 = tpu.vector_load %arg7[%get3A_4589, %get3A_4590] {strides = array<i32>} : memref<100x64xf32, #tpu.memory_space<vmem>>, vector<1x16xf32>,
      %get3A_4592 = vector.shape_cast %get3A_4591 : vector<1x16xf32> to vector<16xf32>
      %add3A_4593 = arith.addf %add3A_4569, %get3A_4592 : vector<16xf32>
      %get3A_4594 = arith.constant 84 : i32
      %get3A_4595 = arith.index_cast %get3A_4594 : i32 to index
      %get3A_4596 = arith.constant 48 : index
      %get3A_4597 = tpu.vector_load %arg7[%get3A_4595, %get3A_4596] {strides = array<i32>} : memref<100x64xf32, #tpu.memory_space<vmem>>, vector<1x16xf32>,
      %get3A_4598 = vector.shape_cast %get3A_4597 : vector<1x16xf32> to vector<16xf32>
      %add3A_4599 = arith.addf %add3A_4575, %get3A_4598 : vector<16xf32>
      %get3A_4600 = arith.constant 85 : i32
      %get3A_4601 = arith.index_cast %get3A_4600 : i32 to index
      %get3A_4602 = arith.constant 0 : index
      %get3A_4603 = tpu.vector_load %arg7[%get3A_4601, %get3A_4602] {strides = array<i32>} : memref<100x64xf32, #tpu.memory_space<vmem>>, vector<1x16xf32>,
      %get3A_4604 = vector.shape_cast %get3A_4603 : vector<1x16xf32> to vector<16xf32>
      %add3A_4605 = arith.addf %add3A_4581, %get3A_4604 : vector<16xf32>
      %get3A_4606 = arith.constant 85 : i32
      %get3A_4607 = arith.index_cast %get3A_4606 : i32 to index
      %get3A_4608 = arith.constant 16 : index
      %get3A_4609 = tpu.vector_load %arg7[%get3A_4607, %get3A_4608] {strides = array<i32>} : memref<100x64xf32, #tpu.memory_space<vmem>>, vector<1x16xf32>,
      %get3A_4610 = vector.shape_cast %get3A_4609 : vector<1x16xf32> to vector<16xf32>
      %add3A_4611 = arith.addf %add3A_4587, %get3A_4610 : vector<16xf32>
      %get3A_4612 = arith.constant 85 : i32
      %get3A_4613 = arith.index_cast %get3A_4612 : i32 to index
      %get3A_4614 = arith.constant 32 : index
      %get3A_4615 = tpu.vector_load %arg7[%get3A_4613, %get3A_4614] {strides = array<i32>} : memref<100x64xf32, #tpu.memory_space<vmem>>, vector<1x16xf32>,
      %get3A_4616 = vector.shape_cast %get3A_4615 : vector<1x16xf32> to vector<16xf32>
      %add3A_4617 = arith.addf %add3A_4593, %get3A_4616 : vector<16xf32>
      %get3A_4618 = arith.constant 85 : i32
      %get3A_4619 = arith.index_cast %get3A_4618 : i32 to index
      %get3A_4620 = arith.constant 48 : index
      %get3A_4621 = tpu.vector_load %arg7[%get3A_4619, %get3A_4620] {strides = array<i32>} : memref<100x64xf32, #tpu.memory_space<vmem>>, vector<1x16xf32>,
      %get3A_4622 = vector.shape_cast %get3A_4621 : vector<1x16xf32> to vector<16xf32>
      %add3A_4623 = arith.addf %add3A_4599, %get3A_4622 : vector<16xf32>
      %get3A_4624 = arith.constant 86 : i32
      %get3A_4625 = arith.index_cast %get3A_4624 : i32 to index
      %get3A_4626 = arith.constant 0 : index
      %get3A_4627 = tpu.vector_load %arg7[%get3A_4625, %get3A_4626] {strides = array<i32>} : memref<100x64xf32, #tpu.memory_space<vmem>>, vector<1x16xf32>,
      %get3A_4628 = vector.shape_cast %get3A_4627 : vector<1x16xf32> to vector<16xf32>
      %add3A_4629 = arith.addf %add3A_4605, %get3A_4628 : vector<16xf32>
      %get3A_4630 = arith.constant 86 : i32
      %get3A_4631 = arith.index_cast %get3A_4630 : i32 to index
      %get3A_4632 = arith.constant 16 : index
      %get3A_4633 = tpu.vector_load %arg7[%get3A_4631, %get3A_4632] {strides = array<i32>} : memref<100x64xf32, #tpu.memory_space<vmem>>, vector<1x16xf32>,
      %get3A_4634 = vector.shape_cast %get3A_4633 : vector<1x16xf32> to vector<16xf32>
      %add3A_4635 = arith.addf %add3A_4611, %get3A_4634 : vector<16xf32>
      %get3A_4636 = arith.constant 86 : i32
      %get3A_4637 = arith.index_cast %get3A_4636 : i32 to index
      %get3A_4638 = arith.constant 32 : index
      %get3A_4639 = tpu.vector_load %arg7[%get3A_4637, %get3A_4638] {strides = array<i32>} : memref<100x64xf32, #tpu.memory_space<vmem>>, vector<1x16xf32>,
      %get3A_4640 = vector.shape_cast %get3A_4639 : vector<1x16xf32> to vector<16xf32>
      %add3A_4641 = arith.addf %add3A_4617, %get3A_4640 : vector<16xf32>
      %get3A_4642 = arith.constant 86 : i32
      %get3A_4643 = arith.index_cast %get3A_4642 : i32 to index
      %get3A_4644 = arith.constant 48 : index
      %get3A_4645 = tpu.vector_load %arg7[%get3A_4643, %get3A_4644] {strides = array<i32>} : memref<100x64xf32, #tpu.memory_space<vmem>>, vector<1x16xf32>,
      %get3A_4646 = vector.shape_cast %get3A_4645 : vector<1x16xf32> to vector<16xf32>
      %add3A_4647 = arith.addf %add3A_4623, %get3A_4646 : vector<16xf32>
      %get3A_4648 = arith.constant 87 : i32
      %get3A_4649 = arith.index_cast %get3A_4648 : i32 to index
      %get3A_4650 = arith.constant 0 : index
      %get3A_4651 = tpu.vector_load %arg7[%get3A_4649, %get3A_4650] {strides = array<i32>} : memref<100x64xf32, #tpu.memory_space<vmem>>, vector<1x16xf32>,
      %get3A_4652 = vector.shape_cast %get3A_4651 : vector<1x16xf32> to vector<16xf32>
      %add3A_4653 = arith.addf %add3A_4629, %get3A_4652 : vector<16xf32>
      %get3A_4654 = arith.constant 87 : i32
      %get3A_4655 = arith.index_cast %get3A_4654 : i32 to index
      %get3A_4656 = arith.constant 16 : index
      %get3A_4657 = tpu.vector_load %arg7[%get3A_4655, %get3A_4656] {strides = array<i32>} : memref<100x64xf32, #tpu.memory_space<vmem>>, vector<1x16xf32>,
      %get3A_4658 = vector.shape_cast %get3A_4657 : vector<1x16xf32> to vector<16xf32>
      %add3A_4659 = arith.addf %add3A_4635, %get3A_4658 : vector<16xf32>
      %get3A_4660 = arith.constant 87 : i32
      %get3A_4661 = arith.index_cast %get3A_4660 : i32 to index
      %get3A_4662 = arith.constant 32 : index
      %get3A_4663 = tpu.vector_load %arg7[%get3A_4661, %get3A_4662] {strides = array<i32>} : memref<100x64xf32, #tpu.memory_space<vmem>>, vector<1x16xf32>,
      %get3A_4664 = vector.shape_cast %get3A_4663 : vector<1x16xf32> to vector<16xf32>
      %add3A_4665 = arith.addf %add3A_4641, %get3A_4664 : vector<16xf32>
      %get3A_4666 = arith.constant 87 : i32
      %get3A_4667 = arith.index_cast %get3A_4666 : i32 to index
      %get3A_4668 = arith.constant 48 : index
      %get3A_4669 = tpu.vector_load %arg7[%get3A_4667, %get3A_4668] {strides = array<i32>} : memref<100x64xf32, #tpu.memory_space<vmem>>, vector<1x16xf32>,
      %get3A_4670 = vector.shape_cast %get3A_4669 : vector<1x16xf32> to vector<16xf32>
      %add3A_4671 = arith.addf %add3A_4647, %get3A_4670 : vector<16xf32>
      %get3A_4672 = arith.constant 88 : i32
      %get3A_4673 = arith.index_cast %get3A_4672 : i32 to index
      %get3A_4674 = arith.constant 0 : index
      %get3A_4675 = tpu.vector_load %arg7[%get3A_4673, %get3A_4674] {strides = array<i32>} : memref<100x64xf32, #tpu.memory_space<vmem>>, vector<1x16xf32>,
      %get3A_4676 = vector.shape_cast %get3A_4675 : vector<1x16xf32> to vector<16xf32>
      %add3A_4677 = arith.addf %add3A_4653, %get3A_4676 : vector<16xf32>
      %get3A_4678 = arith.constant 88 : i32
      %get3A_4679 = arith.index_cast %get3A_4678 : i32 to index
      %get3A_4680 = arith.constant 16 : index
      %get3A_4681 = tpu.vector_load %arg7[%get3A_4679, %get3A_4680] {strides = array<i32>} : memref<100x64xf32, #tpu.memory_space<vmem>>, vector<1x16xf32>,
      %get3A_4682 = vector.shape_cast %get3A_4681 : vector<1x16xf32> to vector<16xf32>
      %add3A_4683 = arith.addf %add3A_4659, %get3A_4682 : vector<16xf32>
      %get3A_4684 = arith.constant 88 : i32
      %get3A_4685 = arith.index_cast %get3A_4684 : i32 to index
      %get3A_4686 = arith.constant 32 : index
      %get3A_4687 = tpu.vector_load %arg7[%get3A_4685, %get3A_4686] {strides = array<i32>} : memref<100x64xf32, #tpu.memory_space<vmem>>, vector<1x16xf32>,
      %get3A_4688 = vector.shape_cast %get3A_4687 : vector<1x16xf32> to vector<16xf32>
      %add3A_4689 = arith.addf %add3A_4665, %get3A_4688 : vector<16xf32>
      %get3A_4690 = arith.constant 88 : i32
      %get3A_4691 = arith.index_cast %get3A_4690 : i32 to index
      %get3A_4692 = arith.constant 48 : index
      %get3A_4693 = tpu.vector_load %arg7[%get3A_4691, %get3A_4692] {strides = array<i32>} : memref<100x64xf32, #tpu.memory_space<vmem>>, vector<1x16xf32>,
      %get3A_4694 = vector.shape_cast %get3A_4693 : vector<1x16xf32> to vector<16xf32>
      %add3A_4695 = arith.addf %add3A_4671, %get3A_4694 : vector<16xf32>
      %get3A_4696 = arith.constant 89 : i32
      %get3A_4697 = arith.index_cast %get3A_4696 : i32 to index
      %get3A_4698 = arith.constant 0 : index
      %get3A_4699 = tpu.vector_load %arg7[%get3A_4697, %get3A_4698] {strides = array<i32>} : memref<100x64xf32, #tpu.memory_space<vmem>>, vector<1x16xf32>,
      %get3A_4700 = vector.shape_cast %get3A_4699 : vector<1x16xf32> to vector<16xf32>
      %add3A_4701 = arith.addf %add3A_4677, %get3A_4700 : vector<16xf32>
      %get3A_4702 = arith.constant 89 : i32
      %get3A_4703 = arith.index_cast %get3A_4702 : i32 to index
      %get3A_4704 = arith.constant 16 : index
      %get3A_4705 = tpu.vector_load %arg7[%get3A_4703, %get3A_4704] {strides = array<i32>} : memref<100x64xf32, #tpu.memory_space<vmem>>, vector<1x16xf32>,
      %get3A_4706 = vector.shape_cast %get3A_4705 : vector<1x16xf32> to vector<16xf32>
      %add3A_4707 = arith.addf %add3A_4683, %get3A_4706 : vector<16xf32>
      %get3A_4708 = arith.constant 89 : i32
      %get3A_4709 = arith.index_cast %get3A_4708 : i32 to index
      %get3A_4710 = arith.constant 32 : index
      %get3A_4711 = tpu.vector_load %arg7[%get3A_4709, %get3A_4710] {strides = array<i32>} : memref<100x64xf32, #tpu.memory_space<vmem>>, vector<1x16xf32>,
      %get3A_4712 = vector.shape_cast %get3A_4711 : vector<1x16xf32> to vector<16xf32>
      %add3A_4713 = arith.addf %add3A_4689, %get3A_4712 : vector<16xf32>
      %get3A_4714 = arith.constant 89 : i32
      %get3A_4715 = arith.index_cast %get3A_4714 : i32 to index
      %get3A_4716 = arith.constant 48 : index
      %get3A_4717 = tpu.vector_load %arg7[%get3A_4715, %get3A_4716] {strides = array<i32>} : memref<100x64xf32, #tpu.memory_space<vmem>>, vector<1x16xf32>,
      %get3A_4718 = vector.shape_cast %get3A_4717 : vector<1x16xf32> to vector<16xf32>
      %add3A_4719 = arith.addf %add3A_4695, %get3A_4718 : vector<16xf32>
      %get3A_4720 = arith.constant 90 : i32
      %get3A_4721 = arith.index_cast %get3A_4720 : i32 to index
      %get3A_4722 = arith.constant 0 : index
      %get3A_4723 = tpu.vector_load %arg7[%get3A_4721, %get3A_4722] {strides = array<i32>} : memref<100x64xf32, #tpu.memory_space<vmem>>, vector<1x16xf32>,
      %get3A_4724 = vector.shape_cast %get3A_4723 : vector<1x16xf32> to vector<16xf32>
      %add3A_4725 = arith.addf %add3A_4701, %get3A_4724 : vector<16xf32>
      %get3A_4726 = arith.constant 90 : i32
      %get3A_4727 = arith.index_cast %get3A_4726 : i32 to index
      %get3A_4728 = arith.constant 16 : index
      %get3A_4729 = tpu.vector_load %arg7[%get3A_4727, %get3A_4728] {strides = array<i32>} : memref<100x64xf32, #tpu.memory_space<vmem>>, vector<1x16xf32>,
      %get3A_4730 = vector.shape_cast %get3A_4729 : vector<1x16xf32> to vector<16xf32>
      %add3A_4731 = arith.addf %add3A_4707, %get3A_4730 : vector<16xf32>
      %get3A_4732 = arith.constant 90 : i32
      %get3A_4733 = arith.index_cast %get3A_4732 : i32 to index
      %get3A_4734 = arith.constant 32 : index
      %get3A_4735 = tpu.vector_load %arg7[%get3A_4733, %get3A_4734] {strides = array<i32>} : memref<100x64xf32, #tpu.memory_space<vmem>>, vector<1x16xf32>,
      %get3A_4736 = vector.shape_cast %get3A_4735 : vector<1x16xf32> to vector<16xf32>
      %add3A_4737 = arith.addf %add3A_4713, %get3A_4736 : vector<16xf32>
      %get3A_4738 = arith.constant 90 : i32
      %get3A_4739 = arith.index_cast %get3A_4738 : i32 to index
      %get3A_4740 = arith.constant 48 : index
      %get3A_4741 = tpu.vector_load %arg7[%get3A_4739, %get3A_4740] {strides = array<i32>} : memref<100x64xf32, #tpu.memory_space<vmem>>, vector<1x16xf32>,
      %get3A_4742 = vector.shape_cast %get3A_4741 : vector<1x16xf32> to vector<16xf32>
      %add3A_4743 = arith.addf %add3A_4719, %get3A_4742 : vector<16xf32>
      %get3A_4744 = arith.constant 91 : i32
      %get3A_4745 = arith.index_cast %get3A_4744 : i32 to index
      %get3A_4746 = arith.constant 0 : index
      %get3A_4747 = tpu.vector_load %arg7[%get3A_4745, %get3A_4746] {strides = array<i32>} : memref<100x64xf32, #tpu.memory_space<vmem>>, vector<1x16xf32>,
      %get3A_4748 = vector.shape_cast %get3A_4747 : vector<1x16xf32> to vector<16xf32>
      %add3A_4749 = arith.addf %add3A_4725, %get3A_4748 : vector<16xf32>
      %get3A_4750 = arith.constant 91 : i32
      %get3A_4751 = arith.index_cast %get3A_4750 : i32 to index
      %get3A_4752 = arith.constant 16 : index
      %get3A_4753 = tpu.vector_load %arg7[%get3A_4751, %get3A_4752] {strides = array<i32>} : memref<100x64xf32, #tpu.memory_space<vmem>>, vector<1x16xf32>,
      %get3A_4754 = vector.shape_cast %get3A_4753 : vector<1x16xf32> to vector<16xf32>
      %add3A_4755 = arith.addf %add3A_4731, %get3A_4754 : vector<16xf32>
      %get3A_4756 = arith.constant 91 : i32
      %get3A_4757 = arith.index_cast %get3A_4756 : i32 to index
      %get3A_4758 = arith.constant 32 : index
      %get3A_4759 = tpu.vector_load %arg7[%get3A_4757, %get3A_4758] {strides = array<i32>} : memref<100x64xf32, #tpu.memory_space<vmem>>, vector<1x16xf32>,
      %get3A_4760 = vector.shape_cast %get3A_4759 : vector<1x16xf32> to vector<16xf32>
      %add3A_4761 = arith.addf %add3A_4737, %get3A_4760 : vector<16xf32>
      %get3A_4762 = arith.constant 91 : i32
      %get3A_4763 = arith.index_cast %get3A_4762 : i32 to index
      %get3A_4764 = arith.constant 48 : index
      %get3A_4765 = tpu.vector_load %arg7[%get3A_4763, %get3A_4764] {strides = array<i32>} : memref<100x64xf32, #tpu.memory_space<vmem>>, vector<1x16xf32>,
      %get3A_4766 = vector.shape_cast %get3A_4765 : vector<1x16xf32> to vector<16xf32>
      %add3A_4767 = arith.addf %add3A_4743, %get3A_4766 : vector<16xf32>
      %get3A_4768 = arith.constant 92 : i32
      %get3A_4769 = arith.index_cast %get3A_4768 : i32 to index
      %get3A_4770 = arith.constant 0 : index
      %get3A_4771 = tpu.vector_load %arg7[%get3A_4769, %get3A_4770] {strides = array<i32>} : memref<100x64xf32, #tpu.memory_space<vmem>>, vector<1x16xf32>,
      %get3A_4772 = vector.shape_cast %get3A_4771 : vector<1x16xf32> to vector<16xf32>
      %add3A_4773 = arith.addf %add3A_4749, %get3A_4772 : vector<16xf32>
      %get3A_4774 = arith.constant 92 : i32
      %get3A_4775 = arith.index_cast %get3A_4774 : i32 to index
      %get3A_4776 = arith.constant 16 : index
      %get3A_4777 = tpu.vector_load %arg7[%get3A_4775, %get3A_4776] {strides = array<i32>} : memref<100x64xf32, #tpu.memory_space<vmem>>, vector<1x16xf32>,
      %get3A_4778 = vector.shape_cast %get3A_4777 : vector<1x16xf32> to vector<16xf32>
      %add3A_4779 = arith.addf %add3A_4755, %get3A_4778 : vector<16xf32>
      %get3A_4780 = arith.constant 92 : i32
      %get3A_4781 = arith.index_cast %get3A_4780 : i32 to index
      %get3A_4782 = arith.constant 32 : index
      %get3A_4783 = tpu.vector_load %arg7[%get3A_4781, %get3A_4782] {strides = array<i32>} : memref<100x64xf32, #tpu.memory_space<vmem>>, vector<1x16xf32>,
      %get3A_4784 = vector.shape_cast %get3A_4783 : vector<1x16xf32> to vector<16xf32>
      %add3A_4785 = arith.addf %add3A_4761, %get3A_4784 : vector<16xf32>
      %get3A_4786 = arith.constant 92 : i32
      %get3A_4787 = arith.index_cast %get3A_4786 : i32 to index
      %get3A_4788 = arith.constant 48 : index
      %get3A_4789 = tpu.vector_load %arg7[%get3A_4787, %get3A_4788] {strides = array<i32>} : memref<100x64xf32, #tpu.memory_space<vmem>>, vector<1x16xf32>,
      %get3A_4790 = vector.shape_cast %get3A_4789 : vector<1x16xf32> to vector<16xf32>
      %add3A_4791 = arith.addf %add3A_4767, %get3A_4790 : vector<16xf32>
      %get3A_4792 = arith.constant 93 : i32
      %get3A_4793 = arith.index_cast %get3A_4792 : i32 to index
      %get3A_4794 = arith.constant 0 : index
      %get3A_4795 = tpu.vector_load %arg7[%get3A_4793, %get3A_4794] {strides = array<i32>} : memref<100x64xf32, #tpu.memory_space<vmem>>, vector<1x16xf32>,
      %get3A_4796 = vector.shape_cast %get3A_4795 : vector<1x16xf32> to vector<16xf32>
      %add3A_4797 = arith.addf %add3A_4773, %get3A_4796 : vector<16xf32>
      %get3A_4798 = arith.constant 93 : i32
      %get3A_4799 = arith.index_cast %get3A_4798 : i32 to index
      %get3A_4800 = arith.constant 16 : index
      %get3A_4801 = tpu.vector_load %arg7[%get3A_4799, %get3A_4800] {strides = array<i32>} : memref<100x64xf32, #tpu.memory_space<vmem>>, vector<1x16xf32>,
      %get3A_4802 = vector.shape_cast %get3A_4801 : vector<1x16xf32> to vector<16xf32>
      %add3A_4803 = arith.addf %add3A_4779, %get3A_4802 : vector<16xf32>
      %get3A_4804 = arith.constant 93 : i32
      %get3A_4805 = arith.index_cast %get3A_4804 : i32 to index
      %get3A_4806 = arith.constant 32 : index
      %get3A_4807 = tpu.vector_load %arg7[%get3A_4805, %get3A_4806] {strides = array<i32>} : memref<100x64xf32, #tpu.memory_space<vmem>>, vector<1x16xf32>,
      %get3A_4808 = vector.shape_cast %get3A_4807 : vector<1x16xf32> to vector<16xf32>
      %add3A_4809 = arith.addf %add3A_4785, %get3A_4808 : vector<16xf32>
      %get3A_4810 = arith.constant 93 : i32
      %get3A_4811 = arith.index_cast %get3A_4810 : i32 to index
      %get3A_4812 = arith.constant 48 : index
      %get3A_4813 = tpu.vector_load %arg7[%get3A_4811, %get3A_4812] {strides = array<i32>} : memref<100x64xf32, #tpu.memory_space<vmem>>, vector<1x16xf32>,
      %get3A_4814 = vector.shape_cast %get3A_4813 : vector<1x16xf32> to vector<16xf32>
      %add3A_4815 = arith.addf %add3A_4791, %get3A_4814 : vector<16xf32>
      %get3A_4816 = arith.constant 94 : i32
      %get3A_4817 = arith.index_cast %get3A_4816 : i32 to index
      %get3A_4818 = arith.constant 0 : index
      %get3A_4819 = tpu.vector_load %arg7[%get3A_4817, %get3A_4818] {strides = array<i32>} : memref<100x64xf32, #tpu.memory_space<vmem>>, vector<1x16xf32>,
      %get3A_4820 = vector.shape_cast %get3A_4819 : vector<1x16xf32> to vector<16xf32>
      %add3A_4821 = arith.addf %add3A_4797, %get3A_4820 : vector<16xf32>
      %get3A_4822 = arith.constant 94 : i32
      %get3A_4823 = arith.index_cast %get3A_4822 : i32 to index
      %get3A_4824 = arith.constant 16 : index
      %get3A_4825 = tpu.vector_load %arg7[%get3A_4823, %get3A_4824] {strides = array<i32>} : memref<100x64xf32, #tpu.memory_space<vmem>>, vector<1x16xf32>,
      %get3A_4826 = vector.shape_cast %get3A_4825 : vector<1x16xf32> to vector<16xf32>
      %add3A_4827 = arith.addf %add3A_4803, %get3A_4826 : vector<16xf32>
      %get3A_4828 = arith.constant 94 : i32
      %get3A_4829 = arith.index_cast %get3A_4828 : i32 to index
      %get3A_4830 = arith.constant 32 : index
      %get3A_4831 = tpu.vector_load %arg7[%get3A_4829, %get3A_4830] {strides = array<i32>} : memref<100x64xf32, #tpu.memory_space<vmem>>, vector<1x16xf32>,
      %get3A_4832 = vector.shape_cast %get3A_4831 : vector<1x16xf32> to vector<16xf32>
      %add3A_4833 = arith.addf %add3A_4809, %get3A_4832 : vector<16xf32>
      %get3A_4834 = arith.constant 94 : i32
      %get3A_4835 = arith.index_cast %get3A_4834 : i32 to index
      %get3A_4836 = arith.constant 48 : index
      %get3A_4837 = tpu.vector_load %arg7[%get3A_4835, %get3A_4836] {strides = array<i32>} : memref<100x64xf32, #tpu.memory_space<vmem>>, vector<1x16xf32>,
      %get3A_4838 = vector.shape_cast %get3A_4837 : vector<1x16xf32> to vector<16xf32>
      %add3A_4839 = arith.addf %add3A_4815, %get3A_4838 : vector<16xf32>
      %get3A_4840 = arith.constant 95 : i32
      %get3A_4841 = arith.index_cast %get3A_4840 : i32 to index
      %get3A_4842 = arith.constant 0 : index
      %get3A_4843 = tpu.vector_load %arg7[%get3A_4841, %get3A_4842] {strides = array<i32>} : memref<100x64xf32, #tpu.memory_space<vmem>>, vector<1x16xf32>,
      %get3A_4844 = vector.shape_cast %get3A_4843 : vector<1x16xf32> to vector<16xf32>
      %add3A_4845 = arith.addf %add3A_4821, %get3A_4844 : vector<16xf32>
      %get3A_4846 = arith.constant 95 : i32
      %get3A_4847 = arith.index_cast %get3A_4846 : i32 to index
      %get3A_4848 = arith.constant 16 : index
      %get3A_4849 = tpu.vector_load %arg7[%get3A_4847, %get3A_4848] {strides = array<i32>} : memref<100x64xf32, #tpu.memory_space<vmem>>, vector<1x16xf32>,
      %get3A_4850 = vector.shape_cast %get3A_4849 : vector<1x16xf32> to vector<16xf32>
      %add3A_4851 = arith.addf %add3A_4827, %get3A_4850 : vector<16xf32>
      %get3A_4852 = arith.constant 95 : i32
      %get3A_4853 = arith.index_cast %get3A_4852 : i32 to index
      %get3A_4854 = arith.constant 32 : index
      %get3A_4855 = tpu.vector_load %arg7[%get3A_4853, %get3A_4854] {strides = array<i32>} : memref<100x64xf32, #tpu.memory_space<vmem>>, vector<1x16xf32>,
      %get3A_4856 = vector.shape_cast %get3A_4855 : vector<1x16xf32> to vector<16xf32>
      %add3A_4857 = arith.addf %add3A_4833, %get3A_4856 : vector<16xf32>
      %get3A_4858 = arith.constant 95 : i32
      %get3A_4859 = arith.index_cast %get3A_4858 : i32 to index
      %get3A_4860 = arith.constant 48 : index
      %get3A_4861 = tpu.vector_load %arg7[%get3A_4859, %get3A_4860] {strides = array<i32>} : memref<100x64xf32, #tpu.memory_space<vmem>>, vector<1x16xf32>,
      %get3A_4862 = vector.shape_cast %get3A_4861 : vector<1x16xf32> to vector<16xf32>
      %add3A_4863 = arith.addf %add3A_4839, %get3A_4862 : vector<16xf32>
      %get3A_4864 = arith.constant 96 : i32
      %get3A_4865 = arith.index_cast %get3A_4864 : i32 to index
      %get3A_4866 = arith.constant 0 : index
      %get3A_4867 = tpu.vector_load %arg7[%get3A_4865, %get3A_4866] {strides = array<i32>} : memref<100x64xf32, #tpu.memory_space<vmem>>, vector<1x16xf32>,
      %get3A_4868 = vector.shape_cast %get3A_4867 : vector<1x16xf32> to vector<16xf32>
      %add3A_4869 = arith.addf %add3A_4845, %get3A_4868 : vector<16xf32>
      %get3A_4870 = arith.constant 96 : i32
      %get3A_4871 = arith.index_cast %get3A_4870 : i32 to index
      %get3A_4872 = arith.constant 16 : index
      %get3A_4873 = tpu.vector_load %arg7[%get3A_4871, %get3A_4872] {strides = array<i32>} : memref<100x64xf32, #tpu.memory_space<vmem>>, vector<1x16xf32>,
      %get3A_4874 = vector.shape_cast %get3A_4873 : vector<1x16xf32> to vector<16xf32>
      %add3A_4875 = arith.addf %add3A_4851, %get3A_4874 : vector<16xf32>
      %get3A_4876 = arith.constant 96 : i32
      %get3A_4877 = arith.index_cast %get3A_4876 : i32 to index
      %get3A_4878 = arith.constant 32 : index
      %get3A_4879 = tpu.vector_load %arg7[%get3A_4877, %get3A_4878] {strides = array<i32>} : memref<100x64xf32, #tpu.memory_space<vmem>>, vector<1x16xf32>,
      %get3A_4880 = vector.shape_cast %get3A_4879 : vector<1x16xf32> to vector<16xf32>
      %add3A_4881 = arith.addf %add3A_4857, %get3A_4880 : vector<16xf32>
      %get3A_4882 = arith.constant 96 : i32
      %get3A_4883 = arith.index_cast %get3A_4882 : i32 to index
      %get3A_4884 = arith.constant 48 : index
      %get3A_4885 = tpu.vector_load %arg7[%get3A_4883, %get3A_4884] {strides = array<i32>} : memref<100x64xf32, #tpu.memory_space<vmem>>, vector<1x16xf32>,
      %get3A_4886 = vector.shape_cast %get3A_4885 : vector<1x16xf32> to vector<16xf32>
      %add3A_4887 = arith.addf %add3A_4863, %get3A_4886 : vector<16xf32>
      %get3A_4888 = arith.constant 97 : i32
      %get3A_4889 = arith.index_cast %get3A_4888 : i32 to index
      %get3A_4890 = arith.constant 0 : index
      %get3A_4891 = tpu.vector_load %arg7[%get3A_4889, %get3A_4890] {strides = array<i32>} : memref<100x64xf32, #tpu.memory_space<vmem>>, vector<1x16xf32>,
      %get3A_4892 = vector.shape_cast %get3A_4891 : vector<1x16xf32> to vector<16xf32>
      %add3A_4893 = arith.addf %add3A_4869, %get3A_4892 : vector<16xf32>
      %get3A_4894 = arith.constant 97 : i32
      %get3A_4895 = arith.index_cast %get3A_4894 : i32 to index
      %get3A_4896 = arith.constant 16 : index
      %get3A_4897 = tpu.vector_load %arg7[%get3A_4895, %get3A_4896] {strides = array<i32>} : memref<100x64xf32, #tpu.memory_space<vmem>>, vector<1x16xf32>,
      %get3A_4898 = vector.shape_cast %get3A_4897 : vector<1x16xf32> to vector<16xf32>
      %add3A_4899 = arith.addf %add3A_4875, %get3A_4898 : vector<16xf32>
      %get3A_4900 = arith.constant 97 : i32
      %get3A_4901 = arith.index_cast %get3A_4900 : i32 to index
      %get3A_4902 = arith.constant 32 : index
      %get3A_4903 = tpu.vector_load %arg7[%get3A_4901, %get3A_4902] {strides = array<i32>} : memref<100x64xf32, #tpu.memory_space<vmem>>, vector<1x16xf32>,
      %get3A_4904 = vector.shape_cast %get3A_4903 : vector<1x16xf32> to vector<16xf32>
      %add3A_4905 = arith.addf %add3A_4881, %get3A_4904 : vector<16xf32>
      %get3A_4906 = arith.constant 97 : i32
      %get3A_4907 = arith.index_cast %get3A_4906 : i32 to index
      %get3A_4908 = arith.constant 48 : index
      %get3A_4909 = tpu.vector_load %arg7[%get3A_4907, %get3A_4908] {strides = array<i32>} : memref<100x64xf32, #tpu.memory_space<vmem>>, vector<1x16xf32>,
      %get3A_4910 = vector.shape_cast %get3A_4909 : vector<1x16xf32> to vector<16xf32>
      %add3A_4911 = arith.addf %add3A_4887, %get3A_4910 : vector<16xf32>
      %get3A_4912 = arith.constant 98 : i32
      %get3A_4913 = arith.index_cast %get3A_4912 : i32 to index
      %get3A_4914 = arith.constant 0 : index
      %get3A_4915 = tpu.vector_load %arg7[%get3A_4913, %get3A_4914] {strides = array<i32>} : memref<100x64xf32, #tpu.memory_space<vmem>>, vector<1x16xf32>,
      %get3A_4916 = vector.shape_cast %get3A_4915 : vector<1x16xf32> to vector<16xf32>
      %add3A_4917 = arith.addf %add3A_4893, %get3A_4916 : vector<16xf32>
      %get3A_4918 = arith.constant 98 : i32
      %get3A_4919 = arith.index_cast %get3A_4918 : i32 to index
      %get3A_4920 = arith.constant 16 : index
      %get3A_4921 = tpu.vector_load %arg7[%get3A_4919, %get3A_4920] {strides = array<i32>} : memref<100x64xf32, #tpu.memory_space<vmem>>, vector<1x16xf32>,
      %get3A_4922 = vector.shape_cast %get3A_4921 : vector<1x16xf32> to vector<16xf32>
      %add3A_4923 = arith.addf %add3A_4899, %get3A_4922 : vector<16xf32>
      %get3A_4924 = arith.constant 98 : i32
      %get3A_4925 = arith.index_cast %get3A_4924 : i32 to index
      %get3A_4926 = arith.constant 32 : index
      %get3A_4927 = tpu.vector_load %arg7[%get3A_4925, %get3A_4926] {strides = array<i32>} : memref<100x64xf32, #tpu.memory_space<vmem>>, vector<1x16xf32>,
      %get3A_4928 = vector.shape_cast %get3A_4927 : vector<1x16xf32> to vector<16xf32>
      %add3A_4929 = arith.addf %add3A_4905, %get3A_4928 : vector<16xf32>
      %get3A_4930 = arith.constant 98 : i32
      %get3A_4931 = arith.index_cast %get3A_4930 : i32 to index
      %get3A_4932 = arith.constant 48 : index
      %get3A_4933 = tpu.vector_load %arg7[%get3A_4931, %get3A_4932] {strides = array<i32>} : memref<100x64xf32, #tpu.memory_space<vmem>>, vector<1x16xf32>,
      %get3A_4934 = vector.shape_cast %get3A_4933 : vector<1x16xf32> to vector<16xf32>
      %add3A_4935 = arith.addf %add3A_4911, %get3A_4934 : vector<16xf32>
      %get3A_4936 = arith.constant 99 : i32
      %get3A_4937 = arith.index_cast %get3A_4936 : i32 to index
      %get3A_4938 = arith.constant 0 : index
      %get3A_4939 = tpu.vector_load %arg7[%get3A_4937, %get3A_4938] {strides = array<i32>} : memref<100x64xf32, #tpu.memory_space<vmem>>, vector<1x16xf32>,
      %get3A_4940 = vector.shape_cast %get3A_4939 : vector<1x16xf32> to vector<16xf32>
      %add3A_4941 = arith.addf %add3A_4917, %get3A_4940 : vector<16xf32>
      %get3A_4942 = arith.constant 99 : i32
      %get3A_4943 = arith.index_cast %get3A_4942 : i32 to index
      %get3A_4944 = arith.constant 16 : index
      %get3A_4945 = tpu.vector_load %arg7[%get3A_4943, %get3A_4944] {strides = array<i32>} : memref<100x64xf32, #tpu.memory_space<vmem>>, vector<1x16xf32>,
      %get3A_4946 = vector.shape_cast %get3A_4945 : vector<1x16xf32> to vector<16xf32>
      %add3A_4947 = arith.addf %add3A_4923, %get3A_4946 : vector<16xf32>
      %get3A_4948 = arith.constant 99 : i32
      %get3A_4949 = arith.index_cast %get3A_4948 : i32 to index
      %get3A_4950 = arith.constant 32 : index
      %get3A_4951 = tpu.vector_load %arg7[%get3A_4949, %get3A_4950] {strides = array<i32>} : memref<100x64xf32, #tpu.memory_space<vmem>>, vector<1x16xf32>,
      %get3A_4952 = vector.shape_cast %get3A_4951 : vector<1x16xf32> to vector<16xf32>
      %add3A_4953 = arith.addf %add3A_4929, %get3A_4952 : vector<16xf32>
      %get3A_4954 = arith.constant 99 : i32
      %get3A_4955 = arith.index_cast %get3A_4954 : i32 to index
      %get3A_4956 = arith.constant 48 : index
      %get3A_4957 = tpu.vector_load %arg7[%get3A_4955, %get3A_4956] {strides = array<i32>} : memref<100x64xf32, #tpu.memory_space<vmem>>, vector<1x16xf32>,
      %get3A_4958 = vector.shape_cast %get3A_4957 : vector<1x16xf32> to vector<16xf32>
      %add3A_4959 = arith.addf %add3A_4935, %get3A_4958 : vector<16xf32>
      %mul3A_4960 = vector.broadcast %scan3A : f32 to vector<16xf32>
      %mul3A_4961 = arith.mulf %add3A_4941, %mul3A_4960 : vector<16xf32>
      %mul3A_4962 = arith.constant 2 : i32
      %mul3A_4963 = arith.muli %add3A_2508, %mul3A_4962 : i32
      %add3A_4964 = arith.constant 1 : i32
      %add3A_4965 = arith.addi %mul3A_4963, %add3A_4964 : i32
      %swap3A_4966 = arith.index_cast %add3A_4965 : i32 to index
      %swap3A_4967 = arith.constant 0 : index
      %swap3A_4968 = tpu.vector_load %arg8[%swap3A_4966, %swap3A_4967] {strides = array<i32>} : memref<128x64xf32, #tpu.memory_space<vmem>>, vector<1x16xf32>,
      %swap3A_4969 = vector.shape_cast %swap3A_4968 : vector<1x16xf32> to vector<16xf32>
      %swap3A_4970 = vector.shape_cast %mul3A_4961 : vector<16xf32> to vector<1x16xf32>
      tpu.vector_store %arg8[%swap3A_4966, %swap3A_4967], %swap3A_4970 {strides = array<i32>} : memref<128x64xf32, #tpu.memory_space<vmem>>, vector<1x16xf32>,
      %mul3A_4971 = vector.broadcast %scan3A : f32 to vector<16xf32>
      %mul3A_4972 = arith.mulf %add3A_4947, %mul3A_4971 : vector<16xf32>
      %mul3A_4973 = arith.constant 2 : i32
      %mul3A_4974 = arith.muli %add3A_2508, %mul3A_4973 : i32
      %add3A_4975 = arith.constant 1 : i32
      %add3A_4976 = arith.addi %mul3A_4974, %add3A_4975 : i32
      %swap3A_4977 = arith.index_cast %add3A_4976 : i32 to index
      %swap3A_4978 = arith.constant 16 : index
      %swap3A_4979 = tpu.vector_load %arg8[%swap3A_4977, %swap3A_4978] {strides = array<i32>} : memref<128x64xf32, #tpu.memory_space<vmem>>, vector<1x16xf32>,
      %swap3A_4980 = vector.shape_cast %swap3A_4979 : vector<1x16xf32> to vector<16xf32>
      %swap3A_4981 = vector.shape_cast %mul3A_4972 : vector<16xf32> to vector<1x16xf32>
      tpu.vector_store %arg8[%swap3A_4977, %swap3A_4978], %swap3A_4981 {strides = array<i32>} : memref<128x64xf32, #tpu.memory_space<vmem>>, vector<1x16xf32>,
      %mul3A_4982 = vector.broadcast %scan3A : f32 to vector<16xf32>
      %mul3A_4983 = arith.mulf %add3A_4953, %mul3A_4982 : vector<16xf32>
      %mul3A_4984 = arith.constant 2 : i32
      %mul3A_4985 = arith.muli %add3A_2508, %mul3A_4984 : i32
      %add3A_4986 = arith.constant 1 : i32
      %add3A_4987 = arith.addi %mul3A_4985, %add3A_4986 : i32
      %swap3A_4988 = arith.index_cast %add3A_4987 : i32 to index
      %swap3A_4989 = arith.constant 32 : index
      %swap3A_4990 = tpu.vector_load %arg8[%swap3A_4988, %swap3A_4989] {strides = array<i32>} : memref<128x64xf32, #tpu.memory_space<vmem>>, vector<1x16xf32>,
      %swap3A_4991 = vector.shape_cast %swap3A_4990 : vector<1x16xf32> to vector<16xf32>
      %swap3A_4992 = vector.shape_cast %mul3A_4983 : vector<16xf32> to vector<1x16xf32>
      tpu.vector_store %arg8[%swap3A_4988, %swap3A_4989], %swap3A_4992 {strides = array<i32>} : memref<128x64xf32, #tpu.memory_space<vmem>>, vector<1x16xf32>,
      %mul3A_4993 = vector.broadcast %scan3A : f32 to vector<16xf32>
      %mul3A_4994 = arith.mulf %add3A_4959, %mul3A_4993 : vector<16xf32>
      %mul3A_4995 = arith.constant 2 : i32
      %mul3A_4996 = arith.muli %add3A_2508, %mul3A_4995 : i32
      %add3A_4997 = arith.constant 1 : i32
      %add3A_4998 = arith.addi %mul3A_4996, %add3A_4997 : i32
      %swap3A_4999 = arith.index_cast %add3A_4998 : i32 to index
      %swap3A_5000 = arith.constant 48 : index
      %swap3A_5001 = tpu.vector_load %arg8[%swap3A_4999, %swap3A_5000] {strides = array<i32>} : memref<128x64xf32, #tpu.memory_space<vmem>>, vector<1x16xf32>,
      %swap3A_5002 = vector.shape_cast %swap3A_5001 : vector<1x16xf32> to vector<16xf32>
      %swap3A_5003 = vector.shape_cast %mul3A_4994 : vector<16xf32> to vector<1x16xf32>
      tpu.vector_store %arg8[%swap3A_4999, %swap3A_5000], %swap3A_5003 {strides = array<i32>} : memref<128x64xf32, #tpu.memory_space<vmem>>, vector<1x16xf32>,
    }
    %scan3A_11 = arith.constant 32 : i32
    "tpu.region"() ({
      %run_scoped3A = tpu.sem_alloc : memref<!tpu.dma_semaphore, #tpu.memory_space<semaphore_mem>>
      %dma_start3A_12 = arith.constant 0 : i32
      %dma_start3A_13 = arith.constant 0 : i32
      %dma_start3A_14 = tpu.memref_slice %arg4[%add3A, %dma_start3A_12, %dma_start3A_13] : memref<32x128x64xf32, #tpu.memory_space<hbm>> -> memref<1x128x64xf32, #tpu.memory_space<hbm>>
      %dma_start3A_15 = tpu.memref_squeeze %dma_start3A_14 : memref<1x128x64xf32, #tpu.memory_space<hbm>> -> memref<128x64xf32, #tpu.memory_space<hbm>>
      %dma_start3A_16 = arith.constant 0 : i32
      %dma_start3A_17 = arith.constant 0 : i32
      %dma_start3A_18 = tpu.memref_slice %arg4[%add3A, %dma_start3A_16, %dma_start3A_17] : memref<32x128x64xf32, #tpu.memory_space<hbm>> -> memref<1x128x64xf32, #tpu.memory_space<hbm>>
      %dma_start3A_19 = tpu.memref_squeeze %dma_start3A_18 : memref<1x128x64xf32, #tpu.memory_space<hbm>> -> memref<128x64xf32, #tpu.memory_space<hbm>>
      tpu.enqueue_dma source(%arg8 : memref<128x64xf32, #tpu.memory_space<vmem>>) target(%dma_start3A_19 : memref<128x64xf32, #tpu.memory_space<hbm>>) target_semaphore(%run_scoped3A : memref<!tpu.dma_semaphore, #tpu.memory_space<semaphore_mem>>)
      %dma_wait3A = arith.constant 0 : i32
      %dma_wait3A_20 = arith.constant 0 : i32
      %dma_wait3A_21 = tpu.memref_slice %arg4[%add3A, %dma_wait3A, %dma_wait3A_20] : memref<32x128x64xf32, #tpu.memory_space<hbm>> -> memref<1x128x64xf32, #tpu.memory_space<hbm>>
      %dma_wait3A_22 = tpu.memref_squeeze %dma_wait3A_21 : memref<1x128x64xf32, #tpu.memory_space<hbm>> -> memref<128x64xf32, #tpu.memory_space<hbm>>
      %dma_wait3A_23 = arith.constant 0 : i32
      %dma_wait3A_24 = arith.constant 0 : i32
      %dma_wait3A_25 = tpu.memref_slice %arg4[%add3A, %dma_wait3A_23, %dma_wait3A_24] : memref<32x128x64xf32, #tpu.memory_space<hbm>> -> memref<1x128x64xf32, #tpu.memory_space<hbm>>
      %dma_wait3A_26 = tpu.memref_squeeze %dma_wait3A_25 : memref<1x128x64xf32, #tpu.memory_space<hbm>> -> memref<128x64xf32, #tpu.memory_space<hbm>>
      tpu.wait_dma2 semaphore(%run_scoped3A : memref<!tpu.dma_semaphore, #tpu.memory_space<semaphore_mem>>) src(%arg8 : memref<128x64xf32, #tpu.memory_space<vmem>>) dst(%dma_wait3A_26 : memref<128x64xf32, #tpu.memory_space<hbm>>)
      tpu.yield
    }) : () -> ()
    return
  }
}

module attributes {stable_mosaic.version = 14 : i64} {
  func.func @_repack_body(%arg0: i32, %arg1: memref<64x2176xf32, #tpu.memory_space<vmem>>, %arg2: memref<64x2176xf32, #tpu.memory_space<vmem>>, %arg3: memref<2176x128xf32, #tpu.memory_space<vmem>>) attributes {dimension_semantics = [#tpu.dimension_semantics<arbitrary>], iteration_bounds = array<i64: 23>, scalar_prefetch = 0 : i64, scratch_operands = 0 : i64, tpu.core_type = #tpu.core_type<tc>, window_params = [{transform_indices = @transform_0, window_bounds = array<i64: 64, 2176>}, {transform_indices = @transform_1, window_bounds = array<i64: 64, 2176>}, {transform_indices = @transform_2, window_bounds = array<i64: 2176, 128>}]} {
    %iota3A = tpu.iota {dimensions = array<i32: 0>} : vector<64x128xi32>
    %iota3A_0 = tpu.iota {dimensions = array<i32: 1>} : vector<64x128xi32>
    %eq3A = arith.cmpi eq, %iota3A, %iota3A_0 : vector<64x128xi32>
    %convert_element_type3A = arith.extui %eq3A : vector<64x128xi1> to vector<64x128xi32>
    %convert_element_type3A_1 = arith.sitofp %convert_element_type3A : vector<64x128xi32> to vector<64x128xf32>
    %add3A = arith.constant 64 : i32
    %add3A_2 = vector.broadcast %add3A : i32 to vector<64x128xi32>
    %add3A_3 = arith.addi %iota3A, %add3A_2 : vector<64x128xi32>
    %eq3A_4 = arith.cmpi eq, %add3A_3, %iota3A_0 : vector<64x128xi32>
    %convert_element_type3A_5 = arith.extui %eq3A_4 : vector<64x128xi1> to vector<64x128xi32>
    %convert_element_type3A_6 = arith.sitofp %convert_element_type3A_5 : vector<64x128xi32> to vector<64x128xf32>
    %get3A = arith.constant 0 : index
    %get3A_7 = arith.constant 0 : index
    %get3A_8 = vector.load %arg1[%get3A, %get3A_7] : memref<64x2176xf32, #tpu.memory_space<vmem>>, vector<64x2176xf32>
    %convert_element_type3A_9 = arith.truncf %get3A_8 : vector<64x2176xf32> to vector<64x2176xbf16>
    %convert_element_type3A_10 = arith.extf %convert_element_type3A_9 : vector<64x2176xbf16> to vector<64x2176xf32>
    %sub3A = arith.subf %get3A_8, %convert_element_type3A_10 : vector<64x2176xf32>
    %dot_general3A = arith.constant dense<0.000000e+00> : vector<2176x128xf32>
    %dot_general3A_11 = tpu.matmul %convert_element_type3A_10, %convert_element_type3A_1, %dot_general3A {dimension_numbers = #tpu.dot_dimension_numbers<[0], [0], [1], [1], [0, 1, 1, 1], [], []>, transpose_lhs_hint = false} : vector<64x2176xf32>, vector<64x128xf32>, vector<2176x128xf32> -> vector<2176x128xf32>
    %dot_general3A_12 = arith.constant dense<0.000000e+00> : vector<2176x128xf32>
    %dot_general3A_13 = tpu.matmul %sub3A, %convert_element_type3A_1, %dot_general3A_12 {dimension_numbers = #tpu.dot_dimension_numbers<[0], [0], [1], [1], [0, 1, 1, 1], [], []>, transpose_lhs_hint = false} : vector<64x2176xf32>, vector<64x128xf32>, vector<2176x128xf32> -> vector<2176x128xf32>
    %add3A_14 = arith.addf %dot_general3A_11, %dot_general3A_13 : vector<2176x128xf32>
    %get3A_15 = arith.constant 0 : index
    %get3A_16 = arith.constant 0 : index
    %get3A_17 = vector.load %arg2[%get3A_15, %get3A_16] : memref<64x2176xf32, #tpu.memory_space<vmem>>, vector<64x2176xf32>
    %convert_element_type3A_18 = arith.truncf %get3A_17 : vector<64x2176xf32> to vector<64x2176xbf16>
    %convert_element_type3A_19 = arith.extf %convert_element_type3A_18 : vector<64x2176xbf16> to vector<64x2176xf32>
    %sub3A_20 = arith.subf %get3A_17, %convert_element_type3A_19 : vector<64x2176xf32>
    %dot_general3A_21 = arith.constant dense<0.000000e+00> : vector<2176x128xf32>
    %dot_general3A_22 = tpu.matmul %convert_element_type3A_19, %convert_element_type3A_6, %dot_general3A_21 {dimension_numbers = #tpu.dot_dimension_numbers<[0], [0], [1], [1], [0, 1, 1, 1], [], []>, transpose_lhs_hint = false} : vector<64x2176xf32>, vector<64x128xf32>, vector<2176x128xf32> -> vector<2176x128xf32>
    %dot_general3A_23 = arith.constant dense<0.000000e+00> : vector<2176x128xf32>
    %dot_general3A_24 = tpu.matmul %sub3A_20, %convert_element_type3A_6, %dot_general3A_23 {dimension_numbers = #tpu.dot_dimension_numbers<[0], [0], [1], [1], [0, 1, 1, 1], [], []>, transpose_lhs_hint = false} : vector<64x2176xf32>, vector<64x128xf32>, vector<2176x128xf32> -> vector<2176x128xf32>
    %add3A_25 = arith.addf %dot_general3A_22, %dot_general3A_24 : vector<2176x128xf32>
    %add3A_26 = arith.addf %add3A_14, %add3A_25 : vector<2176x128xf32>
    %swap3A = arith.constant 0 : index
    %swap3A_27 = arith.constant 0 : index
    %swap3A_28 = vector.load %arg3[%swap3A, %swap3A_27] : memref<2176x128xf32, #tpu.memory_space<vmem>>, vector<2176x128xf32>
    tpu.vector_store %arg3[%swap3A, %swap3A_27], %add3A_26 {strides = array<i32>} : memref<2176x128xf32, #tpu.memory_space<vmem>>, vector<2176x128xf32>,
    return
  }
  func.func @transform_0(%arg0: i32) -> (i32, i32) {
    %c0_i32 = arith.constant 0 : i32
    %c0_i32_0 = arith.constant 0 : i32
    return %c0_i32, %arg0 : i32, i32
  }
  func.func @transform_1(%arg0: i32) -> (i32, i32) {
    %add3A = arith.constant 23 : i32
    %add3A_0 = arith.addi %arg0, %add3A : i32
    %c0_i32 = arith.constant 0 : i32
    %c0_i32_1 = arith.constant 0 : i32
    return %c0_i32, %add3A_0 : i32, i32
  }
  func.func @transform_2(%arg0: i32) -> (i32, i32) {
    %c0_i32 = arith.constant 0 : i32
    %c0_i32_0 = arith.constant 0 : i32
    return %arg0, %c0_i32 : i32, i32
  }
}

</mosaic_0001>

<sc_bundles>
// kernel: kernel.4.cloned.1.call-start
scs
__scs_entry_jumppad:
0x0: {  	(pc) =	sbr.rel $0x88, $3  }
0x1: {  	(tag) =	ssettag $0x0;
	lr =	simm.s32 $0x1  }
0x2: {  	[smem:$0x3F9F] =	sst lr;
	_ =	strace $0xD0000000  }
0x3: {  	_ = 	snop  }
0x4: {  	_ = 	snop  }
0x5: {  	_ = 	snop  }
0x6: {  	_ = 	snop  }
0x7: {  	_ = 	snop  }
__scs_overlays_trampoline_lowered:
0x8: {  	[smem:$0x3FAE] =	sst s0  }
0x9: {  	[smem:$0x3FAF] =	sst s1  }
0xa: {  	[smem:$0x3FB0] =	sst s2  }
0xb: {  	[smem:$0x3FB1] =	sst s3  }
0xc: {  	[smem:$0x3FB2] =	sst s4  }
0xd: {  	[smem:$0x3FB3] =	sst s5  }
0xe: {  	[smem:$0x3FB4] =	sst s6  }
0xf: {  	[smem:$0x3FB5] =	sst s7  }
0x10: {  	[smem:$0x3FB6] =	sst s8  }
0x11: {  	[smem:$0x3FB7] =	sst s9;
	s0 =	simm.s32 @!p0 $0x0  }
0x12: {  	s1 =	sld [smem:$0x3F9D];
	s0 =	simm.s32 @p0 $0x1  }
0x13: {  	[smem:$0x3FB8] =	sst s0;
	s0 =	simm.s32 @!p1 $0x0  }
0x14: {  	s2 =	sld [smem:$0x3F9C];
	s0 =	simm.s32 @p1 $0x1  }
0x15: {  	[smem:$0x3FB9] =	sst s0;
	s0 =	simm.s32 @!p2 $0x0  }
0x16: {  	s3 =	sld [smem:$0x3FDB];
	s0 =	simm.s32 @p2 $0x1  }
0x17: {  	s4 =	simm.s32 $0x1BF5;
	[smem:$0x3FBB] =	sst s0  }
0x18: {  	s0 =	sld [smem:$0x3F9E];
	_ =	swait.ge [sflag:s4], $0x0  }
0x19: {  	s7 =	sld [smem:$0x3F9F]  }
0x1a: {  	s8 =	sadd.s32 $0xFFFFE003, lr  }
0x1b: {  	s9 =	sadd.s32 $0xFFFFFEF7, lr;
	s5 =	simm.s32 $0xFFFFFFFF;
	p2 =	slt.u32 s8, $0xFFFFF086  }
0x1c: {  	p1 =	slt.u32 s9, $0xF7A;
	s5 =	simm.s32 @!p2 $0x0  }
0x1d: {  	s5 =	simm.s32 @p1 $0x1;
	p0 =	seq.s32 s7, s2  }
0x1e: {  	s7 =	smul.u32 @!p0 $0xF7A, s2;
	p2 =	seq.s32 @!p0 s5, $0x0  }
0x1f: {  	s9 =	smul.u32 $0xF7A, s1;
	s8 =	simm.s32 @!p0 $0x1BF5;
	p2 =	por !p2, p0  }
0x20: {  	[sflag:s8] =	ssyncset.s32 @!p0 $0xFFFFF086;
	s6 =	sadd.s32 @!p0 s3, s7;
	s7 =	simm.s32 @!p0 $0x108  }
0x21: {  	s3 =	sadd.s32 s3, s9;
	s6 =	sadd.s32 @!p0 $0x88, s6;
	s7 =	simm.s32 @p2 $0x1082  }
0x22: {  	[simem:s7], [sflag:s8] =	dma.local @!p0 [hbm:s6], $0xF7A  }
0x23: {  	s9 =	sor.u32 $0xD0000000, s2;
	s6 =	simm.s32 $0x108;
	_ =	swait.ge @!p0 [sflag:s8], $0x0  }
0x24: {  	s3 =	sadd.s32 $0x88, s3;
	s6 =	simm.s32 @!p1 $0x1082;
	[sflag:s4] =	ssyncset.s32 $0xFFFFF086  }
0x25: {  	[simem:s6], [sflag:s4] =	dma.local [hbm:s3], $0xF7A  }
0x26: {  	[smem:$0x3F9F] =	sst s1;
	(tag) =	ssettag s2;
	_ =	strace s9  }
0x27: {  	s1 =	sld [smem:$0x3FAF]  }
0x28: {  	s2 =	sld [smem:$0x3FB0]  }
0x29: {  	s4 =	sld [smem:$0x3FB2]  }
0x2a: {  	p0 =	seq.s32 s5, $0x0;
	s5 =	sld [smem:$0x3FB3]  }
0x2b: {  	s6 =	sld [smem:$0x3FB4]  }
0x2c: {  	s7 =	sld [smem:$0x3FB5]  }
0x2d: {  	s3 =	simm.s32 $0x108;
	s8 =	sld [smem:$0x3FB6]  }
0x2e: {  	s3 =	simm.s32 @!p0 $0x1082;
	s9 =	sld [smem:$0x3FB7]  }
0x2f: {  	lr =	sadd.s32 s0, s3;
	s0 =	sld [smem:$0x3FAE]  }
0x30: {  	s3 =	sld [smem:$0x3FB1]  }
0x31: {  	[smem:$0x3FBA] =	sst s10  }
0x32: {  	s10 =	sld [smem:$0x3FB8];
	_ =	sdelay $0x3  }
0x33: {  	p0 =	seq.s32 s10, $0x1;
	s10 =	sld [smem:$0x3FBA];
	_ =	sdelay $0x3  }
0x34: {  	[smem:$0x3FBA] =	sst s10  }
0x35: {  	s10 =	sld [smem:$0x3FB9];
	_ =	sdelay $0x3  }
0x36: {  	p1 =	seq.s32 s10, $0x1;
	s10 =	sld [smem:$0x3FBA];
	_ =	sdelay $0x3  }
0x37: {  	[smem:$0x3FBA] =	sst s10  }
0x38: {  	s10 =	sld [smem:$0x3FBB]  }
0x39: {  	_ = 	snop;
	(pc) =	sbr.ind lr, $3  }
0x3a: {  	_ = 	snop  }
0x3b: {  	_ = 	snop  }
0x3c: {  	p2 =	seq.s32 s10, $0x1;
	s10 =	sld [smem:$0x3FBA]  }
0x3d: {  	_ =	shalt  }
0x3e: {  	_ =	shalt  }
0x3f: {  	_ =	shalt  }
0x40: {  	_ =	shalt  }
0x41: {  	_ =	shalt  }
0x42: {  	_ =	shalt  }
0x43: {  	_ =	shalt  }
0x44: {  	_ =	shalt  }
0x45: {  	_ =	shalt  }
0x46: {  	_ =	shalt  }
0x47: {  	_ =	shalt  }
0x48: {  	_ =	shalt  }
0x49: {  	_ =	shalt  }
0x4a: {  	_ =	shalt  }
0x4b: {  	_ =	shalt  }
0x4c: {  	_ =	shalt  }
0x4d: {  	_ =	shalt  }
0x4e: {  	_ =	shalt  }
0x4f: {  	_ =	shalt  }
0x50: {  	_ =	shalt  }
0x51: {  	_ =	shalt  }
0x52: {  	_ =	shalt  }
0x53: {  	_ =	shalt  }
0x54: {  	_ =	shalt  }
0x55: {  	_ =	shalt  }
0x56: {  	_ =	shalt  }
0x57: {  	_ =	shalt  }
0x58: {  	_ =	shalt  }
0x59: {  	_ =	shalt  }
0x5a: {  	_ =	shalt  }
0x5b: {  	_ =	shalt  }
0x5c: {  	_ =	shalt  }
0x5d: {  	_ =	shalt  }
0x5e: {  	_ =	shalt  }
0x5f: {  	_ =	shalt  }
0x60: {  	_ =	shalt  }
0x61: {  	_ =	shalt  }
0x62: {  	_ =	shalt  }
0x63: {  	_ =	shalt  }
0x64: {  	_ =	shalt  }
0x65: {  	_ =	shalt  }
0x66: {  	_ =	shalt  }
0x67: {  	_ =	shalt  }
0x68: {  	_ =	shalt  }
0x69: {  	_ =	shalt  }
0x6a: {  	_ =	shalt  }
0x6b: {  	_ =	shalt  }
0x6c: {  	_ =	shalt  }
0x6d: {  	_ =	shalt  }
0x6e: {  	_ =	shalt  }
0x6f: {  	_ =	shalt  }
0x70: {  	_ =	shalt  }
0x71: {  	_ =	shalt  }
0x72: {  	_ =	shalt  }
0x73: {  	_ =	shalt  }
0x74: {  	_ =	shalt  }
0x75: {  	_ =	shalt  }
0x76: {  	_ =	shalt  }
0x77: {  	_ =	shalt  }
0x78: {  	_ =	shalt  }
0x79: {  	_ =	shalt  }
0x7a: {  	_ =	shalt  }
0x7b: {  	_ =	shalt  }
0x7c: {  	_ =	shalt  }
0x7d: {  	_ =	shalt  }
0x7e: {  	_ =	shalt  }
0x7f: {  	_ =	shalt  }
0x80: {  	_ =	shalt  }
0x81: {  	_ =	shalt  }
0x82: {  	_ =	shalt  }
0x83: {  	_ =	shalt  }
0x84: {  	_ =	shalt  }
0x85: {  	_ =	shalt  }
0x86: {  	_ =	shalt  }
0x87: {  	_ =	shalt  }
.Lfunc_end0:
.L_simem_size_0:
called_computation_lowered:
.L_overlay_start_0:
0x88: {  	s2 =	sld [smem:$0x3FD9]  }
0x89: {  	s3 =	sld [smem:$0x3FFE];
	_ =	sdelay $0x1  }
0x8a: {  	s1 =	srdreg.scid  }
0x8b: {  	s0 =	sand.u32 $0x1, s1  }
0x8c: {  	s17 =	sshll.u32 s0, $0xA;
	s2 =	sadd.s32 s3, s2  }
0x8d: {  	s2 =	sadd.s32 s2, s17  }
0x8e: {  	[smem:$0x3FC6] =	sst s2  }
0x8f: {  	_ = 	snop  }
0x90: {  	s2 =	sld [smem:$0x3FD0];
	(tm) =	ssettm $0x1  }
0x91: {  	s18 =	sld [smem:$0x3FFB];
	_ =	sdelay $0x3  }
0x92: {  	_ =	strace s18  }
0x93: {  	s3 =	sld [smem:$0x3FFC];
	_ =	sdelay $0x3  }
0x94: {  	_ =	strace s3  }
0x95: {  	s3 =	sld [smem:$0x3FFD];
	_ =	sdelay $0x3  }
0x96: {  	_ =	strace s3  }
0x97: {  	_ =	strace $0x8FFFFFFF  }
0x98: {  	s19 =	sld [smem:$0x3FDB];
	_ =	sdelay $0x1  }
0x99: {  	s4 =	simm.s32 $_scs_section_size  }
0x9a: {  	s5 =	simm.s32 $_size__tile_overlayer_lowered;
	s6 =	simm.s32 $_tile_overlayer_lowered  }
0x9b: {  	s22 =	simm.s32 $0x1BFF;
	s21 =	sshll.u32 s6, $0x1;
	s3 =	sadd.s32 s4, s19  }
0x9c: {  	s7 =	simm.s32 $0x0;
	s20 =	sshll.u32 s5, $0x1;
	s5 =	sadd.s32 s21, s3  }
0x9d: {  	[timem:s7], [sflag:s22] =	dma.local [hbm:s5], s20  }
0x9e: {  	_ =	swait.ge [sflag:s22], s20  }
0x9f: {  	s4 =	ssub.s32 $0x0, s20;
	[sflag:s22] =	ssyncset.done $0x0  }
0xa0: {  	[sflag:s22] =	ssyncadd.s32 s4;
	_ =	sdelay $0x1  }
0xa1: {  	s23 =	simm.s32 $0x1B8B  }
0xa2: {  	_ =	swait.ge [sflag:s23], $0x1  }
0xa3: {  	[sflag:s23] =	ssyncset.done $0x0  }
0xa4: {  	s25 =	simm.s32 $0x1B8E;
	s24 =	sld [smem:$0x3FFE];
	[sflag:s23] =	ssyncadd.s32 $0xFFFFFFFF  }
0xa5: {  	s26 =	simm.s32 $execute0_lowered;
	[smem:$0x3FD2] =	sst s25  }
0xa6: {  	s5 =	sshll.u32 s26, $0x1;
	_ =	strace $0x80000046;
	[dreg:$0x1] =	wrdreg $0xFFFFFFFF  }
0xa7: {  	s28 =	simm.s32 $_size_execute0_lowered;
	s3 =	sadd.s32 s3, s5;
	[dreg:$0x0] =	wrdreg $0x0  }
0xa8: {  	s5 =	sshll.u32 s28, $0x1;
	[dreg:$0x2] =	wrdreg s3  }
0xa9: {  	[dreg:$0x3] =	wrdreg s5  }
0xaa: {  	[dreg:$0x4] =	wrdreg $0xC0  }
0xab: {  	_ =	task [dreg:s7], $0x5FFFF  }
0xac: {  	[dreg:$0x1] =	wrdreg $0xFFFFFFFF  }
0xad: {  	[dreg:$0x0] =	wrdreg $0x60  }
0xae: {  	[dreg:$0x2] =	wrdreg s24  }
0xaf: {  	[dreg:$0x3] =	wrdreg s2  }
0xb0: {  	[dreg:$0x4] =	wrdreg $0x9  }
0xb1: {  	_ =	task.clear_ibuf [dreg:s7], $0x5FFFF;
	_ =	strace $0x90000046  }
0xb2: {  	s29 =	simm.s32 $0x9;
	_ =	strace $0x80000048  }
0xb3: {  	_ =	swait.ge [sflag:s29], $0x1  }
0xb4: {  	[sflag:s29] =	ssyncadd.s32 $0xFFFFFFFF  }
0xb5: {  	_ =	strace $0x90000048  }
0xb6: {  	_ =	sfence  }
0xb7: {  	s30 =	sld [smem:$0x0];
	_ =	sdelay $0x2  }
0xb8: {  	s31 =	sshll.u32 s1, $0xD;
	s1 =	sshrl.u32 s1, $0x2  }
0xb9: {  	s3 =	sand.u32 $0x4000, s31;
	s1 =	sadd.s32 s1, s30  }
0xba: {  	s0 =	sor.u32 s3, s0;
	s1 =	sshll.u32 s1, $0x11  }
0xbb: {  	s0 =	sor.u32 s1, s0  }
0xbc: {  	s0 =	sadd.s32 $0x8F2B, s0  }
0xbd: {  	[sflag:s0] =	ssyncadd.remote.s32 $0x1  }
0xbe: {  	_ =	sfence.sel $0xFFFF  }
0xbf: {  	[dreg:$0x0] =	wrdreg $0xFFFFFFFF;
	(pc) =	sbr.abs _section_cstart, $3  }
0xc0: {  	[dreg:$0x1] =	wrdreg $0xFFFFFFFF  }
0xc1: {  	_ =	task.clear_ibuf [dreg:s7], $0x2FFFF;
	_ =	strace $0x9FFFFFFF  }
0xc2: {  	(tm) =	ssettm $0x7FFFFFFF  }
0xc3: {  	_ =	shalt  }
tec
execute0_lowered:
.L_overlay_start_1:
0x0: {  	(tag) =	ssettag $0x1  }
0x1: {  	s1 =	srdreg.scid;
	s3 =	rddreg [dreg:$0x0]  }
0x2: {  	s0 =	stileid.u32;
	s5 =	rddreg [dreg:$0x1];
	s2 =	simm.s32 $0x0  }
0x3: {  	s9 =	simm.s32 $0x1A00;
	s10 =	simm.s32 $0x3300;
	s11 =	simm.s32 $0x1  }
0x4: {  	s12 =	simm.s32 $0x2;
	s13 =	simm.s32 $0x4C00;
	s14 =	simm.s32 $0x0  }
0x5: {  	s4 =	sand.u32 $0x1, s1;
	s31 =	sshll.u32 s0, $0x1;
	s1 =	rddreg [dreg:$0x2]  }
0x6: {  	[smem:$0x7FF] =	sst s2;
	s6 =	sor.u32 s4, s31;
	s4 =	ssub.s32 $0x2, s4  }
0x7: {  	s7 =	smul.u32 $0x340, s6;
	s8 =	sshrl.u32 s4, $0x1;
	s6 =	sshll.u32 s6, $0xA  }
0x8: {  	_ =	strace $0x80000047;
	s8 =	ssub.s32 s4, s8;
	s5 =	sadd.s32 s5, s6  }
0x9: {  	s7 =	sadd.s32 s7, s3;
	s3 =	sadd.s32 $0x6C00, s3;
	s6 =	smax.u32 s8, $0x1  }
0xa: {  	s8 =	simm.s32 $0x64;
	s4 =	sadd.s32 $0x400, s7;
	s7 =	simm.s32 $0x3  }
.LBB2_1:
0xb: {  	[tilespmem:s2], [sflag:$0x3] =	stream.linear.gather [hbm4b:s4+s2], $0x1A00, $0x38;
	[tilespmem:$0x6C00] =	vst v63  }
0xc: {  	_ =	swait.ge [sflag:s7], $0x1A00  }
0xd: {  	[sflag:s7] =	ssyncset.done $0x0  }
0xe: {  	s15 =	simm.s32 $0xFFFF9800;
	s16 =	simm.s32 $0x4C80;
	[sflag:s7] =	ssyncadd.s32 $0xFFFFE600  }
0xf: {  	[tilespmem:s9], [sflag:$0x1] =	stream.indirect.gather [hbm4b:s3+s8], $0x40, s2, s8, $0xb8;
	[tilespmem:$0x6C00] =	vst v63  }
.LBB2_2:
0x10: {  	s17 =	sshra.s32 s15, $0x2  }
0x11: {  	s17 =	sadd.s32 $0x1A68, s17  }
0x12: {  	[tilespmem:s10], [sflag:$0x2] =	stream.indirect.gather [hbm4b:s3+s8], $0x40, s17, s8, $0xb8;
	[tilespmem:$0x6C00] =	vst v63  }
0x13: {  	_ =	swait.ge [sflag:s11], $0x1900  }
0x14: {  	[sflag:s11] =	ssyncset.done $0x0  }
0x15: {  	[sflag:s11] =	ssyncadd.s32 $0xFFFFE700  }
0x16: {  	v56 =	vld [tilespmem:$0x1DF0];
	_ =	sdelay $0x4  }
0x17: {  	[tilespmem:$0x1F5D0] =	vst v56;
	v56 =	vld [tilespmem:$0x1E10];
	_ =	sdelay $0x4  }
0x18: {  	[tilespmem:$0x1F5E0] =	vst v56;
	v56 =	vld [tilespmem:$0x1E20];
	_ =	sdelay $0x4  }
0x19: {  	[tilespmem:$0x1F5F0] =	vst v56;
	v56 =	vld [tilespmem:$0x1E30];
	_ =	sdelay $0x4  }
0x1a: {  	[tilespmem:$0x1F610] =	vst v56;
	v56 =	vld [tilespmem:$0x1E40];
	_ =	sdelay $0x4  }
0x1b: {  	[tilespmem:$0x1F600] =	vst v56;
	v56 =	vld [tilespmem:$0x1E50];
	_ =	sdelay $0x4  }
0x1c: {  	[tilespmem:$0x1F620] =	vst v56;
	v56 =	vld [tilespmem:$0x1E60];
	_ =	sdelay $0x4  }
0x1d: {  	[tilespmem:$0x1F630] =	vst v56;
	v56 =	vld [tilespmem:$0x1E70];
	_ =	sdelay $0x4  }
0x1e: {  	[tilespmem:$0x1F650] =	vst v56;
	v56 =	vld [tilespmem:$0x1E80];
	_ =	sdelay $0x4  }
0x1f: {  	[tilespmem:$0x1F640] =	vst v56;
	v56 =	vld [tilespmem:$0x1E90];
	_ =	sdelay $0x4  }
0x20: {  	[tilespmem:$0x1F660] =	vst v56;
	v56 =	vld [tilespmem:$0x1EA0];
	_ =	sdelay $0x4  }
0x21: {  	[tilespmem:$0x1F670] =	vst v56;
	v56 =	vld [tilespmem:$0x1EB0];
	_ =	sdelay $0x4  }
0x22: {  	[tilespmem:$0x1F690] =	vst v56;
	v56 =	vld [tilespmem:$0x1EC0];
	_ =	sdelay $0x4  }
0x23: {  	[tilespmem:$0x1F680] =	vst v56;
	v56 =	vld [tilespmem:$0x1ED0];
	_ =	sdelay $0x4  }
0x24: {  	[tilespmem:$0x1F6A0] =	vst v56;
	v56 =	vld [tilespmem:$0x1EE0];
	_ =	sdelay $0x4  }
0x25: {  	[tilespmem:$0x1F6B0] =	vst v56;
	v56 =	vld [tilespmem:$0x1EF0];
	_ =	sdelay $0x4  }
0x26: {  	[tilespmem:$0x1F6D0] =	vst v56;
	v56 =	vld [tilespmem:$0x1F00];
	_ =	sdelay $0x4  }
0x27: {  	[tilespmem:$0x1F6C0] =	vst v56;
	v56 =	vld [tilespmem:$0x1F10];
	_ =	sdelay $0x4  }
0x28: {  	[tilespmem:$0x1F6E0] =	vst v56;
	v56 =	vld [tilespmem:$0x1F20];
	_ =	sdelay $0x4  }
0x29: {  	[tilespmem:$0x1F6F0] =	vst v56;
	v56 =	vld [tilespmem:$0x1F30];
	_ =	sdelay $0x4  }
0x2a: {  	[tilespmem:$0x1F710] =	vst v56;
	v56 =	vld [tilespmem:$0x1F40];
	_ =	sdelay $0x4  }
0x2b: {  	[tilespmem:$0x1F700] =	vst v56;
	v56 =	vld [tilespmem:$0x1F50];
	_ =	sdelay $0x4  }
0x2c: {  	[tilespmem:$0x1F720] =	vst v56;
	v56 =	vld [tilespmem:$0x1F60];
	_ =	sdelay $0x4  }
0x2d: {  	[tilespmem:$0x1F730] =	vst v56;
	v56 =	vld [tilespmem:$0x1F70];
	_ =	sdelay $0x3  }
0x2e: {  	v3 =	vld [tilespmem:$0x1A00]  }
0x2f: {  	[tilespmem:$0x1F750] =	vst v56;
	v56 =	vld [tilespmem:$0x1F80]  }
0x30: {  	v4 =	vld [tilespmem:$0x1A10]  }
0x31: {  	v5 =	vld [tilespmem:$0x1A20]  }
0x32: {  	v16 =	vld [tilespmem:$0x1A30]  }
0x33: {  	v17 =	vld [tilespmem:$0x1A40]  }
0x34: {  	[tilespmem:$0x1F740] =	vst v56;
	v56 =	vld [tilespmem:$0x1F90]  }
0x35: {  	v20 =	vld [tilespmem:$0x1A50]  }
0x36: {  	v21 =	vld [tilespmem:$0x1A60]  }
0x37: {  	v32 =	vld [tilespmem:$0x1A70]  }
0x38: {  	v33 =	vld [tilespmem:$0x1A80]  }
0x39: {  	[tilespmem:$0x1F760] =	vst v56;
	v56 =	vld [tilespmem:$0x1FA0]  }
0x3a: {  	v36 =	vld [tilespmem:$0x1A90]  }
0x3b: {  	v37 =	vld [tilespmem:$0x1AA0]  }
0x3c: {  	v48 =	vld [tilespmem:$0x1AB0]  }
0x3d: {  	v49 =	vld [tilespmem:$0x1AC0]  }
0x3e: {  	[tilespmem:$0x1F770] =	vst v56;
	v56 =	vld [tilespmem:$0x1FB0]  }
0x3f: {  	v52 =	vld [tilespmem:$0x1AD0]  }
0x40: {  	v53 =	vld [tilespmem:$0x1AE0]  }
0x41: {  	v62 =	vld [tilespmem:$0x1AF0]  }
0x42: {  	v63 =	vld [tilespmem:$0x1B00]  }
0x43: {  	[tilespmem:$0x1F790] =	vst v56;
	v56 =	vld [tilespmem:$0x1FC0]  }
0x44: {  	v0 =	vld [tilespmem:$0x1B10]  }
0x45: {  	v2 =	vld [tilespmem:$0x1B20]  }
0x46: {  	v9 =	vld [tilespmem:$0x1B30]  }
0x47: {  	v1 =	vld [tilespmem:$0x1B40]  }
0x48: {  	[tilespmem:$0x1F780] =	vst v56;
	v56 =	vld [tilespmem:$0x1FD0]  }
0x49: {  	v6 =	vld [tilespmem:$0x1B50]  }
0x4a: {  	v8 =	vld [tilespmem:$0x1B60]  }
0x4b: {  	v13 =	vld [tilespmem:$0x1B70]  }
0x4c: {  	v7 =	vld [tilespmem:$0x1B80]  }
0x4d: {  	[tilespmem:$0x1F7A0] =	vst v56;
	v56 =	vld [tilespmem:$0x1FE0]  }
0x4e: {  	v10 =	vld [tilespmem:$0x1B90]  }
0x4f: {  	v12 =	vld [tilespmem:$0x1BA0]  }
0x50: {  	v19 =	vld [tilespmem:$0x1BB0]  }
0x51: {  	v11 =	vld [tilespmem:$0x1BC0]  }
0x52: {  	[tilespmem:$0x1F7B0] =	vst v56;
	v56 =	vld [tilespmem:$0x1FF0]  }
0x53: {  	v14 =	vld [tilespmem:$0x1BD0]  }
0x54: {  	v18 =	vld [tilespmem:$0x1BE0]  }
0x55: {  	v25 =	vld [tilespmem:$0x1BF0]  }
0x56: {  	v15 =	vld [tilespmem:$0x1C00]  }
0x57: {  	[tilespmem:$0x1F7D0] =	vst v56;
	v56 =	vld [tilespmem:$0x2000]  }
0x58: {  	v22 =	vld [tilespmem:$0x1C10]  }
0x59: {  	v24 =	vld [tilespmem:$0x1C20]  }
0x5a: {  	v29 =	vld [tilespmem:$0x1C30]  }
0x5b: {  	v23 =	vld [tilespmem:$0x1C40]  }
0x5c: {  	[tilespmem:$0x1F7C0] =	vst v56;
	v56 =	vld [tilespmem:$0x2010]  }
0x5d: {  	v26 =	vld [tilespmem:$0x1C50]  }
0x5e: {  	v28 =	vld [tilespmem:$0x1C60]  }
0x5f: {  	v35 =	vld [tilespmem:$0x1C70]  }
0x60: {  	v27 =	vld [tilespmem:$0x1C80]  }
0x61: {  	[tilespmem:$0x1F7E0] =	vst v56;
	v56 =	vld [tilespmem:$0x2020]  }
0x62: {  	v30 =	vld [tilespmem:$0x1C90]  }
0x63: {  	v34 =	vld [tilespmem:$0x1CA0]  }
0x64: {  	v41 =	vld [tilespmem:$0x1CB0]  }
0x65: {  	v31 =	vld [tilespmem:$0x1CC0]  }
0x66: {  	[tilespmem:$0x1F7F0] =	vst v56;
	v56 =	vld [tilespmem:$0x2030]  }
0x67: {  	v38 =	vld [tilespmem:$0x1CD0]  }
0x68: {  	v40 =	vld [tilespmem:$0x1CE0]  }
0x69: {  	v45 =	vld [tilespmem:$0x1CF0]  }
0x6a: {  	v39 =	vld [tilespmem:$0x1D00]  }
0x6b: {  	[tilespmem:$0x1F810] =	vst v56;
	v56 =	vld [tilespmem:$0x2040]  }
0x6c: {  	v42 =	vld [tilespmem:$0x1D10]  }
0x6d: {  	v44 =	vld [tilespmem:$0x1D20]  }
0x6e: {  	v51 =	vld [tilespmem:$0x1D30]  }
0x6f: {  	v43 =	vld [tilespmem:$0x1D40]  }
0x70: {  	[tilespmem:$0x1F800] =	vst v56;
	v56 =	vld [tilespmem:$0x2050]  }
0x71: {  	v46 =	vld [tilespmem:$0x1D50]  }
0x72: {  	v50 =	vld [tilespmem:$0x1D60]  }
0x73: {  	v60 =	vld [tilespmem:$0x1D70]  }
0x74: {  	v47 =	vld [tilespmem:$0x1D80]  }
0x75: {  	[tilespmem:$0x1F820] =	vst v56;
	v56 =	vld [tilespmem:$0x2060]  }
0x76: {  	v54 =	vld [tilespmem:$0x1D90]  }
0x77: {  	v61 =	vld [tilespmem:$0x1DA0]  }
0x78: {  	v55 =	vld [tilespmem:$0x1DB0]  }
0x79: {  	v58 =	vld [tilespmem:$0x1DD0]  }
0x7a: {  	[tilespmem:$0x1F830] =	vst v56;
	v56 =	vld [tilespmem:$0x2070]  }
0x7b: {  	v57 =	vld [tilespmem:$0x1DE0]  }
0x7c: {  	v59 =	vld [tilespmem:$0x1E00]  }
0x7d: {  	[tilespmem:$0x1F5C0] =	vst v55;
	v55 =	vld [tilespmem:$0x1DC0]  }
0x7e: {  	v17 =	vadd.f32 v17, v3;
	v3 =	vld [tilespmem:$0x2090]  }
0x7f: {  	[tilespmem:$0x1F840] =	vst v56;
	v56 =	vld [tilespmem:$0x2080]  }
0x80: {  	v20 =	vadd.f32 v20, v4;
	v4 =	vld [tilespmem:$0x20A0]  }
0x81: {  	v21 =	vadd.f32 v21, v5;
	v17 =	vadd.f32 v33, v17;
	v5 =	vld [tilespmem:$0x20B0]  }
0x82: {  	v32 =	vadd.f32 v32, v16;
	v20 =	vadd.f32 v36, v20;
	v16 =	vld [tilespmem:$0x20C0]  }
0x83: {  	v21 =	vadd.f32 v37, v21;
	v33 =	vadd.f32 v49, v17;
	v17 =	vld [tilespmem:$0x20D0]  }
0x84: {  	v32 =	vadd.f32 v48, v32;
	v36 =	vadd.f32 v52, v20;
	v20 =	vld [tilespmem:$0x20E0]  }
0x85: {  	v37 =	vadd.f32 v53, v21;
	v33 =	vadd.f32 v63, v33;
	v21 =	vld [tilespmem:$0x20F0]  }
0x86: {  	v48 =	vadd.f32 v62, v32;
	v32 =	vld [tilespmem:$0x2100]  }
0x87: {  	v1 =	vadd.f32 v1, v33;
	v33 =	vld [tilespmem:$0x2110]  }
0x88: {  	v0 =	vadd.f32 v0, v36;
	v36 =	vld [tilespmem:$0x2120]  }
0x89: {  	v2 =	vadd.f32 v2, v37;
	v9 =	vadd.f32 v9, v48;
	v37 =	vld [tilespmem:$0x2130]  }
0x8a: {  	v1 =	vadd.f32 v7, v1;
	v48 =	vld [tilespmem:$0x2140]  }
0x8b: {  	v0 =	vadd.f32 v6, v0;
	v53 =	vadd.f32 v13, v9;
	v49 =	vld [tilespmem:$0x2150]  }
0x8c: {  	v1 =	vadd.f32 v11, v1;
	v52 =	vld [tilespmem:$0x2160]  }
0x8d: {  	v0 =	vadd.f32 v10, v0;
	v6 =	vadd.f32 v19, v53;
	v53 =	vld [tilespmem:$0x2170]  }
0x8e: {  	v1 =	vadd.f32 v15, v1;
	v7 =	vld [tilespmem:$0x2180]  }
0x8f: {  	v2 =	vadd.f32 v8, v2;
	v0 =	vadd.f32 v14, v0;
	v8 =	vld [tilespmem:$0x2190]  }
0x90: {  	v1 =	vadd.f32 v23, v1;
	v9 =	vld [tilespmem:$0x21A0]  }
0x91: {  	v0 =	vadd.f32 v22, v0;
	v10 =	vld [tilespmem:$0x21B0]  }
0x92: {  	v1 =	vadd.f32 v27, v1;
	v11 =	vld [tilespmem:$0x21C0]  }
0x93: {  	v2 =	vadd.f32 v12, v2;
	v0 =	vadd.f32 v26, v0;
	v12 =	vld [tilespmem:$0x21D0]  }
0x94: {  	v1 =	vadd.f32 v31, v1;
	v13 =	vld [tilespmem:$0x21E0]  }
0x95: {  	v2 =	vadd.f32 v18, v2;
	v0 =	vadd.f32 v30, v0;
	v14 =	vld [tilespmem:$0x21F0]  }
0x96: {  	v6 =	vadd.f32 v25, v6;
	v1 =	vadd.f32 v39, v1;
	v15 =	vld [tilespmem:$0x2200]  }
0x97: {  	v2 =	vadd.f32 v24, v2;
	v0 =	vadd.f32 v38, v0;
	v18 =	vld [tilespmem:$0x2210]  }
0x98: {  	v6 =	vadd.f32 v29, v6;
	v1 =	vadd.f32 v43, v1;
	v19 =	vld [tilespmem:$0x2220]  }
0x99: {  	v2 =	vadd.f32 v28, v2;
	v0 =	vadd.f32 v42, v0;
	v22 =	vld [tilespmem:$0x2230]  }
0x9a: {  	v6 =	vadd.f32 v35, v6;
	v1 =	vadd.f32 v47, v1;
	v23 =	vld [tilespmem:$0x2240]  }
0x9b: {  	v2 =	vadd.f32 v34, v2;
	v0 =	vadd.f32 v46, v0;
	v24 =	vld [tilespmem:$0x2250]  }
0x9c: {  	v6 =	vadd.f32 v41, v6;
	v1 =	vadd.f32 v55, v1;
	v55 =	vld [tilespmem:$0x1F5C0]  }
0x9d: {  	v2 =	vadd.f32 v40, v2;
	v0 =	vadd.f32 v54, v0;
	v25 =	vld [tilespmem:$0x2260]  }
0x9e: {  	v6 =	vadd.f32 v45, v6;
	v26 =	vld [tilespmem:$0x2270]  }
0x9f: {  	v2 =	vadd.f32 v44, v2;
	v0 =	vadd.f32 v58, v0;
	v58 =	vld [tilespmem:$0x1F5D0]  }
0xa0: {  	v6 =	vadd.f32 v51, v6;
	v1 =	vadd.f32 v59, v1;
	v59 =	vld [tilespmem:$0x1F5E0]  }
0xa1: {  	v2 =	vadd.f32 v50, v2;
	v27 =	vld [tilespmem:$0x2280]  }
0xa2: {  	v6 =	vadd.f32 v60, v6;
	v60 =	vld [tilespmem:$0x1F5F0]  }
0xa3: {  	v2 =	vadd.f32 v61, v2;
	v61 =	vld [tilespmem:$0x1F600]  }
0xa4: {  	v28 =	vld [tilespmem:$0x2290]  }
0xa5: {  	v62 =	vld [tilespmem:$0x1F610]  }
0xa6: {  	v63 =	vld [tilespmem:$0x1F620]  }
0xa7: {  	v29 =	vld [tilespmem:$0x22A0]  }
0xa8: {  	v34 =	vld [tilespmem:$0x1F630]  }
0xa9: {  	v35 =	vld [tilespmem:$0x1F640]  }
0xaa: {  	v30 =	vld [tilespmem:$0x22B0]  }
0xab: {  	v38 =	vld [tilespmem:$0x1F650]  }
0xac: {  	v39 =	vld [tilespmem:$0x1F660]  }
0xad: {  	v31 =	vld [tilespmem:$0x22C0]  }
0xae: {  	v40 =	vld [tilespmem:$0x1F670]  }
0xaf: {  	v41 =	vld [tilespmem:$0x1F680]  }
0xb0: {  	v42 =	vld [tilespmem:$0x1F690]  }
0xb1: {  	v43 =	vld [tilespmem:$0x1F6A0]  }
0xb2: {  	v44 =	vld [tilespmem:$0x1F6B0]  }
0xb3: {  	v45 =	vld [tilespmem:$0x1F6C0]  }
0xb4: {  	v46 =	vld [tilespmem:$0x1F6D0]  }
0xb5: {  	v47 =	vld [tilespmem:$0x1F6E0]  }
0xb6: {  	v50 =	vld [tilespmem:$0x1F6F0]  }
0xb7: {  	v51 =	vld [tilespmem:$0x1F700]  }
0xb8: {  	v54 =	vld [tilespmem:$0x1F710]  }
0xb9: {  	v2 =	vadd.f32 v57, v2;
	v57 =	vld [tilespmem:$0x1F730]  }
0xba: {  	v6 =	vadd.f32 v55, v6;
	v55 =	vld [tilespmem:$0x1F720]  }
0xbb: {  	v0 =	vadd.f32 v59, v0;
	v59 =	vld [tilespmem:$0x1F750]  }
0xbc: {  	v2 =	vadd.f32 v60, v2;
	v60 =	vld [tilespmem:$0x1F760]  }
0xbd: {  	v1 =	vadd.f32 v61, v1;
	v61 =	vld [tilespmem:$0x1F770]  }
0xbe: {  	v2 =	vadd.f32 v34, v2;
	v34 =	vld [tilespmem:$0x22D0]  }
0xbf: {  	v1 =	vadd.f32 v35, v1;
	v35 =	vld [tilespmem:$0x22E0]  }
0xc0: {  	v6 =	vadd.f32 v58, v6;
	v0 =	vadd.f32 v63, v0;
	v58 =	vld [tilespmem:$0x1F740]  }
0xc1: {  	v63 =	vld [tilespmem:$0x1F790]  }
0xc2: {  	v0 =	vadd.f32 v39, v0;
	v39 =	vld [tilespmem:$0x2300]  }
0xc3: {  	v2 =	vadd.f32 v40, v2;
	v40 =	vld [tilespmem:$0x2310]  }
0xc4: {  	v6 =	vadd.f32 v62, v6;
	v1 =	vadd.f32 v41, v1;
	v41 =	vld [tilespmem:$0x2320]  }
0xc5: {  	v62 =	vld [tilespmem:$0x1F780]  }
0xc6: {  	v6 =	vadd.f32 v38, v6;
	v38 =	vld [tilespmem:$0x22F0]  }
0xc7: {  	v0 =	vadd.f32 v43, v0;
	v43 =	vld [tilespmem:$0x2340]  }
0xc8: {  	v2 =	vadd.f32 v44, v2;
	v44 =	vld [tilespmem:$0x2350]  }
0xc9: {  	v1 =	vadd.f32 v45, v1;
	v45 =	vld [tilespmem:$0x2360]  }
0xca: {  	v6 =	vadd.f32 v42, v6;
	v42 =	vld [tilespmem:$0x2330]  }
0xcb: {  	v2 =	vadd.f32 v50, v2;
	v50 =	vld [tilespmem:$0x1F7A0]  }
0xcc: {  	v0 =	vadd.f32 v47, v0;
	v1 =	vadd.f32 v51, v1;
	v51 =	vld [tilespmem:$0x1F7B0]  }
0xcd: {  	v47 =	vld [tilespmem:$0x2380]  }
0xce: {  	v0 =	vadd.f32 v55, v0;
	v55 =	vld [tilespmem:$0x1F7D0]  }
0xcf: {  	v6 =	vadd.f32 v46, v6;
	v2 =	vadd.f32 v57, v2;
	v57 =	vld [tilespmem:$0x1F7E0]  }
0xd0: {  	v1 =	vadd.f32 v58, v1;
	v58 =	vld [tilespmem:$0x1F7F0]  }
0xd1: {  	v6 =	vadd.f32 v54, v6;
	v54 =	vld [tilespmem:$0x1F7C0]  }
0xd2: {  	v0 =	vadd.f32 v60, v0;
	v60 =	vld [tilespmem:$0x1F810]  }
0xd3: {  	v2 =	vadd.f32 v61, v2;
	v61 =	vld [tilespmem:$0x1F820];
	v6 =	vadd.f32 v59, v6  }
0xd4: {  	v1 =	vadd.f32 v62, v1;
	v62 =	vld [tilespmem:$0x1F830];
	v0 =	vadd.f32 v50, v0  }
0xd5: {  	v2 =	vadd.f32 v51, v2;
	v59 =	vld [tilespmem:$0x1F800];
	v6 =	vadd.f32 v63, v6  }
0xd6: {  	v0 =	vadd.f32 v57, v0;
	v63 =	vld [tilespmem:$0x1F840]  }
0xd7: {  	v46 =	vld [tilespmem:$0x2370];
	v2 =	vadd.f32 v58, v2;
	v6 =	vadd.f32 v55, v6  }
0xd8: {  	v50 =	vld [tilespmem:$0x2390];
	v1 =	vadd.f32 v54, v1;
	v0 =	vadd.f32 v61, v0  }
0xd9: {  	v51 =	vld [tilespmem:$0x23A0];
	v2 =	vadd.f32 v62, v2;
	v6 =	vadd.f32 v60, v6  }
0xda: {  	v57 =	vld [tilespmem:$0x2490];
	v1 =	vadd.f32 v59, v1;
	v0 =	vadd.f32 v3, v0  }
0xdb: {  	v58 =	vld [tilespmem:$0x24A0];
	v2 =	vadd.f32 v4, v2;
	v6 =	vadd.f32 v63, v6  }
0xdc: {  	v54 =	vld [tilespmem:$0x23B0];
	v1 =	vadd.f32 v56, v1;
	v0 =	vadd.f32 v17, v0  }
0xdd: {  	v55 =	vld [tilespmem:$0x2470];
	v2 =	vadd.f32 v20, v2;
	v5 =	vadd.f32 v5, v6  }
0xde: {  	v61 =	vld [tilespmem:$0x24D0];
	v1 =	vadd.f32 v16, v1;
	v0 =	vadd.f32 v33, v0  }
0xdf: {  	v62 =	vld [tilespmem:$0x24E0];
	v2 =	vadd.f32 v36, v2;
	v5 =	vadd.f32 v21, v5  }
0xe0: {  	v59 =	vld [tilespmem:$0x24B0];
	v1 =	vadd.f32 v32, v1;
	v0 =	vadd.f32 v49, v0  }
0xe1: {  	v3 =	vld [tilespmem:$0x23C0];
	v2 =	vadd.f32 v52, v2;
	v5 =	vadd.f32 v37, v5  }
0xe2: {  	v4 =	vld [tilespmem:$0x23D0];
	v1 =	vadd.f32 v48, v1;
	v0 =	vadd.f32 v8, v0  }
0xe3: {  	v60 =	vld [tilespmem:$0x24C0];
	v2 =	vadd.f32 v9, v2;
	v5 =	vadd.f32 v53, v5  }
0xe4: {  	v56 =	vld [tilespmem:$0x2480];
	v1 =	vadd.f32 v7, v1;
	v0 =	vadd.f32 v12, v0  }
0xe5: {  	v17 =	vld [tilespmem:$0x2400];
	v2 =	vadd.f32 v13, v2;
	v5 =	vadd.f32 v10, v5  }
0xe6: {  	v20 =	vld [tilespmem:$0x2410];
	v1 =	vadd.f32 v11, v1;
	v0 =	vadd.f32 v18, v0  }
0xe7: {  	v63 =	vld [tilespmem:$0x24F0];
	v2 =	vadd.f32 v19, v2;
	v5 =	vadd.f32 v14, v5  }
0xe8: {  	v16 =	vld [tilespmem:$0x23F0];
	v1 =	vadd.f32 v15, v1;
	v0 =	vadd.f32 v24, v0  }
0xe9: {  	v6 =	vld [tilespmem:$0x23E0];
	v2 =	vadd.f32 v25, v2;
	v5 =	vadd.f32 v22, v5  }
0xea: {  	v33 =	vld [tilespmem:$0x2510];
	v1 =	vadd.f32 v23, v1;
	v0 =	vadd.f32 v28, v0  }
0xeb: {  	v36 =	vld [tilespmem:$0x2540];
	v2 =	vadd.f32 v29, v2;
	v5 =	vadd.f32 v26, v5  }
0xec: {  	v32 =	vld [tilespmem:$0x2500];
	v1 =	vadd.f32 v27, v1;
	v0 =	vadd.f32 v34, v0  }
0xed: {  	v21 =	vld [tilespmem:$0x2420];
	v2 =	vadd.f32 v35, v2;
	v5 =	vadd.f32 v30, v5  }
0xee: {  	v49 =	vld [tilespmem:$0x2440];
	v1 =	vadd.f32 v31, v1;
	v0 =	vadd.f32 v40, v0  }
0xef: {  	v52 =	vld [tilespmem:$0x2450];
	v2 =	vadd.f32 v41, v2;
	v5 =	vadd.f32 v38, v5  }
0xf0: {  	v48 =	vld [tilespmem:$0x2430];
	v1 =	vadd.f32 v39, v1;
	v0 =	vadd.f32 v44, v0  }
0xf1: {  	v37 =	vld [tilespmem:$0x2550];
	v2 =	vadd.f32 v45, v2;
	v5 =	vadd.f32 v42, v5  }
0xf2: {  	v53 =	vld [tilespmem:$0x2460];
	v1 =	vadd.f32 v43, v1;
	v0 =	vadd.f32 v50, v0  }
0xf3: {  	v34 =	vld [tilespmem:$0x2520];
	v2 =	vadd.f32 v51, v2;
	v5 =	vadd.f32 v46, v5  }
0xf4: {  	v35 =	vld [tilespmem:$0x2530];
	v1 =	vadd.f32 v47, v1;
	v0 =	vadd.f32 v4, v0  }
0xf5: {  	v40 =	vld [tilespmem:$0x2580];
	v2 =	vadd.f32 v6, v2;
	v5 =	vadd.f32 v54, v5  }
0xf6: {  	v41 =	vld [tilespmem:$0x2590];
	v1 =	vadd.f32 v3, v1;
	v0 =	vadd.f32 v20, v0  }
0xf7: {  	v39 =	vld [tilespmem:$0x2570];
	v2 =	vadd.f32 v21, v2;
	v5 =	vadd.f32 v16, v5  }
0xf8: {  	v38 =	vld [tilespmem:$0x2560];
	v1 =	vadd.f32 v17, v1;
	v0 =	vadd.f32 v52, v0  }
0xf9: {  	v44 =	vld [tilespmem:$0x25C0];
	v2 =	vadd.f32 v53, v2;
	v5 =	vadd.f32 v48, v5  }
0xfa: {  	v45 =	vld [tilespmem:$0x25D0];
	v1 =	vadd.f32 v49, v1;
	v0 =	vadd.f32 v57, v0  }
0xfb: {  	v43 =	vld [tilespmem:$0x25B0];
	v2 =	vadd.f32 v58, v2;
	v5 =	vadd.f32 v55, v5  }
0xfc: {  	v42 =	vld [tilespmem:$0x25A0];
	v1 =	vadd.f32 v56, v1;
	v0 =	vadd.f32 v61, v0  }
0xfd: {  	v50 =	vld [tilespmem:$0x2620];
	v2 =	vadd.f32 v62, v2;
	v5 =	vadd.f32 v59, v5  }
0xfe: {  	v51 =	vld [tilespmem:$0x2630];
	v1 =	vadd.f32 v60, v1;
	v0 =	vadd.f32 v33, v0  }
0xff: {  	v47 =	vld [tilespmem:$0x25F0];
	v2 =	vadd.f32 v34, v2;
	v5 =	vadd.f32 v63, v5  }
0x100: {  	v46 =	vld [tilespmem:$0x25E0];
	v1 =	vadd.f32 v32, v1;
	v0 =	vadd.f32 v37, v0  }
0x101: {  	v49 =	vld [tilespmem:$0x2610];
	v2 =	vadd.f32 v38, v2;
	v5 =	vadd.f32 v35, v5  }
0x102: {  	v53 =	vld [tilespmem:$0x2650];
	v1 =	vadd.f32 v36, v1;
	v0 =	vadd.f32 v41, v0  }
0x103: {  	v48 =	vld [tilespmem:$0x2600];
	v2 =	vadd.f32 v42, v2;
	v5 =	vadd.f32 v39, v5  }
0x104: {  	v54 =	vld [tilespmem:$0x2660];
	v1 =	vadd.f32 v40, v1;
	v0 =	vadd.f32 v45, v0  }
0x105: {  	v52 =	vld [tilespmem:$0x2640];
	v2 =	vadd.f32 v46, v2;
	v5 =	vadd.f32 v43, v5  }
0x106: {  	v55 =	vld [tilespmem:$0x2670];
	v1 =	vadd.f32 v44, v1;
	v0 =	vadd.f32 v49, v0  }
0x107: {  	v2 =	vadd.f32 v50, v2;
	v5 =	vadd.f32 v47, v5  }
0x108: {  	v1 =	vadd.f32 v48, v1;
	v0 =	vadd.f32 v53, v0  }
0x109: {  	v2 =	vadd.f32 v54, v2;
	v56 =	vadd.f32 v51, v5  }
0x10a: {  	v1 =	vadd.f32 v52, v1;
	v0 =	vmul.f32 $1.999999960e-02, v0  }
0x10b: {  	v57 =	vmul.f32 $1.999999960e-02, v2;
	v3 =	vadd.f32 v55, v56  }
0x10c: {  	v1 =	vmul.f32 $1.999999960e-02, v1;
	[tilespmem:s16+$0xFFFFFF90] =	vst v0  }
0x10d: {  	[tilespmem:s16+$0xFFFFFFA0] =	vst v57;
	v58 =	vmul.f32 $1.999999960e-02, v3  }
0x10e: {  	[tilespmem:s16+$0xFFFFFF80] =	vst v1  }
0x10f: {  	[tilespmem:s16+$0xFFFFFFB0] =	vst v58  }
0x110: {  	v56 =	vld [tilespmem:$0x2A70];
	_ =	sdelay $0x4  }
0x111: {  	[tilespmem:$0x1F860] =	vst v56;
	v56 =	vld [tilespmem:$0x2A90];
	_ =	sdelay $0x4  }
0x112: {  	[tilespmem:$0x1F870] =	vst v56;
	v56 =	vld [tilespmem:$0x2AA0];
	_ =	sdelay $0x1  }
0x113: {  	v3 =	vld [tilespmem:$0x2680]  }
0x114: {  	v4 =	vld [tilespmem:$0x2690]  }
0x115: {  	v5 =	vld [tilespmem:$0x26A0]  }
0x116: {  	[tilespmem:$0x1F880] =	vst v56;
	v56 =	vld [tilespmem:$0x2AB0]  }
0x117: {  	v16 =	vld [tilespmem:$0x26B0]  }
0x118: {  	v17 =	vld [tilespmem:$0x26C0]  }
0x119: {  	v20 =	vld [tilespmem:$0x26D0]  }
0x11a: {  	v21 =	vld [tilespmem:$0x26E0]  }
0x11b: {  	[tilespmem:$0x1F8A0] =	vst v56;
	v56 =	vld [tilespmem:$0x2AC0]  }
0x11c: {  	v32 =	vld [tilespmem:$0x26F0]  }
0x11d: {  	v33 =	vld [tilespmem:$0x2700]  }
0x11e: {  	v36 =	vld [tilespmem:$0x2710]  }
0x11f: {  	v37 =	vld [tilespmem:$0x2720]  }
0x120: {  	[tilespmem:$0x1F890] =	vst v56;
	v56 =	vld [tilespmem:$0x2AD0]  }
0x121: {  	v48 =	vld [tilespmem:$0x2730]  }
0x122: {  	v49 =	vld [tilespmem:$0x2740]  }
0x123: {  	v52 =	vld [tilespmem:$0x2750]  }
0x124: {  	v53 =	vld [tilespmem:$0x2760]  }
0x125: {  	[tilespmem:$0x1F8B0] =	vst v56;
	v56 =	vld [tilespmem:$0x2AE0]  }
0x126: {  	v62 =	vld [tilespmem:$0x2770]  }
0x127: {  	v63 =	vld [tilespmem:$0x2780]  }
0x128: {  	v0 =	vld [tilespmem:$0x2790]  }
0x129: {  	v2 =	vld [tilespmem:$0x27A0]  }
0x12a: {  	[tilespmem:$0x1F8C0] =	vst v56;
	v56 =	vld [tilespmem:$0x2AF0]  }
0x12b: {  	v9 =	vld [tilespmem:$0x27B0]  }
0x12c: {  	v1 =	vld [tilespmem:$0x27C0]  }
0x12d: {  	v6 =	vld [tilespmem:$0x27D0]  }
0x12e: {  	v8 =	vld [tilespmem:$0x27E0]  }
0x12f: {  	[tilespmem:$0x1F8E0] =	vst v56;
	v56 =	vld [tilespmem:$0x2B00]  }
0x130: {  	v13 =	vld [tilespmem:$0x27F0]  }
0x131: {  	v7 =	vld [tilespmem:$0x2800]  }
0x132: {  	v10 =	vld [tilespmem:$0x2810]  }
0x133: {  	v12 =	vld [tilespmem:$0x2820]  }
0x134: {  	[tilespmem:$0x1F8D0] =	vst v56;
	v56 =	vld [tilespmem:$0x2B10]  }
0x135: {  	v19 =	vld [tilespmem:$0x2830]  }
0x136: {  	v11 =	vld [tilespmem:$0x2840]  }
0x137: {  	v14 =	vld [tilespmem:$0x2850]  }
0x138: {  	v18 =	vld [tilespmem:$0x2860]  }
0x139: {  	[tilespmem:$0x1F8F0] =	vst v56;
	v56 =	vld [tilespmem:$0x2B20]  }
0x13a: {  	v25 =	vld [tilespmem:$0x2870]  }
0x13b: {  	v15 =	vld [tilespmem:$0x2880]  }
0x13c: {  	v22 =	vld [tilespmem:$0x2890]  }
0x13d: {  	v24 =	vld [tilespmem:$0x28A0]  }
0x13e: {  	[tilespmem:$0x1F900] =	vst v56;
	v56 =	vld [tilespmem:$0x2B30]  }
0x13f: {  	v29 =	vld [tilespmem:$0x28B0]  }
0x140: {  	v23 =	vld [tilespmem:$0x28C0]  }
0x141: {  	v26 =	vld [tilespmem:$0x28D0]  }
0x142: {  	v28 =	vld [tilespmem:$0x28E0]  }
0x143: {  	[tilespmem:$0x1F920] =	vst v56;
	v56 =	vld [tilespmem:$0x2B40]  }
0x144: {  	v35 =	vld [tilespmem:$0x28F0]  }
0x145: {  	v27 =	vld [tilespmem:$0x2900]  }
0x146: {  	v30 =	vld [tilespmem:$0x2910]  }
0x147: {  	v34 =	vld [tilespmem:$0x2920]  }
0x148: {  	[tilespmem:$0x1F910] =	vst v56;
	v56 =	vld [tilespmem:$0x2B50]  }
0x149: {  	v41 =	vld [tilespmem:$0x2930]  }
0x14a: {  	v31 =	vld [tilespmem:$0x2940]  }
0x14b: {  	v38 =	vld [tilespmem:$0x2950]  }
0x14c: {  	v40 =	vld [tilespmem:$0x2960]  }
0x14d: {  	[tilespmem:$0x1F930] =	vst v56;
	v56 =	vld [tilespmem:$0x2B60]  }
0x14e: {  	v45 =	vld [tilespmem:$0x2970]  }
0x14f: {  	v39 =	vld [tilespmem:$0x2980]  }
0x150: {  	v42 =	vld [tilespmem:$0x2990]  }
0x151: {  	v44 =	vld [tilespmem:$0x29A0]  }
0x152: {  	[tilespmem:$0x1F940] =	vst v56;
	v56 =	vld [tilespmem:$0x2B70]  }
0x153: {  	v51 =	vld [tilespmem:$0x29B0]  }
0x154: {  	v43 =	vld [tilespmem:$0x29C0]  }
0x155: {  	v46 =	vld [tilespmem:$0x29D0]  }
0x156: {  	v50 =	vld [tilespmem:$0x29E0]  }
0x157: {  	[tilespmem:$0x1F960] =	vst v56;
	v56 =	vld [tilespmem:$0x2B80]  }
0x158: {  	v60 =	vld [tilespmem:$0x29F0]  }
0x159: {  	v47 =	vld [tilespmem:$0x2A00]  }
0x15a: {  	v54 =	vld [tilespmem:$0x2A10]  }
0x15b: {  	v61 =	vld [tilespmem:$0x2A20]  }
0x15c: {  	[tilespmem:$0x1F950] =	vst v56;
	v56 =	vld [tilespmem:$0x2B90]  }
0x15d: {  	v59 =	vld [tilespmem:$0x2A30]  }
0x15e: {  	v55 =	vld [tilespmem:$0x2A40]  }
0x15f: {  	v58 =	vld [tilespmem:$0x2A50]  }
0x160: {  	v57 =	vld [tilespmem:$0x2A60]  }
0x161: {  	[tilespmem:$0x1F970] =	vst v56;
	v56 =	vld [tilespmem:$0x2BA0]  }
0x162: {  	[tilespmem:$0x1F850] =	vst v59;
	v59 =	vld [tilespmem:$0x2A80]  }
0x163: {  	v17 =	vadd.f32 v17, v3;
	v3 =	vld [tilespmem:$0x2D10]  }
0x164: {  	v20 =	vadd.f32 v20, v4;
	v4 =	vld [tilespmem:$0x2D20]  }
0x165: {  	v21 =	vadd.f32 v21, v5;
	v5 =	vld [tilespmem:$0x2D30]  }
0x166: {  	v17 =	vadd.f32 v33, v17;
	[tilespmem:$0x1F980] =	vst v56;
	v56 =	vld [tilespmem:$0x2BB0]  }
0x167: {  	v32 =	vadd.f32 v32, v16;
	v16 =	vld [tilespmem:$0x2D40];
	v20 =	vadd.f32 v36, v20  }
0x168: {  	v21 =	vadd.f32 v37, v21;
	v33 =	vadd.f32 v49, v17;
	v17 =	vld [tilespmem:$0x2D50]  }
0x169: {  	v36 =	vadd.f32 v52, v20;
	v20 =	vld [tilespmem:$0x2D60]  }
0x16a: {  	v32 =	vadd.f32 v48, v32;
	v37 =	vadd.f32 v53, v21;
	v21 =	vld [tilespmem:$0x2D70]  }
0x16b: {  	[tilespmem:$0x1F9A0] =	vst v56;
	v56 =	vld [tilespmem:$0x2BC0]  }
0x16c: {  	v48 =	vadd.f32 v62, v32;
	v32 =	vld [tilespmem:$0x2D80]  }
0x16d: {  	v49 =	vld [tilespmem:$0x2DD0]  }
0x16e: {  	v52 =	vld [tilespmem:$0x2DE0]  }
0x16f: {  	v0 =	vadd.f32 v0, v36;
	v36 =	vld [tilespmem:$0x2DA0]  }
0x170: {  	[tilespmem:$0x1F990] =	vst v56;
	v56 =	vld [tilespmem:$0x2BD0]  }
0x171: {  	v33 =	vadd.f32 v63, v33;
	v2 =	vadd.f32 v2, v37;
	v37 =	vld [tilespmem:$0x2DB0]  }
0x172: {  	v9 =	vadd.f32 v9, v48;
	v48 =	vld [tilespmem:$0x2DC0]  }
0x173: {  	v1 =	vadd.f32 v1, v33;
	v33 =	vld [tilespmem:$0x2D90]  }
0x174: {  	v2 =	vadd.f32 v8, v2;
	v8 =	vld [tilespmem:$0x2E10]  }
0x175: {  	[tilespmem:$0x1F9B0] =	vst v56;
	v56 =	vld [tilespmem:$0x2BE0]  }
0x176: {  	v53 =	vadd.f32 v13, v9;
	v9 =	vld [tilespmem:$0x2E20]  }
0x177: {  	v13 =	vld [tilespmem:$0x2E60]  }
0x178: {  	v0 =	vadd.f32 v6, v0;
	v6 =	vadd.f32 v19, v53;
	v53 =	vld [tilespmem:$0x2DF0]  }
0x179: {  	v1 =	vadd.f32 v7, v1;
	v7 =	vld [tilespmem:$0x2E00]  }
0x17a: {  	[tilespmem:$0x1F9C0] =	vst v56;
	v56 =	vld [tilespmem:$0x2BF0]  }
0x17b: {  	v0 =	vadd.f32 v10, v0;
	v10 =	vld [tilespmem:$0x2E30]  }
0x17c: {  	v2 =	vadd.f32 v12, v2;
	v12 =	vld [tilespmem:$0x2E50]  }
0x17d: {  	v19 =	vld [tilespmem:$0x2EA0]  }
0x17e: {  	v1 =	vadd.f32 v11, v1;
	v11 =	vld [tilespmem:$0x2E40]  }
0x17f: {  	[tilespmem:$0x1F9E0] =	vst v56;
	v56 =	vld [tilespmem:$0x2C00]  }
0x180: {  	v0 =	vadd.f32 v14, v0;
	v14 =	vld [tilespmem:$0x2E70]  }
0x181: {  	v2 =	vadd.f32 v18, v2;
	v18 =	vld [tilespmem:$0x2E90]  }
0x182: {  	v6 =	vadd.f32 v25, v6;
	v25 =	vld [tilespmem:$0x2EE0]  }
0x183: {  	v1 =	vadd.f32 v15, v1;
	v15 =	vld [tilespmem:$0x2E80]  }
0x184: {  	[tilespmem:$0x1F9D0] =	vst v56;
	v56 =	vld [tilespmem:$0x2C10]  }
0x185: {  	v0 =	vadd.f32 v22, v0;
	v22 =	vld [tilespmem:$0x2EB0]  }
0x186: {  	v2 =	vadd.f32 v24, v2;
	v24 =	vld [tilespmem:$0x2ED0]  }
0x187: {  	v6 =	vadd.f32 v29, v6;
	v29 =	vld [tilespmem:$0x2F20]  }
0x188: {  	v1 =	vadd.f32 v23, v1;
	v2 =	vadd.f32 v28, v2;
	v23 =	vld [tilespmem:$0x2EC0]  }
0x189: {  	v0 =	vadd.f32 v26, v0;
	v6 =	vadd.f32 v35, v6;
	[tilespmem:$0x1F9F0] =	vst v56;
	v56 =	vld [tilespmem:$0x2C20]  }
0x18a: {  	v26 =	vld [tilespmem:$0x2EF0];
	v1 =	vadd.f32 v27, v1;
	v2 =	vadd.f32 v34, v2  }
0x18b: {  	v28 =	vld [tilespmem:$0x2F10];
	v0 =	vadd.f32 v30, v0;
	v6 =	vadd.f32 v41, v6  }
0x18c: {  	v62 =	vld [tilespmem:$0x1F8A0];
	v1 =	vadd.f32 v31, v1;
	v2 =	vadd.f32 v40, v2  }
0x18d: {  	v27 =	vld [tilespmem:$0x2F00];
	v0 =	vadd.f32 v38, v0;
	v6 =	vadd.f32 v45, v6  }
0x18e: {  	v1 =	vadd.f32 v39, v1;
	v2 =	vadd.f32 v44, v2;
	[tilespmem:$0x1FA00] =	vst v56;
	v56 =	vld [tilespmem:$0x2C30]  }
0x18f: {  	v30 =	vld [tilespmem:$0x2F30];
	v0 =	vadd.f32 v42, v0;
	v6 =	vadd.f32 v51, v6  }
0x190: {  	v31 =	vld [tilespmem:$0x2F40];
	v1 =	vadd.f32 v43, v1;
	v2 =	vadd.f32 v50, v2  }
0x191: {  	v0 =	vadd.f32 v46, v0;
	v6 =	vadd.f32 v60, v6;
	v60 =	vld [tilespmem:$0x1F880]  }
0x192: {  	v1 =	vadd.f32 v47, v1;
	v2 =	vadd.f32 v61, v2;
	v61 =	vld [tilespmem:$0x1F890]  }
0x193: {  	[tilespmem:$0x1FA20] =	vst v56;
	v56 =	vld [tilespmem:$0x2C40]  }
0x194: {  	v0 =	vadd.f32 v54, v0;
	v1 =	vadd.f32 v55, v1;
	v55 =	vld [tilespmem:$0x1F850]  }
0x195: {  	v63 =	vld [tilespmem:$0x1F8B0]  }
0x196: {  	v0 =	vadd.f32 v58, v0;
	v58 =	vld [tilespmem:$0x1F860]  }
0x197: {  	v34 =	vld [tilespmem:$0x1F8C0]  }
0x198: {  	v2 =	vadd.f32 v57, v2;
	[tilespmem:$0x1FA10] =	vst v56;
	v56 =	vld [tilespmem:$0x2C50]  }
0x199: {  	v1 =	vadd.f32 v59, v1;
	v59 =	vld [tilespmem:$0x1F870];
	v6 =	vadd.f32 v55, v6  }
0x19a: {  	v2 =	vadd.f32 v60, v2;
	v38 =	vld [tilespmem:$0x1F8E0]  }
0x19b: {  	v6 =	vadd.f32 v58, v6;
	v35 =	vld [tilespmem:$0x1F8D0]  }
0x19c: {  	v2 =	vadd.f32 v34, v2;
	v34 =	vld [tilespmem:$0x2F50]  }
0x19d: {  	v6 =	vadd.f32 v62, v6;
	[tilespmem:$0x1FA30] =	vst v56;
	v56 =	vld [tilespmem:$0x2C60]  }
0x19e: {  	v1 =	vadd.f32 v61, v1;
	v39 =	vld [tilespmem:$0x1F8F0]  }
0x19f: {  	v0 =	vadd.f32 v59, v0;
	v6 =	vadd.f32 v38, v6;
	v38 =	vld [tilespmem:$0x2F70]  }
0x1a0: {  	v1 =	vadd.f32 v35, v1;
	v35 =	vld [tilespmem:$0x2F60]  }
0x1a1: {  	v0 =	vadd.f32 v63, v0;
	v40 =	vld [tilespmem:$0x1F900]  }
0x1a2: {  	[tilespmem:$0x1FA40] =	vst v56;
	v56 =	vld [tilespmem:$0x2C70]  }
0x1a3: {  	v0 =	vadd.f32 v39, v0;
	v39 =	vld [tilespmem:$0x2F80]  }
0x1a4: {  	v42 =	vld [tilespmem:$0x1F920]  }
0x1a5: {  	v41 =	vld [tilespmem:$0x1F910]  }
0x1a6: {  	v2 =	vadd.f32 v40, v2;
	v40 =	vld [tilespmem:$0x2F90]  }
0x1a7: {  	[tilespmem:$0x1FA60] =	vst v56;
	v56 =	vld [tilespmem:$0x2C80]  }
0x1a8: {  	v43 =	vld [tilespmem:$0x1F930]  }
0x1a9: {  	v6 =	vadd.f32 v42, v6;
	v42 =	vld [tilespmem:$0x2FB0]  }
0x1aa: {  	v1 =	vadd.f32 v41, v1;
	v41 =	vld [tilespmem:$0x2FA0]  }
0x1ab: {  	v44 =	vld [tilespmem:$0x1F940]  }
0x1ac: {  	[tilespmem:$0x1FA50] =	vst v56;
	v56 =	vld [tilespmem:$0x2C90]  }
0x1ad: {  	v0 =	vadd.f32 v43, v0;
	v43 =	vld [tilespmem:$0x2FC0]  }
0x1ae: {  	v46 =	vld [tilespmem:$0x1F960]  }
0x1af: {  	v45 =	vld [tilespmem:$0x1F950]  }
0x1b0: {  	v2 =	vadd.f32 v44, v2;
	v44 =	vld [tilespmem:$0x2FD0]  }
0x1b1: {  	[tilespmem:$0x1FA70] =	vst v56;
	v56 =	vld [tilespmem:$0x2CA0]  }
0x1b2: {  	v47 =	vld [tilespmem:$0x1F970]  }
0x1b3: {  	v6 =	vadd.f32 v46, v6;
	v46 =	vld [tilespmem:$0x2FF0]  }
0x1b4: {  	v1 =	vadd.f32 v45, v1;
	v45 =	vld [tilespmem:$0x2FE0]  }
0x1b5: {  	v50 =	vld [tilespmem:$0x1F980]  }
0x1b6: {  	[tilespmem:$0x1FA80] =	vst v56;
	v56 =	vld [tilespmem:$0x2CB0]  }
0x1b7: {  	v0 =	vadd.f32 v47, v0;
	v47 =	vld [tilespmem:$0x3000]  }
0x1b8: {  	v54 =	vld [tilespmem:$0x1F9A0]  }
0x1b9: {  	v51 =	vld [tilespmem:$0x1F990]  }
0x1ba: {  	v55 =	vld [tilespmem:$0x1F9B0]  }
0x1bb: {  	[tilespmem:$0x1FAA0] =	vst v56;
	v56 =	vld [tilespmem:$0x2CC0]  }
0x1bc: {  	v57 =	vld [tilespmem:$0x1F9C0]  }
0x1bd: {  	v59 =	vld [tilespmem:$0x1F9E0]  }
0x1be: {  	v58 =	vld [tilespmem:$0x1F9D0]  }
0x1bf: {  	v60 =	vld [tilespmem:$0x1F9F0]  }
0x1c0: {  	[tilespmem:$0x1FA90] =	vst v56;
	v56 =	vld [tilespmem:$0x2CD0]  }
0x1c1: {  	v61 =	vld [tilespmem:$0x1FA00]  }
0x1c2: {  	v63 =	vld [tilespmem:$0x1FA20]  }
0x1c3: {  	v62 =	vld [tilespmem:$0x1FA10]  }
0x1c4: {  	v2 =	vadd.f32 v50, v2;
	v50 =	vld [tilespmem:$0x1FA30]  }
0x1c5: {  	[tilespmem:$0x1FAB0] =	vst v56;
	v56 =	vld [tilespmem:$0x2CE0]  }
0x1c6: {  	v1 =	vadd.f32 v51, v1;
	v51 =	vld [tilespmem:$0x1FA40]  }
0x1c7: {  	v0 =	vadd.f32 v55, v0;
	v55 =	vld [tilespmem:$0x1FA60]  }
0x1c8: {  	v6 =	vadd.f32 v54, v6;
	v54 =	vld [tilespmem:$0x1FA50]  }
0x1c9: {  	v2 =	vadd.f32 v57, v2;
	v57 =	vld [tilespmem:$0x1FA70]  }
0x1ca: {  	[tilespmem:$0x1FAC0] =	vst v56;
	v56 =	vld [tilespmem:$0x2CF0]  }
0x1cb: {  	v1 =	vadd.f32 v58, v1;
	v58 =	vld [tilespmem:$0x1FA80]  }
0x1cc: {  	v0 =	vadd.f32 v60, v0;
	v60 =	vld [tilespmem:$0x1FAA0]  }
0x1cd: {  	v6 =	vadd.f32 v59, v6;
	v2 =	vadd.f32 v61, v2;
	v61 =	vld [tilespmem:$0x1FAB0]  }
0x1ce: {  	v1 =	vadd.f32 v62, v1;
	v0 =	vadd.f32 v50, v0;
	v62 =	vld [tilespmem:$0x1FAC0]  }
0x1cf: {  	v6 =	vadd.f32 v63, v6;
	v2 =	vadd.f32 v51, v2;
	v59 =	vld [tilespmem:$0x1FA90];
	[tilespmem:$0x1FAD0] =	vst v56  }
0x1d0: {  	v0 =	vadd.f32 v57, v0;
	v63 =	vld [tilespmem:$0x1FAD0]  }
0x1d1: {  	v6 =	vadd.f32 v55, v6;
	v2 =	vadd.f32 v58, v2;
	v56 =	vld [tilespmem:$0x2D00]  }
0x1d2: {  	v50 =	vld [tilespmem:$0x3010];
	v1 =	vadd.f32 v54, v1;
	v0 =	vadd.f32 v61, v0  }
0x1d3: {  	v51 =	vld [tilespmem:$0x3020];
	v6 =	vadd.f32 v60, v6;
	v2 =	vadd.f32 v62, v2  }
0x1d4: {  	v55 =	vld [tilespmem:$0x30F0];
	v1 =	vadd.f32 v59, v1;
	v0 =	vadd.f32 v3, v0  }
0x1d5: {  	v54 =	vld [tilespmem:$0x3030];
	v2 =	vadd.f32 v4, v2;
	v6 =	vadd.f32 v63, v6  }
0x1d6: {  	v57 =	vld [tilespmem:$0x3110];
	v0 =	vadd.f32 v17, v0;
	v1 =	vadd.f32 v56, v1  }
0x1d7: {  	v58 =	vld [tilespmem:$0x3120];
	v2 =	vadd.f32 v20, v2;
	v5 =	vadd.f32 v5, v6  }
0x1d8: {  	v60 =	vld [tilespmem:$0x3140];
	v0 =	vadd.f32 v33, v0;
	v1 =	vadd.f32 v16, v1  }
0x1d9: {  	v59 =	vld [tilespmem:$0x3130];
	v2 =	vadd.f32 v36, v2;
	v5 =	vadd.f32 v21, v5  }
0x1da: {  	v61 =	vld [tilespmem:$0x3150];
	v0 =	vadd.f32 v49, v0;
	v1 =	vadd.f32 v32, v1  }
0x1db: {  	v3 =	vld [tilespmem:$0x3040];
	v2 =	vadd.f32 v52, v2;
	v5 =	vadd.f32 v37, v5  }
0x1dc: {  	v17 =	vld [tilespmem:$0x3080];
	v0 =	vadd.f32 v8, v0;
	v1 =	vadd.f32 v48, v1  }
0x1dd: {  	v62 =	vld [tilespmem:$0x3160];
	v2 =	vadd.f32 v9, v2;
	v5 =	vadd.f32 v53, v5  }
0x1de: {  	v33 =	vld [tilespmem:$0x3190];
	v0 =	vadd.f32 v12, v0;
	v1 =	vadd.f32 v7, v1  }
0x1df: {  	v4 =	vld [tilespmem:$0x3050];
	v2 =	vadd.f32 v13, v2;
	v5 =	vadd.f32 v10, v5  }
0x1e0: {  	v49 =	vld [tilespmem:$0x30C0];
	v0 =	vadd.f32 v18, v0;
	v1 =	vadd.f32 v11, v1  }
0x1e1: {  	v20 =	vld [tilespmem:$0x3090];
	v2 =	vadd.f32 v19, v2;
	v5 =	vadd.f32 v14, v5  }
0x1e2: {  	v56 =	vld [tilespmem:$0x3100];
	v0 =	vadd.f32 v24, v0;
	v1 =	vadd.f32 v15, v1  }
0x1e3: {  	v63 =	vld [tilespmem:$0x3170];
	v2 =	vadd.f32 v25, v2;
	v5 =	vadd.f32 v22, v5  }
0x1e4: {  	v16 =	vld [tilespmem:$0x3070];
	v0 =	vadd.f32 v28, v0;
	v1 =	vadd.f32 v23, v1  }
0x1e5: {  	v36 =	vld [tilespmem:$0x31C0];
	v2 =	vadd.f32 v29, v2;
	v5 =	vadd.f32 v26, v5  }
0x1e6: {  	v6 =	vld [tilespmem:$0x3060];
	v0 =	vadd.f32 v34, v0;
	v1 =	vadd.f32 v27, v1  }
0x1e7: {  	v52 =	vld [tilespmem:$0x30D0];
	v2 =	vadd.f32 v35, v2;
	v5 =	vadd.f32 v30, v5  }
0x1e8: {  	v32 =	vld [tilespmem:$0x3180];
	v0 =	vadd.f32 v40, v0;
	v1 =	vadd.f32 v31, v1  }
0x1e9: {  	v21 =	vld [tilespmem:$0x30A0];
	v2 =	vadd.f32 v41, v2;
	v5 =	vadd.f32 v38, v5  }
0x1ea: {  	v48 =	vld [tilespmem:$0x30B0];
	v0 =	vadd.f32 v44, v0;
	v1 =	vadd.f32 v39, v1  }
0x1eb: {  	v37 =	vld [tilespmem:$0x31D0];
	v2 =	vadd.f32 v45, v2;
	v5 =	vadd.f32 v42, v5  }
0x1ec: {  	v53 =	vld [tilespmem:$0x30E0];
	v0 =	vadd.f32 v50, v0;
	v1 =	vadd.f32 v43, v1  }
0x1ed: {  	v34 =	vld [tilespmem:$0x31A0];
	v2 =	vadd.f32 v51, v2;
	v5 =	vadd.f32 v46, v5  }
0x1ee: {  	v40 =	vld [tilespmem:$0x3200];
	v0 =	vadd.f32 v4, v0;
	v1 =	vadd.f32 v47, v1  }
0x1ef: {  	v44 =	vld [tilespmem:$0x3240];
	v2 =	vadd.f32 v6, v2;
	v5 =	vadd.f32 v54, v5  }
0x1f0: {  	v35 =	vld [tilespmem:$0x31B0];
	v0 =	vadd.f32 v20, v0;
	v1 =	vadd.f32 v3, v1  }
0x1f1: {  	v50 =	vld [tilespmem:$0x32A0];
	v2 =	vadd.f32 v21, v2;
	v5 =	vadd.f32 v16, v5  }
0x1f2: {  	v41 =	vld [tilespmem:$0x3210];
	v0 =	vadd.f32 v52, v0;
	v1 =	vadd.f32 v17, v1  }
0x1f3: {  	v39 =	vld [tilespmem:$0x31F0];
	v2 =	vadd.f32 v53, v2;
	v5 =	vadd.f32 v48, v5  }
0x1f4: {  	v45 =	vld [tilespmem:$0x3250];
	v0 =	vadd.f32 v57, v0;
	v1 =	vadd.f32 v49, v1  }
0x1f5: {  	v38 =	vld [tilespmem:$0x31E0];
	v2 =	vadd.f32 v58, v2;
	v5 =	vadd.f32 v55, v5  }
0x1f6: {  	v43 =	vld [tilespmem:$0x3230];
	v0 =	vadd.f32 v61, v0;
	v1 =	vadd.f32 v56, v1  }
0x1f7: {  	v51 =	vld [tilespmem:$0x32B0];
	v2 =	vadd.f32 v62, v2;
	v5 =	vadd.f32 v59, v5  }
0x1f8: {  	v42 =	vld [tilespmem:$0x3220];
	v0 =	vadd.f32 v33, v0;
	v1 =	vadd.f32 v60, v1  }
0x1f9: {  	v47 =	vld [tilespmem:$0x3270];
	v2 =	vadd.f32 v34, v2;
	v5 =	vadd.f32 v63, v5  }
0x1fa: {  	v46 =	vld [tilespmem:$0x3260];
	v0 =	vadd.f32 v37, v0;
	v1 =	vadd.f32 v32, v1  }
0x1fb: {  	v49 =	vld [tilespmem:$0x3290];
	v2 =	vadd.f32 v38, v2;
	v5 =	vadd.f32 v35, v5  }
0x1fc: {  	v53 =	vld [tilespmem:$0x32D0];
	v0 =	vadd.f32 v41, v0;
	v1 =	vadd.f32 v36, v1  }
0x1fd: {  	v48 =	vld [tilespmem:$0x3280];
	v2 =	vadd.f32 v42, v2;
	v5 =	vadd.f32 v39, v5  }
0x1fe: {  	v54 =	vld [tilespmem:$0x32E0];
	v0 =	vadd.f32 v45, v0;
	v1 =	vadd.f32 v40, v1  }
0x1ff: {  	v52 =	vld [tilespmem:$0x32C0];
	v2 =	vadd.f32 v46, v2;
	v5 =	vadd.f32 v43, v5  }
0x200: {  	v55 =	vld [tilespmem:$0x32F0];
	v0 =	vadd.f32 v49, v0;
	v1 =	vadd.f32 v44, v1  }
0x201: {  	v2 =	vadd.f32 v50, v2;
	v5 =	vadd.f32 v47, v5  }
0x202: {  	v0 =	vadd.f32 v53, v0;
	v1 =	vadd.f32 v48, v1  }
0x203: {  	v2 =	vadd.f32 v54, v2;
	v56 =	vadd.f32 v51, v5  }
0x204: {  	v0 =	vmul.f32 $1.999999960e-02, v0;
	v1 =	vadd.f32 v52, v1  }
0x205: {  	v57 =	vmul.f32 $1.999999960e-02, v2;
	v3 =	vadd.f32 v55, v56  }
0x206: {  	[tilespmem:s16+$0xFFFFFFD0] =	vst v0;
	v1 =	vmul.f32 $1.999999960e-02, v1  }
0x207: {  	p0 =	seq.s32 s15, $0xFFFFFCC0;
	[tilespmem:s16+$0xFFFFFFE0] =	vst v57;
	v58 =	vmul.f32 $1.999999960e-02, v3  }
0x208: {  	s17 =	sshra.s32 @!p0 s15, $0x2;
	[tilespmem:s16+$0xFFFFFFC0] =	vst v1  }
0x209: {  	s18 =	simm.s32 @!p0 $0x64;
	s19 =	simm.s32 @!p0 $0x1A00;
	s17 =	sadd.s32 @!p0 $0x1AD0, s17;
	[tilespmem:s16+$0xFFFFFFF0] =	vst v58  }
0x20a: {  	[tilespmem:s19], [sflag:$0x1] =	stream.indirect.gather @!p0 [hbm4b:s3+s18], $0x40, s17, s18, $0xb8;
	[tilespmem:$0x6C00] =	vst v63  }
0x20b: {  	_ =	swait.ge [sflag:s12], $0x1900  }
0x20c: {  	[sflag:s12] =	ssyncset.done $0x0  }
0x20d: {  	[sflag:s12] =	ssyncadd.s32 $0xFFFFE700  }
0x20e: {  	v3 =	vld [tilespmem:$0x3300]  }
0x20f: {  	v4 =	vld [tilespmem:$0x3310]  }
0x210: {  	v5 =	vld [tilespmem:$0x3320]  }
0x211: {  	v16 =	vld [tilespmem:$0x3330]  }
0x212: {  	v17 =	vld [tilespmem:$0x3340]  }
0x213: {  	v20 =	vld [tilespmem:$0x3350]  }
0x214: {  	v21 =	vld [tilespmem:$0x3360]  }
0x215: {  	v32 =	vld [tilespmem:$0x3370]  }
0x216: {  	v33 =	vld [tilespmem:$0x3380]  }
0x217: {  	v36 =	vld [tilespmem:$0x3390]  }
0x218: {  	v37 =	vld [tilespmem:$0x33A0]  }
0x219: {  	v48 =	vld [tilespmem:$0x33B0]  }
0x21a: {  	v49 =	vld [tilespmem:$0x33C0]  }
0x21b: {  	v52 =	vld [tilespmem:$0x33D0]  }
0x21c: {  	v53 =	vld [tilespmem:$0x33E0]  }
0x21d: {  	v62 =	vld [tilespmem:$0x33F0]  }
0x21e: {  	v63 =	vld [tilespmem:$0x3400]  }
0x21f: {  	v0 =	vld [tilespmem:$0x3410]  }
0x220: {  	v2 =	vld [tilespmem:$0x3420]  }
0x221: {  	v9 =	vld [tilespmem:$0x3430]  }
0x222: {  	v1 =	vld [tilespmem:$0x3440]  }
0x223: {  	v6 =	vld [tilespmem:$0x3450]  }
0x224: {  	v8 =	vld [tilespmem:$0x3460]  }
0x225: {  	v13 =	vld [tilespmem:$0x3470]  }
0x226: {  	v7 =	vld [tilespmem:$0x3480]  }
0x227: {  	v10 =	vld [tilespmem:$0x3490]  }
0x228: {  	v12 =	vld [tilespmem:$0x34A0]  }
0x229: {  	v19 =	vld [tilespmem:$0x34B0]  }
0x22a: {  	v11 =	vld [tilespmem:$0x34C0]  }
0x22b: {  	v14 =	vld [tilespmem:$0x34D0]  }
0x22c: {  	v18 =	vld [tilespmem:$0x34E0]  }
0x22d: {  	v25 =	vld [tilespmem:$0x34F0]  }
0x22e: {  	v15 =	vld [tilespmem:$0x3500]  }
0x22f: {  	v22 =	vld [tilespmem:$0x3510]  }
0x230: {  	v24 =	vld [tilespmem:$0x3520]  }
0x231: {  	v29 =	vld [tilespmem:$0x3530]  }
0x232: {  	v23 =	vld [tilespmem:$0x3540]  }
0x233: {  	v26 =	vld [tilespmem:$0x3550]  }
0x234: {  	v28 =	vld [tilespmem:$0x3560]  }
0x235: {  	v35 =	vld [tilespmem:$0x3570]  }
0x236: {  	v27 =	vld [tilespmem:$0x3580]  }
0x237: {  	v30 =	vld [tilespmem:$0x3590]  }
0x238: {  	v34 =	vld [tilespmem:$0x35A0]  }
0x239: {  	v41 =	vld [tilespmem:$0x35B0]  }
0x23a: {  	v31 =	vld [tilespmem:$0x35C0]  }
0x23b: {  	v38 =	vld [tilespmem:$0x35D0]  }
0x23c: {  	v40 =	vld [tilespmem:$0x35E0]  }
0x23d: {  	v56 =	vld [tilespmem:$0x36F0]  }
0x23e: {  	v45 =	vld [tilespmem:$0x35F0]  }
0x23f: {  	v39 =	vld [tilespmem:$0x3600]  }
0x240: {  	v42 =	vld [tilespmem:$0x3610]  }
0x241: {  	v44 =	vld [tilespmem:$0x3620]  }
0x242: {  	[tilespmem:$0x1FAF0] =	vst v56;
	v56 =	vld [tilespmem:$0x3710]  }
0x243: {  	v51 =	vld [tilespmem:$0x3630]  }
0x244: {  	v43 =	vld [tilespmem:$0x3640]  }
0x245: {  	v46 =	vld [tilespmem:$0x3650]  }
0x246: {  	v50 =	vld [tilespmem:$0x3660]  }
0x247: {  	[tilespmem:$0x1FB00] =	vst v56;
	v56 =	vld [tilespmem:$0x3720]  }
0x248: {  	v60 =	vld [tilespmem:$0x3670]  }
0x249: {  	v47 =	vld [tilespmem:$0x3680]  }
0x24a: {  	v54 =	vld [tilespmem:$0x3690]  }
0x24b: {  	v59 =	vld [tilespmem:$0x36B0]  }
0x24c: {  	[tilespmem:$0x1FB10] =	vst v56;
	v56 =	vld [tilespmem:$0x3730]  }
0x24d: {  	v61 =	vld [tilespmem:$0x36A0]  }
0x24e: {  	v55 =	vld [tilespmem:$0x36C0]  }
0x24f: {  	v58 =	vld [tilespmem:$0x36D0]  }
0x250: {  	v57 =	vld [tilespmem:$0x36E0];
	[tilespmem:$0x1FAE0] =	vst v59  }
0x251: {  	v59 =	vld [tilespmem:$0x3700];
	[tilespmem:$0x1FB30] =	vst v56  }
0x252: {  	v56 =	vld [tilespmem:$0x3740];
	_ =	sdelay $0x4  }
0x253: {  	[tilespmem:$0x1FB20] =	vst v56;
	v56 =	vld [tilespmem:$0x3750];
	_ =	sdelay $0x4  }
0x254: {  	[tilespmem:$0x1FB40] =	vst v56;
	v56 =	vld [tilespmem:$0x3760];
	_ =	sdelay $0x4  }
0x255: {  	[tilespmem:$0x1FB50] =	vst v56;
	v56 =	vld [tilespmem:$0x3770];
	_ =	sdelay $0x4  }
0x256: {  	[tilespmem:$0x1FB70] =	vst v56;
	v56 =	vld [tilespmem:$0x3780];
	_ =	sdelay $0x4  }
0x257: {  	[tilespmem:$0x1FB60] =	vst v56;
	v56 =	vld [tilespmem:$0x3790];
	_ =	sdelay $0x4  }
0x258: {  	[tilespmem:$0x1FB80] =	vst v56;
	v56 =	vld [tilespmem:$0x37A0];
	_ =	sdelay $0x4  }
0x259: {  	[tilespmem:$0x1FB90] =	vst v56;
	v56 =	vld [tilespmem:$0x37B0];
	_ =	sdelay $0x4  }
0x25a: {  	[tilespmem:$0x1FBB0] =	vst v56;
	v56 =	vld [tilespmem:$0x37C0];
	_ =	sdelay $0x4  }
0x25b: {  	[tilespmem:$0x1FBA0] =	vst v56;
	v56 =	vld [tilespmem:$0x37D0];
	_ =	sdelay $0x4  }
0x25c: {  	[tilespmem:$0x1FBC0] =	vst v56;
	v56 =	vld [tilespmem:$0x37E0];
	_ =	sdelay $0x4  }
0x25d: {  	[tilespmem:$0x1FBD0] =	vst v56;
	v56 =	vld [tilespmem:$0x37F0];
	_ =	sdelay $0x4  }
0x25e: {  	[tilespmem:$0x1FBF0] =	vst v56;
	v56 =	vld [tilespmem:$0x3800];
	_ =	sdelay $0x4  }
0x25f: {  	[tilespmem:$0x1FBE0] =	vst v56;
	v56 =	vld [tilespmem:$0x3810];
	_ =	sdelay $0x4  }
0x260: {  	[tilespmem:$0x1FC00] =	vst v56;
	v56 =	vld [tilespmem:$0x3820];
	_ =	sdelay $0x1  }
0x261: {  	v17 =	vadd.f32 v17, v3;
	v3 =	vld [tilespmem:$0x3990]  }
0x262: {  	v20 =	vadd.f32 v20, v4;
	v4 =	vld [tilespmem:$0x39A0]  }
0x263: {  	v21 =	vadd.f32 v21, v5;
	v5 =	vld [tilespmem:$0x39B0]  }
0x264: {  	v17 =	vadd.f32 v33, v17;
	[tilespmem:$0x1FC10] =	vst v56;
	v56 =	vld [tilespmem:$0x3830]  }
0x265: {  	v32 =	vadd.f32 v32, v16;
	v20 =	vadd.f32 v36, v20;
	v16 =	vld [tilespmem:$0x39C0]  }
0x266: {  	v21 =	vadd.f32 v37, v21;
	v33 =	vadd.f32 v49, v17;
	v17 =	vld [tilespmem:$0x39D0]  }
0x267: {  	v36 =	vadd.f32 v52, v20;
	v20 =	vld [tilespmem:$0x39E0]  }
0x268: {  	v32 =	vadd.f32 v48, v32;
	v37 =	vadd.f32 v53, v21;
	v21 =	vld [tilespmem:$0x39F0]  }
0x269: {  	v33 =	vadd.f32 v63, v33;
	[tilespmem:$0x1FC30] =	vst v56;
	v56 =	vld [tilespmem:$0x3840]  }
0x26a: {  	v48 =	vadd.f32 v62, v32;
	v32 =	vld [tilespmem:$0x3A00]  }
0x26b: {  	v1 =	vadd.f32 v1, v33;
	v33 =	vld [tilespmem:$0x3A10]  }
0x26c: {  	v0 =	vadd.f32 v0, v36;
	v36 =	vld [tilespmem:$0x3A20]  }
0x26d: {  	v2 =	vadd.f32 v2, v37;
	v37 =	vld [tilespmem:$0x3A30]  }
0x26e: {  	v9 =	vadd.f32 v9, v48;
	[tilespmem:$0x1FC20] =	vst v56;
	v56 =	vld [tilespmem:$0x3850]  }
0x26f: {  	v48 =	vld [tilespmem:$0x3A40]  }
0x270: {  	v53 =	vadd.f32 v13, v9;
	v49 =	vld [tilespmem:$0x3A50]  }
0x271: {  	v52 =	vld [tilespmem:$0x3A60]  }
0x272: {  	v0 =	vadd.f32 v6, v0;
	v6 =	vadd.f32 v19, v53;
	v53 =	vld [tilespmem:$0x3A70]  }
0x273: {  	[tilespmem:$0x1FC40] =	vst v56;
	v56 =	vld [tilespmem:$0x3860]  }
0x274: {  	v1 =	vadd.f32 v7, v1;
	v7 =	vld [tilespmem:$0x3A80]  }
0x275: {  	v2 =	vadd.f32 v8, v2;
	v8 =	vld [tilespmem:$0x3A90]  }
0x276: {  	v9 =	vld [tilespmem:$0x3AA0]  }
0x277: {  	v0 =	vadd.f32 v10, v0;
	v10 =	vld [tilespmem:$0x3AB0]  }
0x278: {  	[tilespmem:$0x1FC50] =	vst v56;
	v56 =	vld [tilespmem:$0x3870]  }
0x279: {  	v1 =	vadd.f32 v11, v1;
	v11 =	vld [tilespmem:$0x3AC0]  }
0x27a: {  	v2 =	vadd.f32 v12, v2;
	v12 =	vld [tilespmem:$0x3AD0]  }
0x27b: {  	v13 =	vld [tilespmem:$0x3AE0]  }
0x27c: {  	v0 =	vadd.f32 v14, v0;
	v14 =	vld [tilespmem:$0x3AF0]  }
0x27d: {  	[tilespmem:$0x1FC70] =	vst v56;
	v56 =	vld [tilespmem:$0x3880]  }
0x27e: {  	v1 =	vadd.f32 v15, v1;
	v15 =	vld [tilespmem:$0x3B00]  }
0x27f: {  	v2 =	vadd.f32 v18, v2;
	v18 =	vld [tilespmem:$0x3B10]  }
0x280: {  	v19 =	vld [tilespmem:$0x3B20]  }
0x281: {  	v0 =	vadd.f32 v22, v0;
	v22 =	vld [tilespmem:$0x3B30]  }
0x282: {  	[tilespmem:$0x1FC60] =	vst v56;
	v56 =	vld [tilespmem:$0x3890]  }
0x283: {  	v6 =	vadd.f32 v25, v6;
	v1 =	vadd.f32 v23, v1;
	v23 =	vld [tilespmem:$0x3B40]  }
0x284: {  	v2 =	vadd.f32 v24, v2;
	v24 =	vld [tilespmem:$0x3B50]  }
0x285: {  	v6 =	vadd.f32 v29, v6;
	v25 =	vld [tilespmem:$0x3B60]  }
0x286: {  	v0 =	vadd.f32 v26, v0;
	v2 =	vadd.f32 v28, v2;
	v26 =	vld [tilespmem:$0x3B70]  }
0x287: {  	v6 =	vadd.f32 v35, v6;
	[tilespmem:$0x1FC80] =	vst v56;
	v56 =	vld [tilespmem:$0x38A0]  }
0x288: {  	v28 =	vld [tilespmem:$0x3B90];
	v1 =	vadd.f32 v27, v1;
	v2 =	vadd.f32 v34, v2  }
0x289: {  	v62 =	vld [tilespmem:$0x1FB30];
	v0 =	vadd.f32 v30, v0;
	v6 =	vadd.f32 v41, v6  }
0x28a: {  	v29 =	vld [tilespmem:$0x3BA0];
	v1 =	vadd.f32 v31, v1;
	v2 =	vadd.f32 v40, v2  }
0x28b: {  	v27 =	vld [tilespmem:$0x3B80];
	v0 =	vadd.f32 v38, v0;
	v6 =	vadd.f32 v45, v6  }
0x28c: {  	v1 =	vadd.f32 v39, v1;
	v2 =	vadd.f32 v44, v2;
	[tilespmem:$0x1FC90] =	vst v56;
	v56 =	vld [tilespmem:$0x38B0]  }
0x28d: {  	v30 =	vld [tilespmem:$0x3BB0];
	v0 =	vadd.f32 v42, v0;
	v6 =	vadd.f32 v51, v6  }
0x28e: {  	v31 =	vld [tilespmem:$0x3BC0];
	v1 =	vadd.f32 v43, v1;
	v2 =	vadd.f32 v50, v2  }
0x28f: {  	v0 =	vadd.f32 v46, v0;
	v6 =	vadd.f32 v60, v6;
	v60 =	vld [tilespmem:$0x1FB10]  }
0x290: {  	v1 =	vadd.f32 v47, v1;
	v2 =	vadd.f32 v61, v2;
	v61 =	vld [tilespmem:$0x1FB20]  }
0x291: {  	[tilespmem:$0x1FCB0] =	vst v56;
	v56 =	vld [tilespmem:$0x38C0]  }
0x292: {  	v0 =	vadd.f32 v54, v0;
	v1 =	vadd.f32 v55, v1;
	v55 =	vld [tilespmem:$0x1FAE0]  }
0x293: {  	v63 =	vld [tilespmem:$0x1FB40]  }
0x294: {  	v0 =	vadd.f32 v58, v0;
	v58 =	vld [tilespmem:$0x1FAF0]  }
0x295: {  	v34 =	vld [tilespmem:$0x1FB50]  }
0x296: {  	v2 =	vadd.f32 v57, v2;
	[tilespmem:$0x1FCA0] =	vst v56;
	v56 =	vld [tilespmem:$0x38D0]  }
0x297: {  	v1 =	vadd.f32 v59, v1;
	v59 =	vld [tilespmem:$0x1FB00];
	v6 =	vadd.f32 v55, v6  }
0x298: {  	v2 =	vadd.f32 v60, v2;
	v38 =	vld [tilespmem:$0x1FB70]  }
0x299: {  	v6 =	vadd.f32 v58, v6;
	v35 =	vld [tilespmem:$0x1FB60]  }
0x29a: {  	v2 =	vadd.f32 v34, v2;
	v34 =	vld [tilespmem:$0x3BD0]  }
0x29b: {  	v6 =	vadd.f32 v62, v6;
	[tilespmem:$0x1FCC0] =	vst v56;
	v56 =	vld [tilespmem:$0x38E0]  }
0x29c: {  	v1 =	vadd.f32 v61, v1;
	v39 =	vld [tilespmem:$0x1FB80]  }
0x29d: {  	v0 =	vadd.f32 v59, v0;
	v6 =	vadd.f32 v38, v6;
	v38 =	vld [tilespmem:$0x3BF0]  }
0x29e: {  	v1 =	vadd.f32 v35, v1;
	v35 =	vld [tilespmem:$0x3BE0]  }
0x29f: {  	v0 =	vadd.f32 v63, v0;
	v40 =	vld [tilespmem:$0x1FB90]  }
0x2a0: {  	[tilespmem:$0x1FCD0] =	vst v56;
	v56 =	vld [tilespmem:$0x38F0]  }
0x2a1: {  	v0 =	vadd.f32 v39, v0;
	v39 =	vld [tilespmem:$0x3C00]  }
0x2a2: {  	v42 =	vld [tilespmem:$0x1FBB0]  }
0x2a3: {  	v41 =	vld [tilespmem:$0x1FBA0]  }
0x2a4: {  	v2 =	vadd.f32 v40, v2;
	v40 =	vld [tilespmem:$0x3C10]  }
0x2a5: {  	[tilespmem:$0x1FCF0] =	vst v56;
	v56 =	vld [tilespmem:$0x3900]  }
0x2a6: {  	v43 =	vld [tilespmem:$0x1FBC0]  }
0x2a7: {  	v6 =	vadd.f32 v42, v6;
	v42 =	vld [tilespmem:$0x3C30]  }
0x2a8: {  	v1 =	vadd.f32 v41, v1;
	v41 =	vld [tilespmem:$0x3C20]  }
0x2a9: {  	v44 =	vld [tilespmem:$0x1FBD0]  }
0x2aa: {  	[tilespmem:$0x1FCE0] =	vst v56;
	v56 =	vld [tilespmem:$0x3910]  }
0x2ab: {  	v0 =	vadd.f32 v43, v0;
	v43 =	vld [tilespmem:$0x3C40]  }
0x2ac: {  	v46 =	vld [tilespmem:$0x1FBF0]  }
0x2ad: {  	v45 =	vld [tilespmem:$0x1FBE0]  }
0x2ae: {  	v2 =	vadd.f32 v44, v2;
	v44 =	vld [tilespmem:$0x3C50]  }
0x2af: {  	[tilespmem:$0x1FD00] =	vst v56;
	v56 =	vld [tilespmem:$0x3920]  }
0x2b0: {  	v47 =	vld [tilespmem:$0x1FC00]  }
0x2b1: {  	v6 =	vadd.f32 v46, v6;
	v46 =	vld [tilespmem:$0x3C70]  }
0x2b2: {  	v1 =	vadd.f32 v45, v1;
	v45 =	vld [tilespmem:$0x3C60]  }
0x2b3: {  	v50 =	vld [tilespmem:$0x1FC10]  }
0x2b4: {  	[tilespmem:$0x1FD10] =	vst v56;
	v56 =	vld [tilespmem:$0x3930]  }
0x2b5: {  	v0 =	vadd.f32 v47, v0;
	v47 =	vld [tilespmem:$0x3C80]  }
0x2b6: {  	v54 =	vld [tilespmem:$0x1FC30]  }
0x2b7: {  	v51 =	vld [tilespmem:$0x1FC20]  }
0x2b8: {  	v55 =	vld [tilespmem:$0x1FC40]  }
0x2b9: {  	[tilespmem:$0x1FD30] =	vst v56;
	v56 =	vld [tilespmem:$0x3940]  }
0x2ba: {  	v57 =	vld [tilespmem:$0x1FC50]  }
0x2bb: {  	v59 =	vld [tilespmem:$0x1FC70]  }
0x2bc: {  	v58 =	vld [tilespmem:$0x1FC60]  }
0x2bd: {  	v60 =	vld [tilespmem:$0x1FC80]  }
0x2be: {  	[tilespmem:$0x1FD20] =	vst v56;
	v56 =	vld [tilespmem:$0x3950]  }
0x2bf: {  	v61 =	vld [tilespmem:$0x1FC90]  }
0x2c0: {  	v63 =	vld [tilespmem:$0x1FCB0]  }
0x2c1: {  	v62 =	vld [tilespmem:$0x1FCA0]  }
0x2c2: {  	v2 =	vadd.f32 v50, v2;
	v50 =	vld [tilespmem:$0x1FCC0]  }
0x2c3: {  	[tilespmem:$0x1FD40] =	vst v56;
	v56 =	vld [tilespmem:$0x3960]  }
0x2c4: {  	v1 =	vadd.f32 v51, v1;
	v51 =	vld [tilespmem:$0x1FCD0]  }
0x2c5: {  	v0 =	vadd.f32 v55, v0;
	v55 =	vld [tilespmem:$0x1FCF0]  }
0x2c6: {  	v6 =	vadd.f32 v54, v6;
	v54 =	vld [tilespmem:$0x1FCE0]  }
0x2c7: {  	v2 =	vadd.f32 v57, v2;
	v57 =	vld [tilespmem:$0x1FD00]  }
0x2c8: {  	[tilespmem:$0x1FD50] =	vst v56;
	v56 =	vld [tilespmem:$0x3970]  }
0x2c9: {  	v1 =	vadd.f32 v58, v1;
	v58 =	vld [tilespmem:$0x1FD10]  }
0x2ca: {  	v0 =	vadd.f32 v60, v0;
	v60 =	vld [tilespmem:$0x1FD30]  }
0x2cb: {  	v6 =	vadd.f32 v59, v6;
	v2 =	vadd.f32 v61, v2;
	v61 =	vld [tilespmem:$0x1FD40]  }
0x2cc: {  	v1 =	vadd.f32 v62, v1;
	v0 =	vadd.f32 v50, v0;
	v62 =	vld [tilespmem:$0x1FD50]  }
0x2cd: {  	v6 =	vadd.f32 v63, v6;
	v2 =	vadd.f32 v51, v2;
	v59 =	vld [tilespmem:$0x1FD20];
	[tilespmem:$0x1FD60] =	vst v56  }
0x2ce: {  	v0 =	vadd.f32 v57, v0;
	v63 =	vld [tilespmem:$0x1FD60]  }
0x2cf: {  	v6 =	vadd.f32 v55, v6;
	v2 =	vadd.f32 v58, v2;
	v56 =	vld [tilespmem:$0x3980]  }
0x2d0: {  	v50 =	vld [tilespmem:$0x3C90];
	v1 =	vadd.f32 v54, v1;
	v0 =	vadd.f32 v61, v0  }
0x2d1: {  	v51 =	vld [tilespmem:$0x3CA0];
	v6 =	vadd.f32 v60, v6;
	v2 =	vadd.f32 v62, v2  }
0x2d2: {  	v55 =	vld [tilespmem:$0x3D70];
	v1 =	vadd.f32 v59, v1;
	v0 =	vadd.f32 v3, v0  }
0x2d3: {  	v54 =	vld [tilespmem:$0x3CB0];
	v2 =	vadd.f32 v4, v2;
	v6 =	vadd.f32 v63, v6  }
0x2d4: {  	v57 =	vld [tilespmem:$0x3D90];
	v0 =	vadd.f32 v17, v0;
	v1 =	vadd.f32 v56, v1  }
0x2d5: {  	v58 =	vld [tilespmem:$0x3DA0];
	v2 =	vadd.f32 v20, v2;
	v5 =	vadd.f32 v5, v6  }
0x2d6: {  	v60 =	vld [tilespmem:$0x3DC0];
	v0 =	vadd.f32 v33, v0;
	v1 =	vadd.f32 v16, v1  }
0x2d7: {  	v59 =	vld [tilespmem:$0x3DB0];
	v2 =	vadd.f32 v36, v2;
	v5 =	vadd.f32 v21, v5  }
0x2d8: {  	v61 =	vld [tilespmem:$0x3DD0];
	v0 =	vadd.f32 v49, v0;
	v1 =	vadd.f32 v32, v1  }
0x2d9: {  	v3 =	vld [tilespmem:$0x3CC0];
	v2 =	vadd.f32 v52, v2;
	v5 =	vadd.f32 v37, v5  }
0x2da: {  	v17 =	vld [tilespmem:$0x3D00];
	v0 =	vadd.f32 v8, v0;
	v1 =	vadd.f32 v48, v1  }
0x2db: {  	v62 =	vld [tilespmem:$0x3DE0];
	v2 =	vadd.f32 v9, v2;
	v5 =	vadd.f32 v53, v5  }
0x2dc: {  	v33 =	vld [tilespmem:$0x3E10];
	v0 =	vadd.f32 v12, v0;
	v1 =	vadd.f32 v7, v1  }
0x2dd: {  	v4 =	vld [tilespmem:$0x3CD0];
	v2 =	vadd.f32 v13, v2;
	v5 =	vadd.f32 v10, v5  }
0x2de: {  	v49 =	vld [tilespmem:$0x3D40];
	v0 =	vadd.f32 v18, v0;
	v1 =	vadd.f32 v11, v1  }
0x2df: {  	v20 =	vld [tilespmem:$0x3D10];
	v2 =	vadd.f32 v19, v2;
	v5 =	vadd.f32 v14, v5  }
0x2e0: {  	v56 =	vld [tilespmem:$0x3D80];
	v0 =	vadd.f32 v24, v0;
	v1 =	vadd.f32 v15, v1  }
0x2e1: {  	v63 =	vld [tilespmem:$0x3DF0];
	v2 =	vadd.f32 v25, v2;
	v5 =	vadd.f32 v22, v5  }
0x2e2: {  	v16 =	vld [tilespmem:$0x3CF0];
	v0 =	vadd.f32 v28, v0;
	v1 =	vadd.f32 v23, v1  }
0x2e3: {  	v36 =	vld [tilespmem:$0x3E40];
	v2 =	vadd.f32 v29, v2;
	v5 =	vadd.f32 v26, v5  }
0x2e4: {  	v6 =	vld [tilespmem:$0x3CE0];
	v0 =	vadd.f32 v34, v0;
	v1 =	vadd.f32 v27, v1  }
0x2e5: {  	v52 =	vld [tilespmem:$0x3D50];
	v2 =	vadd.f32 v35, v2;
	v5 =	vadd.f32 v30, v5  }
0x2e6: {  	v32 =	vld [tilespmem:$0x3E00];
	v0 =	vadd.f32 v40, v0;
	v1 =	vadd.f32 v31, v1  }
0x2e7: {  	v21 =	vld [tilespmem:$0x3D20];
	v2 =	vadd.f32 v41, v2;
	v5 =	vadd.f32 v38, v5  }
0x2e8: {  	v48 =	vld [tilespmem:$0x3D30];
	v0 =	vadd.f32 v44, v0;
	v1 =	vadd.f32 v39, v1  }
0x2e9: {  	v37 =	vld [tilespmem:$0x3E50];
	v2 =	vadd.f32 v45, v2;
	v5 =	vadd.f32 v42, v5  }
0x2ea: {  	v53 =	vld [tilespmem:$0x3D60];
	v0 =	vadd.f32 v50, v0;
	v1 =	vadd.f32 v43, v1  }
0x2eb: {  	v34 =	vld [tilespmem:$0x3E20];
	v2 =	vadd.f32 v51, v2;
	v5 =	vadd.f32 v46, v5  }
0x2ec: {  	v40 =	vld [tilespmem:$0x3E80];
	v0 =	vadd.f32 v4, v0;
	v1 =	vadd.f32 v47, v1  }
0x2ed: {  	v44 =	vld [tilespmem:$0x3EC0];
	v2 =	vadd.f32 v6, v2;
	v5 =	vadd.f32 v54, v5  }
0x2ee: {  	v35 =	vld [tilespmem:$0x3E30];
	v0 =	vadd.f32 v20, v0;
	v1 =	vadd.f32 v3, v1  }
0x2ef: {  	v50 =	vld [tilespmem:$0x3F20];
	v2 =	vadd.f32 v21, v2;
	v5 =	vadd.f32 v16, v5  }
0x2f0: {  	v41 =	vld [tilespmem:$0x3E90];
	v0 =	vadd.f32 v52, v0;
	v1 =	vadd.f32 v17, v1  }
0x2f1: {  	v39 =	vld [tilespmem:$0x3E70];
	v2 =	vadd.f32 v53, v2;
	v5 =	vadd.f32 v48, v5  }
0x2f2: {  	v45 =	vld [tilespmem:$0x3ED0];
	v0 =	vadd.f32 v57, v0;
	v1 =	vadd.f32 v49, v1  }
0x2f3: {  	v38 =	vld [tilespmem:$0x3E60];
	v2 =	vadd.f32 v58, v2;
	v5 =	vadd.f32 v55, v5  }
0x2f4: {  	v43 =	vld [tilespmem:$0x3EB0];
	v0 =	vadd.f32 v61, v0;
	v1 =	vadd.f32 v56, v1  }
0x2f5: {  	v51 =	vld [tilespmem:$0x3F30];
	v2 =	vadd.f32 v62, v2;
	v5 =	vadd.f32 v59, v5  }
0x2f6: {  	v42 =	vld [tilespmem:$0x3EA0];
	v0 =	vadd.f32 v33, v0;
	v1 =	vadd.f32 v60, v1  }
0x2f7: {  	v47 =	vld [tilespmem:$0x3EF0];
	v2 =	vadd.f32 v34, v2;
	v5 =	vadd.f32 v63, v5  }
0x2f8: {  	v46 =	vld [tilespmem:$0x3EE0];
	v0 =	vadd.f32 v37, v0;
	v1 =	vadd.f32 v32, v1  }
0x2f9: {  	v49 =	vld [tilespmem:$0x3F10];
	v2 =	vadd.f32 v38, v2;
	v5 =	vadd.f32 v35, v5  }
0x2fa: {  	v53 =	vld [tilespmem:$0x3F50];
	v0 =	vadd.f32 v41, v0;
	v1 =	vadd.f32 v36, v1  }
0x2fb: {  	v48 =	vld [tilespmem:$0x3F00];
	v2 =	vadd.f32 v42, v2;
	v5 =	vadd.f32 v39, v5  }
0x2fc: {  	v54 =	vld [tilespmem:$0x3F60];
	v0 =	vadd.f32 v45, v0;
	v1 =	vadd.f32 v40, v1  }
0x2fd: {  	v52 =	vld [tilespmem:$0x3F40];
	v2 =	vadd.f32 v46, v2;
	v5 =	vadd.f32 v43, v5  }
0x2fe: {  	v55 =	vld [tilespmem:$0x3F70];
	v0 =	vadd.f32 v49, v0;
	v1 =	vadd.f32 v44, v1  }
0x2ff: {  	v2 =	vadd.f32 v50, v2;
	v5 =	vadd.f32 v47, v5  }
0x300: {  	v0 =	vadd.f32 v53, v0;
	v1 =	vadd.f32 v48, v1  }
0x301: {  	v2 =	vadd.f32 v54, v2;
	v56 =	vadd.f32 v51, v5  }
0x302: {  	v0 =	vmul.f32 $1.999999960e-02, v0;
	v1 =	vadd.f32 v52, v1  }
0x303: {  	v57 =	vmul.f32 $1.999999960e-02, v2;
	v3 =	vadd.f32 v55, v56  }
0x304: {  	[tilespmem:s16+$0x10] =	vst v0;
	v1 =	vmul.f32 $1.999999960e-02, v1  }
0x305: {  	[tilespmem:s16+$0x20] =	vst v57;
	v58 =	vmul.f32 $1.999999960e-02, v3  }
0x306: {  	[tilespmem:s16+$0x0] =	vst v1  }
0x307: {  	[tilespmem:s16+$0x30] =	vst v58  }
0x308: {  	v56 =	vld [tilespmem:$0x4370];
	_ =	sdelay $0x4  }
0x309: {  	[tilespmem:$0x1FD80] =	vst v56;
	v56 =	vld [tilespmem:$0x4390];
	_ =	sdelay $0x4  }
0x30a: {  	[tilespmem:$0x1FD90] =	vst v56;
	v56 =	vld [tilespmem:$0x43A0];
	_ =	sdelay $0x1  }
0x30b: {  	v3 =	vld [tilespmem:$0x3F80]  }
0x30c: {  	v4 =	vld [tilespmem:$0x3F90]  }
0x30d: {  	v5 =	vld [tilespmem:$0x3FA0]  }
0x30e: {  	[tilespmem:$0x1FDA0] =	vst v56;
	v56 =	vld [tilespmem:$0x43B0]  }
0x30f: {  	v16 =	vld [tilespmem:$0x3FB0]  }
0x310: {  	v17 =	vld [tilespmem:$0x3FC0]  }
0x311: {  	v20 =	vld [tilespmem:$0x3FD0]  }
0x312: {  	v21 =	vld [tilespmem:$0x3FE0]  }
0x313: {  	[tilespmem:$0x1FDC0] =	vst v56;
	v56 =	vld [tilespmem:$0x43C0]  }
0x314: {  	v32 =	vld [tilespmem:$0x3FF0]  }
0x315: {  	v33 =	vld [tilespmem:$0x4000]  }
0x316: {  	v36 =	vld [tilespmem:$0x4010]  }
0x317: {  	v37 =	vld [tilespmem:$0x4020]  }
0x318: {  	[tilespmem:$0x1FDB0] =	vst v56;
	v56 =	vld [tilespmem:$0x43D0]  }
0x319: {  	v48 =	vld [tilespmem:$0x4030]  }
0x31a: {  	v49 =	vld [tilespmem:$0x4040]  }
0x31b: {  	v52 =	vld [tilespmem:$0x4050]  }
0x31c: {  	v53 =	vld [tilespmem:$0x4060]  }
0x31d: {  	[tilespmem:$0x1FDD0] =	vst v56;
	v56 =	vld [tilespmem:$0x43E0]  }
0x31e: {  	v62 =	vld [tilespmem:$0x4070]  }
0x31f: {  	v63 =	vld [tilespmem:$0x4080]  }
0x320: {  	v0 =	vld [tilespmem:$0x4090]  }
0x321: {  	v2 =	vld [tilespmem:$0x40A0]  }
0x322: {  	[tilespmem:$0x1FDE0] =	vst v56;
	v56 =	vld [tilespmem:$0x43F0]  }
0x323: {  	v9 =	vld [tilespmem:$0x40B0]  }
0x324: {  	v1 =	vld [tilespmem:$0x40C0]  }
0x325: {  	v6 =	vld [tilespmem:$0x40D0]  }
0x326: {  	v8 =	vld [tilespmem:$0x40E0]  }
0x327: {  	[tilespmem:$0x1FE00] =	vst v56;
	v56 =	vld [tilespmem:$0x4400]  }
0x328: {  	v13 =	vld [tilespmem:$0x40F0]  }
0x329: {  	v7 =	vld [tilespmem:$0x4100]  }
0x32a: {  	v10 =	vld [tilespmem:$0x4110]  }
0x32b: {  	v12 =	vld [tilespmem:$0x4120]  }
0x32c: {  	[tilespmem:$0x1FDF0] =	vst v56;
	v56 =	vld [tilespmem:$0x4410]  }
0x32d: {  	v19 =	vld [tilespmem:$0x4130]  }
0x32e: {  	v11 =	vld [tilespmem:$0x4140]  }
0x32f: {  	v14 =	vld [tilespmem:$0x4150]  }
0x330: {  	v18 =	vld [tilespmem:$0x4160]  }
0x331: {  	[tilespmem:$0x1FE10] =	vst v56;
	v56 =	vld [tilespmem:$0x4420]  }
0x332: {  	v25 =	vld [tilespmem:$0x4170]  }
0x333: {  	v15 =	vld [tilespmem:$0x4180]  }
0x334: {  	v22 =	vld [tilespmem:$0x4190]  }
0x335: {  	v24 =	vld [tilespmem:$0x41A0]  }
0x336: {  	[tilespmem:$0x1FE20] =	vst v56;
	v56 =	vld [tilespmem:$0x4430]  }
0x337: {  	v29 =	vld [tilespmem:$0x41B0]  }
0x338: {  	v23 =	vld [tilespmem:$0x41C0]  }
0x339: {  	v26 =	vld [tilespmem:$0x41D0]  }
0x33a: {  	v28 =	vld [tilespmem:$0x41E0]  }
0x33b: {  	[tilespmem:$0x1FE40] =	vst v56;
	v56 =	vld [tilespmem:$0x4440]  }
0x33c: {  	v35 =	vld [tilespmem:$0x41F0]  }
0x33d: {  	v27 =	vld [tilespmem:$0x4200]  }
0x33e: {  	v30 =	vld [tilespmem:$0x4210]  }
0x33f: {  	v34 =	vld [tilespmem:$0x4220]  }
0x340: {  	[tilespmem:$0x1FE30] =	vst v56;
	v56 =	vld [tilespmem:$0x4450]  }
0x341: {  	v41 =	vld [tilespmem:$0x4230]  }
0x342: {  	v31 =	vld [tilespmem:$0x4240]  }
0x343: {  	v38 =	vld [tilespmem:$0x4250]  }
0x344: {  	v40 =	vld [tilespmem:$0x4260]  }
0x345: {  	[tilespmem:$0x1FE50] =	vst v56;
	v56 =	vld [tilespmem:$0x4460]  }
0x346: {  	v45 =	vld [tilespmem:$0x4270]  }
0x347: {  	v39 =	vld [tilespmem:$0x4280]  }
0x348: {  	v42 =	vld [tilespmem:$0x4290]  }
0x349: {  	v44 =	vld [tilespmem:$0x42A0]  }
0x34a: {  	[tilespmem:$0x1FE60] =	vst v56;
	v56 =	vld [tilespmem:$0x4470]  }
0x34b: {  	v51 =	vld [tilespmem:$0x42B0]  }
0x34c: {  	v43 =	vld [tilespmem:$0x42C0]  }
0x34d: {  	v46 =	vld [tilespmem:$0x42D0]  }
0x34e: {  	v50 =	vld [tilespmem:$0x42E0]  }
0x34f: {  	[tilespmem:$0x1FE80] =	vst v56;
	v56 =	vld [tilespmem:$0x4480]  }
0x350: {  	v60 =	vld [tilespmem:$0x42F0]  }
0x351: {  	v47 =	vld [tilespmem:$0x4300]  }
0x352: {  	v54 =	vld [tilespmem:$0x4310]  }
0x353: {  	v61 =	vld [tilespmem:$0x4320]  }
0x354: {  	[tilespmem:$0x1FE70] =	vst v56;
	v56 =	vld [tilespmem:$0x4490]  }
0x355: {  	v59 =	vld [tilespmem:$0x4330]  }
0x356: {  	v55 =	vld [tilespmem:$0x4340]  }
0x357: {  	v58 =	vld [tilespmem:$0x4350]  }
0x358: {  	v57 =	vld [tilespmem:$0x4360]  }
0x359: {  	[tilespmem:$0x1FE90] =	vst v56;
	v56 =	vld [tilespmem:$0x44A0]  }
0x35a: {  	[tilespmem:$0x1FD70] =	vst v59;
	v59 =	vld [tilespmem:$0x4380]  }
0x35b: {  	v17 =	vadd.f32 v17, v3;
	v3 =	vld [tilespmem:$0x4610]  }
0x35c: {  	v20 =	vadd.f32 v20, v4;
	v4 =	vld [tilespmem:$0x4620]  }
0x35d: {  	v21 =	vadd.f32 v21, v5;
	v5 =	vld [tilespmem:$0x4630]  }
0x35e: {  	v17 =	vadd.f32 v33, v17;
	[tilespmem:$0x1FEA0] =	vst v56;
	v56 =	vld [tilespmem:$0x44B0]  }
0x35f: {  	v32 =	vadd.f32 v32, v16;
	v16 =	vld [tilespmem:$0x4640];
	v20 =	vadd.f32 v36, v20  }
0x360: {  	v21 =	vadd.f32 v37, v21;
	v33 =	vadd.f32 v49, v17;
	v17 =	vld [tilespmem:$0x4650]  }
0x361: {  	v36 =	vadd.f32 v52, v20;
	v20 =	vld [tilespmem:$0x4660]  }
0x362: {  	v32 =	vadd.f32 v48, v32;
	v37 =	vadd.f32 v53, v21;
	v21 =	vld [tilespmem:$0x4670]  }
0x363: {  	[tilespmem:$0x1FEC0] =	vst v56;
	v56 =	vld [tilespmem:$0x44C0]  }
0x364: {  	v48 =	vadd.f32 v62, v32;
	v32 =	vld [tilespmem:$0x4680]  }
0x365: {  	v49 =	vld [tilespmem:$0x46D0]  }
0x366: {  	v52 =	vld [tilespmem:$0x46E0]  }
0x367: {  	v0 =	vadd.f32 v0, v36;
	v36 =	vld [tilespmem:$0x46A0]  }
0x368: {  	[tilespmem:$0x1FEB0] =	vst v56;
	v56 =	vld [tilespmem:$0x44D0]  }
0x369: {  	v33 =	vadd.f32 v63, v33;
	v2 =	vadd.f32 v2, v37;
	v37 =	vld [tilespmem:$0x46B0]  }
0x36a: {  	v9 =	vadd.f32 v9, v48;
	v48 =	vld [tilespmem:$0x46C0]  }
0x36b: {  	v1 =	vadd.f32 v1, v33;
	v33 =	vld [tilespmem:$0x4690]  }
0x36c: {  	v2 =	vadd.f32 v8, v2;
	v8 =	vld [tilespmem:$0x4710]  }
0x36d: {  	[tilespmem:$0x1FED0] =	vst v56;
	v56 =	vld [tilespmem:$0x44E0]  }
0x36e: {  	v53 =	vadd.f32 v13, v9;
	v9 =	vld [tilespmem:$0x4720]  }
0x36f: {  	v13 =	vld [tilespmem:$0x4760]  }
0x370: {  	v0 =	vadd.f32 v6, v0;
	v6 =	vadd.f32 v19, v53;
	v53 =	vld [tilespmem:$0x46F0]  }
0x371: {  	v1 =	vadd.f32 v7, v1;
	v7 =	vld [tilespmem:$0x4700]  }
0x372: {  	[tilespmem:$0x1FEE0] =	vst v56;
	v56 =	vld [tilespmem:$0x44F0]  }
0x373: {  	v0 =	vadd.f32 v10, v0;
	v10 =	vld [tilespmem:$0x4730]  }
0x374: {  	v2 =	vadd.f32 v12, v2;
	v12 =	vld [tilespmem:$0x4750]  }
0x375: {  	v19 =	vld [tilespmem:$0x47A0]  }
0x376: {  	v1 =	vadd.f32 v11, v1;
	v11 =	vld [tilespmem:$0x4740]  }
0x377: {  	[tilespmem:$0x1FF00] =	vst v56;
	v56 =	vld [tilespmem:$0x4500]  }
0x378: {  	v0 =	vadd.f32 v14, v0;
	v14 =	vld [tilespmem:$0x4770]  }
0x379: {  	v2 =	vadd.f32 v18, v2;
	v18 =	vld [tilespmem:$0x4790]  }
0x37a: {  	v6 =	vadd.f32 v25, v6;
	v25 =	vld [tilespmem:$0x47E0]  }
0x37b: {  	v1 =	vadd.f32 v15, v1;
	v15 =	vld [tilespmem:$0x4780]  }
0x37c: {  	[tilespmem:$0x1FEF0] =	vst v56;
	v56 =	vld [tilespmem:$0x4510]  }
0x37d: {  	v0 =	vadd.f32 v22, v0;
	v22 =	vld [tilespmem:$0x47B0]  }
0x37e: {  	v2 =	vadd.f32 v24, v2;
	v24 =	vld [tilespmem:$0x47D0]  }
0x37f: {  	v6 =	vadd.f32 v29, v6;
	v29 =	vld [tilespmem:$0x4820]  }
0x380: {  	v1 =	vadd.f32 v23, v1;
	v2 =	vadd.f32 v28, v2;
	v23 =	vld [tilespmem:$0x47C0]  }
0x381: {  	v0 =	vadd.f32 v26, v0;
	v6 =	vadd.f32 v35, v6;
	[tilespmem:$0x1FF10] =	vst v56;
	v56 =	vld [tilespmem:$0x4520]  }
0x382: {  	v26 =	vld [tilespmem:$0x47F0];
	v1 =	vadd.f32 v27, v1;
	v2 =	vadd.f32 v34, v2  }
0x383: {  	v28 =	vld [tilespmem:$0x4810];
	v0 =	vadd.f32 v30, v0;
	v6 =	vadd.f32 v41, v6  }
0x384: {  	v62 =	vld [tilespmem:$0x1FDC0];
	v1 =	vadd.f32 v31, v1;
	v2 =	vadd.f32 v40, v2  }
0x385: {  	v27 =	vld [tilespmem:$0x4800];
	v0 =	vadd.f32 v38, v0;
	v6 =	vadd.f32 v45, v6  }
0x386: {  	v1 =	vadd.f32 v39, v1;
	v2 =	vadd.f32 v44, v2;
	[tilespmem:$0x1FF20] =	vst v56;
	v56 =	vld [tilespmem:$0x4530]  }
0x387: {  	v30 =	vld [tilespmem:$0x4830];
	v0 =	vadd.f32 v42, v0;
	v6 =	vadd.f32 v51, v6  }
0x388: {  	v31 =	vld [tilespmem:$0x4840];
	v1 =	vadd.f32 v43, v1;
	v2 =	vadd.f32 v50, v2  }
0x389: {  	v0 =	vadd.f32 v46, v0;
	v6 =	vadd.f32 v60, v6;
	v60 =	vld [tilespmem:$0x1FDA0]  }
0x38a: {  	v1 =	vadd.f32 v47, v1;
	v2 =	vadd.f32 v61, v2;
	v61 =	vld [tilespmem:$0x1FDB0]  }
0x38b: {  	[tilespmem:$0x1FF40] =	vst v56;
	v56 =	vld [tilespmem:$0x4540]  }
0x38c: {  	v0 =	vadd.f32 v54, v0;
	v1 =	vadd.f32 v55, v1;
	v55 =	vld [tilespmem:$0x1FD70]  }
0x38d: {  	v63 =	vld [tilespmem:$0x1FDD0]  }
0x38e: {  	v0 =	vadd.f32 v58, v0;
	v58 =	vld [tilespmem:$0x1FD80]  }
0x38f: {  	v34 =	vld [tilespmem:$0x1FDE0]  }
0x390: {  	v2 =	vadd.f32 v57, v2;
	[tilespmem:$0x1FF30] =	vst v56;
	v56 =	vld [tilespmem:$0x4550]  }
0x391: {  	v1 =	vadd.f32 v59, v1;
	v59 =	vld [tilespmem:$0x1FD90];
	v6 =	vadd.f32 v55, v6  }
0x392: {  	v2 =	vadd.f32 v60, v2;
	v38 =	vld [tilespmem:$0x1FE00]  }
0x393: {  	v6 =	vadd.f32 v58, v6;
	v35 =	vld [tilespmem:$0x1FDF0]  }
0x394: {  	v2 =	vadd.f32 v34, v2;
	v34 =	vld [tilespmem:$0x4850]  }
0x395: {  	v6 =	vadd.f32 v62, v6;
	[tilespmem:$0x1FF50] =	vst v56;
	v56 =	vld [tilespmem:$0x4560]  }
0x396: {  	v1 =	vadd.f32 v61, v1;
	v39 =	vld [tilespmem:$0x1FE10]  }
0x397: {  	v0 =	vadd.f32 v59, v0;
	v6 =	vadd.f32 v38, v6;
	v38 =	vld [tilespmem:$0x4870]  }
0x398: {  	v1 =	vadd.f32 v35, v1;
	v35 =	vld [tilespmem:$0x4860]  }
0x399: {  	v0 =	vadd.f32 v63, v0;
	v40 =	vld [tilespmem:$0x1FE20]  }
0x39a: {  	[tilespmem:$0x1FF60] =	vst v56;
	v56 =	vld [tilespmem:$0x4570]  }
0x39b: {  	v0 =	vadd.f32 v39, v0;
	v39 =	vld [tilespmem:$0x4880]  }
0x39c: {  	v42 =	vld [tilespmem:$0x1FE40]  }
0x39d: {  	v41 =	vld [tilespmem:$0x1FE30]  }
0x39e: {  	v2 =	vadd.f32 v40, v2;
	v40 =	vld [tilespmem:$0x4890]  }
0x39f: {  	[tilespmem:$0x1FF80] =	vst v56;
	v56 =	vld [tilespmem:$0x4580]  }
0x3a0: {  	v43 =	vld [tilespmem:$0x1FE50]  }
0x3a1: {  	v6 =	vadd.f32 v42, v6;
	v42 =	vld [tilespmem:$0x48B0]  }
0x3a2: {  	v1 =	vadd.f32 v41, v1;
	v41 =	vld [tilespmem:$0x48A0]  }
0x3a3: {  	v44 =	vld [tilespmem:$0x1FE60]  }
0x3a4: {  	[tilespmem:$0x1FF70] =	vst v56;
	v56 =	vld [tilespmem:$0x4590]  }
0x3a5: {  	v0 =	vadd.f32 v43, v0;
	v43 =	vld [tilespmem:$0x48C0]  }
0x3a6: {  	v46 =	vld [tilespmem:$0x1FE80]  }
0x3a7: {  	v45 =	vld [tilespmem:$0x1FE70]  }
0x3a8: {  	v2 =	vadd.f32 v44, v2;
	v44 =	vld [tilespmem:$0x48D0]  }
0x3a9: {  	[tilespmem:$0x1FF90] =	vst v56;
	v56 =	vld [tilespmem:$0x45A0]  }
0x3aa: {  	v47 =	vld [tilespmem:$0x1FE90]  }
0x3ab: {  	v6 =	vadd.f32 v46, v6;
	v46 =	vld [tilespmem:$0x48F0]  }
0x3ac: {  	v1 =	vadd.f32 v45, v1;
	v45 =	vld [tilespmem:$0x48E0]  }
0x3ad: {  	v50 =	vld [tilespmem:$0x1FEA0]  }
0x3ae: {  	[tilespmem:$0x1FFA0] =	vst v56;
	v56 =	vld [tilespmem:$0x45B0]  }
0x3af: {  	v0 =	vadd.f32 v47, v0;
	v47 =	vld [tilespmem:$0x4900]  }
0x3b0: {  	v54 =	vld [tilespmem:$0x1FEC0]  }
0x3b1: {  	v51 =	vld [tilespmem:$0x1FEB0]  }
0x3b2: {  	v55 =	vld [tilespmem:$0x1FED0]  }
0x3b3: {  	[tilespmem:$0x1FFC0] =	vst v56;
	v56 =	vld [tilespmem:$0x45C0]  }
0x3b4: {  	v57 =	vld [tilespmem:$0x1FEE0]  }
0x3b5: {  	v59 =	vld [tilespmem:$0x1FF00]  }
0x3b6: {  	v58 =	vld [tilespmem:$0x1FEF0]  }
0x3b7: {  	v60 =	vld [tilespmem:$0x1FF10]  }
0x3b8: {  	[tilespmem:$0x1FFB0] =	vst v56;
	v56 =	vld [tilespmem:$0x45D0]  }
0x3b9: {  	v61 =	vld [tilespmem:$0x1FF20]  }
0x3ba: {  	v63 =	vld [tilespmem:$0x1FF40]  }
0x3bb: {  	v62 =	vld [tilespmem:$0x1FF30]  }
0x3bc: {  	v2 =	vadd.f32 v50, v2;
	v50 =	vld [tilespmem:$0x1FF50]  }
0x3bd: {  	[tilespmem:$0x1FFD0] =	vst v56;
	v56 =	vld [tilespmem:$0x45E0]  }
0x3be: {  	v1 =	vadd.f32 v51, v1;
	v51 =	vld [tilespmem:$0x1FF60]  }
0x3bf: {  	v0 =	vadd.f32 v55, v0;
	v55 =	vld [tilespmem:$0x1FF80]  }
0x3c0: {  	v6 =	vadd.f32 v54, v6;
	v54 =	vld [tilespmem:$0x1FF70]  }
0x3c1: {  	v2 =	vadd.f32 v57, v2;
	v57 =	vld [tilespmem:$0x1FF90]  }
0x3c2: {  	[tilespmem:$0x1FFE0] =	vst v56;
	v56 =	vld [tilespmem:$0x45F0]  }
0x3c3: {  	v1 =	vadd.f32 v58, v1;
	v58 =	vld [tilespmem:$0x1FFA0]  }
0x3c4: {  	v0 =	vadd.f32 v60, v0;
	v60 =	vld [tilespmem:$0x1FFC0]  }
0x3c5: {  	v6 =	vadd.f32 v59, v6;
	v2 =	vadd.f32 v61, v2;
	v61 =	vld [tilespmem:$0x1FFD0]  }
0x3c6: {  	v1 =	vadd.f32 v62, v1;
	v0 =	vadd.f32 v50, v0;
	v62 =	vld [tilespmem:$0x1FFE0]  }
0x3c7: {  	v6 =	vadd.f32 v63, v6;
	v2 =	vadd.f32 v51, v2;
	v59 =	vld [tilespmem:$0x1FFB0];
	[tilespmem:$0x1FFF0] =	vst v56  }
0x3c8: {  	v0 =	vadd.f32 v57, v0;
	v63 =	vld [tilespmem:$0x1FFF0]  }
0x3c9: {  	v6 =	vadd.f32 v55, v6;
	v2 =	vadd.f32 v58, v2;
	v56 =	vld [tilespmem:$0x4600]  }
0x3ca: {  	v50 =	vld [tilespmem:$0x4910];
	v1 =	vadd.f32 v54, v1;
	v0 =	vadd.f32 v61, v0  }
0x3cb: {  	v51 =	vld [tilespmem:$0x4920];
	v6 =	vadd.f32 v60, v6;
	v2 =	vadd.f32 v62, v2  }
0x3cc: {  	v55 =	vld [tilespmem:$0x49B0];
	v1 =	vadd.f32 v59, v1;
	v0 =	vadd.f32 v3, v0  }
0x3cd: {  	v54 =	vld [tilespmem:$0x4930];
	v2 =	vadd.f32 v4, v2;
	v6 =	vadd.f32 v63, v6  }
0x3ce: {  	v57 =	vld [tilespmem:$0x49D0];
	v0 =	vadd.f32 v17, v0;
	v1 =	vadd.f32 v56, v1  }
0x3cf: {  	v58 =	vld [tilespmem:$0x49E0];
	v2 =	vadd.f32 v20, v2;
	v5 =	vadd.f32 v5, v6  }
0x3d0: {  	v60 =	vld [tilespmem:$0x4A00];
	v0 =	vadd.f32 v33, v0;
	v1 =	vadd.f32 v16, v1  }
0x3d1: {  	v59 =	vld [tilespmem:$0x49F0];
	v2 =	vadd.f32 v36, v2;
	v5 =	vadd.f32 v21, v5  }
0x3d2: {  	v61 =	vld [tilespmem:$0x4A10];
	v0 =	vadd.f32 v49, v0;
	v1 =	vadd.f32 v32, v1  }
0x3d3: {  	v3 =	vld [tilespmem:$0x4940];
	v2 =	vadd.f32 v52, v2;
	v5 =	vadd.f32 v37, v5  }
0x3d4: {  	v17 =	vld [tilespmem:$0x4980];
	v0 =	vadd.f32 v8, v0;
	v1 =	vadd.f32 v48, v1  }
0x3d5: {  	v62 =	vld [tilespmem:$0x4A20];
	v2 =	vadd.f32 v9, v2;
	v5 =	vadd.f32 v53, v5  }
0x3d6: {  	v33 =	vld [tilespmem:$0x4A50];
	v0 =	vadd.f32 v12, v0;
	v1 =	vadd.f32 v7, v1  }
0x3d7: {  	v4 =	vld [tilespmem:$0x4950];
	v2 =	vadd.f32 v13, v2;
	v5 =	vadd.f32 v10, v5  }
0x3d8: {  	v49 =	vld [tilespmem:$0x49A0];
	v0 =	vadd.f32 v18, v0;
	v1 =	vadd.f32 v11, v1  }
0x3d9: {  	v56 =	vld [tilespmem:$0x49C0];
	v2 =	vadd.f32 v19, v2;
	v5 =	vadd.f32 v14, v5  }
0x3da: {  	v63 =	vld [tilespmem:$0x4A30];
	v0 =	vadd.f32 v24, v0;
	v1 =	vadd.f32 v15, v1  }
0x3db: {  	v16 =	vld [tilespmem:$0x4970];
	v2 =	vadd.f32 v25, v2;
	v5 =	vadd.f32 v22, v5  }
0x3dc: {  	v36 =	vld [tilespmem:$0x4A70];
	v0 =	vadd.f32 v28, v0;
	v1 =	vadd.f32 v23, v1  }
0x3dd: {  	v6 =	vld [tilespmem:$0x4960];
	v2 =	vadd.f32 v29, v2;
	v5 =	vadd.f32 v26, v5  }
0x3de: {  	v32 =	vld [tilespmem:$0x4A40];
	v0 =	vadd.f32 v34, v0;
	v1 =	vadd.f32 v27, v1  }
0x3df: {  	v52 =	vld [tilespmem:$0x4B70];
	v2 =	vadd.f32 v35, v2;
	v5 =	vadd.f32 v30, v5  }
0x3e0: {  	v48 =	vld [tilespmem:$0x4990];
	v0 =	vadd.f32 v40, v0;
	v1 =	vadd.f32 v31, v1  }
0x3e1: {  	v37 =	vld [tilespmem:$0x4A80];
	v2 =	vadd.f32 v41, v2;
	v5 =	vadd.f32 v38, v5  }
0x3e2: {  	v53 =	vld [tilespmem:$0x4B80];
	v0 =	vadd.f32 v44, v0;
	v1 =	vadd.f32 v39, v1  }
0x3e3: {  	v34 =	vld [tilespmem:$0x4A60];
	v2 =	vadd.f32 v45, v2;
	v5 =	vadd.f32 v42, v5  }
0x3e4: {  	v40 =	vld [tilespmem:$0x4AB0];
	v0 =	vadd.f32 v50, v0;
	v1 =	vadd.f32 v43, v1  }
0x3e5: {  	v44 =	vld [tilespmem:$0x4AF0];
	v2 =	vadd.f32 v51, v2;
	v5 =	vadd.f32 v46, v5  }
0x3e6: {  	v50 =	vld [tilespmem:$0x4B50];
	v0 =	vadd.f32 v4, v0;
	v1 =	vadd.f32 v47, v1  }
0x3e7: {  	v41 =	vld [tilespmem:$0x4AC0];
	v2 =	vadd.f32 v6, v2;
	v5 =	vadd.f32 v54, v5  }
0x3e8: {  	v39 =	vld [tilespmem:$0x4AA0];
	v0 =	vadd.f32 v48, v0;
	v1 =	vadd.f32 v3, v1  }
0x3e9: {  	v45 =	vld [tilespmem:$0x4B00];
	v2 =	vadd.f32 v49, v2;
	v5 =	vadd.f32 v16, v5  }
0x3ea: {  	v38 =	vld [tilespmem:$0x4A90];
	v0 =	vadd.f32 v57, v0;
	v1 =	vadd.f32 v17, v1  }
0x3eb: {  	v48 =	vld [tilespmem:$0x4B30];
	v2 =	vadd.f32 v58, v2;
	v5 =	vadd.f32 v55, v5  }
0x3ec: {  	v43 =	vld [tilespmem:$0x4AE0];
	v0 =	vadd.f32 v61, v0;
	v1 =	vadd.f32 v56, v1  }
0x3ed: {  	v42 =	vld [tilespmem:$0x4AD0];
	v2 =	vadd.f32 v62, v2;
	v5 =	vadd.f32 v59, v5  }
0x3ee: {  	v51 =	vld [tilespmem:$0x4B60];
	v0 =	vadd.f32 v33, v0;
	v1 =	vadd.f32 v60, v1  }
0x3ef: {  	v46 =	vld [tilespmem:$0x4B10];
	v2 =	vadd.f32 v34, v2;
	v5 =	vadd.f32 v63, v5  }
0x3f0: {  	v47 =	vld [tilespmem:$0x4B20];
	v0 =	vadd.f32 v38, v0;
	v1 =	vadd.f32 v32, v1  }
0x3f1: {  	v49 =	vld [tilespmem:$0x4B40];
	v2 =	vadd.f32 v39, v2;
	v5 =	vadd.f32 v36, v5  }
0x3f2: {  	v54 =	vld [tilespmem:$0x4B90];
	v0 =	vadd.f32 v42, v0;
	v1 =	vadd.f32 v37, v1  }
0x3f3: {  	v58 =	vld [tilespmem:$0x4BD0];
	v2 =	vadd.f32 v43, v2;
	v5 =	vadd.f32 v40, v5  }
0x3f4: {  	v55 =	vld [tilespmem:$0x4BA0];
	v0 =	vadd.f32 v46, v0;
	v1 =	vadd.f32 v41, v1  }
0x3f5: {  	v56 =	vld [tilespmem:$0x4BB0];
	v2 =	vadd.f32 v47, v2;
	v5 =	vadd.f32 v44, v5  }
0x3f6: {  	v59 =	vld [tilespmem:$0x4BE0];
	v0 =	vadd.f32 v50, v0;
	v1 =	vadd.f32 v45, v1  }
0x3f7: {  	v57 =	vld [tilespmem:$0x4BC0];
	v2 =	vadd.f32 v51, v2;
	v5 =	vadd.f32 v48, v5  }
0x3f8: {  	v60 =	vld [tilespmem:$0x4BF0];
	v0 =	vadd.f32 v54, v0;
	v1 =	vadd.f32 v49, v1  }
0x3f9: {  	v2 =	vadd.f32 v55, v2;
	v5 =	vadd.f32 v52, v5  }
0x3fa: {  	v0 =	vadd.f32 v58, v0;
	v1 =	vadd.f32 v53, v1  }
0x3fb: {  	s15 =	sadd.s32 $0x340, s15;
	v2 =	vadd.f32 v59, v2;
	v61 =	vadd.f32 v56, v5  }
0x3fc: {  	p0 =	sne.s32 s15, $0x0;
	v0 =	vmul.f32 $1.999999960e-02, v0;
	v1 =	vadd.f32 v57, v1  }
.Ltmp0:
0x3fd: {  	v62 =	vmul.f32 $1.999999960e-02, v2;
	v3 =	vadd.f32 v60, v61;
	(pc) =	sbr.rel @p0 .LBB2_2-.Ltmp0, $4  }
0x3fe: {  	[tilespmem:s16+$0x50] =	vst v0;
	v1 =	vmul.f32 $1.999999960e-02, v1  }
0x3ff: {  	[tilespmem:s16+$0x60] =	vst v62;
	v63 =	vmul.f32 $1.999999960e-02, v3  }
0x400: {  	[tilespmem:s16+$0x40] =	vst v1  }
0x401: {  	[tilespmem:s16+$0x70] =	vst v63;
	s16 =	sadd.s32 $0x100, s16  }
0x402: {  	s14 =	sadd.s32 $0x1, s14  }
0x403: {  	p0 =	sne.s32 s14, s6  }
.Ltmp1:
0x404: {  	_ = 	snop;
	(pc) =	sbr.rel @p0 .LBB2_1-.Ltmp1, $4  }
0x405: {  	[hbm4b:s5+s2] =	stream.linear.scatter [tilespmem:s13], [sflag:$0x3], $0x2000, $0x38;
	[tilespmem:$0x6C00] =	vst v63  }
0x406: {  	_ =	swait.ge [sflag:s7], $0x2000  }
0x407: {  	[sflag:s7] =	ssyncset.done $0x0  }
0x408: {  	[sflag:s7] =	ssyncadd.s32 $0xFFFFE000  }
0x409: {  	_ =	sfence.sel $0x180000  }
0x40a: {  	[bflag:$0x0] =	sbarrier.arrive $0xFFFF  }
0x40b: {  	p0 =	sne.s32 s0, $0x0;
	_ =	strace $0x90000047  }
0x40c: {  	s0 =	sadd.s32 @!p0 $0x100000, s1;
	[bflag:$0x2] =	sbarrier.arrive $0xFFFF  }
0x40d: {  	[sflag:s0] =	ssyncadd.tile.s32 @!p0 $0x1;
	_ =	shalt  }
.Lfunc_end2:
_tile_overlayer_lowered:
.L_overlay_start_2:
0x40e: {  	(tag) =	ssettag $0x2  }
0x40f: {  	s0 =	rddreg [dreg:$0x0];
	s2 =	stileid.u32  }
0x410: {  	s1 =	rddreg [dreg:$0x1];
	p0 =	sne.s32 s2, $0x0  }
0x411: {  	s3 =	rddreg [dreg:$0x2];
	[bflag:$0x3] =	sbarrier.arrive $0xFFFF;
	s2 =	simm.s32 @!p0 $0x1C03  }
0x412: {  	[timem:s3], [sflag:s2] =	dma.local @!p0 [hbm:s0], s1  }
0x413: {  	s0 =	simm.s32 @!p0 $0x3  }
0x414: {  	_ =	swait.ge @!p0 [sflag:s0], s1  }
0x415: {  	s1 =	ssub.s32 @!p0 $0x0, s1;
	[sflag:s0] =	ssyncset.done @!p0 $0x0  }
0x416: {  	[sflag:s0] =	ssyncadd.s32 @!p0 s1  }
0x417: {  	[bflag:$0x3] =	sbarrier.arrive $0xFFFF  }
0x418: {  	_ =	shalt  }

</sc_bundles>
